<compile_context>
chip_gen: v7x
topology: tpu7x:2x2x1
jax: 0.10.2.dev20260603
libtpu: 0.0.44.dev20260713+nightly
codegen_flags: <defaults>
</compile_context>

<pallas_src>
import functools

import jax
import jax.numpy as jnp
from jax import lax
from jax.experimental import pallas as pl
from jax.experimental.pallas import tpu as pltpu
from jax.experimental.pallas import tpu_sc as plsc

H = 128
EPS = 1e-12
GATHER_W = 128
CHUNKS = (128, 192, 288, 416)


def _pack_table(word_table):
    u = lax.bitcast_convert_type(word_table, jnp.int32)
    b = lax.shift_right_logical(
        u + 0x7FFF + (lax.shift_right_logical(u, 16) & 1), 16)
    return b[:, : H // 2] | lax.shift_left(b[:, H // 2:], 16)


def _sc_gather(table_pk, ids_2d, n):
    hw = H // 2

    @functools.partial(
        pl.kernel,
        out_type=jax.ShapeDtypeStruct((n // 2, H), jnp.int32),
        mesh=plsc.VectorSubcoreMesh(core_axis_name="core",
                                    subcore_axis_name="subcore"),
        compiler_params=pltpu.CompilerParams(use_tc_tiling_on_sc=False),
    )
    def k(table_hbm, i_hbm, o_hbm):
        def body(i_vmem, o_vmem):
            pltpu.sync_copy(table_hbm.at[i_vmem.at[0]], o_vmem)

        pltpu.emit_pipeline(
            body,
            grid=(n // GATHER_W,),
            in_specs=[pl.BlockSpec((1, GATHER_W), index_map=lambda i: (0, i))],
            out_specs=[pl.BlockSpec((GATHER_W, hw),
                                    index_map=lambda i: (i // 2, i % 2))],
            core_axis_name=("core", "subcore"),
            dimension_semantics=(pltpu.PARALLEL,),
        )(i_hbm, o_hbm)

    return k(table_pk, ids_2d)


def _ln_body(g_ref, pos_ref, tok_ref, gamma_ref, beta_ref, o_ref):
    gi = g_ref[...]
    nseq = o_ref.shape[0]
    seq = o_ref.shape[1]
    hs = seq // 4
    lo = lax.bitcast_convert_type(lax.shift_left(gi, 16), jnp.float32)
    hi = lax.bitcast_convert_type(
        jnp.bitwise_and(gi, jnp.int32(-65536)), jnp.float32)
    parts = []
    for j in range(nseq):
        for g2 in range(2):
            r0 = j * (seq // 2) + g2 * hs
            for h in range(2):
                c = slice(h * (H // 2), (h + 1) * (H // 2))
                parts.append(jnp.concatenate(
                    [lo[r0:r0 + hs, c], hi[r0:r0 + hs, c]], axis=-1))
    x = jnp.concatenate(parts, axis=0)
    pt = pos_ref[...] + tok_ref[...][0][None, :]
    x = (x.reshape(nseq, seq, H) + pt[None]).reshape(nseq * seq, H)
    onesh = jnp.full((H, H), 1.0 / H, dtype=jnp.bfloat16)
    xb = x.astype(jnp.bfloat16)
    mean = jax.lax.dot(xb, onesh, preferred_element_type=jnp.float32)
    ex2 = jax.lax.dot(xb * xb, onesh, preferred_element_type=jnp.float32)
    inv = lax.rsqrt(ex2 - mean * mean + EPS)
    y = (x - mean) * inv
    o_ref[...] = (y * gamma_ref[...][0][None, :]
                  + beta_ref[...][0][None, :]).reshape(nseq, seq, H)


def _ln_body_acc(g_ref, pos_ref, tok_ref, gamma_ref, beta_ref, acc_ref,
                 o_ref):
    del acc_ref
    _ln_body(g_ref, pos_ref, tok_ref, gamma_ref, beta_ref, o_ref)


def _tc_ln_chunk(g, pos, tok, gamma2d, beta2d, out_b, seq, chunk, buf):
    nseq = 16
    rows = g.shape[0]
    rows_blk = nseq * seq // 2
    bc = rows // rows_blk
    base = chunk
    in_specs = [
        pl.BlockSpec((rows_blk, H), lambda i: (i, 0)),
        pl.BlockSpec((seq, H), lambda i: (0, 0)),
        pl.BlockSpec((2, H), lambda i: (0, 0)),
        pl.BlockSpec((1, H), lambda i: (0, 0)),
        pl.BlockSpec((1, H), lambda i: (0, 0)),
    ]
    args = [g, pos, tok, gamma2d, beta2d]
    body = _ln_body
    kwargs = {}
    if buf is not None:
        in_specs.append(pl.BlockSpec(memory_space=pl.ANY))
        args.append(buf)
        body = _ln_body_acc
        kwargs = dict(input_output_aliases={5: 0})
    return pl.pallas_call(
        body,
        grid=(bc,),
        in_specs=in_specs,
        out_specs=pl.BlockSpec((nseq, seq, H), lambda i: (base + i, 0, 0)),
        out_shape=jax.ShapeDtypeStruct((out_b, seq, H), jnp.float32),
        **kwargs,
    )(*args)


def kernel(input_ids, word_table, pos_table, tok_table, gamma, beta):
    B, S = input_ids.shape
    ids = input_ids.astype(jnp.int32)
    gamma2d, beta2d = gamma.reshape(1, H), beta.reshape(1, H)
    wt_pk = _pack_table(word_table)
    gs, starts, s0 = [], [], 0
    for bc in CHUNKS:
        ids_k = ids[s0:s0 + bc].reshape(1, bc * S)
        gs.append(_sc_gather(wt_pk, ids_k, bc * S))
        starts.append(s0)
        s0 += bc
    out = None
    for g, s0 in zip(gs, starts):
        out = _tc_ln_chunk(g, pos_table, tok_table, gamma2d, beta2d,
                           B, S, s0 // 16, out)
    return out

# --- scband reference (transcript-rebuilt; emitter-appended) ---
"""Pipeline reference for scband-bert-embeddings-77927886618684 (READ-ONLY COPY).

The authoritative reference and input builder live on the scoring server;
editing this copy changes nothing except your own understanding.
"""

import jax, jax.numpy as jnp
import numpy as np

VOCAB = 30522
MAX_POS = 512
N_TYPES = 2
HIDDEN = 128
BATCH = 1024
SEQ = 512
EPS = 1e-12


def setup_inputs(seed: int = 0) -> dict:
    key = jax.random.key(seed)
    k1, k2, k3, k4 = jax.random.split(key, 4)
    input_ids = jax.random.randint(k1, (BATCH, SEQ), 0, VOCAB, dtype=jnp.int64 if jax.config.jax_enable_x64 else jnp.int32)
    word_table = jax.random.normal(k2, (VOCAB, HIDDEN), dtype=jnp.float32) * 0.02
    pos_table = jax.random.normal(k3, (MAX_POS, HIDDEN), dtype=jnp.float32) * 0.02
    tok_table = jax.random.normal(k4, (N_TYPES, HIDDEN), dtype=jnp.float32) * 0.02
    gamma = jnp.ones((HIDDEN,), dtype=jnp.float32)
    beta = jnp.zeros((HIDDEN,), dtype=jnp.float32)
    return {"input_ids": input_ids, "word_table": word_table, "pos_table": pos_table, "tok_table": tok_table, "gamma": gamma, "beta": beta}


def reference(input_ids, word_table, pos_table, tok_table, gamma, beta):
    B, S = input_ids.shape
    # word embedding gather
    inputs_embeds = jnp.take(word_table, input_ids, axis=0)            # [B, S, H]
    # position embeddings: position_ids = arange(S) broadcast over batch
    position_ids = jnp.arange(S, dtype=jnp.int32)
    position_embeddings = jnp.take(pos_table, position_ids, axis=0)    # [S, H]
    position_embeddings = position_embeddings[None, :, :]              # [1, S, H]
    # token_type_ids are all zeros
    token_type_ids = jnp.zeros((B, S), dtype=jnp.int32)
    token_type_embeddings = jnp.take(tok_table, token_type_ids, axis=0)  # [B, S, H]
    embeddings = inputs_embeds + position_embeddings + token_type_embeddings
    # LayerNorm over last dim, eps=1e-12 (dropout is identity in eval mode)
    mean = jnp.mean(embeddings, axis=-1, keepdims=True)
    var = jnp.mean(jnp.square(embeddings - mean), axis=-1, keepdims=True)
    normed = (embeddings - mean) / jnp.sqrt(var + EPS)
    out = normed * gamma + beta
    return out

if __name__ == "__main__":
    import jax
    _d = setup_inputs()
    print(jax.jit(kernel)(*tuple(_d.values())))

</pallas_src>

<mosaic_0001>
#map = affine_map<(d0, d1) -> (0, 0)>
module attributes {stable_mosaic.version = 14 : i64} {
  func.func @k(%arg0: i32, %arg1: i32, %arg2: memref<30522x64xi32, #tpu.memory_space<hbm>>, %arg3: memref<1x98304xi32, #tpu.memory_space<hbm>>, %arg4: memref<49152x128xi32, #tpu.memory_space<hbm>>) attributes {dimension_semantics = [#tpu.dimension_semantics<core_parallel>, #tpu.dimension_semantics<subcore_parallel>], iteration_bounds = array<i64: 2, 16>, scalar_prefetch = 0 : i64, scratch_operands = 0 : i64, tpu.core_type = #tpu.core_type<sc_vector_subcore>, window_params = [{transform_indices = #map}, {transform_indices = #map}, {transform_indices = #map}]} {
    %mul3A = arith.constant 1 : i32
    %mul3A_0 = arith.muli %arg1, %mul3A : i32
    %add3A = arith.constant 0 : i32
    %add3A_1 = arith.addi %add3A, %mul3A_0 : i32
    %mul3A_2 = arith.constant 16 : i32
    %mul3A_3 = arith.muli %arg0, %mul3A_2 : i32
    %add3A_4 = arith.addi %add3A_1, %mul3A_3 : i32
    %mul3A_5 = arith.constant 24 : i32
    %mul3A_6 = arith.muli %add3A_4, %mul3A_5 : i32
    "tpu.region"() ({
      %run_scoped3A = memref.alloca() : memref<2x1x128xi32, #tpu.memory_space<vmem>>
      %run_scoped3A_7 = tpu.sem_alloc : memref<2x!tpu.dma_semaphore, #tpu.memory_space<semaphore_mem>>
      %run_scoped3A_8 = memref.alloca() : memref<2x128x64xi32, #tpu.memory_space<vmem>>
      %run_scoped3A_9 = tpu.sem_alloc : memref<2x!tpu.dma_semaphore, #tpu.memory_space<semaphore_mem>>
      %add3A_10 = arith.constant 0 : i32
      %add3A_11 = arith.addi %add3A_10, %mul3A_6 : i32
      %select_n3A = arith.constant true
      %select_n3A_12 = arith.constant 0 : i32
      %select_n3A_13 = arith.constant -1 : i32
      %select_n3A_14 = arith.select %select_n3A, %select_n3A_13, %select_n3A_12 : i32
      %eq3A = arith.constant -1 : i32
      %eq3A_15 = arith.cmpi eq, %select_n3A_14, %eq3A : i32
      %select_n3A_16 = arith.constant 23 : i32
      %select_n3A_17 = arith.select %eq3A_15, %select_n3A_16, %select_n3A_14 : i32
      %add3A_18 = arith.addi %select_n3A_17, %mul3A_6 : i32
      %select_n3A_19 = arith.constant true
      %select_n3A_20 = arith.constant 0 : i32
      %select_n3A_21 = arith.constant 1 : i32
      %select_n3A_22 = arith.select %select_n3A_19, %select_n3A_21, %select_n3A_20 : i32
      %eq3A_23 = arith.constant 24 : i32
      %eq3A_24 = arith.cmpi eq, %select_n3A_22, %eq3A_23 : i32
      %select_n3A_25 = arith.constant 0 : i32
      %select_n3A_26 = arith.select %eq3A_24, %select_n3A_25, %select_n3A_22 : i32
      %add3A_27 = arith.addi %select_n3A_26, %mul3A_6 : i32
      %add3A_28 = arith.constant 1 : i32
      %add3A_29 = arith.addi %select_n3A_26, %add3A_28 : i32
      %select_n3A_30 = arith.constant true
      %select_n3A_31 = arith.select %select_n3A_30, %add3A_29, %select_n3A_26 : i32
      %eq3A_32 = arith.constant 24 : i32
      %eq3A_33 = arith.cmpi eq, %select_n3A_31, %eq3A_32 : i32
      %select_n3A_34 = arith.constant 0 : i32
      %select_n3A_35 = arith.select %eq3A_33, %select_n3A_34, %select_n3A_31 : i32
      %add3A_36 = arith.addi %select_n3A_35, %mul3A_6 : i32
      "tpu.trace_start"() <{level = 10 : i32, message = "ep_initialize_0"}> : () -> ()
      %rem3A = arith.constant 0 : i32
      %rem3A_37 = arith.constant 2 : i32
      %rem3A_38 = arith.remui %rem3A, %rem3A_37 : i32
      %mul3A_39 = arith.constant 128 : i32
      %mul3A_40 = arith.muli %mul3A_39, %add3A_11 : i32
      %dma_start3A = arith.constant 0 : i32
      %dma_start3A_41 = arith.constant 0 : i32
      %dma_start3A_42 = tpu.memref_slice %run_scoped3A[%rem3A_38, %dma_start3A, %dma_start3A_41] : memref<2x1x128xi32, #tpu.memory_space<vmem>> -> memref<1x1x128xi32, #tpu.memory_space<vmem>>
      %dma_start3A_43 = tpu.memref_squeeze %dma_start3A_42 : memref<1x1x128xi32, #tpu.memory_space<vmem>> -> memref<1x128xi32, #tpu.memory_space<vmem>>
      %dma_start3A_44 = arith.constant 0 : i32
      %dma_start3A_45 = tpu.memref_slice %arg3[%dma_start3A_44, %mul3A_40] : memref<1x98304xi32, #tpu.memory_space<hbm>> -> memref<1x128xi32, #tpu.memory_space<hbm>>
      %dma_start3A_46 = tpu.memref_slice %run_scoped3A_7[%rem3A_38] : memref<2x!tpu.dma_semaphore, #tpu.memory_space<semaphore_mem>> -> memref<1x!tpu.dma_semaphore, #tpu.memory_space<semaphore_mem>>
      %dma_start3A_47 = tpu.memref_squeeze %dma_start3A_46 : memref<1x!tpu.dma_semaphore, #tpu.memory_space<semaphore_mem>> -> memref<!tpu.dma_semaphore, #tpu.memory_space<semaphore_mem>>
      %dma_start3A_48 = arith.constant 0 : i32
      %dma_start3A_49 = arith.constant 0 : i32
      %dma_start3A_50 = tpu.memref_slice %run_scoped3A[%rem3A_38, %dma_start3A_48, %dma_start3A_49] : memref<2x1x128xi32, #tpu.memory_space<vmem>> -> memref<1x1x128xi32, #tpu.memory_space<vmem>>
      %dma_start3A_51 = tpu.memref_squeeze %dma_start3A_50 : memref<1x1x128xi32, #tpu.memory_space<vmem>> -> memref<1x128xi32, #tpu.memory_space<vmem>>
      %dma_start3A_52 = arith.constant 0 : i32
      %dma_start3A_53 = tpu.memref_slice %arg3[%dma_start3A_52, %mul3A_40] : memref<1x98304xi32, #tpu.memory_space<hbm>> -> memref<1x128xi32, #tpu.memory_space<hbm>>
      tpu.enqueue_dma source(%dma_start3A_53 : memref<1x128xi32, #tpu.memory_space<hbm>>) target(%dma_start3A_51 : memref<1x128xi32, #tpu.memory_space<vmem>>) target_semaphore(%dma_start3A_47 : memref<!tpu.dma_semaphore, #tpu.memory_space<semaphore_mem>>)
      %add3A_54 = arith.constant 0 : i32
      %add3A_55 = arith.constant 1 : i32
      %add3A_56 = arith.addi %add3A_54, %add3A_55 : i32
      %select_n3A_57 = arith.constant true
      %select_n3A_58 = arith.constant 0 : i32
      %select_n3A_59 = arith.select %select_n3A_57, %add3A_56, %select_n3A_58 : i32
      "tpu.trace_stop"() : () -> ()
      %scan3A = arith.constant 0 : i32
      %scan3A_60 = arith.constant 0 : i32
      %scan3A_61 = arith.constant 0 : i32
      %scan3A_62 = arith.constant 0 : i32
      %scan3A_63 = arith.constant 0 : i32
      %scan3A_64 = arith.constant 24 : i32
      %scan3A_65 = arith.addi %scan3A_63, %scan3A_64 : i32
      %scan3A_66 = arith.constant 1 : i32
      %scan3A_67:5 = scf.for %scan3A_155 = %scan3A_63 to %scan3A_65 step %scan3A_66 iter_args(%scan3A_156 = %select_n3A_59, %scan3A_157 = %scan3A, %scan3A_158 = %scan3A_60, %scan3A_159 = %scan3A_61, %scan3A_160 = %scan3A_62) -> (i32, i32, i32, i32, i32)  : i32 {
        %eq3A_161 = arith.constant 0 : i32
        %eq3A_162 = arith.cmpi eq, %scan3A_155, %eq3A_161 : i32
        %eq3A_163 = arith.constant 23 : i32
        %eq3A_164 = arith.cmpi eq, %scan3A_155, %eq3A_163 : i32
        %add3A_165 = arith.addi %scan3A_160, %mul3A_6 : i32
        %sub3A_166 = arith.constant 1 : i32
        %sub3A_167 = arith.subi %scan3A_160, %sub3A_166 : i32
        %select_n3A_168 = arith.constant true
        %select_n3A_169 = arith.select %select_n3A_168, %sub3A_167, %scan3A_160 : i32
        %eq3A_170 = arith.constant -1 : i32
        %eq3A_171 = arith.cmpi eq, %select_n3A_169, %eq3A_170 : i32
        %select_n3A_172 = arith.constant 23 : i32
        %select_n3A_173 = arith.select %eq3A_171, %select_n3A_172, %select_n3A_169 : i32
        %add3A_174 = arith.addi %select_n3A_173, %mul3A_6 : i32
        %add3A_175 = arith.constant 1 : i32
        %add3A_176 = arith.addi %scan3A_160, %add3A_175 : i32
        %select_n3A_177 = arith.constant true
        %select_n3A_178 = arith.select %select_n3A_177, %add3A_176, %scan3A_160 : i32
        %eq3A_179 = arith.constant 24 : i32
        %eq3A_180 = arith.cmpi eq, %select_n3A_178, %eq3A_179 : i32
        %select_n3A_181 = arith.constant 0 : i32
        %select_n3A_182 = arith.select %eq3A_180, %select_n3A_181, %select_n3A_178 : i32
        %add3A_183 = arith.addi %select_n3A_182, %mul3A_6 : i32
        %add3A_184 = arith.constant 1 : i32
        %add3A_185 = arith.addi %select_n3A_182, %add3A_184 : i32
        %select_n3A_186 = arith.constant true
        %select_n3A_187 = arith.select %select_n3A_186, %add3A_185, %select_n3A_182 : i32
        %eq3A_188 = arith.constant 24 : i32
        %eq3A_189 = arith.cmpi eq, %select_n3A_187, %eq3A_188 : i32
        %select_n3A_190 = arith.constant 0 : i32
        %select_n3A_191 = arith.select %eq3A_189, %select_n3A_190, %select_n3A_187 : i32
        %add3A_192 = arith.addi %select_n3A_191, %mul3A_6 : i32
        %ne3A_193 = arith.cmpi ne, %add3A_165, %add3A_183 : i32
        %or3A = arith.constant false
        %or3A_194 = arith.ori %or3A, %ne3A_193 : i1
        %ge3A = arith.constant 23 : i32
        %ge3A_195 = arith.cmpi sge, %scan3A_155, %ge3A : i32
        %not3A = arith.constant true
        %not3A_196 = arith.xori %ge3A_195, %not3A : i1
        %and3A_197 = arith.andi %or3A_194, %not3A_196 : i1
        %convert_element_type3A = arith.extui %and3A_197 : i1 to i32
        %cond3A = arith.constant 0 : i32
        %cond3A_198 = arith.cmpi ne, %convert_element_type3A, %cond3A : i32
        scf.if %cond3A_198 {
          "tpu.trace_start"() <{level = 10 : i32, message = "ep_copy_in"}> : () -> ()
          %rem3A_620 = arith.constant 2 : i32
          %rem3A_621 = arith.remui %scan3A_156, %rem3A_620 : i32
          %mul3A_622 = arith.constant 128 : i32
          %mul3A_623 = arith.muli %mul3A_622, %add3A_183 : i32
          %dma_start3A_624 = arith.constant 0 : i32
          %dma_start3A_625 = arith.constant 0 : i32
          %dma_start3A_626 = tpu.memref_slice %run_scoped3A[%rem3A_621, %dma_start3A_624, %dma_start3A_625] : memref<2x1x128xi32, #tpu.memory_space<vmem>> -> memref<1x1x128xi32, #tpu.memory_space<vmem>>
          %dma_start3A_627 = tpu.memref_squeeze %dma_start3A_626 : memref<1x1x128xi32, #tpu.memory_space<vmem>> -> memref<1x128xi32, #tpu.memory_space<vmem>>
          %dma_start3A_628 = arith.constant 0 : i32
          %dma_start3A_629 = tpu.memref_slice %arg3[%dma_start3A_628, %mul3A_623] : memref<1x98304xi32, #tpu.memory_space<hbm>> -> memref<1x128xi32, #tpu.memory_space<hbm>>
          %dma_start3A_630 = tpu.memref_slice %run_scoped3A_7[%rem3A_621] : memref<2x!tpu.dma_semaphore, #tpu.memory_space<semaphore_mem>> -> memref<1x!tpu.dma_semaphore, #tpu.memory_space<semaphore_mem>>
          %dma_start3A_631 = tpu.memref_squeeze %dma_start3A_630 : memref<1x!tpu.dma_semaphore, #tpu.memory_space<semaphore_mem>> -> memref<!tpu.dma_semaphore, #tpu.memory_space<semaphore_mem>>
          %dma_start3A_632 = arith.constant 0 : i32
          %dma_start3A_633 = arith.constant 0 : i32
          %dma_start3A_634 = tpu.memref_slice %run_scoped3A[%rem3A_621, %dma_start3A_632, %dma_start3A_633] : memref<2x1x128xi32, #tpu.memory_space<vmem>> -> memref<1x1x128xi32, #tpu.memory_space<vmem>>
          %dma_start3A_635 = tpu.memref_squeeze %dma_start3A_634 : memref<1x1x128xi32, #tpu.memory_space<vmem>> -> memref<1x128xi32, #tpu.memory_space<vmem>>
          %dma_start3A_636 = arith.constant 0 : i32
          %dma_start3A_637 = tpu.memref_slice %arg3[%dma_start3A_636, %mul3A_623] : memref<1x98304xi32, #tpu.memory_space<hbm>> -> memref<1x128xi32, #tpu.memory_space<hbm>>
          tpu.enqueue_dma source(%dma_start3A_637 : memref<1x128xi32, #tpu.memory_space<hbm>>) target(%dma_start3A_635 : memref<1x128xi32, #tpu.memory_space<vmem>>) target_semaphore(%dma_start3A_631 : memref<!tpu.dma_semaphore, #tpu.memory_space<semaphore_mem>>)
          "tpu.trace_stop"() : () -> ()
        } else {
        }
        %and3A_199 = arith.constant true
        %and3A_200 = arith.andi %and3A_197, %and3A_199 : i1
        %add3A_201 = arith.constant 1 : i32
        %add3A_202 = arith.addi %scan3A_156, %add3A_201 : i32
        %select_n3A_203 = arith.select %and3A_200, %add3A_202, %scan3A_156 : i32
        %jit3A_204 = arith.constant 2 : i32
        %div3A_205 = arith.divsi %add3A_165, %jit3A_204 : i32
        %sign3A_206 = arith.constant 0 : i32
        %sign3A_207 = arith.cmpi sgt, %add3A_165, %sign3A_206 : i32
        %sign3A_208 = arith.extui %sign3A_207 : i1 to i32
        %sign3A_209 = arith.constant 0 : i32
        %sign3A_210 = arith.cmpi slt, %add3A_165, %sign3A_209 : i32
        %sign3A_211 = arith.extui %sign3A_210 : i1 to i32
        %sign3A_212 = arith.subi %sign3A_208, %sign3A_211 : i32
        %sign3A_213 = arith.constant 0 : i32
        %sign3A_214 = arith.cmpi sgt, %jit3A_204, %sign3A_213 : i32
        %sign3A_215 = arith.extui %sign3A_214 : i1 to i32
        %sign3A_216 = arith.constant 0 : i32
        %sign3A_217 = arith.cmpi slt, %jit3A_204, %sign3A_216 : i32
        %sign3A_218 = arith.extui %sign3A_217 : i1 to i32
        %sign3A_219 = arith.subi %sign3A_215, %sign3A_218 : i32
        %ne3A_220 = arith.cmpi ne, %sign3A_212, %sign3A_219 : i32
        %rem3A_221 = arith.remsi %add3A_165, %jit3A_204 : i32
        %ne3A_222 = arith.constant 0 : i32
        %ne3A_223 = arith.cmpi ne, %rem3A_221, %ne3A_222 : i32
        %and3A_224 = arith.andi %ne3A_220, %ne3A_223 : i1
        %sub3A_225 = arith.constant 1 : i32
        %sub3A_226 = arith.subi %div3A_205, %sub3A_225 : i32
        %select_n3A_227 = arith.select %and3A_224, %sub3A_226, %div3A_205 : i32
        %jit3A_228 = arith.constant 2 : i32
        %eq3A_229 = arith.constant 0 : i32
        %eq3A_230 = arith.cmpi eq, %jit3A_228, %eq3A_229 : i32
        %jit3A_231 = arith.constant 1 : i32
        %select_n3A_232 = arith.select %eq3A_230, %jit3A_231, %jit3A_228 : i32
        %rem3A_233 = arith.remsi %add3A_165, %select_n3A_232 : i32
        %ne3A_234 = arith.constant 0 : i32
        %ne3A_235 = arith.cmpi ne, %rem3A_233, %ne3A_234 : i32
        %lt3A_236 = arith.constant 0 : i32
        %lt3A_237 = arith.cmpi slt, %rem3A_233, %lt3A_236 : i32
        %lt3A_238 = arith.constant 0 : i32
        %lt3A_239 = arith.cmpi slt, %select_n3A_232, %lt3A_238 : i32
        %ne3A_240 = arith.xori %lt3A_237, %lt3A_239 : i1
        %and3A_241 = arith.andi %ne3A_240, %ne3A_235 : i1
        %add3A_242 = arith.addi %rem3A_233, %select_n3A_232 : i32
        %select_n3A_243 = arith.select %and3A_241, %add3A_242, %rem3A_233 : i32
        %jit3A_244 = arith.constant 2 : i32
        %div3A_245 = arith.divsi %add3A_183, %jit3A_244 : i32
        %sign3A_246 = arith.constant 0 : i32
        %sign3A_247 = arith.cmpi sgt, %add3A_183, %sign3A_246 : i32
        %sign3A_248 = arith.extui %sign3A_247 : i1 to i32
        %sign3A_249 = arith.constant 0 : i32
        %sign3A_250 = arith.cmpi slt, %add3A_183, %sign3A_249 : i32
        %sign3A_251 = arith.extui %sign3A_250 : i1 to i32
        %sign3A_252 = arith.subi %sign3A_248, %sign3A_251 : i32
        %sign3A_253 = arith.constant 0 : i32
        %sign3A_254 = arith.cmpi sgt, %jit3A_244, %sign3A_253 : i32
        %sign3A_255 = arith.extui %sign3A_254 : i1 to i32
        %sign3A_256 = arith.constant 0 : i32
        %sign3A_257 = arith.cmpi slt, %jit3A_244, %sign3A_256 : i32
        %sign3A_258 = arith.extui %sign3A_257 : i1 to i32
        %sign3A_259 = arith.subi %sign3A_255, %sign3A_258 : i32
        %ne3A_260 = arith.cmpi ne, %sign3A_252, %sign3A_259 : i32
        %rem3A_261 = arith.remsi %add3A_183, %jit3A_244 : i32
        %ne3A_262 = arith.constant 0 : i32
        %ne3A_263 = arith.cmpi ne, %rem3A_261, %ne3A_262 : i32
        %and3A_264 = arith.andi %ne3A_260, %ne3A_263 : i1
        %sub3A_265 = arith.constant 1 : i32
        %sub3A_266 = arith.subi %div3A_245, %sub3A_265 : i32
        %select_n3A_267 = arith.select %and3A_264, %sub3A_266, %div3A_245 : i32
        %jit3A_268 = arith.constant 2 : i32
        %eq3A_269 = arith.constant 0 : i32
        %eq3A_270 = arith.cmpi eq, %jit3A_268, %eq3A_269 : i32
        %jit3A_271 = arith.constant 1 : i32
        %select_n3A_272 = arith.select %eq3A_270, %jit3A_271, %jit3A_268 : i32
        %rem3A_273 = arith.remsi %add3A_183, %select_n3A_272 : i32
        %ne3A_274 = arith.constant 0 : i32
        %ne3A_275 = arith.cmpi ne, %rem3A_273, %ne3A_274 : i32
        %lt3A_276 = arith.constant 0 : i32
        %lt3A_277 = arith.cmpi slt, %rem3A_273, %lt3A_276 : i32
        %lt3A_278 = arith.constant 0 : i32
        %lt3A_279 = arith.cmpi slt, %select_n3A_272, %lt3A_278 : i32
        %ne3A_280 = arith.xori %lt3A_277, %lt3A_279 : i1
        %and3A_281 = arith.andi %ne3A_280, %ne3A_275 : i1
        %add3A_282 = arith.addi %rem3A_273, %select_n3A_272 : i32
        %select_n3A_283 = arith.select %and3A_281, %add3A_282, %rem3A_273 : i32
        %ne3A_284 = arith.cmpi ne, %select_n3A_227, %select_n3A_267 : i32
        %ne3A_285 = arith.cmpi ne, %select_n3A_243, %select_n3A_283 : i32
        %or3A_286 = arith.constant false
        %or3A_287 = arith.ori %or3A_286, %ne3A_284 : i1
        %or3A_288 = arith.ori %or3A_287, %ne3A_285 : i1
        %ge3A_289 = arith.constant 23 : i32
        %ge3A_290 = arith.cmpi sge, %scan3A_155, %ge3A_289 : i32
        %not3A_291 = arith.constant true
        %not3A_292 = arith.xori %ge3A_290, %not3A_291 : i1
        %and3A_293 = arith.andi %or3A_288, %not3A_292 : i1
        %ne3A_294 = arith.cmpi ne, %add3A_165, %add3A_174 : i32
        %or3A_295 = arith.constant false
        %or3A_296 = arith.ori %or3A_295, %ne3A_294 : i1
        %or3A_297 = arith.ori %or3A_296, %eq3A_162 : i1
        %convert_element_type3A_298 = arith.extui %or3A_297 : i1 to i32
        %cond3A_299 = arith.constant 0 : i32
        %cond3A_300 = arith.cmpi ne, %convert_element_type3A_298, %cond3A_299 : i32
        scf.if %cond3A_300 {
          "tpu.trace_start"() <{level = 10 : i32, message = "ep_wait_in"}> : () -> ()
          %mul3A_620 = arith.constant 128 : i32
          %mul3A_621 = arith.muli %mul3A_620, %add3A_165 : i32
          %rem3A_622 = arith.constant 2 : i32
          %rem3A_623 = arith.remui %scan3A_157, %rem3A_622 : i32
          %dma_wait3A_624 = arith.constant 0 : i32
          %dma_wait3A_625 = arith.constant 0 : i32
          %dma_wait3A_626 = tpu.memref_slice %run_scoped3A[%rem3A_623, %dma_wait3A_624, %dma_wait3A_625] : memref<2x1x128xi32, #tpu.memory_space<vmem>> -> memref<1x1x128xi32, #tpu.memory_space<vmem>>
          %dma_wait3A_627 = tpu.memref_squeeze %dma_wait3A_626 : memref<1x1x128xi32, #tpu.memory_space<vmem>> -> memref<1x128xi32, #tpu.memory_space<vmem>>
          %dma_wait3A_628 = arith.constant 0 : i32
          %dma_wait3A_629 = tpu.memref_slice %arg3[%dma_wait3A_628, %mul3A_621] : memref<1x98304xi32, #tpu.memory_space<hbm>> -> memref<1x128xi32, #tpu.memory_space<hbm>>
          %dma_wait3A_630 = tpu.memref_slice %run_scoped3A_7[%rem3A_623] : memref<2x!tpu.dma_semaphore, #tpu.memory_space<semaphore_mem>> -> memref<1x!tpu.dma_semaphore, #tpu.memory_space<semaphore_mem>>
          %dma_wait3A_631 = tpu.memref_squeeze %dma_wait3A_630 : memref<1x!tpu.dma_semaphore, #tpu.memory_space<semaphore_mem>> -> memref<!tpu.dma_semaphore, #tpu.memory_space<semaphore_mem>>
          %dma_wait3A_632 = arith.constant 0 : i32
          %dma_wait3A_633 = arith.constant 0 : i32
          %dma_wait3A_634 = tpu.memref_slice %run_scoped3A[%rem3A_623, %dma_wait3A_632, %dma_wait3A_633] : memref<2x1x128xi32, #tpu.memory_space<vmem>> -> memref<1x1x128xi32, #tpu.memory_space<vmem>>
          %dma_wait3A_635 = tpu.memref_squeeze %dma_wait3A_634 : memref<1x1x128xi32, #tpu.memory_space<vmem>> -> memref<1x128xi32, #tpu.memory_space<vmem>>
          %dma_wait3A_636 = arith.constant 0 : i32
          %dma_wait3A_637 = tpu.memref_slice %arg3[%dma_wait3A_636, %mul3A_621] : memref<1x98304xi32, #tpu.memory_space<hbm>> -> memref<1x128xi32, #tpu.memory_space<hbm>>
          tpu.wait_dma2 semaphore(%dma_wait3A_631 : memref<!tpu.dma_semaphore, #tpu.memory_space<semaphore_mem>>) src(%dma_wait3A_637 : memref<1x128xi32, #tpu.memory_space<hbm>>) dst(%dma_wait3A_635 : memref<1x128xi32, #tpu.memory_space<vmem>>)
          "tpu.trace_stop"() : () -> ()
        } else {
        }
        %jit3A_301 = arith.constant 2 : i32
        %div3A_302 = arith.divsi %add3A_165, %jit3A_301 : i32
        %sign3A_303 = arith.constant 0 : i32
        %sign3A_304 = arith.cmpi sgt, %add3A_165, %sign3A_303 : i32
        %sign3A_305 = arith.extui %sign3A_304 : i1 to i32
        %sign3A_306 = arith.constant 0 : i32
        %sign3A_307 = arith.cmpi slt, %add3A_165, %sign3A_306 : i32
        %sign3A_308 = arith.extui %sign3A_307 : i1 to i32
        %sign3A_309 = arith.subi %sign3A_305, %sign3A_308 : i32
        %sign3A_310 = arith.constant 0 : i32
        %sign3A_311 = arith.cmpi sgt, %jit3A_301, %sign3A_310 : i32
        %sign3A_312 = arith.extui %sign3A_311 : i1 to i32
        %sign3A_313 = arith.constant 0 : i32
        %sign3A_314 = arith.cmpi slt, %jit3A_301, %sign3A_313 : i32
        %sign3A_315 = arith.extui %sign3A_314 : i1 to i32
        %sign3A_316 = arith.subi %sign3A_312, %sign3A_315 : i32
        %ne3A_317 = arith.cmpi ne, %sign3A_309, %sign3A_316 : i32
        %rem3A_318 = arith.remsi %add3A_165, %jit3A_301 : i32
        %ne3A_319 = arith.constant 0 : i32
        %ne3A_320 = arith.cmpi ne, %rem3A_318, %ne3A_319 : i32
        %and3A_321 = arith.andi %ne3A_317, %ne3A_320 : i1
        %sub3A_322 = arith.constant 1 : i32
        %sub3A_323 = arith.subi %div3A_302, %sub3A_322 : i32
        %select_n3A_324 = arith.select %and3A_321, %sub3A_323, %div3A_302 : i32
        %jit3A_325 = arith.constant 2 : i32
        %eq3A_326 = arith.constant 0 : i32
        %eq3A_327 = arith.cmpi eq, %jit3A_325, %eq3A_326 : i32
        %jit3A_328 = arith.constant 1 : i32
        %select_n3A_329 = arith.select %eq3A_327, %jit3A_328, %jit3A_325 : i32
        %rem3A_330 = arith.remsi %add3A_165, %select_n3A_329 : i32
        %ne3A_331 = arith.constant 0 : i32
        %ne3A_332 = arith.cmpi ne, %rem3A_330, %ne3A_331 : i32
        %lt3A_333 = arith.constant 0 : i32
        %lt3A_334 = arith.cmpi slt, %rem3A_330, %lt3A_333 : i32
        %lt3A_335 = arith.constant 0 : i32
        %lt3A_336 = arith.cmpi slt, %select_n3A_329, %lt3A_335 : i32
        %ne3A_337 = arith.xori %lt3A_334, %lt3A_336 : i1
        %and3A_338 = arith.andi %ne3A_337, %ne3A_332 : i1
        %add3A_339 = arith.addi %rem3A_330, %select_n3A_329 : i32
        %select_n3A_340 = arith.select %and3A_338, %add3A_339, %rem3A_330 : i32
        %jit3A_341 = arith.constant 2 : i32
        %div3A_342 = arith.divsi %add3A_174, %jit3A_341 : i32
        %sign3A_343 = arith.constant 0 : i32
        %sign3A_344 = arith.cmpi sgt, %add3A_174, %sign3A_343 : i32
        %sign3A_345 = arith.extui %sign3A_344 : i1 to i32
        %sign3A_346 = arith.constant 0 : i32
        %sign3A_347 = arith.cmpi slt, %add3A_174, %sign3A_346 : i32
        %sign3A_348 = arith.extui %sign3A_347 : i1 to i32
        %sign3A_349 = arith.subi %sign3A_345, %sign3A_348 : i32
        %sign3A_350 = arith.constant 0 : i32
        %sign3A_351 = arith.cmpi sgt, %jit3A_341, %sign3A_350 : i32
        %sign3A_352 = arith.extui %sign3A_351 : i1 to i32
        %sign3A_353 = arith.constant 0 : i32
        %sign3A_354 = arith.cmpi slt, %jit3A_341, %sign3A_353 : i32
        %sign3A_355 = arith.extui %sign3A_354 : i1 to i32
        %sign3A_356 = arith.subi %sign3A_352, %sign3A_355 : i32
        %ne3A_357 = arith.cmpi ne, %sign3A_349, %sign3A_356 : i32
        %rem3A_358 = arith.remsi %add3A_174, %jit3A_341 : i32
        %ne3A_359 = arith.constant 0 : i32
        %ne3A_360 = arith.cmpi ne, %rem3A_358, %ne3A_359 : i32
        %and3A_361 = arith.andi %ne3A_357, %ne3A_360 : i1
        %sub3A_362 = arith.constant 1 : i32
        %sub3A_363 = arith.subi %div3A_342, %sub3A_362 : i32
        %select_n3A_364 = arith.select %and3A_361, %sub3A_363, %div3A_342 : i32
        %jit3A_365 = arith.constant 2 : i32
        %eq3A_366 = arith.constant 0 : i32
        %eq3A_367 = arith.cmpi eq, %jit3A_365, %eq3A_366 : i32
        %jit3A_368 = arith.constant 1 : i32
        %select_n3A_369 = arith.select %eq3A_367, %jit3A_368, %jit3A_365 : i32
        %rem3A_370 = arith.remsi %add3A_174, %select_n3A_369 : i32
        %ne3A_371 = arith.constant 0 : i32
        %ne3A_372 = arith.cmpi ne, %rem3A_370, %ne3A_371 : i32
        %lt3A_373 = arith.constant 0 : i32
        %lt3A_374 = arith.cmpi slt, %rem3A_370, %lt3A_373 : i32
        %lt3A_375 = arith.constant 0 : i32
        %lt3A_376 = arith.cmpi slt, %select_n3A_369, %lt3A_375 : i32
        %ne3A_377 = arith.xori %lt3A_374, %lt3A_376 : i1
        %and3A_378 = arith.andi %ne3A_377, %ne3A_372 : i1
        %add3A_379 = arith.addi %rem3A_370, %select_n3A_369 : i32
        %select_n3A_380 = arith.select %and3A_378, %add3A_379, %rem3A_370 : i32
        %ne3A_381 = arith.cmpi ne, %select_n3A_324, %select_n3A_364 : i32
        %ne3A_382 = arith.cmpi ne, %select_n3A_340, %select_n3A_380 : i32
        %or3A_383 = arith.constant false
        %or3A_384 = arith.ori %or3A_383, %ne3A_381 : i1
        %or3A_385 = arith.ori %or3A_384, %ne3A_382 : i1
        %or3A_386 = arith.ori %or3A_385, %eq3A_162 : i1
        %convert_element_type3A_387 = arith.extui %or3A_386 : i1 to i32
        %cond3A_388 = arith.constant 0 : i32
        %cond3A_389 = arith.cmpi ne, %convert_element_type3A_387, %cond3A_388 : i32
        scf.if %cond3A_389 {
        } else {
        }
        %rem3A_390 = arith.constant 2 : i32
        %rem3A_391 = arith.remui %scan3A_157, %rem3A_390 : i32
        %rem3A_392 = arith.constant 2 : i32
        %rem3A_393 = arith.remui %scan3A_158, %rem3A_392 : i32
        %run_scoped3A_394 = arith.constant 0 : i32
        "tpu.trace_start"() <{level = 10 : i32, message = "ep_run_kernel"}> : () -> ()
        "tpu.region"() ({
          %run_scoped3A_620 = tpu.sem_alloc : memref<!tpu.dma_semaphore, #tpu.memory_space<semaphore_mem>>
          %dma_start3A_621 = arith.constant 0 : i32
          %dma_start3A_622 = arith.constant 0 : i32
          %dma_start3A_623 = tpu.memref_slice %run_scoped3A_8[%rem3A_393, %dma_start3A_621, %dma_start3A_622] : memref<2x128x64xi32, #tpu.memory_space<vmem>> -> memref<1x128x64xi32, #tpu.memory_space<vmem>>
          %dma_start3A_624 = tpu.memref_squeeze %dma_start3A_623 : memref<1x128x64xi32, #tpu.memory_space<vmem>> -> memref<128x64xi32, #tpu.memory_space<vmem>>
          %dma_start3A_625 = arith.constant 0 : i32
          %dma_start3A_626 = arith.constant 0 : i32
          %dma_start3A_627 = tpu.memref_slice %run_scoped3A[%rem3A_391, %dma_start3A_625, %dma_start3A_626] : memref<2x1x128xi32, #tpu.memory_space<vmem>> -> memref<1x1x128xi32, #tpu.memory_space<vmem>>
          %dma_start3A_628 = tpu.memref_squeeze %dma_start3A_627 : memref<1x1x128xi32, #tpu.memory_space<vmem>> -> memref<1x128xi32, #tpu.memory_space<vmem>>
          %dma_start3A_629 = arith.constant 0 : i32
          %dma_start3A_630 = tpu.memref_slice %dma_start3A_628[%run_scoped3A_394, %dma_start3A_629] : memref<1x128xi32, #tpu.memory_space<vmem>> -> memref<1x128xi32, #tpu.memory_space<vmem>>
          %dma_start3A_631 = tpu.memref_squeeze %dma_start3A_630 : memref<1x128xi32, #tpu.memory_space<vmem>> -> memref<128xi32, #tpu.memory_space<vmem>>
          %dma_start3A_632 = arith.constant 0 : i32
          %dma_start3A_633 = arith.constant 0 : i32
          %dma_start3A_634 = tpu.memref_slice %arg2[%dma_start3A_632, %dma_start3A_633] : memref<30522x64xi32, #tpu.memory_space<hbm>> -> memref<30522x64xi32, #tpu.memory_space<hbm>>
          tpu.enqueue_indirect_dma source(%dma_start3A_634 : memref<30522x64xi32, #tpu.memory_space<hbm>>) target(%dma_start3A_624 : memref<128x64xi32, #tpu.memory_space<vmem>>) offsets(%dma_start3A_631 : memref<128xi32, #tpu.memory_space<vmem>>) semaphore(%run_scoped3A_620 : memref<!tpu.dma_semaphore, #tpu.memory_space<semaphore_mem>>)
          %dma_wait3A_635 = arith.constant 0 : i32
          %dma_wait3A_636 = arith.constant 0 : i32
          %dma_wait3A_637 = tpu.memref_slice %run_scoped3A_8[%rem3A_393, %dma_wait3A_635, %dma_wait3A_636] : memref<2x128x64xi32, #tpu.memory_space<vmem>> -> memref<1x128x64xi32, #tpu.memory_space<vmem>>
          %dma_wait3A_638 = tpu.memref_squeeze %dma_wait3A_637 : memref<1x128x64xi32, #tpu.memory_space<vmem>> -> memref<128x64xi32, #tpu.memory_space<vmem>>
          %dma_wait3A_639 = arith.constant 0 : i32
          %dma_wait3A_640 = arith.constant 0 : i32
          %dma_wait3A_641 = tpu.memref_slice %run_scoped3A[%rem3A_391, %dma_wait3A_639, %dma_wait3A_640] : memref<2x1x128xi32, #tpu.memory_space<vmem>> -> memref<1x1x128xi32, #tpu.memory_space<vmem>>
          %dma_wait3A_642 = tpu.memref_squeeze %dma_wait3A_641 : memref<1x1x128xi32, #tpu.memory_space<vmem>> -> memref<1x128xi32, #tpu.memory_space<vmem>>
          %dma_wait3A_643 = arith.constant 0 : i32
          %dma_wait3A_644 = tpu.memref_slice %dma_wait3A_642[%run_scoped3A_394, %dma_wait3A_643] : memref<1x128xi32, #tpu.memory_space<vmem>> -> memref<1x128xi32, #tpu.memory_space<vmem>>
          %dma_wait3A_645 = tpu.memref_squeeze %dma_wait3A_644 : memref<1x128xi32, #tpu.memory_space<vmem>> -> memref<128xi32, #tpu.memory_space<vmem>>
          %dma_wait3A_646 = arith.constant 0 : i32
          %dma_wait3A_647 = arith.constant 0 : i32
          %dma_wait3A_648 = tpu.memref_slice %arg2[%dma_wait3A_646, %dma_wait3A_647] : memref<30522x64xi32, #tpu.memory_space<hbm>> -> memref<30522x64xi32, #tpu.memory_space<hbm>>
          tpu.wait_indirect_dma semaphore(%run_scoped3A_620 : memref<!tpu.dma_semaphore, #tpu.memory_space<semaphore_mem>>) src(%dma_wait3A_648 : memref<30522x64xi32, #tpu.memory_space<hbm>>) dst(%dma_wait3A_638 : memref<128x64xi32, #tpu.memory_space<vmem>>)
          tpu.yield
        }) : () -> ()
        "tpu.trace_stop"() : () -> ()
        %ne3A_395 = arith.cmpi ne, %add3A_165, %add3A_183 : i32
        %or3A_396 = arith.constant false
        %or3A_397 = arith.ori %or3A_396, %ne3A_395 : i1
        %or3A_398 = arith.ori %or3A_397, %eq3A_164 : i1
        %convert_element_type3A_399 = arith.extui %or3A_398 : i1 to i32
        %cond3A_400 = arith.constant 0 : i32
        %cond3A_401 = arith.cmpi ne, %convert_element_type3A_399, %cond3A_400 : i32
        scf.if %cond3A_401 {
        } else {
        }
        %and3A_402 = arith.constant false
        %and3A_403 = arith.andi %or3A_398, %and3A_402 : i1
        %jit3A_404 = arith.constant 2 : i32
        %div3A_405 = arith.divsi %add3A_165, %jit3A_404 : i32
        %sign3A_406 = arith.constant 0 : i32
        %sign3A_407 = arith.cmpi sgt, %add3A_165, %sign3A_406 : i32
        %sign3A_408 = arith.extui %sign3A_407 : i1 to i32
        %sign3A_409 = arith.constant 0 : i32
        %sign3A_410 = arith.cmpi slt, %add3A_165, %sign3A_409 : i32
        %sign3A_411 = arith.extui %sign3A_410 : i1 to i32
        %sign3A_412 = arith.subi %sign3A_408, %sign3A_411 : i32
        %sign3A_413 = arith.constant 0 : i32
        %sign3A_414 = arith.cmpi sgt, %jit3A_404, %sign3A_413 : i32
        %sign3A_415 = arith.extui %sign3A_414 : i1 to i32
        %sign3A_416 = arith.constant 0 : i32
        %sign3A_417 = arith.cmpi slt, %jit3A_404, %sign3A_416 : i32
        %sign3A_418 = arith.extui %sign3A_417 : i1 to i32
        %sign3A_419 = arith.subi %sign3A_415, %sign3A_418 : i32
        %ne3A_420 = arith.cmpi ne, %sign3A_412, %sign3A_419 : i32
        %rem3A_421 = arith.remsi %add3A_165, %jit3A_404 : i32
        %ne3A_422 = arith.constant 0 : i32
        %ne3A_423 = arith.cmpi ne, %rem3A_421, %ne3A_422 : i32
        %and3A_424 = arith.andi %ne3A_420, %ne3A_423 : i1
        %sub3A_425 = arith.constant 1 : i32
        %sub3A_426 = arith.subi %div3A_405, %sub3A_425 : i32
        %select_n3A_427 = arith.select %and3A_424, %sub3A_426, %div3A_405 : i32
        %jit3A_428 = arith.constant 2 : i32
        %eq3A_429 = arith.constant 0 : i32
        %eq3A_430 = arith.cmpi eq, %jit3A_428, %eq3A_429 : i32
        %jit3A_431 = arith.constant 1 : i32
        %select_n3A_432 = arith.select %eq3A_430, %jit3A_431, %jit3A_428 : i32
        %rem3A_433 = arith.remsi %add3A_165, %select_n3A_432 : i32
        %ne3A_434 = arith.constant 0 : i32
        %ne3A_435 = arith.cmpi ne, %rem3A_433, %ne3A_434 : i32
        %lt3A_436 = arith.constant 0 : i32
        %lt3A_437 = arith.cmpi slt, %rem3A_433, %lt3A_436 : i32
        %lt3A_438 = arith.constant 0 : i32
        %lt3A_439 = arith.cmpi slt, %select_n3A_432, %lt3A_438 : i32
        %ne3A_440 = arith.xori %lt3A_437, %lt3A_439 : i1
        %and3A_441 = arith.andi %ne3A_440, %ne3A_435 : i1
        %add3A_442 = arith.addi %rem3A_433, %select_n3A_432 : i32
        %select_n3A_443 = arith.select %and3A_441, %add3A_442, %rem3A_433 : i32
        %jit3A_444 = arith.constant 2 : i32
        %div3A_445 = arith.divsi %add3A_183, %jit3A_444 : i32
        %sign3A_446 = arith.constant 0 : i32
        %sign3A_447 = arith.cmpi sgt, %add3A_183, %sign3A_446 : i32
        %sign3A_448 = arith.extui %sign3A_447 : i1 to i32
        %sign3A_449 = arith.constant 0 : i32
        %sign3A_450 = arith.cmpi slt, %add3A_183, %sign3A_449 : i32
        %sign3A_451 = arith.extui %sign3A_450 : i1 to i32
        %sign3A_452 = arith.subi %sign3A_448, %sign3A_451 : i32
        %sign3A_453 = arith.constant 0 : i32
        %sign3A_454 = arith.cmpi sgt, %jit3A_444, %sign3A_453 : i32
        %sign3A_455 = arith.extui %sign3A_454 : i1 to i32
        %sign3A_456 = arith.constant 0 : i32
        %sign3A_457 = arith.cmpi slt, %jit3A_444, %sign3A_456 : i32
        %sign3A_458 = arith.extui %sign3A_457 : i1 to i32
        %sign3A_459 = arith.subi %sign3A_455, %sign3A_458 : i32
        %ne3A_460 = arith.cmpi ne, %sign3A_452, %sign3A_459 : i32
        %rem3A_461 = arith.remsi %add3A_183, %jit3A_444 : i32
        %ne3A_462 = arith.constant 0 : i32
        %ne3A_463 = arith.cmpi ne, %rem3A_461, %ne3A_462 : i32
        %and3A_464 = arith.andi %ne3A_460, %ne3A_463 : i1
        %sub3A_465 = arith.constant 1 : i32
        %sub3A_466 = arith.subi %div3A_445, %sub3A_465 : i32
        %select_n3A_467 = arith.select %and3A_464, %sub3A_466, %div3A_445 : i32
        %jit3A_468 = arith.constant 2 : i32
        %eq3A_469 = arith.constant 0 : i32
        %eq3A_470 = arith.cmpi eq, %jit3A_468, %eq3A_469 : i32
        %jit3A_471 = arith.constant 1 : i32
        %select_n3A_472 = arith.select %eq3A_470, %jit3A_471, %jit3A_468 : i32
        %rem3A_473 = arith.remsi %add3A_183, %select_n3A_472 : i32
        %ne3A_474 = arith.constant 0 : i32
        %ne3A_475 = arith.cmpi ne, %rem3A_473, %ne3A_474 : i32
        %lt3A_476 = arith.constant 0 : i32
        %lt3A_477 = arith.cmpi slt, %rem3A_473, %lt3A_476 : i32
        %lt3A_478 = arith.constant 0 : i32
        %lt3A_479 = arith.cmpi slt, %select_n3A_472, %lt3A_478 : i32
        %ne3A_480 = arith.xori %lt3A_477, %lt3A_479 : i1
        %and3A_481 = arith.andi %ne3A_480, %ne3A_475 : i1
        %add3A_482 = arith.addi %rem3A_473, %select_n3A_472 : i32
        %select_n3A_483 = arith.select %and3A_481, %add3A_482, %rem3A_473 : i32
        %ne3A_484 = arith.cmpi ne, %select_n3A_427, %select_n3A_467 : i32
        %ne3A_485 = arith.cmpi ne, %select_n3A_443, %select_n3A_483 : i32
        %or3A_486 = arith.constant false
        %or3A_487 = arith.ori %or3A_486, %ne3A_484 : i1
        %or3A_488 = arith.ori %or3A_487, %ne3A_485 : i1
        %or3A_489 = arith.ori %or3A_488, %eq3A_164 : i1
        %convert_element_type3A_490 = arith.extui %or3A_489 : i1 to i32
        %cond3A_491 = arith.constant 0 : i32
        %cond3A_492 = arith.cmpi ne, %convert_element_type3A_490, %cond3A_491 : i32
        scf.if %cond3A_492 {
          "tpu.trace_start"() <{level = 10 : i32, message = "ep_copy_out"}> : () -> ()
          %rem3A_620 = arith.constant 2 : i32
          %rem3A_621 = arith.remui %scan3A_158, %rem3A_620 : i32
          %jit3A_622 = arith.constant 2 : i32
          %div3A_623 = arith.divsi %add3A_165, %jit3A_622 : i32
          %sign3A_624 = arith.constant 0 : i32
          %sign3A_625 = arith.cmpi sgt, %add3A_165, %sign3A_624 : i32
          %sign3A_626 = arith.extui %sign3A_625 : i1 to i32
          %sign3A_627 = arith.constant 0 : i32
          %sign3A_628 = arith.cmpi slt, %add3A_165, %sign3A_627 : i32
          %sign3A_629 = arith.extui %sign3A_628 : i1 to i32
          %sign3A_630 = arith.subi %sign3A_626, %sign3A_629 : i32
          %sign3A_631 = arith.constant 0 : i32
          %sign3A_632 = arith.cmpi sgt, %jit3A_622, %sign3A_631 : i32
          %sign3A_633 = arith.extui %sign3A_632 : i1 to i32
          %sign3A_634 = arith.constant 0 : i32
          %sign3A_635 = arith.cmpi slt, %jit3A_622, %sign3A_634 : i32
          %sign3A_636 = arith.extui %sign3A_635 : i1 to i32
          %sign3A_637 = arith.subi %sign3A_633, %sign3A_636 : i32
          %ne3A_638 = arith.cmpi ne, %sign3A_630, %sign3A_637 : i32
          %rem3A_639 = arith.remsi %add3A_165, %jit3A_622 : i32
          %ne3A_640 = arith.constant 0 : i32
          %ne3A_641 = arith.cmpi ne, %rem3A_639, %ne3A_640 : i32
          %and3A_642 = arith.andi %ne3A_638, %ne3A_641 : i1
          %sub3A_643 = arith.constant 1 : i32
          %sub3A_644 = arith.subi %div3A_623, %sub3A_643 : i32
          %select_n3A_645 = arith.select %and3A_642, %sub3A_644, %div3A_623 : i32
          %jit3A_646 = arith.constant 2 : i32
          %eq3A_647 = arith.constant 0 : i32
          %eq3A_648 = arith.cmpi eq, %jit3A_646, %eq3A_647 : i32
          %jit3A_649 = arith.constant 1 : i32
          %select_n3A_650 = arith.select %eq3A_648, %jit3A_649, %jit3A_646 : i32
          %rem3A_651 = arith.remsi %add3A_165, %select_n3A_650 : i32
          %ne3A_652 = arith.constant 0 : i32
          %ne3A_653 = arith.cmpi ne, %rem3A_651, %ne3A_652 : i32
          %lt3A_654 = arith.constant 0 : i32
          %lt3A_655 = arith.cmpi slt, %rem3A_651, %lt3A_654 : i32
          %lt3A_656 = arith.constant 0 : i32
          %lt3A_657 = arith.cmpi slt, %select_n3A_650, %lt3A_656 : i32
          %ne3A_658 = arith.xori %lt3A_655, %lt3A_657 : i1
          %and3A_659 = arith.andi %ne3A_658, %ne3A_653 : i1
          %add3A_660 = arith.addi %rem3A_651, %select_n3A_650 : i32
          %select_n3A_661 = arith.select %and3A_659, %add3A_660, %rem3A_651 : i32
          %mul3A_662 = arith.constant 128 : i32
          %mul3A_663 = arith.muli %mul3A_662, %select_n3A_645 : i32
          %mul3A_664 = arith.constant 64 : i32
          %mul3A_665 = arith.muli %mul3A_664, %select_n3A_661 : i32
          %dma_start3A_666 = arith.constant 0 : i32
          %dma_start3A_667 = arith.constant 0 : i32
          %dma_start3A_668 = tpu.memref_slice %run_scoped3A_8[%rem3A_621, %dma_start3A_666, %dma_start3A_667] : memref<2x128x64xi32, #tpu.memory_space<vmem>> -> memref<1x128x64xi32, #tpu.memory_space<vmem>>
          %dma_start3A_669 = tpu.memref_squeeze %dma_start3A_668 : memref<1x128x64xi32, #tpu.memory_space<vmem>> -> memref<128x64xi32, #tpu.memory_space<vmem>>
          %dma_start3A_670 = tpu.memref_slice %arg4[%mul3A_663, %mul3A_665] : memref<49152x128xi32, #tpu.memory_space<hbm>> -> memref<128x64xi32, #tpu.memory_space<hbm>>
          %dma_start3A_671 = tpu.memref_slice %run_scoped3A_9[%rem3A_621] : memref<2x!tpu.dma_semaphore, #tpu.memory_space<semaphore_mem>> -> memref<1x!tpu.dma_semaphore, #tpu.memory_space<semaphore_mem>>
          %dma_start3A_672 = tpu.memref_squeeze %dma_start3A_671 : memref<1x!tpu.dma_semaphore, #tpu.memory_space<semaphore_mem>> -> memref<!tpu.dma_semaphore, #tpu.memory_space<semaphore_mem>>
          %dma_start3A_673 = tpu.memref_slice %arg4[%mul3A_663, %mul3A_665] : memref<49152x128xi32, #tpu.memory_space<hbm>> -> memref<128x64xi32, #tpu.memory_space<hbm>>
          %dma_start3A_674 = arith.constant 0 : i32
          %dma_start3A_675 = arith.constant 0 : i32
          %dma_start3A_676 = tpu.memref_slice %run_scoped3A_8[%rem3A_621, %dma_start3A_674, %dma_start3A_675] : memref<2x128x64xi32, #tpu.memory_space<vmem>> -> memref<1x128x64xi32, #tpu.memory_space<vmem>>
          %dma_start3A_677 = tpu.memref_squeeze %dma_start3A_676 : memref<1x128x64xi32, #tpu.memory_space<vmem>> -> memref<128x64xi32, #tpu.memory_space<vmem>>
          tpu.enqueue_dma source(%dma_start3A_677 : memref<128x64xi32, #tpu.memory_space<vmem>>) target(%dma_start3A_673 : memref<128x64xi32, #tpu.memory_space<hbm>>) target_semaphore(%dma_start3A_672 : memref<!tpu.dma_semaphore, #tpu.memory_space<semaphore_mem>>)
          "tpu.trace_stop"() : () -> ()
        } else {
        }
        %and3A_493 = arith.constant true
        %and3A_494 = arith.andi %or3A_489, %and3A_493 : i1
        %add3A_495 = arith.constant 1 : i32
        %add3A_496 = arith.addi %scan3A_158, %add3A_495 : i32
        %select_n3A_497 = arith.select %and3A_494, %add3A_496, %scan3A_158 : i32
        %ne3A_498 = arith.cmpi ne, %add3A_165, %add3A_174 : i32
        %or3A_499 = arith.constant false
        %or3A_500 = arith.ori %or3A_499, %ne3A_498 : i1
        %not3A_501 = arith.constant true
        %not3A_502 = arith.xori %eq3A_162, %not3A_501 : i1
        %and3A_503 = arith.andi %or3A_500, %not3A_502 : i1
        %convert_element_type3A_504 = arith.extui %and3A_503 : i1 to i32
        %cond3A_505 = arith.constant 0 : i32
        %cond3A_506 = arith.cmpi ne, %convert_element_type3A_504, %cond3A_505 : i32
        scf.if %cond3A_506 {
        } else {
        }
        %and3A_507 = arith.constant false
        %and3A_508 = arith.andi %and3A_503, %and3A_507 : i1
        %jit3A_509 = arith.constant 2 : i32
        %div3A_510 = arith.divsi %add3A_165, %jit3A_509 : i32
        %sign3A_511 = arith.constant 0 : i32
        %sign3A_512 = arith.cmpi sgt, %add3A_165, %sign3A_511 : i32
        %sign3A_513 = arith.extui %sign3A_512 : i1 to i32
        %sign3A_514 = arith.constant 0 : i32
        %sign3A_515 = arith.cmpi slt, %add3A_165, %sign3A_514 : i32
        %sign3A_516 = arith.extui %sign3A_515 : i1 to i32
        %sign3A_517 = arith.subi %sign3A_513, %sign3A_516 : i32
        %sign3A_518 = arith.constant 0 : i32
        %sign3A_519 = arith.cmpi sgt, %jit3A_509, %sign3A_518 : i32
        %sign3A_520 = arith.extui %sign3A_519 : i1 to i32
        %sign3A_521 = arith.constant 0 : i32
        %sign3A_522 = arith.cmpi slt, %jit3A_509, %sign3A_521 : i32
        %sign3A_523 = arith.extui %sign3A_522 : i1 to i32
        %sign3A_524 = arith.subi %sign3A_520, %sign3A_523 : i32
        %ne3A_525 = arith.cmpi ne, %sign3A_517, %sign3A_524 : i32
        %rem3A_526 = arith.remsi %add3A_165, %jit3A_509 : i32
        %ne3A_527 = arith.constant 0 : i32
        %ne3A_528 = arith.cmpi ne, %rem3A_526, %ne3A_527 : i32
        %and3A_529 = arith.andi %ne3A_525, %ne3A_528 : i1
        %sub3A_530 = arith.constant 1 : i32
        %sub3A_531 = arith.subi %div3A_510, %sub3A_530 : i32
        %select_n3A_532 = arith.select %and3A_529, %sub3A_531, %div3A_510 : i32
        %jit3A_533 = arith.constant 2 : i32
        %eq3A_534 = arith.constant 0 : i32
        %eq3A_535 = arith.cmpi eq, %jit3A_533, %eq3A_534 : i32
        %jit3A_536 = arith.constant 1 : i32
        %select_n3A_537 = arith.select %eq3A_535, %jit3A_536, %jit3A_533 : i32
        %rem3A_538 = arith.remsi %add3A_165, %select_n3A_537 : i32
        %ne3A_539 = arith.constant 0 : i32
        %ne3A_540 = arith.cmpi ne, %rem3A_538, %ne3A_539 : i32
        %lt3A_541 = arith.constant 0 : i32
        %lt3A_542 = arith.cmpi slt, %rem3A_538, %lt3A_541 : i32
        %lt3A_543 = arith.constant 0 : i32
        %lt3A_544 = arith.cmpi slt, %select_n3A_537, %lt3A_543 : i32
        %ne3A_545 = arith.xori %lt3A_542, %lt3A_544 : i1
        %and3A_546 = arith.andi %ne3A_545, %ne3A_540 : i1
        %add3A_547 = arith.addi %rem3A_538, %select_n3A_537 : i32
        %select_n3A_548 = arith.select %and3A_546, %add3A_547, %rem3A_538 : i32
        %jit3A_549 = arith.constant 2 : i32
        %div3A_550 = arith.divsi %add3A_174, %jit3A_549 : i32
        %sign3A_551 = arith.constant 0 : i32
        %sign3A_552 = arith.cmpi sgt, %add3A_174, %sign3A_551 : i32
        %sign3A_553 = arith.extui %sign3A_552 : i1 to i32
        %sign3A_554 = arith.constant 0 : i32
        %sign3A_555 = arith.cmpi slt, %add3A_174, %sign3A_554 : i32
        %sign3A_556 = arith.extui %sign3A_555 : i1 to i32
        %sign3A_557 = arith.subi %sign3A_553, %sign3A_556 : i32
        %sign3A_558 = arith.constant 0 : i32
        %sign3A_559 = arith.cmpi sgt, %jit3A_549, %sign3A_558 : i32
        %sign3A_560 = arith.extui %sign3A_559 : i1 to i32
        %sign3A_561 = arith.constant 0 : i32
        %sign3A_562 = arith.cmpi slt, %jit3A_549, %sign3A_561 : i32
        %sign3A_563 = arith.extui %sign3A_562 : i1 to i32
        %sign3A_564 = arith.subi %sign3A_560, %sign3A_563 : i32
        %ne3A_565 = arith.cmpi ne, %sign3A_557, %sign3A_564 : i32
        %rem3A_566 = arith.remsi %add3A_174, %jit3A_549 : i32
        %ne3A_567 = arith.constant 0 : i32
        %ne3A_568 = arith.cmpi ne, %rem3A_566, %ne3A_567 : i32
        %and3A_569 = arith.andi %ne3A_565, %ne3A_568 : i1
        %sub3A_570 = arith.constant 1 : i32
        %sub3A_571 = arith.subi %div3A_550, %sub3A_570 : i32
        %select_n3A_572 = arith.select %and3A_569, %sub3A_571, %div3A_550 : i32
        %jit3A_573 = arith.constant 2 : i32
        %eq3A_574 = arith.constant 0 : i32
        %eq3A_575 = arith.cmpi eq, %jit3A_573, %eq3A_574 : i32
        %jit3A_576 = arith.constant 1 : i32
        %select_n3A_577 = arith.select %eq3A_575, %jit3A_576, %jit3A_573 : i32
        %rem3A_578 = arith.remsi %add3A_174, %select_n3A_577 : i32
        %ne3A_579 = arith.constant 0 : i32
        %ne3A_580 = arith.cmpi ne, %rem3A_578, %ne3A_579 : i32
        %lt3A_581 = arith.constant 0 : i32
        %lt3A_582 = arith.cmpi slt, %rem3A_578, %lt3A_581 : i32
        %lt3A_583 = arith.constant 0 : i32
        %lt3A_584 = arith.cmpi slt, %select_n3A_577, %lt3A_583 : i32
        %ne3A_585 = arith.xori %lt3A_582, %lt3A_584 : i1
        %and3A_586 = arith.andi %ne3A_585, %ne3A_580 : i1
        %add3A_587 = arith.addi %rem3A_578, %select_n3A_577 : i32
        %select_n3A_588 = arith.select %and3A_586, %add3A_587, %rem3A_578 : i32
        %ne3A_589 = arith.cmpi ne, %select_n3A_532, %select_n3A_572 : i32
        %ne3A_590 = arith.cmpi ne, %select_n3A_548, %select_n3A_588 : i32
        %or3A_591 = arith.constant false
        %or3A_592 = arith.ori %or3A_591, %ne3A_589 : i1
        %or3A_593 = arith.ori %or3A_592, %ne3A_590 : i1
        %not3A_594 = arith.constant true
        %not3A_595 = arith.xori %eq3A_162, %not3A_594 : i1
        %and3A_596 = arith.andi %or3A_593, %not3A_595 : i1
        %convert_element_type3A_597 = arith.extui %and3A_596 : i1 to i32
        %cond3A_598 = arith.constant 0 : i32
        %cond3A_599 = arith.cmpi ne, %convert_element_type3A_597, %cond3A_598 : i32
        scf.if %cond3A_599 {
          "tpu.trace_start"() <{level = 10 : i32, message = "ep_wait_out"}> : () -> ()
          %rem3A_620 = arith.constant 2 : i32
          %rem3A_621 = arith.remui %scan3A_159, %rem3A_620 : i32
          %jit3A_622 = arith.constant 2 : i32
          %div3A_623 = arith.divsi %add3A_174, %jit3A_622 : i32
          %sign3A_624 = arith.constant 0 : i32
          %sign3A_625 = arith.cmpi sgt, %add3A_174, %sign3A_624 : i32
          %sign3A_626 = arith.extui %sign3A_625 : i1 to i32
          %sign3A_627 = arith.constant 0 : i32
          %sign3A_628 = arith.cmpi slt, %add3A_174, %sign3A_627 : i32
          %sign3A_629 = arith.extui %sign3A_628 : i1 to i32
          %sign3A_630 = arith.subi %sign3A_626, %sign3A_629 : i32
          %sign3A_631 = arith.constant 0 : i32
          %sign3A_632 = arith.cmpi sgt, %jit3A_622, %sign3A_631 : i32
          %sign3A_633 = arith.extui %sign3A_632 : i1 to i32
          %sign3A_634 = arith.constant 0 : i32
          %sign3A_635 = arith.cmpi slt, %jit3A_622, %sign3A_634 : i32
          %sign3A_636 = arith.extui %sign3A_635 : i1 to i32
          %sign3A_637 = arith.subi %sign3A_633, %sign3A_636 : i32
          %ne3A_638 = arith.cmpi ne, %sign3A_630, %sign3A_637 : i32
          %rem3A_639 = arith.remsi %add3A_174, %jit3A_622 : i32
          %ne3A_640 = arith.constant 0 : i32
          %ne3A_641 = arith.cmpi ne, %rem3A_639, %ne3A_640 : i32
          %and3A_642 = arith.andi %ne3A_638, %ne3A_641 : i1
          %sub3A_643 = arith.constant 1 : i32
          %sub3A_644 = arith.subi %div3A_623, %sub3A_643 : i32
          %select_n3A_645 = arith.select %and3A_642, %sub3A_644, %div3A_623 : i32
          %jit3A_646 = arith.constant 2 : i32
          %eq3A_647 = arith.constant 0 : i32
          %eq3A_648 = arith.cmpi eq, %jit3A_646, %eq3A_647 : i32
          %jit3A_649 = arith.constant 1 : i32
          %select_n3A_650 = arith.select %eq3A_648, %jit3A_649, %jit3A_646 : i32
          %rem3A_651 = arith.remsi %add3A_174, %select_n3A_650 : i32
          %ne3A_652 = arith.constant 0 : i32
          %ne3A_653 = arith.cmpi ne, %rem3A_651, %ne3A_652 : i32
          %lt3A_654 = arith.constant 0 : i32
          %lt3A_655 = arith.cmpi slt, %rem3A_651, %lt3A_654 : i32
          %lt3A_656 = arith.constant 0 : i32
          %lt3A_657 = arith.cmpi slt, %select_n3A_650, %lt3A_656 : i32
          %ne3A_658 = arith.xori %lt3A_655, %lt3A_657 : i1
          %and3A_659 = arith.andi %ne3A_658, %ne3A_653 : i1
          %add3A_660 = arith.addi %rem3A_651, %select_n3A_650 : i32
          %select_n3A_661 = arith.select %and3A_659, %add3A_660, %rem3A_651 : i32
          %mul3A_662 = arith.constant 128 : i32
          %mul3A_663 = arith.muli %mul3A_662, %select_n3A_645 : i32
          %mul3A_664 = arith.constant 64 : i32
          %mul3A_665 = arith.muli %mul3A_664, %select_n3A_661 : i32
          %dma_wait3A_666 = arith.constant 0 : i32
          %dma_wait3A_667 = arith.constant 0 : i32
          %dma_wait3A_668 = tpu.memref_slice %run_scoped3A_8[%rem3A_621, %dma_wait3A_666, %dma_wait3A_667] : memref<2x128x64xi32, #tpu.memory_space<vmem>> -> memref<1x128x64xi32, #tpu.memory_space<vmem>>
          %dma_wait3A_669 = tpu.memref_squeeze %dma_wait3A_668 : memref<1x128x64xi32, #tpu.memory_space<vmem>> -> memref<128x64xi32, #tpu.memory_space<vmem>>
          %dma_wait3A_670 = tpu.memref_slice %arg4[%mul3A_663, %mul3A_665] : memref<49152x128xi32, #tpu.memory_space<hbm>> -> memref<128x64xi32, #tpu.memory_space<hbm>>
          %dma_wait3A_671 = tpu.memref_slice %run_scoped3A_9[%rem3A_621] : memref<2x!tpu.dma_semaphore, #tpu.memory_space<semaphore_mem>> -> memref<1x!tpu.dma_semaphore, #tpu.memory_space<semaphore_mem>>
          %dma_wait3A_672 = tpu.memref_squeeze %dma_wait3A_671 : memref<1x!tpu.dma_semaphore, #tpu.memory_space<semaphore_mem>> -> memref<!tpu.dma_semaphore, #tpu.memory_space<semaphore_mem>>
          %dma_wait3A_673 = tpu.memref_slice %arg4[%mul3A_663, %mul3A_665] : memref<49152x128xi32, #tpu.memory_space<hbm>> -> memref<128x64xi32, #tpu.memory_space<hbm>>
          %dma_wait3A_674 = arith.constant 0 : i32
          %dma_wait3A_675 = arith.constant 0 : i32
          %dma_wait3A_676 = tpu.memref_slice %run_scoped3A_8[%rem3A_621, %dma_wait3A_674, %dma_wait3A_675] : memref<2x128x64xi32, #tpu.memory_space<vmem>> -> memref<1x128x64xi32, #tpu.memory_space<vmem>>
          %dma_wait3A_677 = tpu.memref_squeeze %dma_wait3A_676 : memref<1x128x64xi32, #tpu.memory_space<vmem>> -> memref<128x64xi32, #tpu.memory_space<vmem>>
          tpu.wait_dma2 semaphore(%dma_wait3A_672 : memref<!tpu.dma_semaphore, #tpu.memory_space<semaphore_mem>>) src(%dma_wait3A_677 : memref<128x64xi32, #tpu.memory_space<vmem>>) dst(%dma_wait3A_673 : memref<128x64xi32, #tpu.memory_space<hbm>>)
          "tpu.trace_stop"() : () -> ()
        } else {
        }
        %and3A_600 = arith.constant true
        %and3A_601 = arith.andi %and3A_596, %and3A_600 : i1
        %add3A_602 = arith.constant 1 : i32
        %add3A_603 = arith.addi %scan3A_159, %add3A_602 : i32
        %select_n3A_604 = arith.select %and3A_601, %add3A_603, %scan3A_159 : i32
        %ne3A_605 = arith.cmpi ne, %add3A_165, %add3A_183 : i32
        %or3A_606 = arith.constant false
        %or3A_607 = arith.ori %or3A_606, %ne3A_605 : i1
        %or3A_608 = arith.ori %or3A_607, %eq3A_164 : i1
        %add3A_609 = arith.constant 1 : i32
        %add3A_610 = arith.addi %scan3A_157, %add3A_609 : i32
        %select_n3A_611 = arith.select %or3A_608, %add3A_610, %scan3A_157 : i32
        %add3A_612 = arith.constant 1 : i32
        %add3A_613 = arith.addi %scan3A_160, %add3A_612 : i32
        %select_n3A_614 = arith.constant true
        %select_n3A_615 = arith.select %select_n3A_614, %add3A_613, %scan3A_160 : i32
        %eq3A_616 = arith.constant 24 : i32
        %eq3A_617 = arith.cmpi eq, %select_n3A_615, %eq3A_616 : i32
        %select_n3A_618 = arith.constant 0 : i32
        %select_n3A_619 = arith.select %eq3A_617, %select_n3A_618, %select_n3A_615 : i32
        scf.yield %select_n3A_203, %select_n3A_611, %select_n3A_497, %select_n3A_604, %select_n3A_619 : i32, i32, i32, i32, i32
      }
      %scan3A_68 = arith.constant 24 : i32
      %sub3A = arith.constant 1 : i32
      %sub3A_69 = arith.subi %scan3A_67#4, %sub3A : i32
      %select_n3A_70 = arith.constant true
      %select_n3A_71 = arith.select %select_n3A_70, %sub3A_69, %scan3A_67#4 : i32
      %eq3A_72 = arith.constant -1 : i32
      %eq3A_73 = arith.cmpi eq, %select_n3A_71, %eq3A_72 : i32
      %select_n3A_74 = arith.constant 23 : i32
      %select_n3A_75 = arith.select %eq3A_73, %select_n3A_74, %select_n3A_71 : i32
      %add3A_76 = arith.addi %select_n3A_75, %mul3A_6 : i32
      %sub3A_77 = arith.constant 1 : i32
      %sub3A_78 = arith.subi %select_n3A_75, %sub3A_77 : i32
      %select_n3A_79 = arith.constant true
      %select_n3A_80 = arith.select %select_n3A_79, %sub3A_78, %select_n3A_75 : i32
      %eq3A_81 = arith.constant -1 : i32
      %eq3A_82 = arith.cmpi eq, %select_n3A_80, %eq3A_81 : i32
      %select_n3A_83 = arith.constant 23 : i32
      %select_n3A_84 = arith.select %eq3A_82, %select_n3A_83, %select_n3A_80 : i32
      %add3A_85 = arith.addi %select_n3A_84, %mul3A_6 : i32
      %add3A_86 = arith.constant 1 : i32
      %add3A_87 = arith.addi %select_n3A_75, %add3A_86 : i32
      %select_n3A_88 = arith.constant true
      %select_n3A_89 = arith.select %select_n3A_88, %add3A_87, %select_n3A_75 : i32
      %eq3A_90 = arith.constant 24 : i32
      %eq3A_91 = arith.cmpi eq, %select_n3A_89, %eq3A_90 : i32
      %select_n3A_92 = arith.constant 0 : i32
      %select_n3A_93 = arith.select %eq3A_91, %select_n3A_92, %select_n3A_89 : i32
      %add3A_94 = arith.addi %select_n3A_93, %mul3A_6 : i32
      %add3A_95 = arith.constant 1 : i32
      %add3A_96 = arith.addi %select_n3A_93, %add3A_95 : i32
      %select_n3A_97 = arith.constant true
      %select_n3A_98 = arith.select %select_n3A_97, %add3A_96, %select_n3A_93 : i32
      %eq3A_99 = arith.constant 24 : i32
      %eq3A_100 = arith.cmpi eq, %select_n3A_98, %eq3A_99 : i32
      %select_n3A_101 = arith.constant 0 : i32
      %select_n3A_102 = arith.select %eq3A_100, %select_n3A_101, %select_n3A_98 : i32
      %add3A_103 = arith.addi %select_n3A_102, %mul3A_6 : i32
      "tpu.trace_start"() <{level = 10 : i32, message = "ep_finalize"}> : () -> ()
      %rem3A_104 = arith.constant 2 : i32
      %rem3A_105 = arith.remui %scan3A_67#3, %rem3A_104 : i32
      %jit3A = arith.constant 2 : i32
      %div3A = arith.divsi %add3A_76, %jit3A : i32
      %sign3A = arith.constant 0 : i32
      %sign3A_106 = arith.cmpi sgt, %add3A_76, %sign3A : i32
      %sign3A_107 = arith.extui %sign3A_106 : i1 to i32
      %sign3A_108 = arith.constant 0 : i32
      %sign3A_109 = arith.cmpi slt, %add3A_76, %sign3A_108 : i32
      %sign3A_110 = arith.extui %sign3A_109 : i1 to i32
      %sign3A_111 = arith.subi %sign3A_107, %sign3A_110 : i32
      %sign3A_112 = arith.constant 0 : i32
      %sign3A_113 = arith.cmpi sgt, %jit3A, %sign3A_112 : i32
      %sign3A_114 = arith.extui %sign3A_113 : i1 to i32
      %sign3A_115 = arith.constant 0 : i32
      %sign3A_116 = arith.cmpi slt, %jit3A, %sign3A_115 : i32
      %sign3A_117 = arith.extui %sign3A_116 : i1 to i32
      %sign3A_118 = arith.subi %sign3A_114, %sign3A_117 : i32
      %ne3A = arith.cmpi ne, %sign3A_111, %sign3A_118 : i32
      %rem3A_119 = arith.remsi %add3A_76, %jit3A : i32
      %ne3A_120 = arith.constant 0 : i32
      %ne3A_121 = arith.cmpi ne, %rem3A_119, %ne3A_120 : i32
      %and3A = arith.andi %ne3A, %ne3A_121 : i1
      %sub3A_122 = arith.constant 1 : i32
      %sub3A_123 = arith.subi %div3A, %sub3A_122 : i32
      %select_n3A_124 = arith.select %and3A, %sub3A_123, %div3A : i32
      %jit3A_125 = arith.constant 2 : i32
      %eq3A_126 = arith.constant 0 : i32
      %eq3A_127 = arith.cmpi eq, %jit3A_125, %eq3A_126 : i32
      %jit3A_128 = arith.constant 1 : i32
      %select_n3A_129 = arith.select %eq3A_127, %jit3A_128, %jit3A_125 : i32
      %rem3A_130 = arith.remsi %add3A_76, %select_n3A_129 : i32
      %ne3A_131 = arith.constant 0 : i32
      %ne3A_132 = arith.cmpi ne, %rem3A_130, %ne3A_131 : i32
      %lt3A = arith.constant 0 : i32
      %lt3A_133 = arith.cmpi slt, %rem3A_130, %lt3A : i32
      %lt3A_134 = arith.constant 0 : i32
      %lt3A_135 = arith.cmpi slt, %select_n3A_129, %lt3A_134 : i32
      %ne3A_136 = arith.xori %lt3A_133, %lt3A_135 : i1
      %and3A_137 = arith.andi %ne3A_136, %ne3A_132 : i1
      %add3A_138 = arith.addi %rem3A_130, %select_n3A_129 : i32
      %select_n3A_139 = arith.select %and3A_137, %add3A_138, %rem3A_130 : i32
      %mul3A_140 = arith.constant 128 : i32
      %mul3A_141 = arith.muli %mul3A_140, %select_n3A_124 : i32
      %mul3A_142 = arith.constant 64 : i32
      %mul3A_143 = arith.muli %mul3A_142, %select_n3A_139 : i32
      %dma_wait3A = arith.constant 0 : i32
      %dma_wait3A_144 = arith.constant 0 : i32
      %dma_wait3A_145 = tpu.memref_slice %run_scoped3A_8[%rem3A_105, %dma_wait3A, %dma_wait3A_144] : memref<2x128x64xi32, #tpu.memory_space<vmem>> -> memref<1x128x64xi32, #tpu.memory_space<vmem>>
      %dma_wait3A_146 = tpu.memref_squeeze %dma_wait3A_145 : memref<1x128x64xi32, #tpu.memory_space<vmem>> -> memref<128x64xi32, #tpu.memory_space<vmem>>
      %dma_wait3A_147 = tpu.memref_slice %arg4[%mul3A_141, %mul3A_143] : memref<49152x128xi32, #tpu.memory_space<hbm>> -> memref<128x64xi32, #tpu.memory_space<hbm>>
      %dma_wait3A_148 = tpu.memref_slice %run_scoped3A_9[%rem3A_105] : memref<2x!tpu.dma_semaphore, #tpu.memory_space<semaphore_mem>> -> memref<1x!tpu.dma_semaphore, #tpu.memory_space<semaphore_mem>>
      %dma_wait3A_149 = tpu.memref_squeeze %dma_wait3A_148 : memref<1x!tpu.dma_semaphore, #tpu.memory_space<semaphore_mem>> -> memref<!tpu.dma_semaphore, #tpu.memory_space<semaphore_mem>>
      %dma_wait3A_150 = tpu.memref_slice %arg4[%mul3A_141, %mul3A_143] : memref<49152x128xi32, #tpu.memory_space<hbm>> -> memref<128x64xi32, #tpu.memory_space<hbm>>
      %dma_wait3A_151 = arith.constant 0 : i32
      %dma_wait3A_152 = arith.constant 0 : i32
      %dma_wait3A_153 = tpu.memref_slice %run_scoped3A_8[%rem3A_105, %dma_wait3A_151, %dma_wait3A_152] : memref<2x128x64xi32, #tpu.memory_space<vmem>> -> memref<1x128x64xi32, #tpu.memory_space<vmem>>
      %dma_wait3A_154 = tpu.memref_squeeze %dma_wait3A_153 : memref<1x128x64xi32, #tpu.memory_space<vmem>> -> memref<128x64xi32, #tpu.memory_space<vmem>>
      tpu.wait_dma2 semaphore(%dma_wait3A_149 : memref<!tpu.dma_semaphore, #tpu.memory_space<semaphore_mem>>) src(%dma_wait3A_154 : memref<128x64xi32, #tpu.memory_space<vmem>>) dst(%dma_wait3A_150 : memref<128x64xi32, #tpu.memory_space<hbm>>)
      "tpu.trace_stop"() : () -> ()
      tpu.yield
    }) : () -> ()
    return
  }
}

#map = affine_map<(d0, d1) -> (0, 0)>
module attributes {stable_mosaic.version = 14 : i64} {
  func.func @k(%arg0: i32, %arg1: i32, %arg2: memref<30522x64xi32, #tpu.memory_space<hbm>>, %arg3: memref<1x212992xi32, #tpu.memory_space<hbm>>, %arg4: memref<106496x128xi32, #tpu.memory_space<hbm>>) attributes {dimension_semantics = [#tpu.dimension_semantics<core_parallel>, #tpu.dimension_semantics<subcore_parallel>], iteration_bounds = array<i64: 2, 16>, scalar_prefetch = 0 : i64, scratch_operands = 0 : i64, tpu.core_type = #tpu.core_type<sc_vector_subcore>, window_params = [{transform_indices = #map}, {transform_indices = #map}, {transform_indices = #map}]} {
    %mul3A = arith.constant 1 : i32
    %mul3A_0 = arith.muli %arg1, %mul3A : i32
    %add3A = arith.constant 0 : i32
    %add3A_1 = arith.addi %add3A, %mul3A_0 : i32
    %mul3A_2 = arith.constant 16 : i32
    %mul3A_3 = arith.muli %arg0, %mul3A_2 : i32
    %add3A_4 = arith.addi %add3A_1, %mul3A_3 : i32
    %mul3A_5 = arith.constant 52 : i32
    %mul3A_6 = arith.muli %add3A_4, %mul3A_5 : i32
    "tpu.region"() ({
      %run_scoped3A = memref.alloca() : memref<2x1x128xi32, #tpu.memory_space<vmem>>
      %run_scoped3A_7 = tpu.sem_alloc : memref<2x!tpu.dma_semaphore, #tpu.memory_space<semaphore_mem>>
      %run_scoped3A_8 = memref.alloca() : memref<2x128x64xi32, #tpu.memory_space<vmem>>
      %run_scoped3A_9 = tpu.sem_alloc : memref<2x!tpu.dma_semaphore, #tpu.memory_space<semaphore_mem>>
      %add3A_10 = arith.constant 0 : i32
      %add3A_11 = arith.addi %add3A_10, %mul3A_6 : i32
      %select_n3A = arith.constant true
      %select_n3A_12 = arith.constant 0 : i32
      %select_n3A_13 = arith.constant -1 : i32
      %select_n3A_14 = arith.select %select_n3A, %select_n3A_13, %select_n3A_12 : i32
      %eq3A = arith.constant -1 : i32
      %eq3A_15 = arith.cmpi eq, %select_n3A_14, %eq3A : i32
      %select_n3A_16 = arith.constant 51 : i32
      %select_n3A_17 = arith.select %eq3A_15, %select_n3A_16, %select_n3A_14 : i32
      %add3A_18 = arith.addi %select_n3A_17, %mul3A_6 : i32
      %select_n3A_19 = arith.constant true
      %select_n3A_20 = arith.constant 0 : i32
      %select_n3A_21 = arith.constant 1 : i32
      %select_n3A_22 = arith.select %select_n3A_19, %select_n3A_21, %select_n3A_20 : i32
      %eq3A_23 = arith.constant 52 : i32
      %eq3A_24 = arith.cmpi eq, %select_n3A_22, %eq3A_23 : i32
      %select_n3A_25 = arith.constant 0 : i32
      %select_n3A_26 = arith.select %eq3A_24, %select_n3A_25, %select_n3A_22 : i32
      %add3A_27 = arith.addi %select_n3A_26, %mul3A_6 : i32
      %add3A_28 = arith.constant 1 : i32
      %add3A_29 = arith.addi %select_n3A_26, %add3A_28 : i32
      %select_n3A_30 = arith.constant true
      %select_n3A_31 = arith.select %select_n3A_30, %add3A_29, %select_n3A_26 : i32
      %eq3A_32 = arith.constant 52 : i32
      %eq3A_33 = arith.cmpi eq, %select_n3A_31, %eq3A_32 : i32
      %select_n3A_34 = arith.constant 0 : i32
      %select_n3A_35 = arith.select %eq3A_33, %select_n3A_34, %select_n3A_31 : i32
      %add3A_36 = arith.addi %select_n3A_35, %mul3A_6 : i32
      "tpu.trace_start"() <{level = 10 : i32, message = "ep_initialize_0"}> : () -> ()
      %rem3A = arith.constant 0 : i32
      %rem3A_37 = arith.constant 2 : i32
      %rem3A_38 = arith.remui %rem3A, %rem3A_37 : i32
      %mul3A_39 = arith.constant 128 : i32
      %mul3A_40 = arith.muli %mul3A_39, %add3A_11 : i32
      %dma_start3A = arith.constant 0 : i32
      %dma_start3A_41 = arith.constant 0 : i32
      %dma_start3A_42 = tpu.memref_slice %run_scoped3A[%rem3A_38, %dma_start3A, %dma_start3A_41] : memref<2x1x128xi32, #tpu.memory_space<vmem>> -> memref<1x1x128xi32, #tpu.memory_space<vmem>>
      %dma_start3A_43 = tpu.memref_squeeze %dma_start3A_42 : memref<1x1x128xi32, #tpu.memory_space<vmem>> -> memref<1x128xi32, #tpu.memory_space<vmem>>
      %dma_start3A_44 = arith.constant 0 : i32
      %dma_start3A_45 = tpu.memref_slice %arg3[%dma_start3A_44, %mul3A_40] : memref<1x212992xi32, #tpu.memory_space<hbm>> -> memref<1x128xi32, #tpu.memory_space<hbm>>
      %dma_start3A_46 = tpu.memref_slice %run_scoped3A_7[%rem3A_38] : memref<2x!tpu.dma_semaphore, #tpu.memory_space<semaphore_mem>> -> memref<1x!tpu.dma_semaphore, #tpu.memory_space<semaphore_mem>>
      %dma_start3A_47 = tpu.memref_squeeze %dma_start3A_46 : memref<1x!tpu.dma_semaphore, #tpu.memory_space<semaphore_mem>> -> memref<!tpu.dma_semaphore, #tpu.memory_space<semaphore_mem>>
      %dma_start3A_48 = arith.constant 0 : i32
      %dma_start3A_49 = arith.constant 0 : i32
      %dma_start3A_50 = tpu.memref_slice %run_scoped3A[%rem3A_38, %dma_start3A_48, %dma_start3A_49] : memref<2x1x128xi32, #tpu.memory_space<vmem>> -> memref<1x1x128xi32, #tpu.memory_space<vmem>>
      %dma_start3A_51 = tpu.memref_squeeze %dma_start3A_50 : memref<1x1x128xi32, #tpu.memory_space<vmem>> -> memref<1x128xi32, #tpu.memory_space<vmem>>
      %dma_start3A_52 = arith.constant 0 : i32
      %dma_start3A_53 = tpu.memref_slice %arg3[%dma_start3A_52, %mul3A_40] : memref<1x212992xi32, #tpu.memory_space<hbm>> -> memref<1x128xi32, #tpu.memory_space<hbm>>
      tpu.enqueue_dma source(%dma_start3A_53 : memref<1x128xi32, #tpu.memory_space<hbm>>) target(%dma_start3A_51 : memref<1x128xi32, #tpu.memory_space<vmem>>) target_semaphore(%dma_start3A_47 : memref<!tpu.dma_semaphore, #tpu.memory_space<semaphore_mem>>)
      %add3A_54 = arith.constant 0 : i32
      %add3A_55 = arith.constant 1 : i32
      %add3A_56 = arith.addi %add3A_54, %add3A_55 : i32
      %select_n3A_57 = arith.constant true
      %select_n3A_58 = arith.constant 0 : i32
      %select_n3A_59 = arith.select %select_n3A_57, %add3A_56, %select_n3A_58 : i32
      "tpu.trace_stop"() : () -> ()
      %scan3A = arith.constant 0 : i32
      %scan3A_60 = arith.constant 0 : i32
      %scan3A_61 = arith.constant 0 : i32
      %scan3A_62 = arith.constant 0 : i32
      %scan3A_63 = arith.constant 0 : i32
      %scan3A_64 = arith.constant 52 : i32
      %scan3A_65 = arith.addi %scan3A_63, %scan3A_64 : i32
      %scan3A_66 = arith.constant 1 : i32
      %scan3A_67:5 = scf.for %scan3A_155 = %scan3A_63 to %scan3A_65 step %scan3A_66 iter_args(%scan3A_156 = %select_n3A_59, %scan3A_157 = %scan3A, %scan3A_158 = %scan3A_60, %scan3A_159 = %scan3A_61, %scan3A_160 = %scan3A_62) -> (i32, i32, i32, i32, i32)  : i32 {
        %eq3A_161 = arith.constant 0 : i32
        %eq3A_162 = arith.cmpi eq, %scan3A_155, %eq3A_161 : i32
        %eq3A_163 = arith.constant 51 : i32
        %eq3A_164 = arith.cmpi eq, %scan3A_155, %eq3A_163 : i32
        %add3A_165 = arith.addi %scan3A_160, %mul3A_6 : i32
        %sub3A_166 = arith.constant 1 : i32
        %sub3A_167 = arith.subi %scan3A_160, %sub3A_166 : i32
        %select_n3A_168 = arith.constant true
        %select_n3A_169 = arith.select %select_n3A_168, %sub3A_167, %scan3A_160 : i32
        %eq3A_170 = arith.constant -1 : i32
        %eq3A_171 = arith.cmpi eq, %select_n3A_169, %eq3A_170 : i32
        %select_n3A_172 = arith.constant 51 : i32
        %select_n3A_173 = arith.select %eq3A_171, %select_n3A_172, %select_n3A_169 : i32
        %add3A_174 = arith.addi %select_n3A_173, %mul3A_6 : i32
        %add3A_175 = arith.constant 1 : i32
        %add3A_176 = arith.addi %scan3A_160, %add3A_175 : i32
        %select_n3A_177 = arith.constant true
        %select_n3A_178 = arith.select %select_n3A_177, %add3A_176, %scan3A_160 : i32
        %eq3A_179 = arith.constant 52 : i32
        %eq3A_180 = arith.cmpi eq, %select_n3A_178, %eq3A_179 : i32
        %select_n3A_181 = arith.constant 0 : i32
        %select_n3A_182 = arith.select %eq3A_180, %select_n3A_181, %select_n3A_178 : i32
        %add3A_183 = arith.addi %select_n3A_182, %mul3A_6 : i32
        %add3A_184 = arith.constant 1 : i32
        %add3A_185 = arith.addi %select_n3A_182, %add3A_184 : i32
        %select_n3A_186 = arith.constant true
        %select_n3A_187 = arith.select %select_n3A_186, %add3A_185, %select_n3A_182 : i32
        %eq3A_188 = arith.constant 52 : i32
        %eq3A_189 = arith.cmpi eq, %select_n3A_187, %eq3A_188 : i32
        %select_n3A_190 = arith.constant 0 : i32
        %select_n3A_191 = arith.select %eq3A_189, %select_n3A_190, %select_n3A_187 : i32
        %add3A_192 = arith.addi %select_n3A_191, %mul3A_6 : i32
        %ne3A_193 = arith.cmpi ne, %add3A_165, %add3A_183 : i32
        %or3A = arith.constant false
        %or3A_194 = arith.ori %or3A, %ne3A_193 : i1
        %ge3A = arith.constant 51 : i32
        %ge3A_195 = arith.cmpi sge, %scan3A_155, %ge3A : i32
        %not3A = arith.constant true
        %not3A_196 = arith.xori %ge3A_195, %not3A : i1
        %and3A_197 = arith.andi %or3A_194, %not3A_196 : i1
        %convert_element_type3A = arith.extui %and3A_197 : i1 to i32
        %cond3A = arith.constant 0 : i32
        %cond3A_198 = arith.cmpi ne, %convert_element_type3A, %cond3A : i32
        scf.if %cond3A_198 {
          "tpu.trace_start"() <{level = 10 : i32, message = "ep_copy_in"}> : () -> ()
          %rem3A_620 = arith.constant 2 : i32
          %rem3A_621 = arith.remui %scan3A_156, %rem3A_620 : i32
          %mul3A_622 = arith.constant 128 : i32
          %mul3A_623 = arith.muli %mul3A_622, %add3A_183 : i32
          %dma_start3A_624 = arith.constant 0 : i32
          %dma_start3A_625 = arith.constant 0 : i32
          %dma_start3A_626 = tpu.memref_slice %run_scoped3A[%rem3A_621, %dma_start3A_624, %dma_start3A_625] : memref<2x1x128xi32, #tpu.memory_space<vmem>> -> memref<1x1x128xi32, #tpu.memory_space<vmem>>
          %dma_start3A_627 = tpu.memref_squeeze %dma_start3A_626 : memref<1x1x128xi32, #tpu.memory_space<vmem>> -> memref<1x128xi32, #tpu.memory_space<vmem>>
          %dma_start3A_628 = arith.constant 0 : i32
          %dma_start3A_629 = tpu.memref_slice %arg3[%dma_start3A_628, %mul3A_623] : memref<1x212992xi32, #tpu.memory_space<hbm>> -> memref<1x128xi32, #tpu.memory_space<hbm>>
          %dma_start3A_630 = tpu.memref_slice %run_scoped3A_7[%rem3A_621] : memref<2x!tpu.dma_semaphore, #tpu.memory_space<semaphore_mem>> -> memref<1x!tpu.dma_semaphore, #tpu.memory_space<semaphore_mem>>
          %dma_start3A_631 = tpu.memref_squeeze %dma_start3A_630 : memref<1x!tpu.dma_semaphore, #tpu.memory_space<semaphore_mem>> -> memref<!tpu.dma_semaphore, #tpu.memory_space<semaphore_mem>>
          %dma_start3A_632 = arith.constant 0 : i32
          %dma_start3A_633 = arith.constant 0 : i32
          %dma_start3A_634 = tpu.memref_slice %run_scoped3A[%rem3A_621, %dma_start3A_632, %dma_start3A_633] : memref<2x1x128xi32, #tpu.memory_space<vmem>> -> memref<1x1x128xi32, #tpu.memory_space<vmem>>
          %dma_start3A_635 = tpu.memref_squeeze %dma_start3A_634 : memref<1x1x128xi32, #tpu.memory_space<vmem>> -> memref<1x128xi32, #tpu.memory_space<vmem>>
          %dma_start3A_636 = arith.constant 0 : i32
          %dma_start3A_637 = tpu.memref_slice %arg3[%dma_start3A_636, %mul3A_623] : memref<1x212992xi32, #tpu.memory_space<hbm>> -> memref<1x128xi32, #tpu.memory_space<hbm>>
          tpu.enqueue_dma source(%dma_start3A_637 : memref<1x128xi32, #tpu.memory_space<hbm>>) target(%dma_start3A_635 : memref<1x128xi32, #tpu.memory_space<vmem>>) target_semaphore(%dma_start3A_631 : memref<!tpu.dma_semaphore, #tpu.memory_space<semaphore_mem>>)
          "tpu.trace_stop"() : () -> ()
        } else {
        }
        %and3A_199 = arith.constant true
        %and3A_200 = arith.andi %and3A_197, %and3A_199 : i1
        %add3A_201 = arith.constant 1 : i32
        %add3A_202 = arith.addi %scan3A_156, %add3A_201 : i32
        %select_n3A_203 = arith.select %and3A_200, %add3A_202, %scan3A_156 : i32
        %jit3A_204 = arith.constant 2 : i32
        %div3A_205 = arith.divsi %add3A_165, %jit3A_204 : i32
        %sign3A_206 = arith.constant 0 : i32
        %sign3A_207 = arith.cmpi sgt, %add3A_165, %sign3A_206 : i32
        %sign3A_208 = arith.extui %sign3A_207 : i1 to i32
        %sign3A_209 = arith.constant 0 : i32
        %sign3A_210 = arith.cmpi slt, %add3A_165, %sign3A_209 : i32
        %sign3A_211 = arith.extui %sign3A_210 : i1 to i32
        %sign3A_212 = arith.subi %sign3A_208, %sign3A_211 : i32
        %sign3A_213 = arith.constant 0 : i32
        %sign3A_214 = arith.cmpi sgt, %jit3A_204, %sign3A_213 : i32
        %sign3A_215 = arith.extui %sign3A_214 : i1 to i32
        %sign3A_216 = arith.constant 0 : i32
        %sign3A_217 = arith.cmpi slt, %jit3A_204, %sign3A_216 : i32
        %sign3A_218 = arith.extui %sign3A_217 : i1 to i32
        %sign3A_219 = arith.subi %sign3A_215, %sign3A_218 : i32
        %ne3A_220 = arith.cmpi ne, %sign3A_212, %sign3A_219 : i32
        %rem3A_221 = arith.remsi %add3A_165, %jit3A_204 : i32
        %ne3A_222 = arith.constant 0 : i32
        %ne3A_223 = arith.cmpi ne, %rem3A_221, %ne3A_222 : i32
        %and3A_224 = arith.andi %ne3A_220, %ne3A_223 : i1
        %sub3A_225 = arith.constant 1 : i32
        %sub3A_226 = arith.subi %div3A_205, %sub3A_225 : i32
        %select_n3A_227 = arith.select %and3A_224, %sub3A_226, %div3A_205 : i32
        %jit3A_228 = arith.constant 2 : i32
        %eq3A_229 = arith.constant 0 : i32
        %eq3A_230 = arith.cmpi eq, %jit3A_228, %eq3A_229 : i32
        %jit3A_231 = arith.constant 1 : i32
        %select_n3A_232 = arith.select %eq3A_230, %jit3A_231, %jit3A_228 : i32
        %rem3A_233 = arith.remsi %add3A_165, %select_n3A_232 : i32
        %ne3A_234 = arith.constant 0 : i32
        %ne3A_235 = arith.cmpi ne, %rem3A_233, %ne3A_234 : i32
        %lt3A_236 = arith.constant 0 : i32
        %lt3A_237 = arith.cmpi slt, %rem3A_233, %lt3A_236 : i32
        %lt3A_238 = arith.constant 0 : i32
        %lt3A_239 = arith.cmpi slt, %select_n3A_232, %lt3A_238 : i32
        %ne3A_240 = arith.xori %lt3A_237, %lt3A_239 : i1
        %and3A_241 = arith.andi %ne3A_240, %ne3A_235 : i1
        %add3A_242 = arith.addi %rem3A_233, %select_n3A_232 : i32
        %select_n3A_243 = arith.select %and3A_241, %add3A_242, %rem3A_233 : i32
        %jit3A_244 = arith.constant 2 : i32
        %div3A_245 = arith.divsi %add3A_183, %jit3A_244 : i32
        %sign3A_246 = arith.constant 0 : i32
        %sign3A_247 = arith.cmpi sgt, %add3A_183, %sign3A_246 : i32
        %sign3A_248 = arith.extui %sign3A_247 : i1 to i32
        %sign3A_249 = arith.constant 0 : i32
        %sign3A_250 = arith.cmpi slt, %add3A_183, %sign3A_249 : i32
        %sign3A_251 = arith.extui %sign3A_250 : i1 to i32
        %sign3A_252 = arith.subi %sign3A_248, %sign3A_251 : i32
        %sign3A_253 = arith.constant 0 : i32
        %sign3A_254 = arith.cmpi sgt, %jit3A_244, %sign3A_253 : i32
        %sign3A_255 = arith.extui %sign3A_254 : i1 to i32
        %sign3A_256 = arith.constant 0 : i32
        %sign3A_257 = arith.cmpi slt, %jit3A_244, %sign3A_256 : i32
        %sign3A_258 = arith.extui %sign3A_257 : i1 to i32
        %sign3A_259 = arith.subi %sign3A_255, %sign3A_258 : i32
        %ne3A_260 = arith.cmpi ne, %sign3A_252, %sign3A_259 : i32
        %rem3A_261 = arith.remsi %add3A_183, %jit3A_244 : i32
        %ne3A_262 = arith.constant 0 : i32
        %ne3A_263 = arith.cmpi ne, %rem3A_261, %ne3A_262 : i32
        %and3A_264 = arith.andi %ne3A_260, %ne3A_263 : i1
        %sub3A_265 = arith.constant 1 : i32
        %sub3A_266 = arith.subi %div3A_245, %sub3A_265 : i32
        %select_n3A_267 = arith.select %and3A_264, %sub3A_266, %div3A_245 : i32
        %jit3A_268 = arith.constant 2 : i32
        %eq3A_269 = arith.constant 0 : i32
        %eq3A_270 = arith.cmpi eq, %jit3A_268, %eq3A_269 : i32
        %jit3A_271 = arith.constant 1 : i32
        %select_n3A_272 = arith.select %eq3A_270, %jit3A_271, %jit3A_268 : i32
        %rem3A_273 = arith.remsi %add3A_183, %select_n3A_272 : i32
        %ne3A_274 = arith.constant 0 : i32
        %ne3A_275 = arith.cmpi ne, %rem3A_273, %ne3A_274 : i32
        %lt3A_276 = arith.constant 0 : i32
        %lt3A_277 = arith.cmpi slt, %rem3A_273, %lt3A_276 : i32
        %lt3A_278 = arith.constant 0 : i32
        %lt3A_279 = arith.cmpi slt, %select_n3A_272, %lt3A_278 : i32
        %ne3A_280 = arith.xori %lt3A_277, %lt3A_279 : i1
        %and3A_281 = arith.andi %ne3A_280, %ne3A_275 : i1
        %add3A_282 = arith.addi %rem3A_273, %select_n3A_272 : i32
        %select_n3A_283 = arith.select %and3A_281, %add3A_282, %rem3A_273 : i32
        %ne3A_284 = arith.cmpi ne, %select_n3A_227, %select_n3A_267 : i32
        %ne3A_285 = arith.cmpi ne, %select_n3A_243, %select_n3A_283 : i32
        %or3A_286 = arith.constant false
        %or3A_287 = arith.ori %or3A_286, %ne3A_284 : i1
        %or3A_288 = arith.ori %or3A_287, %ne3A_285 : i1
        %ge3A_289 = arith.constant 51 : i32
        %ge3A_290 = arith.cmpi sge, %scan3A_155, %ge3A_289 : i32
        %not3A_291 = arith.constant true
        %not3A_292 = arith.xori %ge3A_290, %not3A_291 : i1
        %and3A_293 = arith.andi %or3A_288, %not3A_292 : i1
        %ne3A_294 = arith.cmpi ne, %add3A_165, %add3A_174 : i32
        %or3A_295 = arith.constant false
        %or3A_296 = arith.ori %or3A_295, %ne3A_294 : i1
        %or3A_297 = arith.ori %or3A_296, %eq3A_162 : i1
        %convert_element_type3A_298 = arith.extui %or3A_297 : i1 to i32
        %cond3A_299 = arith.constant 0 : i32
        %cond3A_300 = arith.cmpi ne, %convert_element_type3A_298, %cond3A_299 : i32
        scf.if %cond3A_300 {
          "tpu.trace_start"() <{level = 10 : i32, message = "ep_wait_in"}> : () -> ()
          %mul3A_620 = arith.constant 128 : i32
          %mul3A_621 = arith.muli %mul3A_620, %add3A_165 : i32
          %rem3A_622 = arith.constant 2 : i32
          %rem3A_623 = arith.remui %scan3A_157, %rem3A_622 : i32
          %dma_wait3A_624 = arith.constant 0 : i32
          %dma_wait3A_625 = arith.constant 0 : i32
          %dma_wait3A_626 = tpu.memref_slice %run_scoped3A[%rem3A_623, %dma_wait3A_624, %dma_wait3A_625] : memref<2x1x128xi32, #tpu.memory_space<vmem>> -> memref<1x1x128xi32, #tpu.memory_space<vmem>>
          %dma_wait3A_627 = tpu.memref_squeeze %dma_wait3A_626 : memref<1x1x128xi32, #tpu.memory_space<vmem>> -> memref<1x128xi32, #tpu.memory_space<vmem>>
          %dma_wait3A_628 = arith.constant 0 : i32
          %dma_wait3A_629 = tpu.memref_slice %arg3[%dma_wait3A_628, %mul3A_621] : memref<1x212992xi32, #tpu.memory_space<hbm>> -> memref<1x128xi32, #tpu.memory_space<hbm>>
          %dma_wait3A_630 = tpu.memref_slice %run_scoped3A_7[%rem3A_623] : memref<2x!tpu.dma_semaphore, #tpu.memory_space<semaphore_mem>> -> memref<1x!tpu.dma_semaphore, #tpu.memory_space<semaphore_mem>>
          %dma_wait3A_631 = tpu.memref_squeeze %dma_wait3A_630 : memref<1x!tpu.dma_semaphore, #tpu.memory_space<semaphore_mem>> -> memref<!tpu.dma_semaphore, #tpu.memory_space<semaphore_mem>>
          %dma_wait3A_632 = arith.constant 0 : i32
          %dma_wait3A_633 = arith.constant 0 : i32
          %dma_wait3A_634 = tpu.memref_slice %run_scoped3A[%rem3A_623, %dma_wait3A_632, %dma_wait3A_633] : memref<2x1x128xi32, #tpu.memory_space<vmem>> -> memref<1x1x128xi32, #tpu.memory_space<vmem>>
          %dma_wait3A_635 = tpu.memref_squeeze %dma_wait3A_634 : memref<1x1x128xi32, #tpu.memory_space<vmem>> -> memref<1x128xi32, #tpu.memory_space<vmem>>
          %dma_wait3A_636 = arith.constant 0 : i32
          %dma_wait3A_637 = tpu.memref_slice %arg3[%dma_wait3A_636, %mul3A_621] : memref<1x212992xi32, #tpu.memory_space<hbm>> -> memref<1x128xi32, #tpu.memory_space<hbm>>
          tpu.wait_dma2 semaphore(%dma_wait3A_631 : memref<!tpu.dma_semaphore, #tpu.memory_space<semaphore_mem>>) src(%dma_wait3A_637 : memref<1x128xi32, #tpu.memory_space<hbm>>) dst(%dma_wait3A_635 : memref<1x128xi32, #tpu.memory_space<vmem>>)
          "tpu.trace_stop"() : () -> ()
        } else {
        }
        %jit3A_301 = arith.constant 2 : i32
        %div3A_302 = arith.divsi %add3A_165, %jit3A_301 : i32
        %sign3A_303 = arith.constant 0 : i32
        %sign3A_304 = arith.cmpi sgt, %add3A_165, %sign3A_303 : i32
        %sign3A_305 = arith.extui %sign3A_304 : i1 to i32
        %sign3A_306 = arith.constant 0 : i32
        %sign3A_307 = arith.cmpi slt, %add3A_165, %sign3A_306 : i32
        %sign3A_308 = arith.extui %sign3A_307 : i1 to i32
        %sign3A_309 = arith.subi %sign3A_305, %sign3A_308 : i32
        %sign3A_310 = arith.constant 0 : i32
        %sign3A_311 = arith.cmpi sgt, %jit3A_301, %sign3A_310 : i32
        %sign3A_312 = arith.extui %sign3A_311 : i1 to i32
        %sign3A_313 = arith.constant 0 : i32
        %sign3A_314 = arith.cmpi slt, %jit3A_301, %sign3A_313 : i32
        %sign3A_315 = arith.extui %sign3A_314 : i1 to i32
        %sign3A_316 = arith.subi %sign3A_312, %sign3A_315 : i32
        %ne3A_317 = arith.cmpi ne, %sign3A_309, %sign3A_316 : i32
        %rem3A_318 = arith.remsi %add3A_165, %jit3A_301 : i32
        %ne3A_319 = arith.constant 0 : i32
        %ne3A_320 = arith.cmpi ne, %rem3A_318, %ne3A_319 : i32
        %and3A_321 = arith.andi %ne3A_317, %ne3A_320 : i1
        %sub3A_322 = arith.constant 1 : i32
        %sub3A_323 = arith.subi %div3A_302, %sub3A_322 : i32
        %select_n3A_324 = arith.select %and3A_321, %sub3A_323, %div3A_302 : i32
        %jit3A_325 = arith.constant 2 : i32
        %eq3A_326 = arith.constant 0 : i32
        %eq3A_327 = arith.cmpi eq, %jit3A_325, %eq3A_326 : i32
        %jit3A_328 = arith.constant 1 : i32
        %select_n3A_329 = arith.select %eq3A_327, %jit3A_328, %jit3A_325 : i32
        %rem3A_330 = arith.remsi %add3A_165, %select_n3A_329 : i32
        %ne3A_331 = arith.constant 0 : i32
        %ne3A_332 = arith.cmpi ne, %rem3A_330, %ne3A_331 : i32
        %lt3A_333 = arith.constant 0 : i32
        %lt3A_334 = arith.cmpi slt, %rem3A_330, %lt3A_333 : i32
        %lt3A_335 = arith.constant 0 : i32
        %lt3A_336 = arith.cmpi slt, %select_n3A_329, %lt3A_335 : i32
        %ne3A_337 = arith.xori %lt3A_334, %lt3A_336 : i1
        %and3A_338 = arith.andi %ne3A_337, %ne3A_332 : i1
        %add3A_339 = arith.addi %rem3A_330, %select_n3A_329 : i32
        %select_n3A_340 = arith.select %and3A_338, %add3A_339, %rem3A_330 : i32
        %jit3A_341 = arith.constant 2 : i32
        %div3A_342 = arith.divsi %add3A_174, %jit3A_341 : i32
        %sign3A_343 = arith.constant 0 : i32
        %sign3A_344 = arith.cmpi sgt, %add3A_174, %sign3A_343 : i32
        %sign3A_345 = arith.extui %sign3A_344 : i1 to i32
        %sign3A_346 = arith.constant 0 : i32
        %sign3A_347 = arith.cmpi slt, %add3A_174, %sign3A_346 : i32
        %sign3A_348 = arith.extui %sign3A_347 : i1 to i32
        %sign3A_349 = arith.subi %sign3A_345, %sign3A_348 : i32
        %sign3A_350 = arith.constant 0 : i32
        %sign3A_351 = arith.cmpi sgt, %jit3A_341, %sign3A_350 : i32
        %sign3A_352 = arith.extui %sign3A_351 : i1 to i32
        %sign3A_353 = arith.constant 0 : i32
        %sign3A_354 = arith.cmpi slt, %jit3A_341, %sign3A_353 : i32
        %sign3A_355 = arith.extui %sign3A_354 : i1 to i32
        %sign3A_356 = arith.subi %sign3A_352, %sign3A_355 : i32
        %ne3A_357 = arith.cmpi ne, %sign3A_349, %sign3A_356 : i32
        %rem3A_358 = arith.remsi %add3A_174, %jit3A_341 : i32
        %ne3A_359 = arith.constant 0 : i32
        %ne3A_360 = arith.cmpi ne, %rem3A_358, %ne3A_359 : i32
        %and3A_361 = arith.andi %ne3A_357, %ne3A_360 : i1
        %sub3A_362 = arith.constant 1 : i32
        %sub3A_363 = arith.subi %div3A_342, %sub3A_362 : i32
        %select_n3A_364 = arith.select %and3A_361, %sub3A_363, %div3A_342 : i32
        %jit3A_365 = arith.constant 2 : i32
        %eq3A_366 = arith.constant 0 : i32
        %eq3A_367 = arith.cmpi eq, %jit3A_365, %eq3A_366 : i32
        %jit3A_368 = arith.constant 1 : i32
        %select_n3A_369 = arith.select %eq3A_367, %jit3A_368, %jit3A_365 : i32
        %rem3A_370 = arith.remsi %add3A_174, %select_n3A_369 : i32
        %ne3A_371 = arith.constant 0 : i32
        %ne3A_372 = arith.cmpi ne, %rem3A_370, %ne3A_371 : i32
        %lt3A_373 = arith.constant 0 : i32
        %lt3A_374 = arith.cmpi slt, %rem3A_370, %lt3A_373 : i32
        %lt3A_375 = arith.constant 0 : i32
        %lt3A_376 = arith.cmpi slt, %select_n3A_369, %lt3A_375 : i32
        %ne3A_377 = arith.xori %lt3A_374, %lt3A_376 : i1
        %and3A_378 = arith.andi %ne3A_377, %ne3A_372 : i1
        %add3A_379 = arith.addi %rem3A_370, %select_n3A_369 : i32
        %select_n3A_380 = arith.select %and3A_378, %add3A_379, %rem3A_370 : i32
        %ne3A_381 = arith.cmpi ne, %select_n3A_324, %select_n3A_364 : i32
        %ne3A_382 = arith.cmpi ne, %select_n3A_340, %select_n3A_380 : i32
        %or3A_383 = arith.constant false
        %or3A_384 = arith.ori %or3A_383, %ne3A_381 : i1
        %or3A_385 = arith.ori %or3A_384, %ne3A_382 : i1
        %or3A_386 = arith.ori %or3A_385, %eq3A_162 : i1
        %convert_element_type3A_387 = arith.extui %or3A_386 : i1 to i32
        %cond3A_388 = arith.constant 0 : i32
        %cond3A_389 = arith.cmpi ne, %convert_element_type3A_387, %cond3A_388 : i32
        scf.if %cond3A_389 {
        } else {
        }
        %rem3A_390 = arith.constant 2 : i32
        %rem3A_391 = arith.remui %scan3A_157, %rem3A_390 : i32
        %rem3A_392 = arith.constant 2 : i32
        %rem3A_393 = arith.remui %scan3A_158, %rem3A_392 : i32
        %run_scoped3A_394 = arith.constant 0 : i32
        "tpu.trace_start"() <{level = 10 : i32, message = "ep_run_kernel"}> : () -> ()
        "tpu.region"() ({
          %run_scoped3A_620 = tpu.sem_alloc : memref<!tpu.dma_semaphore, #tpu.memory_space<semaphore_mem>>
          %dma_start3A_621 = arith.constant 0 : i32
          %dma_start3A_622 = arith.constant 0 : i32
          %dma_start3A_623 = tpu.memref_slice %run_scoped3A_8[%rem3A_393, %dma_start3A_621, %dma_start3A_622] : memref<2x128x64xi32, #tpu.memory_space<vmem>> -> memref<1x128x64xi32, #tpu.memory_space<vmem>>
          %dma_start3A_624 = tpu.memref_squeeze %dma_start3A_623 : memref<1x128x64xi32, #tpu.memory_space<vmem>> -> memref<128x64xi32, #tpu.memory_space<vmem>>
          %dma_start3A_625 = arith.constant 0 : i32
          %dma_start3A_626 = arith.constant 0 : i32
          %dma_start3A_627 = tpu.memref_slice %run_scoped3A[%rem3A_391, %dma_start3A_625, %dma_start3A_626] : memref<2x1x128xi32, #tpu.memory_space<vmem>> -> memref<1x1x128xi32, #tpu.memory_space<vmem>>
          %dma_start3A_628 = tpu.memref_squeeze %dma_start3A_627 : memref<1x1x128xi32, #tpu.memory_space<vmem>> -> memref<1x128xi32, #tpu.memory_space<vmem>>
          %dma_start3A_629 = arith.constant 0 : i32
          %dma_start3A_630 = tpu.memref_slice %dma_start3A_628[%run_scoped3A_394, %dma_start3A_629] : memref<1x128xi32, #tpu.memory_space<vmem>> -> memref<1x128xi32, #tpu.memory_space<vmem>>
          %dma_start3A_631 = tpu.memref_squeeze %dma_start3A_630 : memref<1x128xi32, #tpu.memory_space<vmem>> -> memref<128xi32, #tpu.memory_space<vmem>>
          %dma_start3A_632 = arith.constant 0 : i32
          %dma_start3A_633 = arith.constant 0 : i32
          %dma_start3A_634 = tpu.memref_slice %arg2[%dma_start3A_632, %dma_start3A_633] : memref<30522x64xi32, #tpu.memory_space<hbm>> -> memref<30522x64xi32, #tpu.memory_space<hbm>>
          tpu.enqueue_indirect_dma source(%dma_start3A_634 : memref<30522x64xi32, #tpu.memory_space<hbm>>) target(%dma_start3A_624 : memref<128x64xi32, #tpu.memory_space<vmem>>) offsets(%dma_start3A_631 : memref<128xi32, #tpu.memory_space<vmem>>) semaphore(%run_scoped3A_620 : memref<!tpu.dma_semaphore, #tpu.memory_space<semaphore_mem>>)
          %dma_wait3A_635 = arith.constant 0 : i32
          %dma_wait3A_636 = arith.constant 0 : i32
          %dma_wait3A_637 = tpu.memref_slice %run_scoped3A_8[%rem3A_393, %dma_wait3A_635, %dma_wait3A_636] : memref<2x128x64xi32, #tpu.memory_space<vmem>> -> memref<1x128x64xi32, #tpu.memory_space<vmem>>
          %dma_wait3A_638 = tpu.memref_squeeze %dma_wait3A_637 : memref<1x128x64xi32, #tpu.memory_space<vmem>> -> memref<128x64xi32, #tpu.memory_space<vmem>>
          %dma_wait3A_639 = arith.constant 0 : i32
          %dma_wait3A_640 = arith.constant 0 : i32
          %dma_wait3A_641 = tpu.memref_slice %run_scoped3A[%rem3A_391, %dma_wait3A_639, %dma_wait3A_640] : memref<2x1x128xi32, #tpu.memory_space<vmem>> -> memref<1x1x128xi32, #tpu.memory_space<vmem>>
          %dma_wait3A_642 = tpu.memref_squeeze %dma_wait3A_641 : memref<1x1x128xi32, #tpu.memory_space<vmem>> -> memref<1x128xi32, #tpu.memory_space<vmem>>
          %dma_wait3A_643 = arith.constant 0 : i32
          %dma_wait3A_644 = tpu.memref_slice %dma_wait3A_642[%run_scoped3A_394, %dma_wait3A_643] : memref<1x128xi32, #tpu.memory_space<vmem>> -> memref<1x128xi32, #tpu.memory_space<vmem>>
          %dma_wait3A_645 = tpu.memref_squeeze %dma_wait3A_644 : memref<1x128xi32, #tpu.memory_space<vmem>> -> memref<128xi32, #tpu.memory_space<vmem>>
          %dma_wait3A_646 = arith.constant 0 : i32
          %dma_wait3A_647 = arith.constant 0 : i32
          %dma_wait3A_648 = tpu.memref_slice %arg2[%dma_wait3A_646, %dma_wait3A_647] : memref<30522x64xi32, #tpu.memory_space<hbm>> -> memref<30522x64xi32, #tpu.memory_space<hbm>>
          tpu.wait_indirect_dma semaphore(%run_scoped3A_620 : memref<!tpu.dma_semaphore, #tpu.memory_space<semaphore_mem>>) src(%dma_wait3A_648 : memref<30522x64xi32, #tpu.memory_space<hbm>>) dst(%dma_wait3A_638 : memref<128x64xi32, #tpu.memory_space<vmem>>)
          tpu.yield
        }) : () -> ()
        "tpu.trace_stop"() : () -> ()
        %ne3A_395 = arith.cmpi ne, %add3A_165, %add3A_183 : i32
        %or3A_396 = arith.constant false
        %or3A_397 = arith.ori %or3A_396, %ne3A_395 : i1
        %or3A_398 = arith.ori %or3A_397, %eq3A_164 : i1
        %convert_element_type3A_399 = arith.extui %or3A_398 : i1 to i32
        %cond3A_400 = arith.constant 0 : i32
        %cond3A_401 = arith.cmpi ne, %convert_element_type3A_399, %cond3A_400 : i32
        scf.if %cond3A_401 {
        } else {
        }
        %and3A_402 = arith.constant false
        %and3A_403 = arith.andi %or3A_398, %and3A_402 : i1
        %jit3A_404 = arith.constant 2 : i32
        %div3A_405 = arith.divsi %add3A_165, %jit3A_404 : i32
        %sign3A_406 = arith.constant 0 : i32
        %sign3A_407 = arith.cmpi sgt, %add3A_165, %sign3A_406 : i32
        %sign3A_408 = arith.extui %sign3A_407 : i1 to i32
        %sign3A_409 = arith.constant 0 : i32
        %sign3A_410 = arith.cmpi slt, %add3A_165, %sign3A_409 : i32
        %sign3A_411 = arith.extui %sign3A_410 : i1 to i32
        %sign3A_412 = arith.subi %sign3A_408, %sign3A_411 : i32
        %sign3A_413 = arith.constant 0 : i32
        %sign3A_414 = arith.cmpi sgt, %jit3A_404, %sign3A_413 : i32
        %sign3A_415 = arith.extui %sign3A_414 : i1 to i32
        %sign3A_416 = arith.constant 0 : i32
        %sign3A_417 = arith.cmpi slt, %jit3A_404, %sign3A_416 : i32
        %sign3A_418 = arith.extui %sign3A_417 : i1 to i32
        %sign3A_419 = arith.subi %sign3A_415, %sign3A_418 : i32
        %ne3A_420 = arith.cmpi ne, %sign3A_412, %sign3A_419 : i32
        %rem3A_421 = arith.remsi %add3A_165, %jit3A_404 : i32
        %ne3A_422 = arith.constant 0 : i32
        %ne3A_423 = arith.cmpi ne, %rem3A_421, %ne3A_422 : i32
        %and3A_424 = arith.andi %ne3A_420, %ne3A_423 : i1
        %sub3A_425 = arith.constant 1 : i32
        %sub3A_426 = arith.subi %div3A_405, %sub3A_425 : i32
        %select_n3A_427 = arith.select %and3A_424, %sub3A_426, %div3A_405 : i32
        %jit3A_428 = arith.constant 2 : i32
        %eq3A_429 = arith.constant 0 : i32
        %eq3A_430 = arith.cmpi eq, %jit3A_428, %eq3A_429 : i32
        %jit3A_431 = arith.constant 1 : i32
        %select_n3A_432 = arith.select %eq3A_430, %jit3A_431, %jit3A_428 : i32
        %rem3A_433 = arith.remsi %add3A_165, %select_n3A_432 : i32
        %ne3A_434 = arith.constant 0 : i32
        %ne3A_435 = arith.cmpi ne, %rem3A_433, %ne3A_434 : i32
        %lt3A_436 = arith.constant 0 : i32
        %lt3A_437 = arith.cmpi slt, %rem3A_433, %lt3A_436 : i32
        %lt3A_438 = arith.constant 0 : i32
        %lt3A_439 = arith.cmpi slt, %select_n3A_432, %lt3A_438 : i32
        %ne3A_440 = arith.xori %lt3A_437, %lt3A_439 : i1
        %and3A_441 = arith.andi %ne3A_440, %ne3A_435 : i1
        %add3A_442 = arith.addi %rem3A_433, %select_n3A_432 : i32
        %select_n3A_443 = arith.select %and3A_441, %add3A_442, %rem3A_433 : i32
        %jit3A_444 = arith.constant 2 : i32
        %div3A_445 = arith.divsi %add3A_183, %jit3A_444 : i32
        %sign3A_446 = arith.constant 0 : i32
        %sign3A_447 = arith.cmpi sgt, %add3A_183, %sign3A_446 : i32
        %sign3A_448 = arith.extui %sign3A_447 : i1 to i32
        %sign3A_449 = arith.constant 0 : i32
        %sign3A_450 = arith.cmpi slt, %add3A_183, %sign3A_449 : i32
        %sign3A_451 = arith.extui %sign3A_450 : i1 to i32
        %sign3A_452 = arith.subi %sign3A_448, %sign3A_451 : i32
        %sign3A_453 = arith.constant 0 : i32
        %sign3A_454 = arith.cmpi sgt, %jit3A_444, %sign3A_453 : i32
        %sign3A_455 = arith.extui %sign3A_454 : i1 to i32
        %sign3A_456 = arith.constant 0 : i32
        %sign3A_457 = arith.cmpi slt, %jit3A_444, %sign3A_456 : i32
        %sign3A_458 = arith.extui %sign3A_457 : i1 to i32
        %sign3A_459 = arith.subi %sign3A_455, %sign3A_458 : i32
        %ne3A_460 = arith.cmpi ne, %sign3A_452, %sign3A_459 : i32
        %rem3A_461 = arith.remsi %add3A_183, %jit3A_444 : i32
        %ne3A_462 = arith.constant 0 : i32
        %ne3A_463 = arith.cmpi ne, %rem3A_461, %ne3A_462 : i32
        %and3A_464 = arith.andi %ne3A_460, %ne3A_463 : i1
        %sub3A_465 = arith.constant 1 : i32
        %sub3A_466 = arith.subi %div3A_445, %sub3A_465 : i32
        %select_n3A_467 = arith.select %and3A_464, %sub3A_466, %div3A_445 : i32
        %jit3A_468 = arith.constant 2 : i32
        %eq3A_469 = arith.constant 0 : i32
        %eq3A_470 = arith.cmpi eq, %jit3A_468, %eq3A_469 : i32
        %jit3A_471 = arith.constant 1 : i32
        %select_n3A_472 = arith.select %eq3A_470, %jit3A_471, %jit3A_468 : i32
        %rem3A_473 = arith.remsi %add3A_183, %select_n3A_472 : i32
        %ne3A_474 = arith.constant 0 : i32
        %ne3A_475 = arith.cmpi ne, %rem3A_473, %ne3A_474 : i32
        %lt3A_476 = arith.constant 0 : i32
        %lt3A_477 = arith.cmpi slt, %rem3A_473, %lt3A_476 : i32
        %lt3A_478 = arith.constant 0 : i32
        %lt3A_479 = arith.cmpi slt, %select_n3A_472, %lt3A_478 : i32
        %ne3A_480 = arith.xori %lt3A_477, %lt3A_479 : i1
        %and3A_481 = arith.andi %ne3A_480, %ne3A_475 : i1
        %add3A_482 = arith.addi %rem3A_473, %select_n3A_472 : i32
        %select_n3A_483 = arith.select %and3A_481, %add3A_482, %rem3A_473 : i32
        %ne3A_484 = arith.cmpi ne, %select_n3A_427, %select_n3A_467 : i32
        %ne3A_485 = arith.cmpi ne, %select_n3A_443, %select_n3A_483 : i32
        %or3A_486 = arith.constant false
        %or3A_487 = arith.ori %or3A_486, %ne3A_484 : i1
        %or3A_488 = arith.ori %or3A_487, %ne3A_485 : i1
        %or3A_489 = arith.ori %or3A_488, %eq3A_164 : i1
        %convert_element_type3A_490 = arith.extui %or3A_489 : i1 to i32
        %cond3A_491 = arith.constant 0 : i32
        %cond3A_492 = arith.cmpi ne, %convert_element_type3A_490, %cond3A_491 : i32
        scf.if %cond3A_492 {
          "tpu.trace_start"() <{level = 10 : i32, message = "ep_copy_out"}> : () -> ()
          %rem3A_620 = arith.constant 2 : i32
          %rem3A_621 = arith.remui %scan3A_158, %rem3A_620 : i32
          %jit3A_622 = arith.constant 2 : i32
          %div3A_623 = arith.divsi %add3A_165, %jit3A_622 : i32
          %sign3A_624 = arith.constant 0 : i32
          %sign3A_625 = arith.cmpi sgt, %add3A_165, %sign3A_624 : i32
          %sign3A_626 = arith.extui %sign3A_625 : i1 to i32
          %sign3A_627 = arith.constant 0 : i32
          %sign3A_628 = arith.cmpi slt, %add3A_165, %sign3A_627 : i32
          %sign3A_629 = arith.extui %sign3A_628 : i1 to i32
          %sign3A_630 = arith.subi %sign3A_626, %sign3A_629 : i32
          %sign3A_631 = arith.constant 0 : i32
          %sign3A_632 = arith.cmpi sgt, %jit3A_622, %sign3A_631 : i32
          %sign3A_633 = arith.extui %sign3A_632 : i1 to i32
          %sign3A_634 = arith.constant 0 : i32
          %sign3A_635 = arith.cmpi slt, %jit3A_622, %sign3A_634 : i32
          %sign3A_636 = arith.extui %sign3A_635 : i1 to i32
          %sign3A_637 = arith.subi %sign3A_633, %sign3A_636 : i32
          %ne3A_638 = arith.cmpi ne, %sign3A_630, %sign3A_637 : i32
          %rem3A_639 = arith.remsi %add3A_165, %jit3A_622 : i32
          %ne3A_640 = arith.constant 0 : i32
          %ne3A_641 = arith.cmpi ne, %rem3A_639, %ne3A_640 : i32
          %and3A_642 = arith.andi %ne3A_638, %ne3A_641 : i1
          %sub3A_643 = arith.constant 1 : i32
          %sub3A_644 = arith.subi %div3A_623, %sub3A_643 : i32
          %select_n3A_645 = arith.select %and3A_642, %sub3A_644, %div3A_623 : i32
          %jit3A_646 = arith.constant 2 : i32
          %eq3A_647 = arith.constant 0 : i32
          %eq3A_648 = arith.cmpi eq, %jit3A_646, %eq3A_647 : i32
          %jit3A_649 = arith.constant 1 : i32
          %select_n3A_650 = arith.select %eq3A_648, %jit3A_649, %jit3A_646 : i32
          %rem3A_651 = arith.remsi %add3A_165, %select_n3A_650 : i32
          %ne3A_652 = arith.constant 0 : i32
          %ne3A_653 = arith.cmpi ne, %rem3A_651, %ne3A_652 : i32
          %lt3A_654 = arith.constant 0 : i32
          %lt3A_655 = arith.cmpi slt, %rem3A_651, %lt3A_654 : i32
          %lt3A_656 = arith.constant 0 : i32
          %lt3A_657 = arith.cmpi slt, %select_n3A_650, %lt3A_656 : i32
          %ne3A_658 = arith.xori %lt3A_655, %lt3A_657 : i1
          %and3A_659 = arith.andi %ne3A_658, %ne3A_653 : i1
          %add3A_660 = arith.addi %rem3A_651, %select_n3A_650 : i32
          %select_n3A_661 = arith.select %and3A_659, %add3A_660, %rem3A_651 : i32
          %mul3A_662 = arith.constant 128 : i32
          %mul3A_663 = arith.muli %mul3A_662, %select_n3A_645 : i32
          %mul3A_664 = arith.constant 64 : i32
          %mul3A_665 = arith.muli %mul3A_664, %select_n3A_661 : i32
          %dma_start3A_666 = arith.constant 0 : i32
          %dma_start3A_667 = arith.constant 0 : i32
          %dma_start3A_668 = tpu.memref_slice %run_scoped3A_8[%rem3A_621, %dma_start3A_666, %dma_start3A_667] : memref<2x128x64xi32, #tpu.memory_space<vmem>> -> memref<1x128x64xi32, #tpu.memory_space<vmem>>
          %dma_start3A_669 = tpu.memref_squeeze %dma_start3A_668 : memref<1x128x64xi32, #tpu.memory_space<vmem>> -> memref<128x64xi32, #tpu.memory_space<vmem>>
          %dma_start3A_670 = tpu.memref_slice %arg4[%mul3A_663, %mul3A_665] : memref<106496x128xi32, #tpu.memory_space<hbm>> -> memref<128x64xi32, #tpu.memory_space<hbm>>
          %dma_start3A_671 = tpu.memref_slice %run_scoped3A_9[%rem3A_621] : memref<2x!tpu.dma_semaphore, #tpu.memory_space<semaphore_mem>> -> memref<1x!tpu.dma_semaphore, #tpu.memory_space<semaphore_mem>>
          %dma_start3A_672 = tpu.memref_squeeze %dma_start3A_671 : memref<1x!tpu.dma_semaphore, #tpu.memory_space<semaphore_mem>> -> memref<!tpu.dma_semaphore, #tpu.memory_space<semaphore_mem>>
          %dma_start3A_673 = tpu.memref_slice %arg4[%mul3A_663, %mul3A_665] : memref<106496x128xi32, #tpu.memory_space<hbm>> -> memref<128x64xi32, #tpu.memory_space<hbm>>
          %dma_start3A_674 = arith.constant 0 : i32
          %dma_start3A_675 = arith.constant 0 : i32
          %dma_start3A_676 = tpu.memref_slice %run_scoped3A_8[%rem3A_621, %dma_start3A_674, %dma_start3A_675] : memref<2x128x64xi32, #tpu.memory_space<vmem>> -> memref<1x128x64xi32, #tpu.memory_space<vmem>>
          %dma_start3A_677 = tpu.memref_squeeze %dma_start3A_676 : memref<1x128x64xi32, #tpu.memory_space<vmem>> -> memref<128x64xi32, #tpu.memory_space<vmem>>
          tpu.enqueue_dma source(%dma_start3A_677 : memref<128x64xi32, #tpu.memory_space<vmem>>) target(%dma_start3A_673 : memref<128x64xi32, #tpu.memory_space<hbm>>) target_semaphore(%dma_start3A_672 : memref<!tpu.dma_semaphore, #tpu.memory_space<semaphore_mem>>)
          "tpu.trace_stop"() : () -> ()
        } else {
        }
        %and3A_493 = arith.constant true
        %and3A_494 = arith.andi %or3A_489, %and3A_493 : i1
        %add3A_495 = arith.constant 1 : i32
        %add3A_496 = arith.addi %scan3A_158, %add3A_495 : i32
        %select_n3A_497 = arith.select %and3A_494, %add3A_496, %scan3A_158 : i32
        %ne3A_498 = arith.cmpi ne, %add3A_165, %add3A_174 : i32
        %or3A_499 = arith.constant false
        %or3A_500 = arith.ori %or3A_499, %ne3A_498 : i1
        %not3A_501 = arith.constant true
        %not3A_502 = arith.xori %eq3A_162, %not3A_501 : i1
        %and3A_503 = arith.andi %or3A_500, %not3A_502 : i1
        %convert_element_type3A_504 = arith.extui %and3A_503 : i1 to i32
        %cond3A_505 = arith.constant 0 : i32
        %cond3A_506 = arith.cmpi ne, %convert_element_type3A_504, %cond3A_505 : i32
        scf.if %cond3A_506 {
        } else {
        }
        %and3A_507 = arith.constant false
        %and3A_508 = arith.andi %and3A_503, %and3A_507 : i1
        %jit3A_509 = arith.constant 2 : i32
        %div3A_510 = arith.divsi %add3A_165, %jit3A_509 : i32
        %sign3A_511 = arith.constant 0 : i32
        %sign3A_512 = arith.cmpi sgt, %add3A_165, %sign3A_511 : i32
        %sign3A_513 = arith.extui %sign3A_512 : i1 to i32
        %sign3A_514 = arith.constant 0 : i32
        %sign3A_515 = arith.cmpi slt, %add3A_165, %sign3A_514 : i32
        %sign3A_516 = arith.extui %sign3A_515 : i1 to i32
        %sign3A_517 = arith.subi %sign3A_513, %sign3A_516 : i32
        %sign3A_518 = arith.constant 0 : i32
        %sign3A_519 = arith.cmpi sgt, %jit3A_509, %sign3A_518 : i32
        %sign3A_520 = arith.extui %sign3A_519 : i1 to i32
        %sign3A_521 = arith.constant 0 : i32
        %sign3A_522 = arith.cmpi slt, %jit3A_509, %sign3A_521 : i32
        %sign3A_523 = arith.extui %sign3A_522 : i1 to i32
        %sign3A_524 = arith.subi %sign3A_520, %sign3A_523 : i32
        %ne3A_525 = arith.cmpi ne, %sign3A_517, %sign3A_524 : i32
        %rem3A_526 = arith.remsi %add3A_165, %jit3A_509 : i32
        %ne3A_527 = arith.constant 0 : i32
        %ne3A_528 = arith.cmpi ne, %rem3A_526, %ne3A_527 : i32
        %and3A_529 = arith.andi %ne3A_525, %ne3A_528 : i1
        %sub3A_530 = arith.constant 1 : i32
        %sub3A_531 = arith.subi %div3A_510, %sub3A_530 : i32
        %select_n3A_532 = arith.select %and3A_529, %sub3A_531, %div3A_510 : i32
        %jit3A_533 = arith.constant 2 : i32
        %eq3A_534 = arith.constant 0 : i32
        %eq3A_535 = arith.cmpi eq, %jit3A_533, %eq3A_534 : i32
        %jit3A_536 = arith.constant 1 : i32
        %select_n3A_537 = arith.select %eq3A_535, %jit3A_536, %jit3A_533 : i32
        %rem3A_538 = arith.remsi %add3A_165, %select_n3A_537 : i32
        %ne3A_539 = arith.constant 0 : i32
        %ne3A_540 = arith.cmpi ne, %rem3A_538, %ne3A_539 : i32
        %lt3A_541 = arith.constant 0 : i32
        %lt3A_542 = arith.cmpi slt, %rem3A_538, %lt3A_541 : i32
        %lt3A_543 = arith.constant 0 : i32
        %lt3A_544 = arith.cmpi slt, %select_n3A_537, %lt3A_543 : i32
        %ne3A_545 = arith.xori %lt3A_542, %lt3A_544 : i1
        %and3A_546 = arith.andi %ne3A_545, %ne3A_540 : i1
        %add3A_547 = arith.addi %rem3A_538, %select_n3A_537 : i32
        %select_n3A_548 = arith.select %and3A_546, %add3A_547, %rem3A_538 : i32
        %jit3A_549 = arith.constant 2 : i32
        %div3A_550 = arith.divsi %add3A_174, %jit3A_549 : i32
        %sign3A_551 = arith.constant 0 : i32
        %sign3A_552 = arith.cmpi sgt, %add3A_174, %sign3A_551 : i32
        %sign3A_553 = arith.extui %sign3A_552 : i1 to i32
        %sign3A_554 = arith.constant 0 : i32
        %sign3A_555 = arith.cmpi slt, %add3A_174, %sign3A_554 : i32
        %sign3A_556 = arith.extui %sign3A_555 : i1 to i32
        %sign3A_557 = arith.subi %sign3A_553, %sign3A_556 : i32
        %sign3A_558 = arith.constant 0 : i32
        %sign3A_559 = arith.cmpi sgt, %jit3A_549, %sign3A_558 : i32
        %sign3A_560 = arith.extui %sign3A_559 : i1 to i32
        %sign3A_561 = arith.constant 0 : i32
        %sign3A_562 = arith.cmpi slt, %jit3A_549, %sign3A_561 : i32
        %sign3A_563 = arith.extui %sign3A_562 : i1 to i32
        %sign3A_564 = arith.subi %sign3A_560, %sign3A_563 : i32
        %ne3A_565 = arith.cmpi ne, %sign3A_557, %sign3A_564 : i32
        %rem3A_566 = arith.remsi %add3A_174, %jit3A_549 : i32
        %ne3A_567 = arith.constant 0 : i32
        %ne3A_568 = arith.cmpi ne, %rem3A_566, %ne3A_567 : i32
        %and3A_569 = arith.andi %ne3A_565, %ne3A_568 : i1
        %sub3A_570 = arith.constant 1 : i32
        %sub3A_571 = arith.subi %div3A_550, %sub3A_570 : i32
        %select_n3A_572 = arith.select %and3A_569, %sub3A_571, %div3A_550 : i32
        %jit3A_573 = arith.constant 2 : i32
        %eq3A_574 = arith.constant 0 : i32
        %eq3A_575 = arith.cmpi eq, %jit3A_573, %eq3A_574 : i32
        %jit3A_576 = arith.constant 1 : i32
        %select_n3A_577 = arith.select %eq3A_575, %jit3A_576, %jit3A_573 : i32
        %rem3A_578 = arith.remsi %add3A_174, %select_n3A_577 : i32
        %ne3A_579 = arith.constant 0 : i32
        %ne3A_580 = arith.cmpi ne, %rem3A_578, %ne3A_579 : i32
        %lt3A_581 = arith.constant 0 : i32
        %lt3A_582 = arith.cmpi slt, %rem3A_578, %lt3A_581 : i32
        %lt3A_583 = arith.constant 0 : i32
        %lt3A_584 = arith.cmpi slt, %select_n3A_577, %lt3A_583 : i32
        %ne3A_585 = arith.xori %lt3A_582, %lt3A_584 : i1
        %and3A_586 = arith.andi %ne3A_585, %ne3A_580 : i1
        %add3A_587 = arith.addi %rem3A_578, %select_n3A_577 : i32
        %select_n3A_588 = arith.select %and3A_586, %add3A_587, %rem3A_578 : i32
        %ne3A_589 = arith.cmpi ne, %select_n3A_532, %select_n3A_572 : i32
        %ne3A_590 = arith.cmpi ne, %select_n3A_548, %select_n3A_588 : i32
        %or3A_591 = arith.constant false
        %or3A_592 = arith.ori %or3A_591, %ne3A_589 : i1
        %or3A_593 = arith.ori %or3A_592, %ne3A_590 : i1
        %not3A_594 = arith.constant true
        %not3A_595 = arith.xori %eq3A_162, %not3A_594 : i1
        %and3A_596 = arith.andi %or3A_593, %not3A_595 : i1
        %convert_element_type3A_597 = arith.extui %and3A_596 : i1 to i32
        %cond3A_598 = arith.constant 0 : i32
        %cond3A_599 = arith.cmpi ne, %convert_element_type3A_597, %cond3A_598 : i32
        scf.if %cond3A_599 {
          "tpu.trace_start"() <{level = 10 : i32, message = "ep_wait_out"}> : () -> ()
          %rem3A_620 = arith.constant 2 : i32
          %rem3A_621 = arith.remui %scan3A_159, %rem3A_620 : i32
          %jit3A_622 = arith.constant 2 : i32
          %div3A_623 = arith.divsi %add3A_174, %jit3A_622 : i32
          %sign3A_624 = arith.constant 0 : i32
          %sign3A_625 = arith.cmpi sgt, %add3A_174, %sign3A_624 : i32
          %sign3A_626 = arith.extui %sign3A_625 : i1 to i32
          %sign3A_627 = arith.constant 0 : i32
          %sign3A_628 = arith.cmpi slt, %add3A_174, %sign3A_627 : i32
          %sign3A_629 = arith.extui %sign3A_628 : i1 to i32
          %sign3A_630 = arith.subi %sign3A_626, %sign3A_629 : i32
          %sign3A_631 = arith.constant 0 : i32
          %sign3A_632 = arith.cmpi sgt, %jit3A_622, %sign3A_631 : i32
          %sign3A_633 = arith.extui %sign3A_632 : i1 to i32
          %sign3A_634 = arith.constant 0 : i32
          %sign3A_635 = arith.cmpi slt, %jit3A_622, %sign3A_634 : i32
          %sign3A_636 = arith.extui %sign3A_635 : i1 to i32
          %sign3A_637 = arith.subi %sign3A_633, %sign3A_636 : i32
          %ne3A_638 = arith.cmpi ne, %sign3A_630, %sign3A_637 : i32
          %rem3A_639 = arith.remsi %add3A_174, %jit3A_622 : i32
          %ne3A_640 = arith.constant 0 : i32
          %ne3A_641 = arith.cmpi ne, %rem3A_639, %ne3A_640 : i32
          %and3A_642 = arith.andi %ne3A_638, %ne3A_641 : i1
          %sub3A_643 = arith.constant 1 : i32
          %sub3A_644 = arith.subi %div3A_623, %sub3A_643 : i32
          %select_n3A_645 = arith.select %and3A_642, %sub3A_644, %div3A_623 : i32
          %jit3A_646 = arith.constant 2 : i32
          %eq3A_647 = arith.constant 0 : i32
          %eq3A_648 = arith.cmpi eq, %jit3A_646, %eq3A_647 : i32
          %jit3A_649 = arith.constant 1 : i32
          %select_n3A_650 = arith.select %eq3A_648, %jit3A_649, %jit3A_646 : i32
          %rem3A_651 = arith.remsi %add3A_174, %select_n3A_650 : i32
          %ne3A_652 = arith.constant 0 : i32
          %ne3A_653 = arith.cmpi ne, %rem3A_651, %ne3A_652 : i32
          %lt3A_654 = arith.constant 0 : i32
          %lt3A_655 = arith.cmpi slt, %rem3A_651, %lt3A_654 : i32
          %lt3A_656 = arith.constant 0 : i32
          %lt3A_657 = arith.cmpi slt, %select_n3A_650, %lt3A_656 : i32
          %ne3A_658 = arith.xori %lt3A_655, %lt3A_657 : i1
          %and3A_659 = arith.andi %ne3A_658, %ne3A_653 : i1
          %add3A_660 = arith.addi %rem3A_651, %select_n3A_650 : i32
          %select_n3A_661 = arith.select %and3A_659, %add3A_660, %rem3A_651 : i32
          %mul3A_662 = arith.constant 128 : i32
          %mul3A_663 = arith.muli %mul3A_662, %select_n3A_645 : i32
          %mul3A_664 = arith.constant 64 : i32
          %mul3A_665 = arith.muli %mul3A_664, %select_n3A_661 : i32
          %dma_wait3A_666 = arith.constant 0 : i32
          %dma_wait3A_667 = arith.constant 0 : i32
          %dma_wait3A_668 = tpu.memref_slice %run_scoped3A_8[%rem3A_621, %dma_wait3A_666, %dma_wait3A_667] : memref<2x128x64xi32, #tpu.memory_space<vmem>> -> memref<1x128x64xi32, #tpu.memory_space<vmem>>
          %dma_wait3A_669 = tpu.memref_squeeze %dma_wait3A_668 : memref<1x128x64xi32, #tpu.memory_space<vmem>> -> memref<128x64xi32, #tpu.memory_space<vmem>>
          %dma_wait3A_670 = tpu.memref_slice %arg4[%mul3A_663, %mul3A_665] : memref<106496x128xi32, #tpu.memory_space<hbm>> -> memref<128x64xi32, #tpu.memory_space<hbm>>
          %dma_wait3A_671 = tpu.memref_slice %run_scoped3A_9[%rem3A_621] : memref<2x!tpu.dma_semaphore, #tpu.memory_space<semaphore_mem>> -> memref<1x!tpu.dma_semaphore, #tpu.memory_space<semaphore_mem>>
          %dma_wait3A_672 = tpu.memref_squeeze %dma_wait3A_671 : memref<1x!tpu.dma_semaphore, #tpu.memory_space<semaphore_mem>> -> memref<!tpu.dma_semaphore, #tpu.memory_space<semaphore_mem>>
          %dma_wait3A_673 = tpu.memref_slice %arg4[%mul3A_663, %mul3A_665] : memref<106496x128xi32, #tpu.memory_space<hbm>> -> memref<128x64xi32, #tpu.memory_space<hbm>>
          %dma_wait3A_674 = arith.constant 0 : i32
          %dma_wait3A_675 = arith.constant 0 : i32
          %dma_wait3A_676 = tpu.memref_slice %run_scoped3A_8[%rem3A_621, %dma_wait3A_674, %dma_wait3A_675] : memref<2x128x64xi32, #tpu.memory_space<vmem>> -> memref<1x128x64xi32, #tpu.memory_space<vmem>>
          %dma_wait3A_677 = tpu.memref_squeeze %dma_wait3A_676 : memref<1x128x64xi32, #tpu.memory_space<vmem>> -> memref<128x64xi32, #tpu.memory_space<vmem>>
          tpu.wait_dma2 semaphore(%dma_wait3A_672 : memref<!tpu.dma_semaphore, #tpu.memory_space<semaphore_mem>>) src(%dma_wait3A_677 : memref<128x64xi32, #tpu.memory_space<vmem>>) dst(%dma_wait3A_673 : memref<128x64xi32, #tpu.memory_space<hbm>>)
          "tpu.trace_stop"() : () -> ()
        } else {
        }
        %and3A_600 = arith.constant true
        %and3A_601 = arith.andi %and3A_596, %and3A_600 : i1
        %add3A_602 = arith.constant 1 : i32
        %add3A_603 = arith.addi %scan3A_159, %add3A_602 : i32
        %select_n3A_604 = arith.select %and3A_601, %add3A_603, %scan3A_159 : i32
        %ne3A_605 = arith.cmpi ne, %add3A_165, %add3A_183 : i32
        %or3A_606 = arith.constant false
        %or3A_607 = arith.ori %or3A_606, %ne3A_605 : i1
        %or3A_608 = arith.ori %or3A_607, %eq3A_164 : i1
        %add3A_609 = arith.constant 1 : i32
        %add3A_610 = arith.addi %scan3A_157, %add3A_609 : i32
        %select_n3A_611 = arith.select %or3A_608, %add3A_610, %scan3A_157 : i32
        %add3A_612 = arith.constant 1 : i32
        %add3A_613 = arith.addi %scan3A_160, %add3A_612 : i32
        %select_n3A_614 = arith.constant true
        %select_n3A_615 = arith.select %select_n3A_614, %add3A_613, %scan3A_160 : i32
        %eq3A_616 = arith.constant 52 : i32
        %eq3A_617 = arith.cmpi eq, %select_n3A_615, %eq3A_616 : i32
        %select_n3A_618 = arith.constant 0 : i32
        %select_n3A_619 = arith.select %eq3A_617, %select_n3A_618, %select_n3A_615 : i32
        scf.yield %select_n3A_203, %select_n3A_611, %select_n3A_497, %select_n3A_604, %select_n3A_619 : i32, i32, i32, i32, i32
      }
      %scan3A_68 = arith.constant 52 : i32
      %sub3A = arith.constant 1 : i32
      %sub3A_69 = arith.subi %scan3A_67#4, %sub3A : i32
      %select_n3A_70 = arith.constant true
      %select_n3A_71 = arith.select %select_n3A_70, %sub3A_69, %scan3A_67#4 : i32
      %eq3A_72 = arith.constant -1 : i32
      %eq3A_73 = arith.cmpi eq, %select_n3A_71, %eq3A_72 : i32
      %select_n3A_74 = arith.constant 51 : i32
      %select_n3A_75 = arith.select %eq3A_73, %select_n3A_74, %select_n3A_71 : i32
      %add3A_76 = arith.addi %select_n3A_75, %mul3A_6 : i32
      %sub3A_77 = arith.constant 1 : i32
      %sub3A_78 = arith.subi %select_n3A_75, %sub3A_77 : i32
      %select_n3A_79 = arith.constant true
      %select_n3A_80 = arith.select %select_n3A_79, %sub3A_78, %select_n3A_75 : i32
      %eq3A_81 = arith.constant -1 : i32
      %eq3A_82 = arith.cmpi eq, %select_n3A_80, %eq3A_81 : i32
      %select_n3A_83 = arith.constant 51 : i32
      %select_n3A_84 = arith.select %eq3A_82, %select_n3A_83, %select_n3A_80 : i32
      %add3A_85 = arith.addi %select_n3A_84, %mul3A_6 : i32
      %add3A_86 = arith.constant 1 : i32
      %add3A_87 = arith.addi %select_n3A_75, %add3A_86 : i32
      %select_n3A_88 = arith.constant true
      %select_n3A_89 = arith.select %select_n3A_88, %add3A_87, %select_n3A_75 : i32
      %eq3A_90 = arith.constant 52 : i32
      %eq3A_91 = arith.cmpi eq, %select_n3A_89, %eq3A_90 : i32
      %select_n3A_92 = arith.constant 0 : i32
      %select_n3A_93 = arith.select %eq3A_91, %select_n3A_92, %select_n3A_89 : i32
      %add3A_94 = arith.addi %select_n3A_93, %mul3A_6 : i32
      %add3A_95 = arith.constant 1 : i32
      %add3A_96 = arith.addi %select_n3A_93, %add3A_95 : i32
      %select_n3A_97 = arith.constant true
      %select_n3A_98 = arith.select %select_n3A_97, %add3A_96, %select_n3A_93 : i32
      %eq3A_99 = arith.constant 52 : i32
      %eq3A_100 = arith.cmpi eq, %select_n3A_98, %eq3A_99 : i32
      %select_n3A_101 = arith.constant 0 : i32
      %select_n3A_102 = arith.select %eq3A_100, %select_n3A_101, %select_n3A_98 : i32
      %add3A_103 = arith.addi %select_n3A_102, %mul3A_6 : i32
      "tpu.trace_start"() <{level = 10 : i32, message = "ep_finalize"}> : () -> ()
      %rem3A_104 = arith.constant 2 : i32
      %rem3A_105 = arith.remui %scan3A_67#3, %rem3A_104 : i32
      %jit3A = arith.constant 2 : i32
      %div3A = arith.divsi %add3A_76, %jit3A : i32
      %sign3A = arith.constant 0 : i32
      %sign3A_106 = arith.cmpi sgt, %add3A_76, %sign3A : i32
      %sign3A_107 = arith.extui %sign3A_106 : i1 to i32
      %sign3A_108 = arith.constant 0 : i32
      %sign3A_109 = arith.cmpi slt, %add3A_76, %sign3A_108 : i32
      %sign3A_110 = arith.extui %sign3A_109 : i1 to i32
      %sign3A_111 = arith.subi %sign3A_107, %sign3A_110 : i32
      %sign3A_112 = arith.constant 0 : i32
      %sign3A_113 = arith.cmpi sgt, %jit3A, %sign3A_112 : i32
      %sign3A_114 = arith.extui %sign3A_113 : i1 to i32
      %sign3A_115 = arith.constant 0 : i32
      %sign3A_116 = arith.cmpi slt, %jit3A, %sign3A_115 : i32
      %sign3A_117 = arith.extui %sign3A_116 : i1 to i32
      %sign3A_118 = arith.subi %sign3A_114, %sign3A_117 : i32
      %ne3A = arith.cmpi ne, %sign3A_111, %sign3A_118 : i32
      %rem3A_119 = arith.remsi %add3A_76, %jit3A : i32
      %ne3A_120 = arith.constant 0 : i32
      %ne3A_121 = arith.cmpi ne, %rem3A_119, %ne3A_120 : i32
      %and3A = arith.andi %ne3A, %ne3A_121 : i1
      %sub3A_122 = arith.constant 1 : i32
      %sub3A_123 = arith.subi %div3A, %sub3A_122 : i32
      %select_n3A_124 = arith.select %and3A, %sub3A_123, %div3A : i32
      %jit3A_125 = arith.constant 2 : i32
      %eq3A_126 = arith.constant 0 : i32
      %eq3A_127 = arith.cmpi eq, %jit3A_125, %eq3A_126 : i32
      %jit3A_128 = arith.constant 1 : i32
      %select_n3A_129 = arith.select %eq3A_127, %jit3A_128, %jit3A_125 : i32
      %rem3A_130 = arith.remsi %add3A_76, %select_n3A_129 : i32
      %ne3A_131 = arith.constant 0 : i32
      %ne3A_132 = arith.cmpi ne, %rem3A_130, %ne3A_131 : i32
      %lt3A = arith.constant 0 : i32
      %lt3A_133 = arith.cmpi slt, %rem3A_130, %lt3A : i32
      %lt3A_134 = arith.constant 0 : i32
      %lt3A_135 = arith.cmpi slt, %select_n3A_129, %lt3A_134 : i32
      %ne3A_136 = arith.xori %lt3A_133, %lt3A_135 : i1
      %and3A_137 = arith.andi %ne3A_136, %ne3A_132 : i1
      %add3A_138 = arith.addi %rem3A_130, %select_n3A_129 : i32
      %select_n3A_139 = arith.select %and3A_137, %add3A_138, %rem3A_130 : i32
      %mul3A_140 = arith.constant 128 : i32
      %mul3A_141 = arith.muli %mul3A_140, %select_n3A_124 : i32
      %mul3A_142 = arith.constant 64 : i32
      %mul3A_143 = arith.muli %mul3A_142, %select_n3A_139 : i32
      %dma_wait3A = arith.constant 0 : i32
      %dma_wait3A_144 = arith.constant 0 : i32
      %dma_wait3A_145 = tpu.memref_slice %run_scoped3A_8[%rem3A_105, %dma_wait3A, %dma_wait3A_144] : memref<2x128x64xi32, #tpu.memory_space<vmem>> -> memref<1x128x64xi32, #tpu.memory_space<vmem>>
      %dma_wait3A_146 = tpu.memref_squeeze %dma_wait3A_145 : memref<1x128x64xi32, #tpu.memory_space<vmem>> -> memref<128x64xi32, #tpu.memory_space<vmem>>
      %dma_wait3A_147 = tpu.memref_slice %arg4[%mul3A_141, %mul3A_143] : memref<106496x128xi32, #tpu.memory_space<hbm>> -> memref<128x64xi32, #tpu.memory_space<hbm>>
      %dma_wait3A_148 = tpu.memref_slice %run_scoped3A_9[%rem3A_105] : memref<2x!tpu.dma_semaphore, #tpu.memory_space<semaphore_mem>> -> memref<1x!tpu.dma_semaphore, #tpu.memory_space<semaphore_mem>>
      %dma_wait3A_149 = tpu.memref_squeeze %dma_wait3A_148 : memref<1x!tpu.dma_semaphore, #tpu.memory_space<semaphore_mem>> -> memref<!tpu.dma_semaphore, #tpu.memory_space<semaphore_mem>>
      %dma_wait3A_150 = tpu.memref_slice %arg4[%mul3A_141, %mul3A_143] : memref<106496x128xi32, #tpu.memory_space<hbm>> -> memref<128x64xi32, #tpu.memory_space<hbm>>
      %dma_wait3A_151 = arith.constant 0 : i32
      %dma_wait3A_152 = arith.constant 0 : i32
      %dma_wait3A_153 = tpu.memref_slice %run_scoped3A_8[%rem3A_105, %dma_wait3A_151, %dma_wait3A_152] : memref<2x128x64xi32, #tpu.memory_space<vmem>> -> memref<1x128x64xi32, #tpu.memory_space<vmem>>
      %dma_wait3A_154 = tpu.memref_squeeze %dma_wait3A_153 : memref<1x128x64xi32, #tpu.memory_space<vmem>> -> memref<128x64xi32, #tpu.memory_space<vmem>>
      tpu.wait_dma2 semaphore(%dma_wait3A_149 : memref<!tpu.dma_semaphore, #tpu.memory_space<semaphore_mem>>) src(%dma_wait3A_154 : memref<128x64xi32, #tpu.memory_space<vmem>>) dst(%dma_wait3A_150 : memref<128x64xi32, #tpu.memory_space<hbm>>)
      "tpu.trace_stop"() : () -> ()
      tpu.yield
    }) : () -> ()
    return
  }
}

#map = affine_map<(d0, d1) -> (0, 0)>
module attributes {stable_mosaic.version = 14 : i64} {
  func.func @k(%arg0: i32, %arg1: i32, %arg2: memref<30522x64xi32, #tpu.memory_space<hbm>>, %arg3: memref<1x147456xi32, #tpu.memory_space<hbm>>, %arg4: memref<73728x128xi32, #tpu.memory_space<hbm>>) attributes {dimension_semantics = [#tpu.dimension_semantics<core_parallel>, #tpu.dimension_semantics<subcore_parallel>], iteration_bounds = array<i64: 2, 16>, scalar_prefetch = 0 : i64, scratch_operands = 0 : i64, tpu.core_type = #tpu.core_type<sc_vector_subcore>, window_params = [{transform_indices = #map}, {transform_indices = #map}, {transform_indices = #map}]} {
    %mul3A = arith.constant 1 : i32
    %mul3A_0 = arith.muli %arg1, %mul3A : i32
    %add3A = arith.constant 0 : i32
    %add3A_1 = arith.addi %add3A, %mul3A_0 : i32
    %mul3A_2 = arith.constant 16 : i32
    %mul3A_3 = arith.muli %arg0, %mul3A_2 : i32
    %add3A_4 = arith.addi %add3A_1, %mul3A_3 : i32
    %mul3A_5 = arith.constant 36 : i32
    %mul3A_6 = arith.muli %add3A_4, %mul3A_5 : i32
    "tpu.region"() ({
      %run_scoped3A = memref.alloca() : memref<2x1x128xi32, #tpu.memory_space<vmem>>
      %run_scoped3A_7 = tpu.sem_alloc : memref<2x!tpu.dma_semaphore, #tpu.memory_space<semaphore_mem>>
      %run_scoped3A_8 = memref.alloca() : memref<2x128x64xi32, #tpu.memory_space<vmem>>
      %run_scoped3A_9 = tpu.sem_alloc : memref<2x!tpu.dma_semaphore, #tpu.memory_space<semaphore_mem>>
      %add3A_10 = arith.constant 0 : i32
      %add3A_11 = arith.addi %add3A_10, %mul3A_6 : i32
      %select_n3A = arith.constant true
      %select_n3A_12 = arith.constant 0 : i32
      %select_n3A_13 = arith.constant -1 : i32
      %select_n3A_14 = arith.select %select_n3A, %select_n3A_13, %select_n3A_12 : i32
      %eq3A = arith.constant -1 : i32
      %eq3A_15 = arith.cmpi eq, %select_n3A_14, %eq3A : i32
      %select_n3A_16 = arith.constant 35 : i32
      %select_n3A_17 = arith.select %eq3A_15, %select_n3A_16, %select_n3A_14 : i32
      %add3A_18 = arith.addi %select_n3A_17, %mul3A_6 : i32
      %select_n3A_19 = arith.constant true
      %select_n3A_20 = arith.constant 0 : i32
      %select_n3A_21 = arith.constant 1 : i32
      %select_n3A_22 = arith.select %select_n3A_19, %select_n3A_21, %select_n3A_20 : i32
      %eq3A_23 = arith.constant 36 : i32
      %eq3A_24 = arith.cmpi eq, %select_n3A_22, %eq3A_23 : i32
      %select_n3A_25 = arith.constant 0 : i32
      %select_n3A_26 = arith.select %eq3A_24, %select_n3A_25, %select_n3A_22 : i32
      %add3A_27 = arith.addi %select_n3A_26, %mul3A_6 : i32
      %add3A_28 = arith.constant 1 : i32
      %add3A_29 = arith.addi %select_n3A_26, %add3A_28 : i32
      %select_n3A_30 = arith.constant true
      %select_n3A_31 = arith.select %select_n3A_30, %add3A_29, %select_n3A_26 : i32
      %eq3A_32 = arith.constant 36 : i32
      %eq3A_33 = arith.cmpi eq, %select_n3A_31, %eq3A_32 : i32
      %select_n3A_34 = arith.constant 0 : i32
      %select_n3A_35 = arith.select %eq3A_33, %select_n3A_34, %select_n3A_31 : i32
      %add3A_36 = arith.addi %select_n3A_35, %mul3A_6 : i32
      "tpu.trace_start"() <{level = 10 : i32, message = "ep_initialize_0"}> : () -> ()
      %rem3A = arith.constant 0 : i32
      %rem3A_37 = arith.constant 2 : i32
      %rem3A_38 = arith.remui %rem3A, %rem3A_37 : i32
      %mul3A_39 = arith.constant 128 : i32
      %mul3A_40 = arith.muli %mul3A_39, %add3A_11 : i32
      %dma_start3A = arith.constant 0 : i32
      %dma_start3A_41 = arith.constant 0 : i32
      %dma_start3A_42 = tpu.memref_slice %run_scoped3A[%rem3A_38, %dma_start3A, %dma_start3A_41] : memref<2x1x128xi32, #tpu.memory_space<vmem>> -> memref<1x1x128xi32, #tpu.memory_space<vmem>>
      %dma_start3A_43 = tpu.memref_squeeze %dma_start3A_42 : memref<1x1x128xi32, #tpu.memory_space<vmem>> -> memref<1x128xi32, #tpu.memory_space<vmem>>
      %dma_start3A_44 = arith.constant 0 : i32
      %dma_start3A_45 = tpu.memref_slice %arg3[%dma_start3A_44, %mul3A_40] : memref<1x147456xi32, #tpu.memory_space<hbm>> -> memref<1x128xi32, #tpu.memory_space<hbm>>
      %dma_start3A_46 = tpu.memref_slice %run_scoped3A_7[%rem3A_38] : memref<2x!tpu.dma_semaphore, #tpu.memory_space<semaphore_mem>> -> memref<1x!tpu.dma_semaphore, #tpu.memory_space<semaphore_mem>>
      %dma_start3A_47 = tpu.memref_squeeze %dma_start3A_46 : memref<1x!tpu.dma_semaphore, #tpu.memory_space<semaphore_mem>> -> memref<!tpu.dma_semaphore, #tpu.memory_space<semaphore_mem>>
      %dma_start3A_48 = arith.constant 0 : i32
      %dma_start3A_49 = arith.constant 0 : i32
      %dma_start3A_50 = tpu.memref_slice %run_scoped3A[%rem3A_38, %dma_start3A_48, %dma_start3A_49] : memref<2x1x128xi32, #tpu.memory_space<vmem>> -> memref<1x1x128xi32, #tpu.memory_space<vmem>>
      %dma_start3A_51 = tpu.memref_squeeze %dma_start3A_50 : memref<1x1x128xi32, #tpu.memory_space<vmem>> -> memref<1x128xi32, #tpu.memory_space<vmem>>
      %dma_start3A_52 = arith.constant 0 : i32
      %dma_start3A_53 = tpu.memref_slice %arg3[%dma_start3A_52, %mul3A_40] : memref<1x147456xi32, #tpu.memory_space<hbm>> -> memref<1x128xi32, #tpu.memory_space<hbm>>
      tpu.enqueue_dma source(%dma_start3A_53 : memref<1x128xi32, #tpu.memory_space<hbm>>) target(%dma_start3A_51 : memref<1x128xi32, #tpu.memory_space<vmem>>) target_semaphore(%dma_start3A_47 : memref<!tpu.dma_semaphore, #tpu.memory_space<semaphore_mem>>)
      %add3A_54 = arith.constant 0 : i32
      %add3A_55 = arith.constant 1 : i32
      %add3A_56 = arith.addi %add3A_54, %add3A_55 : i32
      %select_n3A_57 = arith.constant true
      %select_n3A_58 = arith.constant 0 : i32
      %select_n3A_59 = arith.select %select_n3A_57, %add3A_56, %select_n3A_58 : i32
      "tpu.trace_stop"() : () -> ()
      %scan3A = arith.constant 0 : i32
      %scan3A_60 = arith.constant 0 : i32
      %scan3A_61 = arith.constant 0 : i32
      %scan3A_62 = arith.constant 0 : i32
      %scan3A_63 = arith.constant 0 : i32
      %scan3A_64 = arith.constant 36 : i32
      %scan3A_65 = arith.addi %scan3A_63, %scan3A_64 : i32
      %scan3A_66 = arith.constant 1 : i32
      %scan3A_67:5 = scf.for %scan3A_155 = %scan3A_63 to %scan3A_65 step %scan3A_66 iter_args(%scan3A_156 = %select_n3A_59, %scan3A_157 = %scan3A, %scan3A_158 = %scan3A_60, %scan3A_159 = %scan3A_61, %scan3A_160 = %scan3A_62) -> (i32, i32, i32, i32, i32)  : i32 {
        %eq3A_161 = arith.constant 0 : i32
        %eq3A_162 = arith.cmpi eq, %scan3A_155, %eq3A_161 : i32
        %eq3A_163 = arith.constant 35 : i32
        %eq3A_164 = arith.cmpi eq, %scan3A_155, %eq3A_163 : i32
        %add3A_165 = arith.addi %scan3A_160, %mul3A_6 : i32
        %sub3A_166 = arith.constant 1 : i32
        %sub3A_167 = arith.subi %scan3A_160, %sub3A_166 : i32
        %select_n3A_168 = arith.constant true
        %select_n3A_169 = arith.select %select_n3A_168, %sub3A_167, %scan3A_160 : i32
        %eq3A_170 = arith.constant -1 : i32
        %eq3A_171 = arith.cmpi eq, %select_n3A_169, %eq3A_170 : i32
        %select_n3A_172 = arith.constant 35 : i32
        %select_n3A_173 = arith.select %eq3A_171, %select_n3A_172, %select_n3A_169 : i32
        %add3A_174 = arith.addi %select_n3A_173, %mul3A_6 : i32
        %add3A_175 = arith.constant 1 : i32
        %add3A_176 = arith.addi %scan3A_160, %add3A_175 : i32
        %select_n3A_177 = arith.constant true
        %select_n3A_178 = arith.select %select_n3A_177, %add3A_176, %scan3A_160 : i32
        %eq3A_179 = arith.constant 36 : i32
        %eq3A_180 = arith.cmpi eq, %select_n3A_178, %eq3A_179 : i32
        %select_n3A_181 = arith.constant 0 : i32
        %select_n3A_182 = arith.select %eq3A_180, %select_n3A_181, %select_n3A_178 : i32
        %add3A_183 = arith.addi %select_n3A_182, %mul3A_6 : i32
        %add3A_184 = arith.constant 1 : i32
        %add3A_185 = arith.addi %select_n3A_182, %add3A_184 : i32
        %select_n3A_186 = arith.constant true
        %select_n3A_187 = arith.select %select_n3A_186, %add3A_185, %select_n3A_182 : i32
        %eq3A_188 = arith.constant 36 : i32
        %eq3A_189 = arith.cmpi eq, %select_n3A_187, %eq3A_188 : i32
        %select_n3A_190 = arith.constant 0 : i32
        %select_n3A_191 = arith.select %eq3A_189, %select_n3A_190, %select_n3A_187 : i32
        %add3A_192 = arith.addi %select_n3A_191, %mul3A_6 : i32
        %ne3A_193 = arith.cmpi ne, %add3A_165, %add3A_183 : i32
        %or3A = arith.constant false
        %or3A_194 = arith.ori %or3A, %ne3A_193 : i1
        %ge3A = arith.constant 35 : i32
        %ge3A_195 = arith.cmpi sge, %scan3A_155, %ge3A : i32
        %not3A = arith.constant true
        %not3A_196 = arith.xori %ge3A_195, %not3A : i1
        %and3A_197 = arith.andi %or3A_194, %not3A_196 : i1
        %convert_element_type3A = arith.extui %and3A_197 : i1 to i32
        %cond3A = arith.constant 0 : i32
        %cond3A_198 = arith.cmpi ne, %convert_element_type3A, %cond3A : i32
        scf.if %cond3A_198 {
          "tpu.trace_start"() <{level = 10 : i32, message = "ep_copy_in"}> : () -> ()
          %rem3A_620 = arith.constant 2 : i32
          %rem3A_621 = arith.remui %scan3A_156, %rem3A_620 : i32
          %mul3A_622 = arith.constant 128 : i32
          %mul3A_623 = arith.muli %mul3A_622, %add3A_183 : i32
          %dma_start3A_624 = arith.constant 0 : i32
          %dma_start3A_625 = arith.constant 0 : i32
          %dma_start3A_626 = tpu.memref_slice %run_scoped3A[%rem3A_621, %dma_start3A_624, %dma_start3A_625] : memref<2x1x128xi32, #tpu.memory_space<vmem>> -> memref<1x1x128xi32, #tpu.memory_space<vmem>>
          %dma_start3A_627 = tpu.memref_squeeze %dma_start3A_626 : memref<1x1x128xi32, #tpu.memory_space<vmem>> -> memref<1x128xi32, #tpu.memory_space<vmem>>
          %dma_start3A_628 = arith.constant 0 : i32
          %dma_start3A_629 = tpu.memref_slice %arg3[%dma_start3A_628, %mul3A_623] : memref<1x147456xi32, #tpu.memory_space<hbm>> -> memref<1x128xi32, #tpu.memory_space<hbm>>
          %dma_start3A_630 = tpu.memref_slice %run_scoped3A_7[%rem3A_621] : memref<2x!tpu.dma_semaphore, #tpu.memory_space<semaphore_mem>> -> memref<1x!tpu.dma_semaphore, #tpu.memory_space<semaphore_mem>>
          %dma_start3A_631 = tpu.memref_squeeze %dma_start3A_630 : memref<1x!tpu.dma_semaphore, #tpu.memory_space<semaphore_mem>> -> memref<!tpu.dma_semaphore, #tpu.memory_space<semaphore_mem>>
          %dma_start3A_632 = arith.constant 0 : i32
          %dma_start3A_633 = arith.constant 0 : i32
          %dma_start3A_634 = tpu.memref_slice %run_scoped3A[%rem3A_621, %dma_start3A_632, %dma_start3A_633] : memref<2x1x128xi32, #tpu.memory_space<vmem>> -> memref<1x1x128xi32, #tpu.memory_space<vmem>>
          %dma_start3A_635 = tpu.memref_squeeze %dma_start3A_634 : memref<1x1x128xi32, #tpu.memory_space<vmem>> -> memref<1x128xi32, #tpu.memory_space<vmem>>
          %dma_start3A_636 = arith.constant 0 : i32
          %dma_start3A_637 = tpu.memref_slice %arg3[%dma_start3A_636, %mul3A_623] : memref<1x147456xi32, #tpu.memory_space<hbm>> -> memref<1x128xi32, #tpu.memory_space<hbm>>
          tpu.enqueue_dma source(%dma_start3A_637 : memref<1x128xi32, #tpu.memory_space<hbm>>) target(%dma_start3A_635 : memref<1x128xi32, #tpu.memory_space<vmem>>) target_semaphore(%dma_start3A_631 : memref<!tpu.dma_semaphore, #tpu.memory_space<semaphore_mem>>)
          "tpu.trace_stop"() : () -> ()
        } else {
        }
        %and3A_199 = arith.constant true
        %and3A_200 = arith.andi %and3A_197, %and3A_199 : i1
        %add3A_201 = arith.constant 1 : i32
        %add3A_202 = arith.addi %scan3A_156, %add3A_201 : i32
        %select_n3A_203 = arith.select %and3A_200, %add3A_202, %scan3A_156 : i32
        %jit3A_204 = arith.constant 2 : i32
        %div3A_205 = arith.divsi %add3A_165, %jit3A_204 : i32
        %sign3A_206 = arith.constant 0 : i32
        %sign3A_207 = arith.cmpi sgt, %add3A_165, %sign3A_206 : i32
        %sign3A_208 = arith.extui %sign3A_207 : i1 to i32
        %sign3A_209 = arith.constant 0 : i32
        %sign3A_210 = arith.cmpi slt, %add3A_165, %sign3A_209 : i32
        %sign3A_211 = arith.extui %sign3A_210 : i1 to i32
        %sign3A_212 = arith.subi %sign3A_208, %sign3A_211 : i32
        %sign3A_213 = arith.constant 0 : i32
        %sign3A_214 = arith.cmpi sgt, %jit3A_204, %sign3A_213 : i32
        %sign3A_215 = arith.extui %sign3A_214 : i1 to i32
        %sign3A_216 = arith.constant 0 : i32
        %sign3A_217 = arith.cmpi slt, %jit3A_204, %sign3A_216 : i32
        %sign3A_218 = arith.extui %sign3A_217 : i1 to i32
        %sign3A_219 = arith.subi %sign3A_215, %sign3A_218 : i32
        %ne3A_220 = arith.cmpi ne, %sign3A_212, %sign3A_219 : i32
        %rem3A_221 = arith.remsi %add3A_165, %jit3A_204 : i32
        %ne3A_222 = arith.constant 0 : i32
        %ne3A_223 = arith.cmpi ne, %rem3A_221, %ne3A_222 : i32
        %and3A_224 = arith.andi %ne3A_220, %ne3A_223 : i1
        %sub3A_225 = arith.constant 1 : i32
        %sub3A_226 = arith.subi %div3A_205, %sub3A_225 : i32
        %select_n3A_227 = arith.select %and3A_224, %sub3A_226, %div3A_205 : i32
        %jit3A_228 = arith.constant 2 : i32
        %eq3A_229 = arith.constant 0 : i32
        %eq3A_230 = arith.cmpi eq, %jit3A_228, %eq3A_229 : i32
        %jit3A_231 = arith.constant 1 : i32
        %select_n3A_232 = arith.select %eq3A_230, %jit3A_231, %jit3A_228 : i32
        %rem3A_233 = arith.remsi %add3A_165, %select_n3A_232 : i32
        %ne3A_234 = arith.constant 0 : i32
        %ne3A_235 = arith.cmpi ne, %rem3A_233, %ne3A_234 : i32
        %lt3A_236 = arith.constant 0 : i32
        %lt3A_237 = arith.cmpi slt, %rem3A_233, %lt3A_236 : i32
        %lt3A_238 = arith.constant 0 : i32
        %lt3A_239 = arith.cmpi slt, %select_n3A_232, %lt3A_238 : i32
        %ne3A_240 = arith.xori %lt3A_237, %lt3A_239 : i1
        %and3A_241 = arith.andi %ne3A_240, %ne3A_235 : i1
        %add3A_242 = arith.addi %rem3A_233, %select_n3A_232 : i32
        %select_n3A_243 = arith.select %and3A_241, %add3A_242, %rem3A_233 : i32
        %jit3A_244 = arith.constant 2 : i32
        %div3A_245 = arith.divsi %add3A_183, %jit3A_244 : i32
        %sign3A_246 = arith.constant 0 : i32
        %sign3A_247 = arith.cmpi sgt, %add3A_183, %sign3A_246 : i32
        %sign3A_248 = arith.extui %sign3A_247 : i1 to i32
        %sign3A_249 = arith.constant 0 : i32
        %sign3A_250 = arith.cmpi slt, %add3A_183, %sign3A_249 : i32
        %sign3A_251 = arith.extui %sign3A_250 : i1 to i32
        %sign3A_252 = arith.subi %sign3A_248, %sign3A_251 : i32
        %sign3A_253 = arith.constant 0 : i32
        %sign3A_254 = arith.cmpi sgt, %jit3A_244, %sign3A_253 : i32
        %sign3A_255 = arith.extui %sign3A_254 : i1 to i32
        %sign3A_256 = arith.constant 0 : i32
        %sign3A_257 = arith.cmpi slt, %jit3A_244, %sign3A_256 : i32
        %sign3A_258 = arith.extui %sign3A_257 : i1 to i32
        %sign3A_259 = arith.subi %sign3A_255, %sign3A_258 : i32
        %ne3A_260 = arith.cmpi ne, %sign3A_252, %sign3A_259 : i32
        %rem3A_261 = arith.remsi %add3A_183, %jit3A_244 : i32
        %ne3A_262 = arith.constant 0 : i32
        %ne3A_263 = arith.cmpi ne, %rem3A_261, %ne3A_262 : i32
        %and3A_264 = arith.andi %ne3A_260, %ne3A_263 : i1
        %sub3A_265 = arith.constant 1 : i32
        %sub3A_266 = arith.subi %div3A_245, %sub3A_265 : i32
        %select_n3A_267 = arith.select %and3A_264, %sub3A_266, %div3A_245 : i32
        %jit3A_268 = arith.constant 2 : i32
        %eq3A_269 = arith.constant 0 : i32
        %eq3A_270 = arith.cmpi eq, %jit3A_268, %eq3A_269 : i32
        %jit3A_271 = arith.constant 1 : i32
        %select_n3A_272 = arith.select %eq3A_270, %jit3A_271, %jit3A_268 : i32
        %rem3A_273 = arith.remsi %add3A_183, %select_n3A_272 : i32
        %ne3A_274 = arith.constant 0 : i32
        %ne3A_275 = arith.cmpi ne, %rem3A_273, %ne3A_274 : i32
        %lt3A_276 = arith.constant 0 : i32
        %lt3A_277 = arith.cmpi slt, %rem3A_273, %lt3A_276 : i32
        %lt3A_278 = arith.constant 0 : i32
        %lt3A_279 = arith.cmpi slt, %select_n3A_272, %lt3A_278 : i32
        %ne3A_280 = arith.xori %lt3A_277, %lt3A_279 : i1
        %and3A_281 = arith.andi %ne3A_280, %ne3A_275 : i1
        %add3A_282 = arith.addi %rem3A_273, %select_n3A_272 : i32
        %select_n3A_283 = arith.select %and3A_281, %add3A_282, %rem3A_273 : i32
        %ne3A_284 = arith.cmpi ne, %select_n3A_227, %select_n3A_267 : i32
        %ne3A_285 = arith.cmpi ne, %select_n3A_243, %select_n3A_283 : i32
        %or3A_286 = arith.constant false
        %or3A_287 = arith.ori %or3A_286, %ne3A_284 : i1
        %or3A_288 = arith.ori %or3A_287, %ne3A_285 : i1
        %ge3A_289 = arith.constant 35 : i32
        %ge3A_290 = arith.cmpi sge, %scan3A_155, %ge3A_289 : i32
        %not3A_291 = arith.constant true
        %not3A_292 = arith.xori %ge3A_290, %not3A_291 : i1
        %and3A_293 = arith.andi %or3A_288, %not3A_292 : i1
        %ne3A_294 = arith.cmpi ne, %add3A_165, %add3A_174 : i32
        %or3A_295 = arith.constant false
        %or3A_296 = arith.ori %or3A_295, %ne3A_294 : i1
        %or3A_297 = arith.ori %or3A_296, %eq3A_162 : i1
        %convert_element_type3A_298 = arith.extui %or3A_297 : i1 to i32
        %cond3A_299 = arith.constant 0 : i32
        %cond3A_300 = arith.cmpi ne, %convert_element_type3A_298, %cond3A_299 : i32
        scf.if %cond3A_300 {
          "tpu.trace_start"() <{level = 10 : i32, message = "ep_wait_in"}> : () -> ()
          %mul3A_620 = arith.constant 128 : i32
          %mul3A_621 = arith.muli %mul3A_620, %add3A_165 : i32
          %rem3A_622 = arith.constant 2 : i32
          %rem3A_623 = arith.remui %scan3A_157, %rem3A_622 : i32
          %dma_wait3A_624 = arith.constant 0 : i32
          %dma_wait3A_625 = arith.constant 0 : i32
          %dma_wait3A_626 = tpu.memref_slice %run_scoped3A[%rem3A_623, %dma_wait3A_624, %dma_wait3A_625] : memref<2x1x128xi32, #tpu.memory_space<vmem>> -> memref<1x1x128xi32, #tpu.memory_space<vmem>>
          %dma_wait3A_627 = tpu.memref_squeeze %dma_wait3A_626 : memref<1x1x128xi32, #tpu.memory_space<vmem>> -> memref<1x128xi32, #tpu.memory_space<vmem>>
          %dma_wait3A_628 = arith.constant 0 : i32
          %dma_wait3A_629 = tpu.memref_slice %arg3[%dma_wait3A_628, %mul3A_621] : memref<1x147456xi32, #tpu.memory_space<hbm>> -> memref<1x128xi32, #tpu.memory_space<hbm>>
          %dma_wait3A_630 = tpu.memref_slice %run_scoped3A_7[%rem3A_623] : memref<2x!tpu.dma_semaphore, #tpu.memory_space<semaphore_mem>> -> memref<1x!tpu.dma_semaphore, #tpu.memory_space<semaphore_mem>>
          %dma_wait3A_631 = tpu.memref_squeeze %dma_wait3A_630 : memref<1x!tpu.dma_semaphore, #tpu.memory_space<semaphore_mem>> -> memref<!tpu.dma_semaphore, #tpu.memory_space<semaphore_mem>>
          %dma_wait3A_632 = arith.constant 0 : i32
          %dma_wait3A_633 = arith.constant 0 : i32
          %dma_wait3A_634 = tpu.memref_slice %run_scoped3A[%rem3A_623, %dma_wait3A_632, %dma_wait3A_633] : memref<2x1x128xi32, #tpu.memory_space<vmem>> -> memref<1x1x128xi32, #tpu.memory_space<vmem>>
          %dma_wait3A_635 = tpu.memref_squeeze %dma_wait3A_634 : memref<1x1x128xi32, #tpu.memory_space<vmem>> -> memref<1x128xi32, #tpu.memory_space<vmem>>
          %dma_wait3A_636 = arith.constant 0 : i32
          %dma_wait3A_637 = tpu.memref_slice %arg3[%dma_wait3A_636, %mul3A_621] : memref<1x147456xi32, #tpu.memory_space<hbm>> -> memref<1x128xi32, #tpu.memory_space<hbm>>
          tpu.wait_dma2 semaphore(%dma_wait3A_631 : memref<!tpu.dma_semaphore, #tpu.memory_space<semaphore_mem>>) src(%dma_wait3A_637 : memref<1x128xi32, #tpu.memory_space<hbm>>) dst(%dma_wait3A_635 : memref<1x128xi32, #tpu.memory_space<vmem>>)
          "tpu.trace_stop"() : () -> ()
        } else {
        }
        %jit3A_301 = arith.constant 2 : i32
        %div3A_302 = arith.divsi %add3A_165, %jit3A_301 : i32
        %sign3A_303 = arith.constant 0 : i32
        %sign3A_304 = arith.cmpi sgt, %add3A_165, %sign3A_303 : i32
        %sign3A_305 = arith.extui %sign3A_304 : i1 to i32
        %sign3A_306 = arith.constant 0 : i32
        %sign3A_307 = arith.cmpi slt, %add3A_165, %sign3A_306 : i32
        %sign3A_308 = arith.extui %sign3A_307 : i1 to i32
        %sign3A_309 = arith.subi %sign3A_305, %sign3A_308 : i32
        %sign3A_310 = arith.constant 0 : i32
        %sign3A_311 = arith.cmpi sgt, %jit3A_301, %sign3A_310 : i32
        %sign3A_312 = arith.extui %sign3A_311 : i1 to i32
        %sign3A_313 = arith.constant 0 : i32
        %sign3A_314 = arith.cmpi slt, %jit3A_301, %sign3A_313 : i32
        %sign3A_315 = arith.extui %sign3A_314 : i1 to i32
        %sign3A_316 = arith.subi %sign3A_312, %sign3A_315 : i32
        %ne3A_317 = arith.cmpi ne, %sign3A_309, %sign3A_316 : i32
        %rem3A_318 = arith.remsi %add3A_165, %jit3A_301 : i32
        %ne3A_319 = arith.constant 0 : i32
        %ne3A_320 = arith.cmpi ne, %rem3A_318, %ne3A_319 : i32
        %and3A_321 = arith.andi %ne3A_317, %ne3A_320 : i1
        %sub3A_322 = arith.constant 1 : i32
        %sub3A_323 = arith.subi %div3A_302, %sub3A_322 : i32
        %select_n3A_324 = arith.select %and3A_321, %sub3A_323, %div3A_302 : i32
        %jit3A_325 = arith.constant 2 : i32
        %eq3A_326 = arith.constant 0 : i32
        %eq3A_327 = arith.cmpi eq, %jit3A_325, %eq3A_326 : i32
        %jit3A_328 = arith.constant 1 : i32
        %select_n3A_329 = arith.select %eq3A_327, %jit3A_328, %jit3A_325 : i32
        %rem3A_330 = arith.remsi %add3A_165, %select_n3A_329 : i32
        %ne3A_331 = arith.constant 0 : i32
        %ne3A_332 = arith.cmpi ne, %rem3A_330, %ne3A_331 : i32
        %lt3A_333 = arith.constant 0 : i32
        %lt3A_334 = arith.cmpi slt, %rem3A_330, %lt3A_333 : i32
        %lt3A_335 = arith.constant 0 : i32
        %lt3A_336 = arith.cmpi slt, %select_n3A_329, %lt3A_335 : i32
        %ne3A_337 = arith.xori %lt3A_334, %lt3A_336 : i1
        %and3A_338 = arith.andi %ne3A_337, %ne3A_332 : i1
        %add3A_339 = arith.addi %rem3A_330, %select_n3A_329 : i32
        %select_n3A_340 = arith.select %and3A_338, %add3A_339, %rem3A_330 : i32
        %jit3A_341 = arith.constant 2 : i32
        %div3A_342 = arith.divsi %add3A_174, %jit3A_341 : i32
        %sign3A_343 = arith.constant 0 : i32
        %sign3A_344 = arith.cmpi sgt, %add3A_174, %sign3A_343 : i32
        %sign3A_345 = arith.extui %sign3A_344 : i1 to i32
        %sign3A_346 = arith.constant 0 : i32
        %sign3A_347 = arith.cmpi slt, %add3A_174, %sign3A_346 : i32
        %sign3A_348 = arith.extui %sign3A_347 : i1 to i32
        %sign3A_349 = arith.subi %sign3A_345, %sign3A_348 : i32
        %sign3A_350 = arith.constant 0 : i32
        %sign3A_351 = arith.cmpi sgt, %jit3A_341, %sign3A_350 : i32
        %sign3A_352 = arith.extui %sign3A_351 : i1 to i32
        %sign3A_353 = arith.constant 0 : i32
        %sign3A_354 = arith.cmpi slt, %jit3A_341, %sign3A_353 : i32
        %sign3A_355 = arith.extui %sign3A_354 : i1 to i32
        %sign3A_356 = arith.subi %sign3A_352, %sign3A_355 : i32
        %ne3A_357 = arith.cmpi ne, %sign3A_349, %sign3A_356 : i32
        %rem3A_358 = arith.remsi %add3A_174, %jit3A_341 : i32
        %ne3A_359 = arith.constant 0 : i32
        %ne3A_360 = arith.cmpi ne, %rem3A_358, %ne3A_359 : i32
        %and3A_361 = arith.andi %ne3A_357, %ne3A_360 : i1
        %sub3A_362 = arith.constant 1 : i32
        %sub3A_363 = arith.subi %div3A_342, %sub3A_362 : i32
        %select_n3A_364 = arith.select %and3A_361, %sub3A_363, %div3A_342 : i32
        %jit3A_365 = arith.constant 2 : i32
        %eq3A_366 = arith.constant 0 : i32
        %eq3A_367 = arith.cmpi eq, %jit3A_365, %eq3A_366 : i32
        %jit3A_368 = arith.constant 1 : i32
        %select_n3A_369 = arith.select %eq3A_367, %jit3A_368, %jit3A_365 : i32
        %rem3A_370 = arith.remsi %add3A_174, %select_n3A_369 : i32
        %ne3A_371 = arith.constant 0 : i32
        %ne3A_372 = arith.cmpi ne, %rem3A_370, %ne3A_371 : i32
        %lt3A_373 = arith.constant 0 : i32
        %lt3A_374 = arith.cmpi slt, %rem3A_370, %lt3A_373 : i32
        %lt3A_375 = arith.constant 0 : i32
        %lt3A_376 = arith.cmpi slt, %select_n3A_369, %lt3A_375 : i32
        %ne3A_377 = arith.xori %lt3A_374, %lt3A_376 : i1
        %and3A_378 = arith.andi %ne3A_377, %ne3A_372 : i1
        %add3A_379 = arith.addi %rem3A_370, %select_n3A_369 : i32
        %select_n3A_380 = arith.select %and3A_378, %add3A_379, %rem3A_370 : i32
        %ne3A_381 = arith.cmpi ne, %select_n3A_324, %select_n3A_364 : i32
        %ne3A_382 = arith.cmpi ne, %select_n3A_340, %select_n3A_380 : i32
        %or3A_383 = arith.constant false
        %or3A_384 = arith.ori %or3A_383, %ne3A_381 : i1
        %or3A_385 = arith.ori %or3A_384, %ne3A_382 : i1
        %or3A_386 = arith.ori %or3A_385, %eq3A_162 : i1
        %convert_element_type3A_387 = arith.extui %or3A_386 : i1 to i32
        %cond3A_388 = arith.constant 0 : i32
        %cond3A_389 = arith.cmpi ne, %convert_element_type3A_387, %cond3A_388 : i32
        scf.if %cond3A_389 {
        } else {
        }
        %rem3A_390 = arith.constant 2 : i32
        %rem3A_391 = arith.remui %scan3A_157, %rem3A_390 : i32
        %rem3A_392 = arith.constant 2 : i32
        %rem3A_393 = arith.remui %scan3A_158, %rem3A_392 : i32
        %run_scoped3A_394 = arith.constant 0 : i32
        "tpu.trace_start"() <{level = 10 : i32, message = "ep_run_kernel"}> : () -> ()
        "tpu.region"() ({
          %run_scoped3A_620 = tpu.sem_alloc : memref<!tpu.dma_semaphore, #tpu.memory_space<semaphore_mem>>
          %dma_start3A_621 = arith.constant 0 : i32
          %dma_start3A_622 = arith.constant 0 : i32
          %dma_start3A_623 = tpu.memref_slice %run_scoped3A_8[%rem3A_393, %dma_start3A_621, %dma_start3A_622] : memref<2x128x64xi32, #tpu.memory_space<vmem>> -> memref<1x128x64xi32, #tpu.memory_space<vmem>>
          %dma_start3A_624 = tpu.memref_squeeze %dma_start3A_623 : memref<1x128x64xi32, #tpu.memory_space<vmem>> -> memref<128x64xi32, #tpu.memory_space<vmem>>
          %dma_start3A_625 = arith.constant 0 : i32
          %dma_start3A_626 = arith.constant 0 : i32
          %dma_start3A_627 = tpu.memref_slice %run_scoped3A[%rem3A_391, %dma_start3A_625, %dma_start3A_626] : memref<2x1x128xi32, #tpu.memory_space<vmem>> -> memref<1x1x128xi32, #tpu.memory_space<vmem>>
          %dma_start3A_628 = tpu.memref_squeeze %dma_start3A_627 : memref<1x1x128xi32, #tpu.memory_space<vmem>> -> memref<1x128xi32, #tpu.memory_space<vmem>>
          %dma_start3A_629 = arith.constant 0 : i32
          %dma_start3A_630 = tpu.memref_slice %dma_start3A_628[%run_scoped3A_394, %dma_start3A_629] : memref<1x128xi32, #tpu.memory_space<vmem>> -> memref<1x128xi32, #tpu.memory_space<vmem>>
          %dma_start3A_631 = tpu.memref_squeeze %dma_start3A_630 : memref<1x128xi32, #tpu.memory_space<vmem>> -> memref<128xi32, #tpu.memory_space<vmem>>
          %dma_start3A_632 = arith.constant 0 : i32
          %dma_start3A_633 = arith.constant 0 : i32
          %dma_start3A_634 = tpu.memref_slice %arg2[%dma_start3A_632, %dma_start3A_633] : memref<30522x64xi32, #tpu.memory_space<hbm>> -> memref<30522x64xi32, #tpu.memory_space<hbm>>
          tpu.enqueue_indirect_dma source(%dma_start3A_634 : memref<30522x64xi32, #tpu.memory_space<hbm>>) target(%dma_start3A_624 : memref<128x64xi32, #tpu.memory_space<vmem>>) offsets(%dma_start3A_631 : memref<128xi32, #tpu.memory_space<vmem>>) semaphore(%run_scoped3A_620 : memref<!tpu.dma_semaphore, #tpu.memory_space<semaphore_mem>>)
          %dma_wait3A_635 = arith.constant 0 : i32
          %dma_wait3A_636 = arith.constant 0 : i32
          %dma_wait3A_637 = tpu.memref_slice %run_scoped3A_8[%rem3A_393, %dma_wait3A_635, %dma_wait3A_636] : memref<2x128x64xi32, #tpu.memory_space<vmem>> -> memref<1x128x64xi32, #tpu.memory_space<vmem>>
          %dma_wait3A_638 = tpu.memref_squeeze %dma_wait3A_637 : memref<1x128x64xi32, #tpu.memory_space<vmem>> -> memref<128x64xi32, #tpu.memory_space<vmem>>
          %dma_wait3A_639 = arith.constant 0 : i32
          %dma_wait3A_640 = arith.constant 0 : i32
          %dma_wait3A_641 = tpu.memref_slice %run_scoped3A[%rem3A_391, %dma_wait3A_639, %dma_wait3A_640] : memref<2x1x128xi32, #tpu.memory_space<vmem>> -> memref<1x1x128xi32, #tpu.memory_space<vmem>>
          %dma_wait3A_642 = tpu.memref_squeeze %dma_wait3A_641 : memref<1x1x128xi32, #tpu.memory_space<vmem>> -> memref<1x128xi32, #tpu.memory_space<vmem>>
          %dma_wait3A_643 = arith.constant 0 : i32
          %dma_wait3A_644 = tpu.memref_slice %dma_wait3A_642[%run_scoped3A_394, %dma_wait3A_643] : memref<1x128xi32, #tpu.memory_space<vmem>> -> memref<1x128xi32, #tpu.memory_space<vmem>>
          %dma_wait3A_645 = tpu.memref_squeeze %dma_wait3A_644 : memref<1x128xi32, #tpu.memory_space<vmem>> -> memref<128xi32, #tpu.memory_space<vmem>>
          %dma_wait3A_646 = arith.constant 0 : i32
          %dma_wait3A_647 = arith.constant 0 : i32
          %dma_wait3A_648 = tpu.memref_slice %arg2[%dma_wait3A_646, %dma_wait3A_647] : memref<30522x64xi32, #tpu.memory_space<hbm>> -> memref<30522x64xi32, #tpu.memory_space<hbm>>
          tpu.wait_indirect_dma semaphore(%run_scoped3A_620 : memref<!tpu.dma_semaphore, #tpu.memory_space<semaphore_mem>>) src(%dma_wait3A_648 : memref<30522x64xi32, #tpu.memory_space<hbm>>) dst(%dma_wait3A_638 : memref<128x64xi32, #tpu.memory_space<vmem>>)
          tpu.yield
        }) : () -> ()
        "tpu.trace_stop"() : () -> ()
        %ne3A_395 = arith.cmpi ne, %add3A_165, %add3A_183 : i32
        %or3A_396 = arith.constant false
        %or3A_397 = arith.ori %or3A_396, %ne3A_395 : i1
        %or3A_398 = arith.ori %or3A_397, %eq3A_164 : i1
        %convert_element_type3A_399 = arith.extui %or3A_398 : i1 to i32
        %cond3A_400 = arith.constant 0 : i32
        %cond3A_401 = arith.cmpi ne, %convert_element_type3A_399, %cond3A_400 : i32
        scf.if %cond3A_401 {
        } else {
        }
        %and3A_402 = arith.constant false
        %and3A_403 = arith.andi %or3A_398, %and3A_402 : i1
        %jit3A_404 = arith.constant 2 : i32
        %div3A_405 = arith.divsi %add3A_165, %jit3A_404 : i32
        %sign3A_406 = arith.constant 0 : i32
        %sign3A_407 = arith.cmpi sgt, %add3A_165, %sign3A_406 : i32
        %sign3A_408 = arith.extui %sign3A_407 : i1 to i32
        %sign3A_409 = arith.constant 0 : i32
        %sign3A_410 = arith.cmpi slt, %add3A_165, %sign3A_409 : i32
        %sign3A_411 = arith.extui %sign3A_410 : i1 to i32
        %sign3A_412 = arith.subi %sign3A_408, %sign3A_411 : i32
        %sign3A_413 = arith.constant 0 : i32
        %sign3A_414 = arith.cmpi sgt, %jit3A_404, %sign3A_413 : i32
        %sign3A_415 = arith.extui %sign3A_414 : i1 to i32
        %sign3A_416 = arith.constant 0 : i32
        %sign3A_417 = arith.cmpi slt, %jit3A_404, %sign3A_416 : i32
        %sign3A_418 = arith.extui %sign3A_417 : i1 to i32
        %sign3A_419 = arith.subi %sign3A_415, %sign3A_418 : i32
        %ne3A_420 = arith.cmpi ne, %sign3A_412, %sign3A_419 : i32
        %rem3A_421 = arith.remsi %add3A_165, %jit3A_404 : i32
        %ne3A_422 = arith.constant 0 : i32
        %ne3A_423 = arith.cmpi ne, %rem3A_421, %ne3A_422 : i32
        %and3A_424 = arith.andi %ne3A_420, %ne3A_423 : i1
        %sub3A_425 = arith.constant 1 : i32
        %sub3A_426 = arith.subi %div3A_405, %sub3A_425 : i32
        %select_n3A_427 = arith.select %and3A_424, %sub3A_426, %div3A_405 : i32
        %jit3A_428 = arith.constant 2 : i32
        %eq3A_429 = arith.constant 0 : i32
        %eq3A_430 = arith.cmpi eq, %jit3A_428, %eq3A_429 : i32
        %jit3A_431 = arith.constant 1 : i32
        %select_n3A_432 = arith.select %eq3A_430, %jit3A_431, %jit3A_428 : i32
        %rem3A_433 = arith.remsi %add3A_165, %select_n3A_432 : i32
        %ne3A_434 = arith.constant 0 : i32
        %ne3A_435 = arith.cmpi ne, %rem3A_433, %ne3A_434 : i32
        %lt3A_436 = arith.constant 0 : i32
        %lt3A_437 = arith.cmpi slt, %rem3A_433, %lt3A_436 : i32
        %lt3A_438 = arith.constant 0 : i32
        %lt3A_439 = arith.cmpi slt, %select_n3A_432, %lt3A_438 : i32
        %ne3A_440 = arith.xori %lt3A_437, %lt3A_439 : i1
        %and3A_441 = arith.andi %ne3A_440, %ne3A_435 : i1
        %add3A_442 = arith.addi %rem3A_433, %select_n3A_432 : i32
        %select_n3A_443 = arith.select %and3A_441, %add3A_442, %rem3A_433 : i32
        %jit3A_444 = arith.constant 2 : i32
        %div3A_445 = arith.divsi %add3A_183, %jit3A_444 : i32
        %sign3A_446 = arith.constant 0 : i32
        %sign3A_447 = arith.cmpi sgt, %add3A_183, %sign3A_446 : i32
        %sign3A_448 = arith.extui %sign3A_447 : i1 to i32
        %sign3A_449 = arith.constant 0 : i32
        %sign3A_450 = arith.cmpi slt, %add3A_183, %sign3A_449 : i32
        %sign3A_451 = arith.extui %sign3A_450 : i1 to i32
        %sign3A_452 = arith.subi %sign3A_448, %sign3A_451 : i32
        %sign3A_453 = arith.constant 0 : i32
        %sign3A_454 = arith.cmpi sgt, %jit3A_444, %sign3A_453 : i32
        %sign3A_455 = arith.extui %sign3A_454 : i1 to i32
        %sign3A_456 = arith.constant 0 : i32
        %sign3A_457 = arith.cmpi slt, %jit3A_444, %sign3A_456 : i32
        %sign3A_458 = arith.extui %sign3A_457 : i1 to i32
        %sign3A_459 = arith.subi %sign3A_455, %sign3A_458 : i32
        %ne3A_460 = arith.cmpi ne, %sign3A_452, %sign3A_459 : i32
        %rem3A_461 = arith.remsi %add3A_183, %jit3A_444 : i32
        %ne3A_462 = arith.constant 0 : i32
        %ne3A_463 = arith.cmpi ne, %rem3A_461, %ne3A_462 : i32
        %and3A_464 = arith.andi %ne3A_460, %ne3A_463 : i1
        %sub3A_465 = arith.constant 1 : i32
        %sub3A_466 = arith.subi %div3A_445, %sub3A_465 : i32
        %select_n3A_467 = arith.select %and3A_464, %sub3A_466, %div3A_445 : i32
        %jit3A_468 = arith.constant 2 : i32
        %eq3A_469 = arith.constant 0 : i32
        %eq3A_470 = arith.cmpi eq, %jit3A_468, %eq3A_469 : i32
        %jit3A_471 = arith.constant 1 : i32
        %select_n3A_472 = arith.select %eq3A_470, %jit3A_471, %jit3A_468 : i32
        %rem3A_473 = arith.remsi %add3A_183, %select_n3A_472 : i32
        %ne3A_474 = arith.constant 0 : i32
        %ne3A_475 = arith.cmpi ne, %rem3A_473, %ne3A_474 : i32
        %lt3A_476 = arith.constant 0 : i32
        %lt3A_477 = arith.cmpi slt, %rem3A_473, %lt3A_476 : i32
        %lt3A_478 = arith.constant 0 : i32
        %lt3A_479 = arith.cmpi slt, %select_n3A_472, %lt3A_478 : i32
        %ne3A_480 = arith.xori %lt3A_477, %lt3A_479 : i1
        %and3A_481 = arith.andi %ne3A_480, %ne3A_475 : i1
        %add3A_482 = arith.addi %rem3A_473, %select_n3A_472 : i32
        %select_n3A_483 = arith.select %and3A_481, %add3A_482, %rem3A_473 : i32
        %ne3A_484 = arith.cmpi ne, %select_n3A_427, %select_n3A_467 : i32
        %ne3A_485 = arith.cmpi ne, %select_n3A_443, %select_n3A_483 : i32
        %or3A_486 = arith.constant false
        %or3A_487 = arith.ori %or3A_486, %ne3A_484 : i1
        %or3A_488 = arith.ori %or3A_487, %ne3A_485 : i1
        %or3A_489 = arith.ori %or3A_488, %eq3A_164 : i1
        %convert_element_type3A_490 = arith.extui %or3A_489 : i1 to i32
        %cond3A_491 = arith.constant 0 : i32
        %cond3A_492 = arith.cmpi ne, %convert_element_type3A_490, %cond3A_491 : i32
        scf.if %cond3A_492 {
          "tpu.trace_start"() <{level = 10 : i32, message = "ep_copy_out"}> : () -> ()
          %rem3A_620 = arith.constant 2 : i32
          %rem3A_621 = arith.remui %scan3A_158, %rem3A_620 : i32
          %jit3A_622 = arith.constant 2 : i32
          %div3A_623 = arith.divsi %add3A_165, %jit3A_622 : i32
          %sign3A_624 = arith.constant 0 : i32
          %sign3A_625 = arith.cmpi sgt, %add3A_165, %sign3A_624 : i32
          %sign3A_626 = arith.extui %sign3A_625 : i1 to i32
          %sign3A_627 = arith.constant 0 : i32
          %sign3A_628 = arith.cmpi slt, %add3A_165, %sign3A_627 : i32
          %sign3A_629 = arith.extui %sign3A_628 : i1 to i32
          %sign3A_630 = arith.subi %sign3A_626, %sign3A_629 : i32
          %sign3A_631 = arith.constant 0 : i32
          %sign3A_632 = arith.cmpi sgt, %jit3A_622, %sign3A_631 : i32
          %sign3A_633 = arith.extui %sign3A_632 : i1 to i32
          %sign3A_634 = arith.constant 0 : i32
          %sign3A_635 = arith.cmpi slt, %jit3A_622, %sign3A_634 : i32
          %sign3A_636 = arith.extui %sign3A_635 : i1 to i32
          %sign3A_637 = arith.subi %sign3A_633, %sign3A_636 : i32
          %ne3A_638 = arith.cmpi ne, %sign3A_630, %sign3A_637 : i32
          %rem3A_639 = arith.remsi %add3A_165, %jit3A_622 : i32
          %ne3A_640 = arith.constant 0 : i32
          %ne3A_641 = arith.cmpi ne, %rem3A_639, %ne3A_640 : i32
          %and3A_642 = arith.andi %ne3A_638, %ne3A_641 : i1
          %sub3A_643 = arith.constant 1 : i32
          %sub3A_644 = arith.subi %div3A_623, %sub3A_643 : i32
          %select_n3A_645 = arith.select %and3A_642, %sub3A_644, %div3A_623 : i32
          %jit3A_646 = arith.constant 2 : i32
          %eq3A_647 = arith.constant 0 : i32
          %eq3A_648 = arith.cmpi eq, %jit3A_646, %eq3A_647 : i32
          %jit3A_649 = arith.constant 1 : i32
          %select_n3A_650 = arith.select %eq3A_648, %jit3A_649, %jit3A_646 : i32
          %rem3A_651 = arith.remsi %add3A_165, %select_n3A_650 : i32
          %ne3A_652 = arith.constant 0 : i32
          %ne3A_653 = arith.cmpi ne, %rem3A_651, %ne3A_652 : i32
          %lt3A_654 = arith.constant 0 : i32
          %lt3A_655 = arith.cmpi slt, %rem3A_651, %lt3A_654 : i32
          %lt3A_656 = arith.constant 0 : i32
          %lt3A_657 = arith.cmpi slt, %select_n3A_650, %lt3A_656 : i32
          %ne3A_658 = arith.xori %lt3A_655, %lt3A_657 : i1
          %and3A_659 = arith.andi %ne3A_658, %ne3A_653 : i1
          %add3A_660 = arith.addi %rem3A_651, %select_n3A_650 : i32
          %select_n3A_661 = arith.select %and3A_659, %add3A_660, %rem3A_651 : i32
          %mul3A_662 = arith.constant 128 : i32
          %mul3A_663 = arith.muli %mul3A_662, %select_n3A_645 : i32
          %mul3A_664 = arith.constant 64 : i32
          %mul3A_665 = arith.muli %mul3A_664, %select_n3A_661 : i32
          %dma_start3A_666 = arith.constant 0 : i32
          %dma_start3A_667 = arith.constant 0 : i32
          %dma_start3A_668 = tpu.memref_slice %run_scoped3A_8[%rem3A_621, %dma_start3A_666, %dma_start3A_667] : memref<2x128x64xi32, #tpu.memory_space<vmem>> -> memref<1x128x64xi32, #tpu.memory_space<vmem>>
          %dma_start3A_669 = tpu.memref_squeeze %dma_start3A_668 : memref<1x128x64xi32, #tpu.memory_space<vmem>> -> memref<128x64xi32, #tpu.memory_space<vmem>>
          %dma_start3A_670 = tpu.memref_slice %arg4[%mul3A_663, %mul3A_665] : memref<73728x128xi32, #tpu.memory_space<hbm>> -> memref<128x64xi32, #tpu.memory_space<hbm>>
          %dma_start3A_671 = tpu.memref_slice %run_scoped3A_9[%rem3A_621] : memref<2x!tpu.dma_semaphore, #tpu.memory_space<semaphore_mem>> -> memref<1x!tpu.dma_semaphore, #tpu.memory_space<semaphore_mem>>
          %dma_start3A_672 = tpu.memref_squeeze %dma_start3A_671 : memref<1x!tpu.dma_semaphore, #tpu.memory_space<semaphore_mem>> -> memref<!tpu.dma_semaphore, #tpu.memory_space<semaphore_mem>>
          %dma_start3A_673 = tpu.memref_slice %arg4[%mul3A_663, %mul3A_665] : memref<73728x128xi32, #tpu.memory_space<hbm>> -> memref<128x64xi32, #tpu.memory_space<hbm>>
          %dma_start3A_674 = arith.constant 0 : i32
          %dma_start3A_675 = arith.constant 0 : i32
          %dma_start3A_676 = tpu.memref_slice %run_scoped3A_8[%rem3A_621, %dma_start3A_674, %dma_start3A_675] : memref<2x128x64xi32, #tpu.memory_space<vmem>> -> memref<1x128x64xi32, #tpu.memory_space<vmem>>
          %dma_start3A_677 = tpu.memref_squeeze %dma_start3A_676 : memref<1x128x64xi32, #tpu.memory_space<vmem>> -> memref<128x64xi32, #tpu.memory_space<vmem>>
          tpu.enqueue_dma source(%dma_start3A_677 : memref<128x64xi32, #tpu.memory_space<vmem>>) target(%dma_start3A_673 : memref<128x64xi32, #tpu.memory_space<hbm>>) target_semaphore(%dma_start3A_672 : memref<!tpu.dma_semaphore, #tpu.memory_space<semaphore_mem>>)
          "tpu.trace_stop"() : () -> ()
        } else {
        }
        %and3A_493 = arith.constant true
        %and3A_494 = arith.andi %or3A_489, %and3A_493 : i1
        %add3A_495 = arith.constant 1 : i32
        %add3A_496 = arith.addi %scan3A_158, %add3A_495 : i32
        %select_n3A_497 = arith.select %and3A_494, %add3A_496, %scan3A_158 : i32
        %ne3A_498 = arith.cmpi ne, %add3A_165, %add3A_174 : i32
        %or3A_499 = arith.constant false
        %or3A_500 = arith.ori %or3A_499, %ne3A_498 : i1
        %not3A_501 = arith.constant true
        %not3A_502 = arith.xori %eq3A_162, %not3A_501 : i1
        %and3A_503 = arith.andi %or3A_500, %not3A_502 : i1
        %convert_element_type3A_504 = arith.extui %and3A_503 : i1 to i32
        %cond3A_505 = arith.constant 0 : i32
        %cond3A_506 = arith.cmpi ne, %convert_element_type3A_504, %cond3A_505 : i32
        scf.if %cond3A_506 {
        } else {
        }
        %and3A_507 = arith.constant false
        %and3A_508 = arith.andi %and3A_503, %and3A_507 : i1
        %jit3A_509 = arith.constant 2 : i32
        %div3A_510 = arith.divsi %add3A_165, %jit3A_509 : i32
        %sign3A_511 = arith.constant 0 : i32
        %sign3A_512 = arith.cmpi sgt, %add3A_165, %sign3A_511 : i32
        %sign3A_513 = arith.extui %sign3A_512 : i1 to i32
        %sign3A_514 = arith.constant 0 : i32
        %sign3A_515 = arith.cmpi slt, %add3A_165, %sign3A_514 : i32
        %sign3A_516 = arith.extui %sign3A_515 : i1 to i32
        %sign3A_517 = arith.subi %sign3A_513, %sign3A_516 : i32
        %sign3A_518 = arith.constant 0 : i32
        %sign3A_519 = arith.cmpi sgt, %jit3A_509, %sign3A_518 : i32
        %sign3A_520 = arith.extui %sign3A_519 : i1 to i32
        %sign3A_521 = arith.constant 0 : i32
        %sign3A_522 = arith.cmpi slt, %jit3A_509, %sign3A_521 : i32
        %sign3A_523 = arith.extui %sign3A_522 : i1 to i32
        %sign3A_524 = arith.subi %sign3A_520, %sign3A_523 : i32
        %ne3A_525 = arith.cmpi ne, %sign3A_517, %sign3A_524 : i32
        %rem3A_526 = arith.remsi %add3A_165, %jit3A_509 : i32
        %ne3A_527 = arith.constant 0 : i32
        %ne3A_528 = arith.cmpi ne, %rem3A_526, %ne3A_527 : i32
        %and3A_529 = arith.andi %ne3A_525, %ne3A_528 : i1
        %sub3A_530 = arith.constant 1 : i32
        %sub3A_531 = arith.subi %div3A_510, %sub3A_530 : i32
        %select_n3A_532 = arith.select %and3A_529, %sub3A_531, %div3A_510 : i32
        %jit3A_533 = arith.constant 2 : i32
        %eq3A_534 = arith.constant 0 : i32
        %eq3A_535 = arith.cmpi eq, %jit3A_533, %eq3A_534 : i32
        %jit3A_536 = arith.constant 1 : i32
        %select_n3A_537 = arith.select %eq3A_535, %jit3A_536, %jit3A_533 : i32
        %rem3A_538 = arith.remsi %add3A_165, %select_n3A_537 : i32
        %ne3A_539 = arith.constant 0 : i32
        %ne3A_540 = arith.cmpi ne, %rem3A_538, %ne3A_539 : i32
        %lt3A_541 = arith.constant 0 : i32
        %lt3A_542 = arith.cmpi slt, %rem3A_538, %lt3A_541 : i32
        %lt3A_543 = arith.constant 0 : i32
        %lt3A_544 = arith.cmpi slt, %select_n3A_537, %lt3A_543 : i32
        %ne3A_545 = arith.xori %lt3A_542, %lt3A_544 : i1
        %and3A_546 = arith.andi %ne3A_545, %ne3A_540 : i1
        %add3A_547 = arith.addi %rem3A_538, %select_n3A_537 : i32
        %select_n3A_548 = arith.select %and3A_546, %add3A_547, %rem3A_538 : i32
        %jit3A_549 = arith.constant 2 : i32
        %div3A_550 = arith.divsi %add3A_174, %jit3A_549 : i32
        %sign3A_551 = arith.constant 0 : i32
        %sign3A_552 = arith.cmpi sgt, %add3A_174, %sign3A_551 : i32
        %sign3A_553 = arith.extui %sign3A_552 : i1 to i32
        %sign3A_554 = arith.constant 0 : i32
        %sign3A_555 = arith.cmpi slt, %add3A_174, %sign3A_554 : i32
        %sign3A_556 = arith.extui %sign3A_555 : i1 to i32
        %sign3A_557 = arith.subi %sign3A_553, %sign3A_556 : i32
        %sign3A_558 = arith.constant 0 : i32
        %sign3A_559 = arith.cmpi sgt, %jit3A_549, %sign3A_558 : i32
        %sign3A_560 = arith.extui %sign3A_559 : i1 to i32
        %sign3A_561 = arith.constant 0 : i32
        %sign3A_562 = arith.cmpi slt, %jit3A_549, %sign3A_561 : i32
        %sign3A_563 = arith.extui %sign3A_562 : i1 to i32
        %sign3A_564 = arith.subi %sign3A_560, %sign3A_563 : i32
        %ne3A_565 = arith.cmpi ne, %sign3A_557, %sign3A_564 : i32
        %rem3A_566 = arith.remsi %add3A_174, %jit3A_549 : i32
        %ne3A_567 = arith.constant 0 : i32
        %ne3A_568 = arith.cmpi ne, %rem3A_566, %ne3A_567 : i32
        %and3A_569 = arith.andi %ne3A_565, %ne3A_568 : i1
        %sub3A_570 = arith.constant 1 : i32
        %sub3A_571 = arith.subi %div3A_550, %sub3A_570 : i32
        %select_n3A_572 = arith.select %and3A_569, %sub3A_571, %div3A_550 : i32
        %jit3A_573 = arith.constant 2 : i32
        %eq3A_574 = arith.constant 0 : i32
        %eq3A_575 = arith.cmpi eq, %jit3A_573, %eq3A_574 : i32
        %jit3A_576 = arith.constant 1 : i32
        %select_n3A_577 = arith.select %eq3A_575, %jit3A_576, %jit3A_573 : i32
        %rem3A_578 = arith.remsi %add3A_174, %select_n3A_577 : i32
        %ne3A_579 = arith.constant 0 : i32
        %ne3A_580 = arith.cmpi ne, %rem3A_578, %ne3A_579 : i32
        %lt3A_581 = arith.constant 0 : i32
        %lt3A_582 = arith.cmpi slt, %rem3A_578, %lt3A_581 : i32
        %lt3A_583 = arith.constant 0 : i32
        %lt3A_584 = arith.cmpi slt, %select_n3A_577, %lt3A_583 : i32
        %ne3A_585 = arith.xori %lt3A_582, %lt3A_584 : i1
        %and3A_586 = arith.andi %ne3A_585, %ne3A_580 : i1
        %add3A_587 = arith.addi %rem3A_578, %select_n3A_577 : i32
        %select_n3A_588 = arith.select %and3A_586, %add3A_587, %rem3A_578 : i32
        %ne3A_589 = arith.cmpi ne, %select_n3A_532, %select_n3A_572 : i32
        %ne3A_590 = arith.cmpi ne, %select_n3A_548, %select_n3A_588 : i32
        %or3A_591 = arith.constant false
        %or3A_592 = arith.ori %or3A_591, %ne3A_589 : i1
        %or3A_593 = arith.ori %or3A_592, %ne3A_590 : i1
        %not3A_594 = arith.constant true
        %not3A_595 = arith.xori %eq3A_162, %not3A_594 : i1
        %and3A_596 = arith.andi %or3A_593, %not3A_595 : i1
        %convert_element_type3A_597 = arith.extui %and3A_596 : i1 to i32
        %cond3A_598 = arith.constant 0 : i32
        %cond3A_599 = arith.cmpi ne, %convert_element_type3A_597, %cond3A_598 : i32
        scf.if %cond3A_599 {
          "tpu.trace_start"() <{level = 10 : i32, message = "ep_wait_out"}> : () -> ()
          %rem3A_620 = arith.constant 2 : i32
          %rem3A_621 = arith.remui %scan3A_159, %rem3A_620 : i32
          %jit3A_622 = arith.constant 2 : i32
          %div3A_623 = arith.divsi %add3A_174, %jit3A_622 : i32
          %sign3A_624 = arith.constant 0 : i32
          %sign3A_625 = arith.cmpi sgt, %add3A_174, %sign3A_624 : i32
          %sign3A_626 = arith.extui %sign3A_625 : i1 to i32
          %sign3A_627 = arith.constant 0 : i32
          %sign3A_628 = arith.cmpi slt, %add3A_174, %sign3A_627 : i32
          %sign3A_629 = arith.extui %sign3A_628 : i1 to i32
          %sign3A_630 = arith.subi %sign3A_626, %sign3A_629 : i32
          %sign3A_631 = arith.constant 0 : i32
          %sign3A_632 = arith.cmpi sgt, %jit3A_622, %sign3A_631 : i32
          %sign3A_633 = arith.extui %sign3A_632 : i1 to i32
          %sign3A_634 = arith.constant 0 : i32
          %sign3A_635 = arith.cmpi slt, %jit3A_622, %sign3A_634 : i32
          %sign3A_636 = arith.extui %sign3A_635 : i1 to i32
          %sign3A_637 = arith.subi %sign3A_633, %sign3A_636 : i32
          %ne3A_638 = arith.cmpi ne, %sign3A_630, %sign3A_637 : i32
          %rem3A_639 = arith.remsi %add3A_174, %jit3A_622 : i32
          %ne3A_640 = arith.constant 0 : i32
          %ne3A_641 = arith.cmpi ne, %rem3A_639, %ne3A_640 : i32
          %and3A_642 = arith.andi %ne3A_638, %ne3A_641 : i1
          %sub3A_643 = arith.constant 1 : i32
          %sub3A_644 = arith.subi %div3A_623, %sub3A_643 : i32
          %select_n3A_645 = arith.select %and3A_642, %sub3A_644, %div3A_623 : i32
          %jit3A_646 = arith.constant 2 : i32
          %eq3A_647 = arith.constant 0 : i32
          %eq3A_648 = arith.cmpi eq, %jit3A_646, %eq3A_647 : i32
          %jit3A_649 = arith.constant 1 : i32
          %select_n3A_650 = arith.select %eq3A_648, %jit3A_649, %jit3A_646 : i32
          %rem3A_651 = arith.remsi %add3A_174, %select_n3A_650 : i32
          %ne3A_652 = arith.constant 0 : i32
          %ne3A_653 = arith.cmpi ne, %rem3A_651, %ne3A_652 : i32
          %lt3A_654 = arith.constant 0 : i32
          %lt3A_655 = arith.cmpi slt, %rem3A_651, %lt3A_654 : i32
          %lt3A_656 = arith.constant 0 : i32
          %lt3A_657 = arith.cmpi slt, %select_n3A_650, %lt3A_656 : i32
          %ne3A_658 = arith.xori %lt3A_655, %lt3A_657 : i1
          %and3A_659 = arith.andi %ne3A_658, %ne3A_653 : i1
          %add3A_660 = arith.addi %rem3A_651, %select_n3A_650 : i32
          %select_n3A_661 = arith.select %and3A_659, %add3A_660, %rem3A_651 : i32
          %mul3A_662 = arith.constant 128 : i32
          %mul3A_663 = arith.muli %mul3A_662, %select_n3A_645 : i32
          %mul3A_664 = arith.constant 64 : i32
          %mul3A_665 = arith.muli %mul3A_664, %select_n3A_661 : i32
          %dma_wait3A_666 = arith.constant 0 : i32
          %dma_wait3A_667 = arith.constant 0 : i32
          %dma_wait3A_668 = tpu.memref_slice %run_scoped3A_8[%rem3A_621, %dma_wait3A_666, %dma_wait3A_667] : memref<2x128x64xi32, #tpu.memory_space<vmem>> -> memref<1x128x64xi32, #tpu.memory_space<vmem>>
          %dma_wait3A_669 = tpu.memref_squeeze %dma_wait3A_668 : memref<1x128x64xi32, #tpu.memory_space<vmem>> -> memref<128x64xi32, #tpu.memory_space<vmem>>
          %dma_wait3A_670 = tpu.memref_slice %arg4[%mul3A_663, %mul3A_665] : memref<73728x128xi32, #tpu.memory_space<hbm>> -> memref<128x64xi32, #tpu.memory_space<hbm>>
          %dma_wait3A_671 = tpu.memref_slice %run_scoped3A_9[%rem3A_621] : memref<2x!tpu.dma_semaphore, #tpu.memory_space<semaphore_mem>> -> memref<1x!tpu.dma_semaphore, #tpu.memory_space<semaphore_mem>>
          %dma_wait3A_672 = tpu.memref_squeeze %dma_wait3A_671 : memref<1x!tpu.dma_semaphore, #tpu.memory_space<semaphore_mem>> -> memref<!tpu.dma_semaphore, #tpu.memory_space<semaphore_mem>>
          %dma_wait3A_673 = tpu.memref_slice %arg4[%mul3A_663, %mul3A_665] : memref<73728x128xi32, #tpu.memory_space<hbm>> -> memref<128x64xi32, #tpu.memory_space<hbm>>
          %dma_wait3A_674 = arith.constant 0 : i32
          %dma_wait3A_675 = arith.constant 0 : i32
          %dma_wait3A_676 = tpu.memref_slice %run_scoped3A_8[%rem3A_621, %dma_wait3A_674, %dma_wait3A_675] : memref<2x128x64xi32, #tpu.memory_space<vmem>> -> memref<1x128x64xi32, #tpu.memory_space<vmem>>
          %dma_wait3A_677 = tpu.memref_squeeze %dma_wait3A_676 : memref<1x128x64xi32, #tpu.memory_space<vmem>> -> memref<128x64xi32, #tpu.memory_space<vmem>>
          tpu.wait_dma2 semaphore(%dma_wait3A_672 : memref<!tpu.dma_semaphore, #tpu.memory_space<semaphore_mem>>) src(%dma_wait3A_677 : memref<128x64xi32, #tpu.memory_space<vmem>>) dst(%dma_wait3A_673 : memref<128x64xi32, #tpu.memory_space<hbm>>)
          "tpu.trace_stop"() : () -> ()
        } else {
        }
        %and3A_600 = arith.constant true
        %and3A_601 = arith.andi %and3A_596, %and3A_600 : i1
        %add3A_602 = arith.constant 1 : i32
        %add3A_603 = arith.addi %scan3A_159, %add3A_602 : i32
        %select_n3A_604 = arith.select %and3A_601, %add3A_603, %scan3A_159 : i32
        %ne3A_605 = arith.cmpi ne, %add3A_165, %add3A_183 : i32
        %or3A_606 = arith.constant false
        %or3A_607 = arith.ori %or3A_606, %ne3A_605 : i1
        %or3A_608 = arith.ori %or3A_607, %eq3A_164 : i1
        %add3A_609 = arith.constant 1 : i32
        %add3A_610 = arith.addi %scan3A_157, %add3A_609 : i32
        %select_n3A_611 = arith.select %or3A_608, %add3A_610, %scan3A_157 : i32
        %add3A_612 = arith.constant 1 : i32
        %add3A_613 = arith.addi %scan3A_160, %add3A_612 : i32
        %select_n3A_614 = arith.constant true
        %select_n3A_615 = arith.select %select_n3A_614, %add3A_613, %scan3A_160 : i32
        %eq3A_616 = arith.constant 36 : i32
        %eq3A_617 = arith.cmpi eq, %select_n3A_615, %eq3A_616 : i32
        %select_n3A_618 = arith.constant 0 : i32
        %select_n3A_619 = arith.select %eq3A_617, %select_n3A_618, %select_n3A_615 : i32
        scf.yield %select_n3A_203, %select_n3A_611, %select_n3A_497, %select_n3A_604, %select_n3A_619 : i32, i32, i32, i32, i32
      }
      %scan3A_68 = arith.constant 36 : i32
      %sub3A = arith.constant 1 : i32
      %sub3A_69 = arith.subi %scan3A_67#4, %sub3A : i32
      %select_n3A_70 = arith.constant true
      %select_n3A_71 = arith.select %select_n3A_70, %sub3A_69, %scan3A_67#4 : i32
      %eq3A_72 = arith.constant -1 : i32
      %eq3A_73 = arith.cmpi eq, %select_n3A_71, %eq3A_72 : i32
      %select_n3A_74 = arith.constant 35 : i32
      %select_n3A_75 = arith.select %eq3A_73, %select_n3A_74, %select_n3A_71 : i32
      %add3A_76 = arith.addi %select_n3A_75, %mul3A_6 : i32
      %sub3A_77 = arith.constant 1 : i32
      %sub3A_78 = arith.subi %select_n3A_75, %sub3A_77 : i32
      %select_n3A_79 = arith.constant true
      %select_n3A_80 = arith.select %select_n3A_79, %sub3A_78, %select_n3A_75 : i32
      %eq3A_81 = arith.constant -1 : i32
      %eq3A_82 = arith.cmpi eq, %select_n3A_80, %eq3A_81 : i32
      %select_n3A_83 = arith.constant 35 : i32
      %select_n3A_84 = arith.select %eq3A_82, %select_n3A_83, %select_n3A_80 : i32
      %add3A_85 = arith.addi %select_n3A_84, %mul3A_6 : i32
      %add3A_86 = arith.constant 1 : i32
      %add3A_87 = arith.addi %select_n3A_75, %add3A_86 : i32
      %select_n3A_88 = arith.constant true
      %select_n3A_89 = arith.select %select_n3A_88, %add3A_87, %select_n3A_75 : i32
      %eq3A_90 = arith.constant 36 : i32
      %eq3A_91 = arith.cmpi eq, %select_n3A_89, %eq3A_90 : i32
      %select_n3A_92 = arith.constant 0 : i32
      %select_n3A_93 = arith.select %eq3A_91, %select_n3A_92, %select_n3A_89 : i32
      %add3A_94 = arith.addi %select_n3A_93, %mul3A_6 : i32
      %add3A_95 = arith.constant 1 : i32
      %add3A_96 = arith.addi %select_n3A_93, %add3A_95 : i32
      %select_n3A_97 = arith.constant true
      %select_n3A_98 = arith.select %select_n3A_97, %add3A_96, %select_n3A_93 : i32
      %eq3A_99 = arith.constant 36 : i32
      %eq3A_100 = arith.cmpi eq, %select_n3A_98, %eq3A_99 : i32
      %select_n3A_101 = arith.constant 0 : i32
      %select_n3A_102 = arith.select %eq3A_100, %select_n3A_101, %select_n3A_98 : i32
      %add3A_103 = arith.addi %select_n3A_102, %mul3A_6 : i32
      "tpu.trace_start"() <{level = 10 : i32, message = "ep_finalize"}> : () -> ()
      %rem3A_104 = arith.constant 2 : i32
      %rem3A_105 = arith.remui %scan3A_67#3, %rem3A_104 : i32
      %jit3A = arith.constant 2 : i32
      %div3A = arith.divsi %add3A_76, %jit3A : i32
      %sign3A = arith.constant 0 : i32
      %sign3A_106 = arith.cmpi sgt, %add3A_76, %sign3A : i32
      %sign3A_107 = arith.extui %sign3A_106 : i1 to i32
      %sign3A_108 = arith.constant 0 : i32
      %sign3A_109 = arith.cmpi slt, %add3A_76, %sign3A_108 : i32
      %sign3A_110 = arith.extui %sign3A_109 : i1 to i32
      %sign3A_111 = arith.subi %sign3A_107, %sign3A_110 : i32
      %sign3A_112 = arith.constant 0 : i32
      %sign3A_113 = arith.cmpi sgt, %jit3A, %sign3A_112 : i32
      %sign3A_114 = arith.extui %sign3A_113 : i1 to i32
      %sign3A_115 = arith.constant 0 : i32
      %sign3A_116 = arith.cmpi slt, %jit3A, %sign3A_115 : i32
      %sign3A_117 = arith.extui %sign3A_116 : i1 to i32
      %sign3A_118 = arith.subi %sign3A_114, %sign3A_117 : i32
      %ne3A = arith.cmpi ne, %sign3A_111, %sign3A_118 : i32
      %rem3A_119 = arith.remsi %add3A_76, %jit3A : i32
      %ne3A_120 = arith.constant 0 : i32
      %ne3A_121 = arith.cmpi ne, %rem3A_119, %ne3A_120 : i32
      %and3A = arith.andi %ne3A, %ne3A_121 : i1
      %sub3A_122 = arith.constant 1 : i32
      %sub3A_123 = arith.subi %div3A, %sub3A_122 : i32
      %select_n3A_124 = arith.select %and3A, %sub3A_123, %div3A : i32
      %jit3A_125 = arith.constant 2 : i32
      %eq3A_126 = arith.constant 0 : i32
      %eq3A_127 = arith.cmpi eq, %jit3A_125, %eq3A_126 : i32
      %jit3A_128 = arith.constant 1 : i32
      %select_n3A_129 = arith.select %eq3A_127, %jit3A_128, %jit3A_125 : i32
      %rem3A_130 = arith.remsi %add3A_76, %select_n3A_129 : i32
      %ne3A_131 = arith.constant 0 : i32
      %ne3A_132 = arith.cmpi ne, %rem3A_130, %ne3A_131 : i32
      %lt3A = arith.constant 0 : i32
      %lt3A_133 = arith.cmpi slt, %rem3A_130, %lt3A : i32
      %lt3A_134 = arith.constant 0 : i32
      %lt3A_135 = arith.cmpi slt, %select_n3A_129, %lt3A_134 : i32
      %ne3A_136 = arith.xori %lt3A_133, %lt3A_135 : i1
      %and3A_137 = arith.andi %ne3A_136, %ne3A_132 : i1
      %add3A_138 = arith.addi %rem3A_130, %select_n3A_129 : i32
      %select_n3A_139 = arith.select %and3A_137, %add3A_138, %rem3A_130 : i32
      %mul3A_140 = arith.constant 128 : i32
      %mul3A_141 = arith.muli %mul3A_140, %select_n3A_124 : i32
      %mul3A_142 = arith.constant 64 : i32
      %mul3A_143 = arith.muli %mul3A_142, %select_n3A_139 : i32
      %dma_wait3A = arith.constant 0 : i32
      %dma_wait3A_144 = arith.constant 0 : i32
      %dma_wait3A_145 = tpu.memref_slice %run_scoped3A_8[%rem3A_105, %dma_wait3A, %dma_wait3A_144] : memref<2x128x64xi32, #tpu.memory_space<vmem>> -> memref<1x128x64xi32, #tpu.memory_space<vmem>>
      %dma_wait3A_146 = tpu.memref_squeeze %dma_wait3A_145 : memref<1x128x64xi32, #tpu.memory_space<vmem>> -> memref<128x64xi32, #tpu.memory_space<vmem>>
      %dma_wait3A_147 = tpu.memref_slice %arg4[%mul3A_141, %mul3A_143] : memref<73728x128xi32, #tpu.memory_space<hbm>> -> memref<128x64xi32, #tpu.memory_space<hbm>>
      %dma_wait3A_148 = tpu.memref_slice %run_scoped3A_9[%rem3A_105] : memref<2x!tpu.dma_semaphore, #tpu.memory_space<semaphore_mem>> -> memref<1x!tpu.dma_semaphore, #tpu.memory_space<semaphore_mem>>
      %dma_wait3A_149 = tpu.memref_squeeze %dma_wait3A_148 : memref<1x!tpu.dma_semaphore, #tpu.memory_space<semaphore_mem>> -> memref<!tpu.dma_semaphore, #tpu.memory_space<semaphore_mem>>
      %dma_wait3A_150 = tpu.memref_slice %arg4[%mul3A_141, %mul3A_143] : memref<73728x128xi32, #tpu.memory_space<hbm>> -> memref<128x64xi32, #tpu.memory_space<hbm>>
      %dma_wait3A_151 = arith.constant 0 : i32
      %dma_wait3A_152 = arith.constant 0 : i32
      %dma_wait3A_153 = tpu.memref_slice %run_scoped3A_8[%rem3A_105, %dma_wait3A_151, %dma_wait3A_152] : memref<2x128x64xi32, #tpu.memory_space<vmem>> -> memref<1x128x64xi32, #tpu.memory_space<vmem>>
      %dma_wait3A_154 = tpu.memref_squeeze %dma_wait3A_153 : memref<1x128x64xi32, #tpu.memory_space<vmem>> -> memref<128x64xi32, #tpu.memory_space<vmem>>
      tpu.wait_dma2 semaphore(%dma_wait3A_149 : memref<!tpu.dma_semaphore, #tpu.memory_space<semaphore_mem>>) src(%dma_wait3A_154 : memref<128x64xi32, #tpu.memory_space<vmem>>) dst(%dma_wait3A_150 : memref<128x64xi32, #tpu.memory_space<hbm>>)
      "tpu.trace_stop"() : () -> ()
      tpu.yield
    }) : () -> ()
    return
  }
}

#map = affine_map<(d0, d1) -> (0, 0)>
module attributes {stable_mosaic.version = 14 : i64} {
  func.func @k(%arg0: i32, %arg1: i32, %arg2: memref<30522x64xi32, #tpu.memory_space<hbm>>, %arg3: memref<1x65536xi32, #tpu.memory_space<hbm>>, %arg4: memref<32768x128xi32, #tpu.memory_space<hbm>>) attributes {dimension_semantics = [#tpu.dimension_semantics<core_parallel>, #tpu.dimension_semantics<subcore_parallel>], iteration_bounds = array<i64: 2, 16>, scalar_prefetch = 0 : i64, scratch_operands = 0 : i64, tpu.core_type = #tpu.core_type<sc_vector_subcore>, window_params = [{transform_indices = #map}, {transform_indices = #map}, {transform_indices = #map}]} {
    %mul3A = arith.constant 1 : i32
    %mul3A_0 = arith.muli %arg1, %mul3A : i32
    %add3A = arith.constant 0 : i32
    %add3A_1 = arith.addi %add3A, %mul3A_0 : i32
    %mul3A_2 = arith.constant 16 : i32
    %mul3A_3 = arith.muli %arg0, %mul3A_2 : i32
    %add3A_4 = arith.addi %add3A_1, %mul3A_3 : i32
    %mul3A_5 = arith.constant 16 : i32
    %mul3A_6 = arith.muli %add3A_4, %mul3A_5 : i32
    "tpu.region"() ({
      %run_scoped3A = memref.alloca() : memref<2x1x128xi32, #tpu.memory_space<vmem>>
      %run_scoped3A_7 = tpu.sem_alloc : memref<2x!tpu.dma_semaphore, #tpu.memory_space<semaphore_mem>>
      %run_scoped3A_8 = memref.alloca() : memref<2x128x64xi32, #tpu.memory_space<vmem>>
      %run_scoped3A_9 = tpu.sem_alloc : memref<2x!tpu.dma_semaphore, #tpu.memory_space<semaphore_mem>>
      %add3A_10 = arith.constant 0 : i32
      %add3A_11 = arith.addi %add3A_10, %mul3A_6 : i32
      %select_n3A = arith.constant true
      %select_n3A_12 = arith.constant 0 : i32
      %select_n3A_13 = arith.constant -1 : i32
      %select_n3A_14 = arith.select %select_n3A, %select_n3A_13, %select_n3A_12 : i32
      %eq3A = arith.constant -1 : i32
      %eq3A_15 = arith.cmpi eq, %select_n3A_14, %eq3A : i32
      %select_n3A_16 = arith.constant 15 : i32
      %select_n3A_17 = arith.select %eq3A_15, %select_n3A_16, %select_n3A_14 : i32
      %add3A_18 = arith.addi %select_n3A_17, %mul3A_6 : i32
      %select_n3A_19 = arith.constant true
      %select_n3A_20 = arith.constant 0 : i32
      %select_n3A_21 = arith.constant 1 : i32
      %select_n3A_22 = arith.select %select_n3A_19, %select_n3A_21, %select_n3A_20 : i32
      %eq3A_23 = arith.constant 16 : i32
      %eq3A_24 = arith.cmpi eq, %select_n3A_22, %eq3A_23 : i32
      %select_n3A_25 = arith.constant 0 : i32
      %select_n3A_26 = arith.select %eq3A_24, %select_n3A_25, %select_n3A_22 : i32
      %add3A_27 = arith.addi %select_n3A_26, %mul3A_6 : i32
      %add3A_28 = arith.constant 1 : i32
      %add3A_29 = arith.addi %select_n3A_26, %add3A_28 : i32
      %select_n3A_30 = arith.constant true
      %select_n3A_31 = arith.select %select_n3A_30, %add3A_29, %select_n3A_26 : i32
      %eq3A_32 = arith.constant 16 : i32
      %eq3A_33 = arith.cmpi eq, %select_n3A_31, %eq3A_32 : i32
      %select_n3A_34 = arith.constant 0 : i32
      %select_n3A_35 = arith.select %eq3A_33, %select_n3A_34, %select_n3A_31 : i32
      %add3A_36 = arith.addi %select_n3A_35, %mul3A_6 : i32
      "tpu.trace_start"() <{level = 10 : i32, message = "ep_initialize_0"}> : () -> ()
      %rem3A = arith.constant 0 : i32
      %rem3A_37 = arith.constant 2 : i32
      %rem3A_38 = arith.remui %rem3A, %rem3A_37 : i32
      %mul3A_39 = arith.constant 128 : i32
      %mul3A_40 = arith.muli %mul3A_39, %add3A_11 : i32
      %dma_start3A = arith.constant 0 : i32
      %dma_start3A_41 = arith.constant 0 : i32
      %dma_start3A_42 = tpu.memref_slice %run_scoped3A[%rem3A_38, %dma_start3A, %dma_start3A_41] : memref<2x1x128xi32, #tpu.memory_space<vmem>> -> memref<1x1x128xi32, #tpu.memory_space<vmem>>
      %dma_start3A_43 = tpu.memref_squeeze %dma_start3A_42 : memref<1x1x128xi32, #tpu.memory_space<vmem>> -> memref<1x128xi32, #tpu.memory_space<vmem>>
      %dma_start3A_44 = arith.constant 0 : i32
      %dma_start3A_45 = tpu.memref_slice %arg3[%dma_start3A_44, %mul3A_40] : memref<1x65536xi32, #tpu.memory_space<hbm>> -> memref<1x128xi32, #tpu.memory_space<hbm>>
      %dma_start3A_46 = tpu.memref_slice %run_scoped3A_7[%rem3A_38] : memref<2x!tpu.dma_semaphore, #tpu.memory_space<semaphore_mem>> -> memref<1x!tpu.dma_semaphore, #tpu.memory_space<semaphore_mem>>
      %dma_start3A_47 = tpu.memref_squeeze %dma_start3A_46 : memref<1x!tpu.dma_semaphore, #tpu.memory_space<semaphore_mem>> -> memref<!tpu.dma_semaphore, #tpu.memory_space<semaphore_mem>>
      %dma_start3A_48 = arith.constant 0 : i32
      %dma_start3A_49 = arith.constant 0 : i32
      %dma_start3A_50 = tpu.memref_slice %run_scoped3A[%rem3A_38, %dma_start3A_48, %dma_start3A_49] : memref<2x1x128xi32, #tpu.memory_space<vmem>> -> memref<1x1x128xi32, #tpu.memory_space<vmem>>
      %dma_start3A_51 = tpu.memref_squeeze %dma_start3A_50 : memref<1x1x128xi32, #tpu.memory_space<vmem>> -> memref<1x128xi32, #tpu.memory_space<vmem>>
      %dma_start3A_52 = arith.constant 0 : i32
      %dma_start3A_53 = tpu.memref_slice %arg3[%dma_start3A_52, %mul3A_40] : memref<1x65536xi32, #tpu.memory_space<hbm>> -> memref<1x128xi32, #tpu.memory_space<hbm>>
      tpu.enqueue_dma source(%dma_start3A_53 : memref<1x128xi32, #tpu.memory_space<hbm>>) target(%dma_start3A_51 : memref<1x128xi32, #tpu.memory_space<vmem>>) target_semaphore(%dma_start3A_47 : memref<!tpu.dma_semaphore, #tpu.memory_space<semaphore_mem>>)
      %add3A_54 = arith.constant 0 : i32
      %add3A_55 = arith.constant 1 : i32
      %add3A_56 = arith.addi %add3A_54, %add3A_55 : i32
      %select_n3A_57 = arith.constant true
      %select_n3A_58 = arith.constant 0 : i32
      %select_n3A_59 = arith.select %select_n3A_57, %add3A_56, %select_n3A_58 : i32
      "tpu.trace_stop"() : () -> ()
      %scan3A = arith.constant 0 : i32
      %scan3A_60 = arith.constant 0 : i32
      %scan3A_61 = arith.constant 0 : i32
      %scan3A_62 = arith.constant 0 : i32
      %scan3A_63 = arith.constant 0 : i32
      %scan3A_64 = arith.constant 16 : i32
      %scan3A_65 = arith.addi %scan3A_63, %scan3A_64 : i32
      %scan3A_66 = arith.constant 1 : i32
      %scan3A_67:5 = scf.for %scan3A_155 = %scan3A_63 to %scan3A_65 step %scan3A_66 iter_args(%scan3A_156 = %select_n3A_59, %scan3A_157 = %scan3A, %scan3A_158 = %scan3A_60, %scan3A_159 = %scan3A_61, %scan3A_160 = %scan3A_62) -> (i32, i32, i32, i32, i32)  : i32 {
        %eq3A_161 = arith.constant 0 : i32
        %eq3A_162 = arith.cmpi eq, %scan3A_155, %eq3A_161 : i32
        %eq3A_163 = arith.constant 15 : i32
        %eq3A_164 = arith.cmpi eq, %scan3A_155, %eq3A_163 : i32
        %add3A_165 = arith.addi %scan3A_160, %mul3A_6 : i32
        %sub3A_166 = arith.constant 1 : i32
        %sub3A_167 = arith.subi %scan3A_160, %sub3A_166 : i32
        %select_n3A_168 = arith.constant true
        %select_n3A_169 = arith.select %select_n3A_168, %sub3A_167, %scan3A_160 : i32
        %eq3A_170 = arith.constant -1 : i32
        %eq3A_171 = arith.cmpi eq, %select_n3A_169, %eq3A_170 : i32
        %select_n3A_172 = arith.constant 15 : i32
        %select_n3A_173 = arith.select %eq3A_171, %select_n3A_172, %select_n3A_169 : i32
        %add3A_174 = arith.addi %select_n3A_173, %mul3A_6 : i32
        %add3A_175 = arith.constant 1 : i32
        %add3A_176 = arith.addi %scan3A_160, %add3A_175 : i32
        %select_n3A_177 = arith.constant true
        %select_n3A_178 = arith.select %select_n3A_177, %add3A_176, %scan3A_160 : i32
        %eq3A_179 = arith.constant 16 : i32
        %eq3A_180 = arith.cmpi eq, %select_n3A_178, %eq3A_179 : i32
        %select_n3A_181 = arith.constant 0 : i32
        %select_n3A_182 = arith.select %eq3A_180, %select_n3A_181, %select_n3A_178 : i32
        %add3A_183 = arith.addi %select_n3A_182, %mul3A_6 : i32
        %add3A_184 = arith.constant 1 : i32
        %add3A_185 = arith.addi %select_n3A_182, %add3A_184 : i32
        %select_n3A_186 = arith.constant true
        %select_n3A_187 = arith.select %select_n3A_186, %add3A_185, %select_n3A_182 : i32
        %eq3A_188 = arith.constant 16 : i32
        %eq3A_189 = arith.cmpi eq, %select_n3A_187, %eq3A_188 : i32
        %select_n3A_190 = arith.constant 0 : i32
        %select_n3A_191 = arith.select %eq3A_189, %select_n3A_190, %select_n3A_187 : i32
        %add3A_192 = arith.addi %select_n3A_191, %mul3A_6 : i32
        %ne3A_193 = arith.cmpi ne, %add3A_165, %add3A_183 : i32
        %or3A = arith.constant false
        %or3A_194 = arith.ori %or3A, %ne3A_193 : i1
        %ge3A = arith.constant 15 : i32
        %ge3A_195 = arith.cmpi sge, %scan3A_155, %ge3A : i32
        %not3A = arith.constant true
        %not3A_196 = arith.xori %ge3A_195, %not3A : i1
        %and3A_197 = arith.andi %or3A_194, %not3A_196 : i1
        %convert_element_type3A = arith.extui %and3A_197 : i1 to i32
        %cond3A = arith.constant 0 : i32
        %cond3A_198 = arith.cmpi ne, %convert_element_type3A, %cond3A : i32
        scf.if %cond3A_198 {
          "tpu.trace_start"() <{level = 10 : i32, message = "ep_copy_in"}> : () -> ()
          %rem3A_620 = arith.constant 2 : i32
          %rem3A_621 = arith.remui %scan3A_156, %rem3A_620 : i32
          %mul3A_622 = arith.constant 128 : i32
          %mul3A_623 = arith.muli %mul3A_622, %add3A_183 : i32
          %dma_start3A_624 = arith.constant 0 : i32
          %dma_start3A_625 = arith.constant 0 : i32
          %dma_start3A_626 = tpu.memref_slice %run_scoped3A[%rem3A_621, %dma_start3A_624, %dma_start3A_625] : memref<2x1x128xi32, #tpu.memory_space<vmem>> -> memref<1x1x128xi32, #tpu.memory_space<vmem>>
          %dma_start3A_627 = tpu.memref_squeeze %dma_start3A_626 : memref<1x1x128xi32, #tpu.memory_space<vmem>> -> memref<1x128xi32, #tpu.memory_space<vmem>>
          %dma_start3A_628 = arith.constant 0 : i32
          %dma_start3A_629 = tpu.memref_slice %arg3[%dma_start3A_628, %mul3A_623] : memref<1x65536xi32, #tpu.memory_space<hbm>> -> memref<1x128xi32, #tpu.memory_space<hbm>>
          %dma_start3A_630 = tpu.memref_slice %run_scoped3A_7[%rem3A_621] : memref<2x!tpu.dma_semaphore, #tpu.memory_space<semaphore_mem>> -> memref<1x!tpu.dma_semaphore, #tpu.memory_space<semaphore_mem>>
          %dma_start3A_631 = tpu.memref_squeeze %dma_start3A_630 : memref<1x!tpu.dma_semaphore, #tpu.memory_space<semaphore_mem>> -> memref<!tpu.dma_semaphore, #tpu.memory_space<semaphore_mem>>
          %dma_start3A_632 = arith.constant 0 : i32
          %dma_start3A_633 = arith.constant 0 : i32
          %dma_start3A_634 = tpu.memref_slice %run_scoped3A[%rem3A_621, %dma_start3A_632, %dma_start3A_633] : memref<2x1x128xi32, #tpu.memory_space<vmem>> -> memref<1x1x128xi32, #tpu.memory_space<vmem>>
          %dma_start3A_635 = tpu.memref_squeeze %dma_start3A_634 : memref<1x1x128xi32, #tpu.memory_space<vmem>> -> memref<1x128xi32, #tpu.memory_space<vmem>>
          %dma_start3A_636 = arith.constant 0 : i32
          %dma_start3A_637 = tpu.memref_slice %arg3[%dma_start3A_636, %mul3A_623] : memref<1x65536xi32, #tpu.memory_space<hbm>> -> memref<1x128xi32, #tpu.memory_space<hbm>>
          tpu.enqueue_dma source(%dma_start3A_637 : memref<1x128xi32, #tpu.memory_space<hbm>>) target(%dma_start3A_635 : memref<1x128xi32, #tpu.memory_space<vmem>>) target_semaphore(%dma_start3A_631 : memref<!tpu.dma_semaphore, #tpu.memory_space<semaphore_mem>>)
          "tpu.trace_stop"() : () -> ()
        } else {
        }
        %and3A_199 = arith.constant true
        %and3A_200 = arith.andi %and3A_197, %and3A_199 : i1
        %add3A_201 = arith.constant 1 : i32
        %add3A_202 = arith.addi %scan3A_156, %add3A_201 : i32
        %select_n3A_203 = arith.select %and3A_200, %add3A_202, %scan3A_156 : i32
        %jit3A_204 = arith.constant 2 : i32
        %div3A_205 = arith.divsi %add3A_165, %jit3A_204 : i32
        %sign3A_206 = arith.constant 0 : i32
        %sign3A_207 = arith.cmpi sgt, %add3A_165, %sign3A_206 : i32
        %sign3A_208 = arith.extui %sign3A_207 : i1 to i32
        %sign3A_209 = arith.constant 0 : i32
        %sign3A_210 = arith.cmpi slt, %add3A_165, %sign3A_209 : i32
        %sign3A_211 = arith.extui %sign3A_210 : i1 to i32
        %sign3A_212 = arith.subi %sign3A_208, %sign3A_211 : i32
        %sign3A_213 = arith.constant 0 : i32
        %sign3A_214 = arith.cmpi sgt, %jit3A_204, %sign3A_213 : i32
        %sign3A_215 = arith.extui %sign3A_214 : i1 to i32
        %sign3A_216 = arith.constant 0 : i32
        %sign3A_217 = arith.cmpi slt, %jit3A_204, %sign3A_216 : i32
        %sign3A_218 = arith.extui %sign3A_217 : i1 to i32
        %sign3A_219 = arith.subi %sign3A_215, %sign3A_218 : i32
        %ne3A_220 = arith.cmpi ne, %sign3A_212, %sign3A_219 : i32
        %rem3A_221 = arith.remsi %add3A_165, %jit3A_204 : i32
        %ne3A_222 = arith.constant 0 : i32
        %ne3A_223 = arith.cmpi ne, %rem3A_221, %ne3A_222 : i32
        %and3A_224 = arith.andi %ne3A_220, %ne3A_223 : i1
        %sub3A_225 = arith.constant 1 : i32
        %sub3A_226 = arith.subi %div3A_205, %sub3A_225 : i32
        %select_n3A_227 = arith.select %and3A_224, %sub3A_226, %div3A_205 : i32
        %jit3A_228 = arith.constant 2 : i32
        %eq3A_229 = arith.constant 0 : i32
        %eq3A_230 = arith.cmpi eq, %jit3A_228, %eq3A_229 : i32
        %jit3A_231 = arith.constant 1 : i32
        %select_n3A_232 = arith.select %eq3A_230, %jit3A_231, %jit3A_228 : i32
        %rem3A_233 = arith.remsi %add3A_165, %select_n3A_232 : i32
        %ne3A_234 = arith.constant 0 : i32
        %ne3A_235 = arith.cmpi ne, %rem3A_233, %ne3A_234 : i32
        %lt3A_236 = arith.constant 0 : i32
        %lt3A_237 = arith.cmpi slt, %rem3A_233, %lt3A_236 : i32
        %lt3A_238 = arith.constant 0 : i32
        %lt3A_239 = arith.cmpi slt, %select_n3A_232, %lt3A_238 : i32
        %ne3A_240 = arith.xori %lt3A_237, %lt3A_239 : i1
        %and3A_241 = arith.andi %ne3A_240, %ne3A_235 : i1
        %add3A_242 = arith.addi %rem3A_233, %select_n3A_232 : i32
        %select_n3A_243 = arith.select %and3A_241, %add3A_242, %rem3A_233 : i32
        %jit3A_244 = arith.constant 2 : i32
        %div3A_245 = arith.divsi %add3A_183, %jit3A_244 : i32
        %sign3A_246 = arith.constant 0 : i32
        %sign3A_247 = arith.cmpi sgt, %add3A_183, %sign3A_246 : i32
        %sign3A_248 = arith.extui %sign3A_247 : i1 to i32
        %sign3A_249 = arith.constant 0 : i32
        %sign3A_250 = arith.cmpi slt, %add3A_183, %sign3A_249 : i32
        %sign3A_251 = arith.extui %sign3A_250 : i1 to i32
        %sign3A_252 = arith.subi %sign3A_248, %sign3A_251 : i32
        %sign3A_253 = arith.constant 0 : i32
        %sign3A_254 = arith.cmpi sgt, %jit3A_244, %sign3A_253 : i32
        %sign3A_255 = arith.extui %sign3A_254 : i1 to i32
        %sign3A_256 = arith.constant 0 : i32
        %sign3A_257 = arith.cmpi slt, %jit3A_244, %sign3A_256 : i32
        %sign3A_258 = arith.extui %sign3A_257 : i1 to i32
        %sign3A_259 = arith.subi %sign3A_255, %sign3A_258 : i32
        %ne3A_260 = arith.cmpi ne, %sign3A_252, %sign3A_259 : i32
        %rem3A_261 = arith.remsi %add3A_183, %jit3A_244 : i32
        %ne3A_262 = arith.constant 0 : i32
        %ne3A_263 = arith.cmpi ne, %rem3A_261, %ne3A_262 : i32
        %and3A_264 = arith.andi %ne3A_260, %ne3A_263 : i1
        %sub3A_265 = arith.constant 1 : i32
        %sub3A_266 = arith.subi %div3A_245, %sub3A_265 : i32
        %select_n3A_267 = arith.select %and3A_264, %sub3A_266, %div3A_245 : i32
        %jit3A_268 = arith.constant 2 : i32
        %eq3A_269 = arith.constant 0 : i32
        %eq3A_270 = arith.cmpi eq, %jit3A_268, %eq3A_269 : i32
        %jit3A_271 = arith.constant 1 : i32
        %select_n3A_272 = arith.select %eq3A_270, %jit3A_271, %jit3A_268 : i32
        %rem3A_273 = arith.remsi %add3A_183, %select_n3A_272 : i32
        %ne3A_274 = arith.constant 0 : i32
        %ne3A_275 = arith.cmpi ne, %rem3A_273, %ne3A_274 : i32
        %lt3A_276 = arith.constant 0 : i32
        %lt3A_277 = arith.cmpi slt, %rem3A_273, %lt3A_276 : i32
        %lt3A_278 = arith.constant 0 : i32
        %lt3A_279 = arith.cmpi slt, %select_n3A_272, %lt3A_278 : i32
        %ne3A_280 = arith.xori %lt3A_277, %lt3A_279 : i1
        %and3A_281 = arith.andi %ne3A_280, %ne3A_275 : i1
        %add3A_282 = arith.addi %rem3A_273, %select_n3A_272 : i32
        %select_n3A_283 = arith.select %and3A_281, %add3A_282, %rem3A_273 : i32
        %ne3A_284 = arith.cmpi ne, %select_n3A_227, %select_n3A_267 : i32
        %ne3A_285 = arith.cmpi ne, %select_n3A_243, %select_n3A_283 : i32
        %or3A_286 = arith.constant false
        %or3A_287 = arith.ori %or3A_286, %ne3A_284 : i1
        %or3A_288 = arith.ori %or3A_287, %ne3A_285 : i1
        %ge3A_289 = arith.constant 15 : i32
        %ge3A_290 = arith.cmpi sge, %scan3A_155, %ge3A_289 : i32
        %not3A_291 = arith.constant true
        %not3A_292 = arith.xori %ge3A_290, %not3A_291 : i1
        %and3A_293 = arith.andi %or3A_288, %not3A_292 : i1
        %ne3A_294 = arith.cmpi ne, %add3A_165, %add3A_174 : i32
        %or3A_295 = arith.constant false
        %or3A_296 = arith.ori %or3A_295, %ne3A_294 : i1
        %or3A_297 = arith.ori %or3A_296, %eq3A_162 : i1
        %convert_element_type3A_298 = arith.extui %or3A_297 : i1 to i32
        %cond3A_299 = arith.constant 0 : i32
        %cond3A_300 = arith.cmpi ne, %convert_element_type3A_298, %cond3A_299 : i32
        scf.if %cond3A_300 {
          "tpu.trace_start"() <{level = 10 : i32, message = "ep_wait_in"}> : () -> ()
          %mul3A_620 = arith.constant 128 : i32
          %mul3A_621 = arith.muli %mul3A_620, %add3A_165 : i32
          %rem3A_622 = arith.constant 2 : i32
          %rem3A_623 = arith.remui %scan3A_157, %rem3A_622 : i32
          %dma_wait3A_624 = arith.constant 0 : i32
          %dma_wait3A_625 = arith.constant 0 : i32
          %dma_wait3A_626 = tpu.memref_slice %run_scoped3A[%rem3A_623, %dma_wait3A_624, %dma_wait3A_625] : memref<2x1x128xi32, #tpu.memory_space<vmem>> -> memref<1x1x128xi32, #tpu.memory_space<vmem>>
          %dma_wait3A_627 = tpu.memref_squeeze %dma_wait3A_626 : memref<1x1x128xi32, #tpu.memory_space<vmem>> -> memref<1x128xi32, #tpu.memory_space<vmem>>
          %dma_wait3A_628 = arith.constant 0 : i32
          %dma_wait3A_629 = tpu.memref_slice %arg3[%dma_wait3A_628, %mul3A_621] : memref<1x65536xi32, #tpu.memory_space<hbm>> -> memref<1x128xi32, #tpu.memory_space<hbm>>
          %dma_wait3A_630 = tpu.memref_slice %run_scoped3A_7[%rem3A_623] : memref<2x!tpu.dma_semaphore, #tpu.memory_space<semaphore_mem>> -> memref<1x!tpu.dma_semaphore, #tpu.memory_space<semaphore_mem>>
          %dma_wait3A_631 = tpu.memref_squeeze %dma_wait3A_630 : memref<1x!tpu.dma_semaphore, #tpu.memory_space<semaphore_mem>> -> memref<!tpu.dma_semaphore, #tpu.memory_space<semaphore_mem>>
          %dma_wait3A_632 = arith.constant 0 : i32
          %dma_wait3A_633 = arith.constant 0 : i32
          %dma_wait3A_634 = tpu.memref_slice %run_scoped3A[%rem3A_623, %dma_wait3A_632, %dma_wait3A_633] : memref<2x1x128xi32, #tpu.memory_space<vmem>> -> memref<1x1x128xi32, #tpu.memory_space<vmem>>
          %dma_wait3A_635 = tpu.memref_squeeze %dma_wait3A_634 : memref<1x1x128xi32, #tpu.memory_space<vmem>> -> memref<1x128xi32, #tpu.memory_space<vmem>>
          %dma_wait3A_636 = arith.constant 0 : i32
          %dma_wait3A_637 = tpu.memref_slice %arg3[%dma_wait3A_636, %mul3A_621] : memref<1x65536xi32, #tpu.memory_space<hbm>> -> memref<1x128xi32, #tpu.memory_space<hbm>>
          tpu.wait_dma2 semaphore(%dma_wait3A_631 : memref<!tpu.dma_semaphore, #tpu.memory_space<semaphore_mem>>) src(%dma_wait3A_637 : memref<1x128xi32, #tpu.memory_space<hbm>>) dst(%dma_wait3A_635 : memref<1x128xi32, #tpu.memory_space<vmem>>)
          "tpu.trace_stop"() : () -> ()
        } else {
        }
        %jit3A_301 = arith.constant 2 : i32
        %div3A_302 = arith.divsi %add3A_165, %jit3A_301 : i32
        %sign3A_303 = arith.constant 0 : i32
        %sign3A_304 = arith.cmpi sgt, %add3A_165, %sign3A_303 : i32
        %sign3A_305 = arith.extui %sign3A_304 : i1 to i32
        %sign3A_306 = arith.constant 0 : i32
        %sign3A_307 = arith.cmpi slt, %add3A_165, %sign3A_306 : i32
        %sign3A_308 = arith.extui %sign3A_307 : i1 to i32
        %sign3A_309 = arith.subi %sign3A_305, %sign3A_308 : i32
        %sign3A_310 = arith.constant 0 : i32
        %sign3A_311 = arith.cmpi sgt, %jit3A_301, %sign3A_310 : i32
        %sign3A_312 = arith.extui %sign3A_311 : i1 to i32
        %sign3A_313 = arith.constant 0 : i32
        %sign3A_314 = arith.cmpi slt, %jit3A_301, %sign3A_313 : i32
        %sign3A_315 = arith.extui %sign3A_314 : i1 to i32
        %sign3A_316 = arith.subi %sign3A_312, %sign3A_315 : i32
        %ne3A_317 = arith.cmpi ne, %sign3A_309, %sign3A_316 : i32
        %rem3A_318 = arith.remsi %add3A_165, %jit3A_301 : i32
        %ne3A_319 = arith.constant 0 : i32
        %ne3A_320 = arith.cmpi ne, %rem3A_318, %ne3A_319 : i32
        %and3A_321 = arith.andi %ne3A_317, %ne3A_320 : i1
        %sub3A_322 = arith.constant 1 : i32
        %sub3A_323 = arith.subi %div3A_302, %sub3A_322 : i32
        %select_n3A_324 = arith.select %and3A_321, %sub3A_323, %div3A_302 : i32
        %jit3A_325 = arith.constant 2 : i32
        %eq3A_326 = arith.constant 0 : i32
        %eq3A_327 = arith.cmpi eq, %jit3A_325, %eq3A_326 : i32
        %jit3A_328 = arith.constant 1 : i32
        %select_n3A_329 = arith.select %eq3A_327, %jit3A_328, %jit3A_325 : i32
        %rem3A_330 = arith.remsi %add3A_165, %select_n3A_329 : i32
        %ne3A_331 = arith.constant 0 : i32
        %ne3A_332 = arith.cmpi ne, %rem3A_330, %ne3A_331 : i32
        %lt3A_333 = arith.constant 0 : i32
        %lt3A_334 = arith.cmpi slt, %rem3A_330, %lt3A_333 : i32
        %lt3A_335 = arith.constant 0 : i32
        %lt3A_336 = arith.cmpi slt, %select_n3A_329, %lt3A_335 : i32
        %ne3A_337 = arith.xori %lt3A_334, %lt3A_336 : i1
        %and3A_338 = arith.andi %ne3A_337, %ne3A_332 : i1
        %add3A_339 = arith.addi %rem3A_330, %select_n3A_329 : i32
        %select_n3A_340 = arith.select %and3A_338, %add3A_339, %rem3A_330 : i32
        %jit3A_341 = arith.constant 2 : i32
        %div3A_342 = arith.divsi %add3A_174, %jit3A_341 : i32
        %sign3A_343 = arith.constant 0 : i32
        %sign3A_344 = arith.cmpi sgt, %add3A_174, %sign3A_343 : i32
        %sign3A_345 = arith.extui %sign3A_344 : i1 to i32
        %sign3A_346 = arith.constant 0 : i32
        %sign3A_347 = arith.cmpi slt, %add3A_174, %sign3A_346 : i32
        %sign3A_348 = arith.extui %sign3A_347 : i1 to i32
        %sign3A_349 = arith.subi %sign3A_345, %sign3A_348 : i32
        %sign3A_350 = arith.constant 0 : i32
        %sign3A_351 = arith.cmpi sgt, %jit3A_341, %sign3A_350 : i32
        %sign3A_352 = arith.extui %sign3A_351 : i1 to i32
        %sign3A_353 = arith.constant 0 : i32
        %sign3A_354 = arith.cmpi slt, %jit3A_341, %sign3A_353 : i32
        %sign3A_355 = arith.extui %sign3A_354 : i1 to i32
        %sign3A_356 = arith.subi %sign3A_352, %sign3A_355 : i32
        %ne3A_357 = arith.cmpi ne, %sign3A_349, %sign3A_356 : i32
        %rem3A_358 = arith.remsi %add3A_174, %jit3A_341 : i32
        %ne3A_359 = arith.constant 0 : i32
        %ne3A_360 = arith.cmpi ne, %rem3A_358, %ne3A_359 : i32
        %and3A_361 = arith.andi %ne3A_357, %ne3A_360 : i1
        %sub3A_362 = arith.constant 1 : i32
        %sub3A_363 = arith.subi %div3A_342, %sub3A_362 : i32
        %select_n3A_364 = arith.select %and3A_361, %sub3A_363, %div3A_342 : i32
        %jit3A_365 = arith.constant 2 : i32
        %eq3A_366 = arith.constant 0 : i32
        %eq3A_367 = arith.cmpi eq, %jit3A_365, %eq3A_366 : i32
        %jit3A_368 = arith.constant 1 : i32
        %select_n3A_369 = arith.select %eq3A_367, %jit3A_368, %jit3A_365 : i32
        %rem3A_370 = arith.remsi %add3A_174, %select_n3A_369 : i32
        %ne3A_371 = arith.constant 0 : i32
        %ne3A_372 = arith.cmpi ne, %rem3A_370, %ne3A_371 : i32
        %lt3A_373 = arith.constant 0 : i32
        %lt3A_374 = arith.cmpi slt, %rem3A_370, %lt3A_373 : i32
        %lt3A_375 = arith.constant 0 : i32
        %lt3A_376 = arith.cmpi slt, %select_n3A_369, %lt3A_375 : i32
        %ne3A_377 = arith.xori %lt3A_374, %lt3A_376 : i1
        %and3A_378 = arith.andi %ne3A_377, %ne3A_372 : i1
        %add3A_379 = arith.addi %rem3A_370, %select_n3A_369 : i32
        %select_n3A_380 = arith.select %and3A_378, %add3A_379, %rem3A_370 : i32
        %ne3A_381 = arith.cmpi ne, %select_n3A_324, %select_n3A_364 : i32
        %ne3A_382 = arith.cmpi ne, %select_n3A_340, %select_n3A_380 : i32
        %or3A_383 = arith.constant false
        %or3A_384 = arith.ori %or3A_383, %ne3A_381 : i1
        %or3A_385 = arith.ori %or3A_384, %ne3A_382 : i1
        %or3A_386 = arith.ori %or3A_385, %eq3A_162 : i1
        %convert_element_type3A_387 = arith.extui %or3A_386 : i1 to i32
        %cond3A_388 = arith.constant 0 : i32
        %cond3A_389 = arith.cmpi ne, %convert_element_type3A_387, %cond3A_388 : i32
        scf.if %cond3A_389 {
        } else {
        }
        %rem3A_390 = arith.constant 2 : i32
        %rem3A_391 = arith.remui %scan3A_157, %rem3A_390 : i32
        %rem3A_392 = arith.constant 2 : i32
        %rem3A_393 = arith.remui %scan3A_158, %rem3A_392 : i32
        %run_scoped3A_394 = arith.constant 0 : i32
        "tpu.trace_start"() <{level = 10 : i32, message = "ep_run_kernel"}> : () -> ()
        "tpu.region"() ({
          %run_scoped3A_620 = tpu.sem_alloc : memref<!tpu.dma_semaphore, #tpu.memory_space<semaphore_mem>>
          %dma_start3A_621 = arith.constant 0 : i32
          %dma_start3A_622 = arith.constant 0 : i32
          %dma_start3A_623 = tpu.memref_slice %run_scoped3A_8[%rem3A_393, %dma_start3A_621, %dma_start3A_622] : memref<2x128x64xi32, #tpu.memory_space<vmem>> -> memref<1x128x64xi32, #tpu.memory_space<vmem>>
          %dma_start3A_624 = tpu.memref_squeeze %dma_start3A_623 : memref<1x128x64xi32, #tpu.memory_space<vmem>> -> memref<128x64xi32, #tpu.memory_space<vmem>>
          %dma_start3A_625 = arith.constant 0 : i32
          %dma_start3A_626 = arith.constant 0 : i32
          %dma_start3A_627 = tpu.memref_slice %run_scoped3A[%rem3A_391, %dma_start3A_625, %dma_start3A_626] : memref<2x1x128xi32, #tpu.memory_space<vmem>> -> memref<1x1x128xi32, #tpu.memory_space<vmem>>
          %dma_start3A_628 = tpu.memref_squeeze %dma_start3A_627 : memref<1x1x128xi32, #tpu.memory_space<vmem>> -> memref<1x128xi32, #tpu.memory_space<vmem>>
          %dma_start3A_629 = arith.constant 0 : i32
          %dma_start3A_630 = tpu.memref_slice %dma_start3A_628[%run_scoped3A_394, %dma_start3A_629] : memref<1x128xi32, #tpu.memory_space<vmem>> -> memref<1x128xi32, #tpu.memory_space<vmem>>
          %dma_start3A_631 = tpu.memref_squeeze %dma_start3A_630 : memref<1x128xi32, #tpu.memory_space<vmem>> -> memref<128xi32, #tpu.memory_space<vmem>>
          %dma_start3A_632 = arith.constant 0 : i32
          %dma_start3A_633 = arith.constant 0 : i32
          %dma_start3A_634 = tpu.memref_slice %arg2[%dma_start3A_632, %dma_start3A_633] : memref<30522x64xi32, #tpu.memory_space<hbm>> -> memref<30522x64xi32, #tpu.memory_space<hbm>>
          tpu.enqueue_indirect_dma source(%dma_start3A_634 : memref<30522x64xi32, #tpu.memory_space<hbm>>) target(%dma_start3A_624 : memref<128x64xi32, #tpu.memory_space<vmem>>) offsets(%dma_start3A_631 : memref<128xi32, #tpu.memory_space<vmem>>) semaphore(%run_scoped3A_620 : memref<!tpu.dma_semaphore, #tpu.memory_space<semaphore_mem>>)
          %dma_wait3A_635 = arith.constant 0 : i32
          %dma_wait3A_636 = arith.constant 0 : i32
          %dma_wait3A_637 = tpu.memref_slice %run_scoped3A_8[%rem3A_393, %dma_wait3A_635, %dma_wait3A_636] : memref<2x128x64xi32, #tpu.memory_space<vmem>> -> memref<1x128x64xi32, #tpu.memory_space<vmem>>
          %dma_wait3A_638 = tpu.memref_squeeze %dma_wait3A_637 : memref<1x128x64xi32, #tpu.memory_space<vmem>> -> memref<128x64xi32, #tpu.memory_space<vmem>>
          %dma_wait3A_639 = arith.constant 0 : i32
          %dma_wait3A_640 = arith.constant 0 : i32
          %dma_wait3A_641 = tpu.memref_slice %run_scoped3A[%rem3A_391, %dma_wait3A_639, %dma_wait3A_640] : memref<2x1x128xi32, #tpu.memory_space<vmem>> -> memref<1x1x128xi32, #tpu.memory_space<vmem>>
          %dma_wait3A_642 = tpu.memref_squeeze %dma_wait3A_641 : memref<1x1x128xi32, #tpu.memory_space<vmem>> -> memref<1x128xi32, #tpu.memory_space<vmem>>
          %dma_wait3A_643 = arith.constant 0 : i32
          %dma_wait3A_644 = tpu.memref_slice %dma_wait3A_642[%run_scoped3A_394, %dma_wait3A_643] : memref<1x128xi32, #tpu.memory_space<vmem>> -> memref<1x128xi32, #tpu.memory_space<vmem>>
          %dma_wait3A_645 = tpu.memref_squeeze %dma_wait3A_644 : memref<1x128xi32, #tpu.memory_space<vmem>> -> memref<128xi32, #tpu.memory_space<vmem>>
          %dma_wait3A_646 = arith.constant 0 : i32
          %dma_wait3A_647 = arith.constant 0 : i32
          %dma_wait3A_648 = tpu.memref_slice %arg2[%dma_wait3A_646, %dma_wait3A_647] : memref<30522x64xi32, #tpu.memory_space<hbm>> -> memref<30522x64xi32, #tpu.memory_space<hbm>>
          tpu.wait_indirect_dma semaphore(%run_scoped3A_620 : memref<!tpu.dma_semaphore, #tpu.memory_space<semaphore_mem>>) src(%dma_wait3A_648 : memref<30522x64xi32, #tpu.memory_space<hbm>>) dst(%dma_wait3A_638 : memref<128x64xi32, #tpu.memory_space<vmem>>)
          tpu.yield
        }) : () -> ()
        "tpu.trace_stop"() : () -> ()
        %ne3A_395 = arith.cmpi ne, %add3A_165, %add3A_183 : i32
        %or3A_396 = arith.constant false
        %or3A_397 = arith.ori %or3A_396, %ne3A_395 : i1
        %or3A_398 = arith.ori %or3A_397, %eq3A_164 : i1
        %convert_element_type3A_399 = arith.extui %or3A_398 : i1 to i32
        %cond3A_400 = arith.constant 0 : i32
        %cond3A_401 = arith.cmpi ne, %convert_element_type3A_399, %cond3A_400 : i32
        scf.if %cond3A_401 {
        } else {
        }
        %and3A_402 = arith.constant false
        %and3A_403 = arith.andi %or3A_398, %and3A_402 : i1
        %jit3A_404 = arith.constant 2 : i32
        %div3A_405 = arith.divsi %add3A_165, %jit3A_404 : i32
        %sign3A_406 = arith.constant 0 : i32
        %sign3A_407 = arith.cmpi sgt, %add3A_165, %sign3A_406 : i32
        %sign3A_408 = arith.extui %sign3A_407 : i1 to i32
        %sign3A_409 = arith.constant 0 : i32
        %sign3A_410 = arith.cmpi slt, %add3A_165, %sign3A_409 : i32
        %sign3A_411 = arith.extui %sign3A_410 : i1 to i32
        %sign3A_412 = arith.subi %sign3A_408, %sign3A_411 : i32
        %sign3A_413 = arith.constant 0 : i32
        %sign3A_414 = arith.cmpi sgt, %jit3A_404, %sign3A_413 : i32
        %sign3A_415 = arith.extui %sign3A_414 : i1 to i32
        %sign3A_416 = arith.constant 0 : i32
        %sign3A_417 = arith.cmpi slt, %jit3A_404, %sign3A_416 : i32
        %sign3A_418 = arith.extui %sign3A_417 : i1 to i32
        %sign3A_419 = arith.subi %sign3A_415, %sign3A_418 : i32
        %ne3A_420 = arith.cmpi ne, %sign3A_412, %sign3A_419 : i32
        %rem3A_421 = arith.remsi %add3A_165, %jit3A_404 : i32
        %ne3A_422 = arith.constant 0 : i32
        %ne3A_423 = arith.cmpi ne, %rem3A_421, %ne3A_422 : i32
        %and3A_424 = arith.andi %ne3A_420, %ne3A_423 : i1
        %sub3A_425 = arith.constant 1 : i32
        %sub3A_426 = arith.subi %div3A_405, %sub3A_425 : i32
        %select_n3A_427 = arith.select %and3A_424, %sub3A_426, %div3A_405 : i32
        %jit3A_428 = arith.constant 2 : i32
        %eq3A_429 = arith.constant 0 : i32
        %eq3A_430 = arith.cmpi eq, %jit3A_428, %eq3A_429 : i32
        %jit3A_431 = arith.constant 1 : i32
        %select_n3A_432 = arith.select %eq3A_430, %jit3A_431, %jit3A_428 : i32
        %rem3A_433 = arith.remsi %add3A_165, %select_n3A_432 : i32
        %ne3A_434 = arith.constant 0 : i32
        %ne3A_435 = arith.cmpi ne, %rem3A_433, %ne3A_434 : i32
        %lt3A_436 = arith.constant 0 : i32
        %lt3A_437 = arith.cmpi slt, %rem3A_433, %lt3A_436 : i32
        %lt3A_438 = arith.constant 0 : i32
        %lt3A_439 = arith.cmpi slt, %select_n3A_432, %lt3A_438 : i32
        %ne3A_440 = arith.xori %lt3A_437, %lt3A_439 : i1
        %and3A_441 = arith.andi %ne3A_440, %ne3A_435 : i1
        %add3A_442 = arith.addi %rem3A_433, %select_n3A_432 : i32
        %select_n3A_443 = arith.select %and3A_441, %add3A_442, %rem3A_433 : i32
        %jit3A_444 = arith.constant 2 : i32
        %div3A_445 = arith.divsi %add3A_183, %jit3A_444 : i32
        %sign3A_446 = arith.constant 0 : i32
        %sign3A_447 = arith.cmpi sgt, %add3A_183, %sign3A_446 : i32
        %sign3A_448 = arith.extui %sign3A_447 : i1 to i32
        %sign3A_449 = arith.constant 0 : i32
        %sign3A_450 = arith.cmpi slt, %add3A_183, %sign3A_449 : i32
        %sign3A_451 = arith.extui %sign3A_450 : i1 to i32
        %sign3A_452 = arith.subi %sign3A_448, %sign3A_451 : i32
        %sign3A_453 = arith.constant 0 : i32
        %sign3A_454 = arith.cmpi sgt, %jit3A_444, %sign3A_453 : i32
        %sign3A_455 = arith.extui %sign3A_454 : i1 to i32
        %sign3A_456 = arith.constant 0 : i32
        %sign3A_457 = arith.cmpi slt, %jit3A_444, %sign3A_456 : i32
        %sign3A_458 = arith.extui %sign3A_457 : i1 to i32
        %sign3A_459 = arith.subi %sign3A_455, %sign3A_458 : i32
        %ne3A_460 = arith.cmpi ne, %sign3A_452, %sign3A_459 : i32
        %rem3A_461 = arith.remsi %add3A_183, %jit3A_444 : i32
        %ne3A_462 = arith.constant 0 : i32
        %ne3A_463 = arith.cmpi ne, %rem3A_461, %ne3A_462 : i32
        %and3A_464 = arith.andi %ne3A_460, %ne3A_463 : i1
        %sub3A_465 = arith.constant 1 : i32
        %sub3A_466 = arith.subi %div3A_445, %sub3A_465 : i32
        %select_n3A_467 = arith.select %and3A_464, %sub3A_466, %div3A_445 : i32
        %jit3A_468 = arith.constant 2 : i32
        %eq3A_469 = arith.constant 0 : i32
        %eq3A_470 = arith.cmpi eq, %jit3A_468, %eq3A_469 : i32
        %jit3A_471 = arith.constant 1 : i32
        %select_n3A_472 = arith.select %eq3A_470, %jit3A_471, %jit3A_468 : i32
        %rem3A_473 = arith.remsi %add3A_183, %select_n3A_472 : i32
        %ne3A_474 = arith.constant 0 : i32
        %ne3A_475 = arith.cmpi ne, %rem3A_473, %ne3A_474 : i32
        %lt3A_476 = arith.constant 0 : i32
        %lt3A_477 = arith.cmpi slt, %rem3A_473, %lt3A_476 : i32
        %lt3A_478 = arith.constant 0 : i32
        %lt3A_479 = arith.cmpi slt, %select_n3A_472, %lt3A_478 : i32
        %ne3A_480 = arith.xori %lt3A_477, %lt3A_479 : i1
        %and3A_481 = arith.andi %ne3A_480, %ne3A_475 : i1
        %add3A_482 = arith.addi %rem3A_473, %select_n3A_472 : i32
        %select_n3A_483 = arith.select %and3A_481, %add3A_482, %rem3A_473 : i32
        %ne3A_484 = arith.cmpi ne, %select_n3A_427, %select_n3A_467 : i32
        %ne3A_485 = arith.cmpi ne, %select_n3A_443, %select_n3A_483 : i32
        %or3A_486 = arith.constant false
        %or3A_487 = arith.ori %or3A_486, %ne3A_484 : i1
        %or3A_488 = arith.ori %or3A_487, %ne3A_485 : i1
        %or3A_489 = arith.ori %or3A_488, %eq3A_164 : i1
        %convert_element_type3A_490 = arith.extui %or3A_489 : i1 to i32
        %cond3A_491 = arith.constant 0 : i32
        %cond3A_492 = arith.cmpi ne, %convert_element_type3A_490, %cond3A_491 : i32
        scf.if %cond3A_492 {
          "tpu.trace_start"() <{level = 10 : i32, message = "ep_copy_out"}> : () -> ()
          %rem3A_620 = arith.constant 2 : i32
          %rem3A_621 = arith.remui %scan3A_158, %rem3A_620 : i32
          %jit3A_622 = arith.constant 2 : i32
          %div3A_623 = arith.divsi %add3A_165, %jit3A_622 : i32
          %sign3A_624 = arith.constant 0 : i32
          %sign3A_625 = arith.cmpi sgt, %add3A_165, %sign3A_624 : i32
          %sign3A_626 = arith.extui %sign3A_625 : i1 to i32
          %sign3A_627 = arith.constant 0 : i32
          %sign3A_628 = arith.cmpi slt, %add3A_165, %sign3A_627 : i32
          %sign3A_629 = arith.extui %sign3A_628 : i1 to i32
          %sign3A_630 = arith.subi %sign3A_626, %sign3A_629 : i32
          %sign3A_631 = arith.constant 0 : i32
          %sign3A_632 = arith.cmpi sgt, %jit3A_622, %sign3A_631 : i32
          %sign3A_633 = arith.extui %sign3A_632 : i1 to i32
          %sign3A_634 = arith.constant 0 : i32
          %sign3A_635 = arith.cmpi slt, %jit3A_622, %sign3A_634 : i32
          %sign3A_636 = arith.extui %sign3A_635 : i1 to i32
          %sign3A_637 = arith.subi %sign3A_633, %sign3A_636 : i32
          %ne3A_638 = arith.cmpi ne, %sign3A_630, %sign3A_637 : i32
          %rem3A_639 = arith.remsi %add3A_165, %jit3A_622 : i32
          %ne3A_640 = arith.constant 0 : i32
          %ne3A_641 = arith.cmpi ne, %rem3A_639, %ne3A_640 : i32
          %and3A_642 = arith.andi %ne3A_638, %ne3A_641 : i1
          %sub3A_643 = arith.constant 1 : i32
          %sub3A_644 = arith.subi %div3A_623, %sub3A_643 : i32
          %select_n3A_645 = arith.select %and3A_642, %sub3A_644, %div3A_623 : i32
          %jit3A_646 = arith.constant 2 : i32
          %eq3A_647 = arith.constant 0 : i32
          %eq3A_648 = arith.cmpi eq, %jit3A_646, %eq3A_647 : i32
          %jit3A_649 = arith.constant 1 : i32
          %select_n3A_650 = arith.select %eq3A_648, %jit3A_649, %jit3A_646 : i32
          %rem3A_651 = arith.remsi %add3A_165, %select_n3A_650 : i32
          %ne3A_652 = arith.constant 0 : i32
          %ne3A_653 = arith.cmpi ne, %rem3A_651, %ne3A_652 : i32
          %lt3A_654 = arith.constant 0 : i32
          %lt3A_655 = arith.cmpi slt, %rem3A_651, %lt3A_654 : i32
          %lt3A_656 = arith.constant 0 : i32
          %lt3A_657 = arith.cmpi slt, %select_n3A_650, %lt3A_656 : i32
          %ne3A_658 = arith.xori %lt3A_655, %lt3A_657 : i1
          %and3A_659 = arith.andi %ne3A_658, %ne3A_653 : i1
          %add3A_660 = arith.addi %rem3A_651, %select_n3A_650 : i32
          %select_n3A_661 = arith.select %and3A_659, %add3A_660, %rem3A_651 : i32
          %mul3A_662 = arith.constant 128 : i32
          %mul3A_663 = arith.muli %mul3A_662, %select_n3A_645 : i32
          %mul3A_664 = arith.constant 64 : i32
          %mul3A_665 = arith.muli %mul3A_664, %select_n3A_661 : i32
          %dma_start3A_666 = arith.constant 0 : i32
          %dma_start3A_667 = arith.constant 0 : i32
          %dma_start3A_668 = tpu.memref_slice %run_scoped3A_8[%rem3A_621, %dma_start3A_666, %dma_start3A_667] : memref<2x128x64xi32, #tpu.memory_space<vmem>> -> memref<1x128x64xi32, #tpu.memory_space<vmem>>
          %dma_start3A_669 = tpu.memref_squeeze %dma_start3A_668 : memref<1x128x64xi32, #tpu.memory_space<vmem>> -> memref<128x64xi32, #tpu.memory_space<vmem>>
          %dma_start3A_670 = tpu.memref_slice %arg4[%mul3A_663, %mul3A_665] : memref<32768x128xi32, #tpu.memory_space<hbm>> -> memref<128x64xi32, #tpu.memory_space<hbm>>
          %dma_start3A_671 = tpu.memref_slice %run_scoped3A_9[%rem3A_621] : memref<2x!tpu.dma_semaphore, #tpu.memory_space<semaphore_mem>> -> memref<1x!tpu.dma_semaphore, #tpu.memory_space<semaphore_mem>>
          %dma_start3A_672 = tpu.memref_squeeze %dma_start3A_671 : memref<1x!tpu.dma_semaphore, #tpu.memory_space<semaphore_mem>> -> memref<!tpu.dma_semaphore, #tpu.memory_space<semaphore_mem>>
          %dma_start3A_673 = tpu.memref_slice %arg4[%mul3A_663, %mul3A_665] : memref<32768x128xi32, #tpu.memory_space<hbm>> -> memref<128x64xi32, #tpu.memory_space<hbm>>
          %dma_start3A_674 = arith.constant 0 : i32
          %dma_start3A_675 = arith.constant 0 : i32
          %dma_start3A_676 = tpu.memref_slice %run_scoped3A_8[%rem3A_621, %dma_start3A_674, %dma_start3A_675] : memref<2x128x64xi32, #tpu.memory_space<vmem>> -> memref<1x128x64xi32, #tpu.memory_space<vmem>>
          %dma_start3A_677 = tpu.memref_squeeze %dma_start3A_676 : memref<1x128x64xi32, #tpu.memory_space<vmem>> -> memref<128x64xi32, #tpu.memory_space<vmem>>
          tpu.enqueue_dma source(%dma_start3A_677 : memref<128x64xi32, #tpu.memory_space<vmem>>) target(%dma_start3A_673 : memref<128x64xi32, #tpu.memory_space<hbm>>) target_semaphore(%dma_start3A_672 : memref<!tpu.dma_semaphore, #tpu.memory_space<semaphore_mem>>)
          "tpu.trace_stop"() : () -> ()
        } else {
        }
        %and3A_493 = arith.constant true
        %and3A_494 = arith.andi %or3A_489, %and3A_493 : i1
        %add3A_495 = arith.constant 1 : i32
        %add3A_496 = arith.addi %scan3A_158, %add3A_495 : i32
        %select_n3A_497 = arith.select %and3A_494, %add3A_496, %scan3A_158 : i32
        %ne3A_498 = arith.cmpi ne, %add3A_165, %add3A_174 : i32
        %or3A_499 = arith.constant false
        %or3A_500 = arith.ori %or3A_499, %ne3A_498 : i1
        %not3A_501 = arith.constant true
        %not3A_502 = arith.xori %eq3A_162, %not3A_501 : i1
        %and3A_503 = arith.andi %or3A_500, %not3A_502 : i1
        %convert_element_type3A_504 = arith.extui %and3A_503 : i1 to i32
        %cond3A_505 = arith.constant 0 : i32
        %cond3A_506 = arith.cmpi ne, %convert_element_type3A_504, %cond3A_505 : i32
        scf.if %cond3A_506 {
        } else {
        }
        %and3A_507 = arith.constant false
        %and3A_508 = arith.andi %and3A_503, %and3A_507 : i1
        %jit3A_509 = arith.constant 2 : i32
        %div3A_510 = arith.divsi %add3A_165, %jit3A_509 : i32
        %sign3A_511 = arith.constant 0 : i32
        %sign3A_512 = arith.cmpi sgt, %add3A_165, %sign3A_511 : i32
        %sign3A_513 = arith.extui %sign3A_512 : i1 to i32
        %sign3A_514 = arith.constant 0 : i32
        %sign3A_515 = arith.cmpi slt, %add3A_165, %sign3A_514 : i32
        %sign3A_516 = arith.extui %sign3A_515 : i1 to i32
        %sign3A_517 = arith.subi %sign3A_513, %sign3A_516 : i32
        %sign3A_518 = arith.constant 0 : i32
        %sign3A_519 = arith.cmpi sgt, %jit3A_509, %sign3A_518 : i32
        %sign3A_520 = arith.extui %sign3A_519 : i1 to i32
        %sign3A_521 = arith.constant 0 : i32
        %sign3A_522 = arith.cmpi slt, %jit3A_509, %sign3A_521 : i32
        %sign3A_523 = arith.extui %sign3A_522 : i1 to i32
        %sign3A_524 = arith.subi %sign3A_520, %sign3A_523 : i32
        %ne3A_525 = arith.cmpi ne, %sign3A_517, %sign3A_524 : i32
        %rem3A_526 = arith.remsi %add3A_165, %jit3A_509 : i32
        %ne3A_527 = arith.constant 0 : i32
        %ne3A_528 = arith.cmpi ne, %rem3A_526, %ne3A_527 : i32
        %and3A_529 = arith.andi %ne3A_525, %ne3A_528 : i1
        %sub3A_530 = arith.constant 1 : i32
        %sub3A_531 = arith.subi %div3A_510, %sub3A_530 : i32
        %select_n3A_532 = arith.select %and3A_529, %sub3A_531, %div3A_510 : i32
        %jit3A_533 = arith.constant 2 : i32
        %eq3A_534 = arith.constant 0 : i32
        %eq3A_535 = arith.cmpi eq, %jit3A_533, %eq3A_534 : i32
        %jit3A_536 = arith.constant 1 : i32
        %select_n3A_537 = arith.select %eq3A_535, %jit3A_536, %jit3A_533 : i32
        %rem3A_538 = arith.remsi %add3A_165, %select_n3A_537 : i32
        %ne3A_539 = arith.constant 0 : i32
        %ne3A_540 = arith.cmpi ne, %rem3A_538, %ne3A_539 : i32
        %lt3A_541 = arith.constant 0 : i32
        %lt3A_542 = arith.cmpi slt, %rem3A_538, %lt3A_541 : i32
        %lt3A_543 = arith.constant 0 : i32
        %lt3A_544 = arith.cmpi slt, %select_n3A_537, %lt3A_543 : i32
        %ne3A_545 = arith.xori %lt3A_542, %lt3A_544 : i1
        %and3A_546 = arith.andi %ne3A_545, %ne3A_540 : i1
        %add3A_547 = arith.addi %rem3A_538, %select_n3A_537 : i32
        %select_n3A_548 = arith.select %and3A_546, %add3A_547, %rem3A_538 : i32
        %jit3A_549 = arith.constant 2 : i32
        %div3A_550 = arith.divsi %add3A_174, %jit3A_549 : i32
        %sign3A_551 = arith.constant 0 : i32
        %sign3A_552 = arith.cmpi sgt, %add3A_174, %sign3A_551 : i32
        %sign3A_553 = arith.extui %sign3A_552 : i1 to i32
        %sign3A_554 = arith.constant 0 : i32
        %sign3A_555 = arith.cmpi slt, %add3A_174, %sign3A_554 : i32
        %sign3A_556 = arith.extui %sign3A_555 : i1 to i32
        %sign3A_557 = arith.subi %sign3A_553, %sign3A_556 : i32
        %sign3A_558 = arith.constant 0 : i32
        %sign3A_559 = arith.cmpi sgt, %jit3A_549, %sign3A_558 : i32
        %sign3A_560 = arith.extui %sign3A_559 : i1 to i32
        %sign3A_561 = arith.constant 0 : i32
        %sign3A_562 = arith.cmpi slt, %jit3A_549, %sign3A_561 : i32
        %sign3A_563 = arith.extui %sign3A_562 : i1 to i32
        %sign3A_564 = arith.subi %sign3A_560, %sign3A_563 : i32
        %ne3A_565 = arith.cmpi ne, %sign3A_557, %sign3A_564 : i32
        %rem3A_566 = arith.remsi %add3A_174, %jit3A_549 : i32
        %ne3A_567 = arith.constant 0 : i32
        %ne3A_568 = arith.cmpi ne, %rem3A_566, %ne3A_567 : i32
        %and3A_569 = arith.andi %ne3A_565, %ne3A_568 : i1
        %sub3A_570 = arith.constant 1 : i32
        %sub3A_571 = arith.subi %div3A_550, %sub3A_570 : i32
        %select_n3A_572 = arith.select %and3A_569, %sub3A_571, %div3A_550 : i32
        %jit3A_573 = arith.constant 2 : i32
        %eq3A_574 = arith.constant 0 : i32
        %eq3A_575 = arith.cmpi eq, %jit3A_573, %eq3A_574 : i32
        %jit3A_576 = arith.constant 1 : i32
        %select_n3A_577 = arith.select %eq3A_575, %jit3A_576, %jit3A_573 : i32
        %rem3A_578 = arith.remsi %add3A_174, %select_n3A_577 : i32
        %ne3A_579 = arith.constant 0 : i32
        %ne3A_580 = arith.cmpi ne, %rem3A_578, %ne3A_579 : i32
        %lt3A_581 = arith.constant 0 : i32
        %lt3A_582 = arith.cmpi slt, %rem3A_578, %lt3A_581 : i32
        %lt3A_583 = arith.constant 0 : i32
        %lt3A_584 = arith.cmpi slt, %select_n3A_577, %lt3A_583 : i32
        %ne3A_585 = arith.xori %lt3A_582, %lt3A_584 : i1
        %and3A_586 = arith.andi %ne3A_585, %ne3A_580 : i1
        %add3A_587 = arith.addi %rem3A_578, %select_n3A_577 : i32
        %select_n3A_588 = arith.select %and3A_586, %add3A_587, %rem3A_578 : i32
        %ne3A_589 = arith.cmpi ne, %select_n3A_532, %select_n3A_572 : i32
        %ne3A_590 = arith.cmpi ne, %select_n3A_548, %select_n3A_588 : i32
        %or3A_591 = arith.constant false
        %or3A_592 = arith.ori %or3A_591, %ne3A_589 : i1
        %or3A_593 = arith.ori %or3A_592, %ne3A_590 : i1
        %not3A_594 = arith.constant true
        %not3A_595 = arith.xori %eq3A_162, %not3A_594 : i1
        %and3A_596 = arith.andi %or3A_593, %not3A_595 : i1
        %convert_element_type3A_597 = arith.extui %and3A_596 : i1 to i32
        %cond3A_598 = arith.constant 0 : i32
        %cond3A_599 = arith.cmpi ne, %convert_element_type3A_597, %cond3A_598 : i32
        scf.if %cond3A_599 {
          "tpu.trace_start"() <{level = 10 : i32, message = "ep_wait_out"}> : () -> ()
          %rem3A_620 = arith.constant 2 : i32
          %rem3A_621 = arith.remui %scan3A_159, %rem3A_620 : i32
          %jit3A_622 = arith.constant 2 : i32
          %div3A_623 = arith.divsi %add3A_174, %jit3A_622 : i32
          %sign3A_624 = arith.constant 0 : i32
          %sign3A_625 = arith.cmpi sgt, %add3A_174, %sign3A_624 : i32
          %sign3A_626 = arith.extui %sign3A_625 : i1 to i32
          %sign3A_627 = arith.constant 0 : i32
          %sign3A_628 = arith.cmpi slt, %add3A_174, %sign3A_627 : i32
          %sign3A_629 = arith.extui %sign3A_628 : i1 to i32
          %sign3A_630 = arith.subi %sign3A_626, %sign3A_629 : i32
          %sign3A_631 = arith.constant 0 : i32
          %sign3A_632 = arith.cmpi sgt, %jit3A_622, %sign3A_631 : i32
          %sign3A_633 = arith.extui %sign3A_632 : i1 to i32
          %sign3A_634 = arith.constant 0 : i32
          %sign3A_635 = arith.cmpi slt, %jit3A_622, %sign3A_634 : i32
          %sign3A_636 = arith.extui %sign3A_635 : i1 to i32
          %sign3A_637 = arith.subi %sign3A_633, %sign3A_636 : i32
          %ne3A_638 = arith.cmpi ne, %sign3A_630, %sign3A_637 : i32
          %rem3A_639 = arith.remsi %add3A_174, %jit3A_622 : i32
          %ne3A_640 = arith.constant 0 : i32
          %ne3A_641 = arith.cmpi ne, %rem3A_639, %ne3A_640 : i32
          %and3A_642 = arith.andi %ne3A_638, %ne3A_641 : i1
          %sub3A_643 = arith.constant 1 : i32
          %sub3A_644 = arith.subi %div3A_623, %sub3A_643 : i32
          %select_n3A_645 = arith.select %and3A_642, %sub3A_644, %div3A_623 : i32
          %jit3A_646 = arith.constant 2 : i32
          %eq3A_647 = arith.constant 0 : i32
          %eq3A_648 = arith.cmpi eq, %jit3A_646, %eq3A_647 : i32
          %jit3A_649 = arith.constant 1 : i32
          %select_n3A_650 = arith.select %eq3A_648, %jit3A_649, %jit3A_646 : i32
          %rem3A_651 = arith.remsi %add3A_174, %select_n3A_650 : i32
          %ne3A_652 = arith.constant 0 : i32
          %ne3A_653 = arith.cmpi ne, %rem3A_651, %ne3A_652 : i32
          %lt3A_654 = arith.constant 0 : i32
          %lt3A_655 = arith.cmpi slt, %rem3A_651, %lt3A_654 : i32
          %lt3A_656 = arith.constant 0 : i32
          %lt3A_657 = arith.cmpi slt, %select_n3A_650, %lt3A_656 : i32
          %ne3A_658 = arith.xori %lt3A_655, %lt3A_657 : i1
          %and3A_659 = arith.andi %ne3A_658, %ne3A_653 : i1
          %add3A_660 = arith.addi %rem3A_651, %select_n3A_650 : i32
          %select_n3A_661 = arith.select %and3A_659, %add3A_660, %rem3A_651 : i32
          %mul3A_662 = arith.constant 128 : i32
          %mul3A_663 = arith.muli %mul3A_662, %select_n3A_645 : i32
          %mul3A_664 = arith.constant 64 : i32
          %mul3A_665 = arith.muli %mul3A_664, %select_n3A_661 : i32
          %dma_wait3A_666 = arith.constant 0 : i32
          %dma_wait3A_667 = arith.constant 0 : i32
          %dma_wait3A_668 = tpu.memref_slice %run_scoped3A_8[%rem3A_621, %dma_wait3A_666, %dma_wait3A_667] : memref<2x128x64xi32, #tpu.memory_space<vmem>> -> memref<1x128x64xi32, #tpu.memory_space<vmem>>
          %dma_wait3A_669 = tpu.memref_squeeze %dma_wait3A_668 : memref<1x128x64xi32, #tpu.memory_space<vmem>> -> memref<128x64xi32, #tpu.memory_space<vmem>>
          %dma_wait3A_670 = tpu.memref_slice %arg4[%mul3A_663, %mul3A_665] : memref<32768x128xi32, #tpu.memory_space<hbm>> -> memref<128x64xi32, #tpu.memory_space<hbm>>
          %dma_wait3A_671 = tpu.memref_slice %run_scoped3A_9[%rem3A_621] : memref<2x!tpu.dma_semaphore, #tpu.memory_space<semaphore_mem>> -> memref<1x!tpu.dma_semaphore, #tpu.memory_space<semaphore_mem>>
          %dma_wait3A_672 = tpu.memref_squeeze %dma_wait3A_671 : memref<1x!tpu.dma_semaphore, #tpu.memory_space<semaphore_mem>> -> memref<!tpu.dma_semaphore, #tpu.memory_space<semaphore_mem>>
          %dma_wait3A_673 = tpu.memref_slice %arg4[%mul3A_663, %mul3A_665] : memref<32768x128xi32, #tpu.memory_space<hbm>> -> memref<128x64xi32, #tpu.memory_space<hbm>>
          %dma_wait3A_674 = arith.constant 0 : i32
          %dma_wait3A_675 = arith.constant 0 : i32
          %dma_wait3A_676 = tpu.memref_slice %run_scoped3A_8[%rem3A_621, %dma_wait3A_674, %dma_wait3A_675] : memref<2x128x64xi32, #tpu.memory_space<vmem>> -> memref<1x128x64xi32, #tpu.memory_space<vmem>>
          %dma_wait3A_677 = tpu.memref_squeeze %dma_wait3A_676 : memref<1x128x64xi32, #tpu.memory_space<vmem>> -> memref<128x64xi32, #tpu.memory_space<vmem>>
          tpu.wait_dma2 semaphore(%dma_wait3A_672 : memref<!tpu.dma_semaphore, #tpu.memory_space<semaphore_mem>>) src(%dma_wait3A_677 : memref<128x64xi32, #tpu.memory_space<vmem>>) dst(%dma_wait3A_673 : memref<128x64xi32, #tpu.memory_space<hbm>>)
          "tpu.trace_stop"() : () -> ()
        } else {
        }
        %and3A_600 = arith.constant true
        %and3A_601 = arith.andi %and3A_596, %and3A_600 : i1
        %add3A_602 = arith.constant 1 : i32
        %add3A_603 = arith.addi %scan3A_159, %add3A_602 : i32
        %select_n3A_604 = arith.select %and3A_601, %add3A_603, %scan3A_159 : i32
        %ne3A_605 = arith.cmpi ne, %add3A_165, %add3A_183 : i32
        %or3A_606 = arith.constant false
        %or3A_607 = arith.ori %or3A_606, %ne3A_605 : i1
        %or3A_608 = arith.ori %or3A_607, %eq3A_164 : i1
        %add3A_609 = arith.constant 1 : i32
        %add3A_610 = arith.addi %scan3A_157, %add3A_609 : i32
        %select_n3A_611 = arith.select %or3A_608, %add3A_610, %scan3A_157 : i32
        %add3A_612 = arith.constant 1 : i32
        %add3A_613 = arith.addi %scan3A_160, %add3A_612 : i32
        %select_n3A_614 = arith.constant true
        %select_n3A_615 = arith.select %select_n3A_614, %add3A_613, %scan3A_160 : i32
        %eq3A_616 = arith.constant 16 : i32
        %eq3A_617 = arith.cmpi eq, %select_n3A_615, %eq3A_616 : i32
        %select_n3A_618 = arith.constant 0 : i32
        %select_n3A_619 = arith.select %eq3A_617, %select_n3A_618, %select_n3A_615 : i32
        scf.yield %select_n3A_203, %select_n3A_611, %select_n3A_497, %select_n3A_604, %select_n3A_619 : i32, i32, i32, i32, i32
      }
      %scan3A_68 = arith.constant 16 : i32
      %sub3A = arith.constant 1 : i32
      %sub3A_69 = arith.subi %scan3A_67#4, %sub3A : i32
      %select_n3A_70 = arith.constant true
      %select_n3A_71 = arith.select %select_n3A_70, %sub3A_69, %scan3A_67#4 : i32
      %eq3A_72 = arith.constant -1 : i32
      %eq3A_73 = arith.cmpi eq, %select_n3A_71, %eq3A_72 : i32
      %select_n3A_74 = arith.constant 15 : i32
      %select_n3A_75 = arith.select %eq3A_73, %select_n3A_74, %select_n3A_71 : i32
      %add3A_76 = arith.addi %select_n3A_75, %mul3A_6 : i32
      %sub3A_77 = arith.constant 1 : i32
      %sub3A_78 = arith.subi %select_n3A_75, %sub3A_77 : i32
      %select_n3A_79 = arith.constant true
      %select_n3A_80 = arith.select %select_n3A_79, %sub3A_78, %select_n3A_75 : i32
      %eq3A_81 = arith.constant -1 : i32
      %eq3A_82 = arith.cmpi eq, %select_n3A_80, %eq3A_81 : i32
      %select_n3A_83 = arith.constant 15 : i32
      %select_n3A_84 = arith.select %eq3A_82, %select_n3A_83, %select_n3A_80 : i32
      %add3A_85 = arith.addi %select_n3A_84, %mul3A_6 : i32
      %add3A_86 = arith.constant 1 : i32
      %add3A_87 = arith.addi %select_n3A_75, %add3A_86 : i32
      %select_n3A_88 = arith.constant true
      %select_n3A_89 = arith.select %select_n3A_88, %add3A_87, %select_n3A_75 : i32
      %eq3A_90 = arith.constant 16 : i32
      %eq3A_91 = arith.cmpi eq, %select_n3A_89, %eq3A_90 : i32
      %select_n3A_92 = arith.constant 0 : i32
      %select_n3A_93 = arith.select %eq3A_91, %select_n3A_92, %select_n3A_89 : i32
      %add3A_94 = arith.addi %select_n3A_93, %mul3A_6 : i32
      %add3A_95 = arith.constant 1 : i32
      %add3A_96 = arith.addi %select_n3A_93, %add3A_95 : i32
      %select_n3A_97 = arith.constant true
      %select_n3A_98 = arith.select %select_n3A_97, %add3A_96, %select_n3A_93 : i32
      %eq3A_99 = arith.constant 16 : i32
      %eq3A_100 = arith.cmpi eq, %select_n3A_98, %eq3A_99 : i32
      %select_n3A_101 = arith.constant 0 : i32
      %select_n3A_102 = arith.select %eq3A_100, %select_n3A_101, %select_n3A_98 : i32
      %add3A_103 = arith.addi %select_n3A_102, %mul3A_6 : i32
      "tpu.trace_start"() <{level = 10 : i32, message = "ep_finalize"}> : () -> ()
      %rem3A_104 = arith.constant 2 : i32
      %rem3A_105 = arith.remui %scan3A_67#3, %rem3A_104 : i32
      %jit3A = arith.constant 2 : i32
      %div3A = arith.divsi %add3A_76, %jit3A : i32
      %sign3A = arith.constant 0 : i32
      %sign3A_106 = arith.cmpi sgt, %add3A_76, %sign3A : i32
      %sign3A_107 = arith.extui %sign3A_106 : i1 to i32
      %sign3A_108 = arith.constant 0 : i32
      %sign3A_109 = arith.cmpi slt, %add3A_76, %sign3A_108 : i32
      %sign3A_110 = arith.extui %sign3A_109 : i1 to i32
      %sign3A_111 = arith.subi %sign3A_107, %sign3A_110 : i32
      %sign3A_112 = arith.constant 0 : i32
      %sign3A_113 = arith.cmpi sgt, %jit3A, %sign3A_112 : i32
      %sign3A_114 = arith.extui %sign3A_113 : i1 to i32
      %sign3A_115 = arith.constant 0 : i32
      %sign3A_116 = arith.cmpi slt, %jit3A, %sign3A_115 : i32
      %sign3A_117 = arith.extui %sign3A_116 : i1 to i32
      %sign3A_118 = arith.subi %sign3A_114, %sign3A_117 : i32
      %ne3A = arith.cmpi ne, %sign3A_111, %sign3A_118 : i32
      %rem3A_119 = arith.remsi %add3A_76, %jit3A : i32
      %ne3A_120 = arith.constant 0 : i32
      %ne3A_121 = arith.cmpi ne, %rem3A_119, %ne3A_120 : i32
      %and3A = arith.andi %ne3A, %ne3A_121 : i1
      %sub3A_122 = arith.constant 1 : i32
      %sub3A_123 = arith.subi %div3A, %sub3A_122 : i32
      %select_n3A_124 = arith.select %and3A, %sub3A_123, %div3A : i32
      %jit3A_125 = arith.constant 2 : i32
      %eq3A_126 = arith.constant 0 : i32
      %eq3A_127 = arith.cmpi eq, %jit3A_125, %eq3A_126 : i32
      %jit3A_128 = arith.constant 1 : i32
      %select_n3A_129 = arith.select %eq3A_127, %jit3A_128, %jit3A_125 : i32
      %rem3A_130 = arith.remsi %add3A_76, %select_n3A_129 : i32
      %ne3A_131 = arith.constant 0 : i32
      %ne3A_132 = arith.cmpi ne, %rem3A_130, %ne3A_131 : i32
      %lt3A = arith.constant 0 : i32
      %lt3A_133 = arith.cmpi slt, %rem3A_130, %lt3A : i32
      %lt3A_134 = arith.constant 0 : i32
      %lt3A_135 = arith.cmpi slt, %select_n3A_129, %lt3A_134 : i32
      %ne3A_136 = arith.xori %lt3A_133, %lt3A_135 : i1
      %and3A_137 = arith.andi %ne3A_136, %ne3A_132 : i1
      %add3A_138 = arith.addi %rem3A_130, %select_n3A_129 : i32
      %select_n3A_139 = arith.select %and3A_137, %add3A_138, %rem3A_130 : i32
      %mul3A_140 = arith.constant 128 : i32
      %mul3A_141 = arith.muli %mul3A_140, %select_n3A_124 : i32
      %mul3A_142 = arith.constant 64 : i32
      %mul3A_143 = arith.muli %mul3A_142, %select_n3A_139 : i32
      %dma_wait3A = arith.constant 0 : i32
      %dma_wait3A_144 = arith.constant 0 : i32
      %dma_wait3A_145 = tpu.memref_slice %run_scoped3A_8[%rem3A_105, %dma_wait3A, %dma_wait3A_144] : memref<2x128x64xi32, #tpu.memory_space<vmem>> -> memref<1x128x64xi32, #tpu.memory_space<vmem>>
      %dma_wait3A_146 = tpu.memref_squeeze %dma_wait3A_145 : memref<1x128x64xi32, #tpu.memory_space<vmem>> -> memref<128x64xi32, #tpu.memory_space<vmem>>
      %dma_wait3A_147 = tpu.memref_slice %arg4[%mul3A_141, %mul3A_143] : memref<32768x128xi32, #tpu.memory_space<hbm>> -> memref<128x64xi32, #tpu.memory_space<hbm>>
      %dma_wait3A_148 = tpu.memref_slice %run_scoped3A_9[%rem3A_105] : memref<2x!tpu.dma_semaphore, #tpu.memory_space<semaphore_mem>> -> memref<1x!tpu.dma_semaphore, #tpu.memory_space<semaphore_mem>>
      %dma_wait3A_149 = tpu.memref_squeeze %dma_wait3A_148 : memref<1x!tpu.dma_semaphore, #tpu.memory_space<semaphore_mem>> -> memref<!tpu.dma_semaphore, #tpu.memory_space<semaphore_mem>>
      %dma_wait3A_150 = tpu.memref_slice %arg4[%mul3A_141, %mul3A_143] : memref<32768x128xi32, #tpu.memory_space<hbm>> -> memref<128x64xi32, #tpu.memory_space<hbm>>
      %dma_wait3A_151 = arith.constant 0 : i32
      %dma_wait3A_152 = arith.constant 0 : i32
      %dma_wait3A_153 = tpu.memref_slice %run_scoped3A_8[%rem3A_105, %dma_wait3A_151, %dma_wait3A_152] : memref<2x128x64xi32, #tpu.memory_space<vmem>> -> memref<1x128x64xi32, #tpu.memory_space<vmem>>
      %dma_wait3A_154 = tpu.memref_squeeze %dma_wait3A_153 : memref<1x128x64xi32, #tpu.memory_space<vmem>> -> memref<128x64xi32, #tpu.memory_space<vmem>>
      tpu.wait_dma2 semaphore(%dma_wait3A_149 : memref<!tpu.dma_semaphore, #tpu.memory_space<semaphore_mem>>) src(%dma_wait3A_154 : memref<128x64xi32, #tpu.memory_space<vmem>>) dst(%dma_wait3A_150 : memref<128x64xi32, #tpu.memory_space<hbm>>)
      "tpu.trace_stop"() : () -> ()
      tpu.yield
    }) : () -> ()
    return
  }
}

module attributes {stable_mosaic.version = 14 : i64} {
  func.func @_ln_body(%arg0: i32, %arg1: memref<4096x128xi32, #tpu.memory_space<vmem>>, %arg2: memref<512x128xf32, #tpu.memory_space<vmem>>, %arg3: memref<2x128xf32, #tpu.memory_space<vmem>>, %arg4: memref<1x128xf32, #tpu.memory_space<vmem>>, %arg5: memref<1x128xf32, #tpu.memory_space<vmem>>, %arg6: memref<16x512x128xf32, #tpu.memory_space<vmem>>) attributes {dimension_semantics = [#tpu.dimension_semantics<arbitrary>], iteration_bounds = array<i64: 8>, scalar_prefetch = 0 : i64, scratch_operands = 0 : i64, tpu.core_type = #tpu.core_type<tc>, window_params = [{transform_indices = @transform_0, window_bounds = array<i64: 4096, 128>}, {pipeline_mode = #tpu.pipeline_mode<synchronous>, transform_indices = @transform_1, window_bounds = array<i64: 512, 128>}, {pipeline_mode = #tpu.pipeline_mode<synchronous>, transform_indices = @transform_2, window_bounds = array<i64: 2, 128>}, {pipeline_mode = #tpu.pipeline_mode<synchronous>, transform_indices = @transform_3, window_bounds = array<i64: 1, 128>}, {pipeline_mode = #tpu.pipeline_mode<synchronous>, transform_indices = @transform_4, window_bounds = array<i64: 1, 128>}, {transform_indices = @transform_5, window_bounds = array<i64: 16, 512, 128>}]} {
    %get3A = arith.constant 0 : index
    %get3A_0 = arith.constant 0 : index
    %get3A_1 = vector.load %arg1[%get3A, %get3A_0] : memref<4096x128xi32, #tpu.memory_space<vmem>>, vector<4096x128xi32>
    %shift_left3A = arith.constant 16 : i32
    %shift_left3A_2 = vector.broadcast %shift_left3A : i32 to vector<4096x128xi32>
    %shift_left3A_3 = arith.shli %get3A_1, %shift_left3A_2 : vector<4096x128xi32>
    %bitcast_convert_type3A = tpu.bitcast %shift_left3A_3 : vector<4096x128xi32> -> vector<4096x128xf32>
    %and3A = arith.constant -65536 : i32
    %and3A_4 = vector.broadcast %and3A : i32 to vector<4096x128xi32>
    %and3A_5 = arith.andi %get3A_1, %and3A_4 : vector<4096x128xi32>
    %bitcast_convert_type3A_6 = tpu.bitcast %and3A_5 : vector<4096x128xi32> -> vector<4096x128xf32>
    %slice3A = vector.extract_strided_slice %bitcast_convert_type3A {offsets = [0, 0], sizes = [128, 64], strides = [1, 1]} : vector<4096x128xf32> to vector<128x64xf32>
    %slice3A_7 = vector.extract_strided_slice %bitcast_convert_type3A_6 {offsets = [0, 0], sizes = [128, 64], strides = [1, 1]} : vector<4096x128xf32> to vector<128x64xf32>
    %concatenate3A = tpu.concatenate %slice3A, %slice3A_7 in 1 : vector<128x64xf32>, vector<128x64xf32> -> vector<128x128xf32>
    %slice3A_8 = vector.extract_strided_slice %bitcast_convert_type3A {offsets = [0, 64], sizes = [128, 64], strides = [1, 1]} : vector<4096x128xf32> to vector<128x64xf32>
    %slice3A_9 = vector.extract_strided_slice %bitcast_convert_type3A_6 {offsets = [0, 64], sizes = [128, 64], strides = [1, 1]} : vector<4096x128xf32> to vector<128x64xf32>
    %concatenate3A_10 = tpu.concatenate %slice3A_8, %slice3A_9 in 1 : vector<128x64xf32>, vector<128x64xf32> -> vector<128x128xf32>
    %slice3A_11 = vector.extract_strided_slice %bitcast_convert_type3A {offsets = [128, 0], sizes = [128, 64], strides = [1, 1]} : vector<4096x128xf32> to vector<128x64xf32>
    %slice3A_12 = vector.extract_strided_slice %bitcast_convert_type3A_6 {offsets = [128, 0], sizes = [128, 64], strides = [1, 1]} : vector<4096x128xf32> to vector<128x64xf32>
    %concatenate3A_13 = tpu.concatenate %slice3A_11, %slice3A_12 in 1 : vector<128x64xf32>, vector<128x64xf32> -> vector<128x128xf32>
    %slice3A_14 = vector.extract_strided_slice %bitcast_convert_type3A {offsets = [128, 64], sizes = [128, 64], strides = [1, 1]} : vector<4096x128xf32> to vector<128x64xf32>
    %slice3A_15 = vector.extract_strided_slice %bitcast_convert_type3A_6 {offsets = [128, 64], sizes = [128, 64], strides = [1, 1]} : vector<4096x128xf32> to vector<128x64xf32>
    %concatenate3A_16 = tpu.concatenate %slice3A_14, %slice3A_15 in 1 : vector<128x64xf32>, vector<128x64xf32> -> vector<128x128xf32>
    %slice3A_17 = vector.extract_strided_slice %bitcast_convert_type3A {offsets = [256, 0], sizes = [128, 64], strides = [1, 1]} : vector<4096x128xf32> to vector<128x64xf32>
    %slice3A_18 = vector.extract_strided_slice %bitcast_convert_type3A_6 {offsets = [256, 0], sizes = [128, 64], strides = [1, 1]} : vector<4096x128xf32> to vector<128x64xf32>
    %concatenate3A_19 = tpu.concatenate %slice3A_17, %slice3A_18 in 1 : vector<128x64xf32>, vector<128x64xf32> -> vector<128x128xf32>
    %slice3A_20 = vector.extract_strided_slice %bitcast_convert_type3A {offsets = [256, 64], sizes = [128, 64], strides = [1, 1]} : vector<4096x128xf32> to vector<128x64xf32>
    %slice3A_21 = vector.extract_strided_slice %bitcast_convert_type3A_6 {offsets = [256, 64], sizes = [128, 64], strides = [1, 1]} : vector<4096x128xf32> to vector<128x64xf32>
    %concatenate3A_22 = tpu.concatenate %slice3A_20, %slice3A_21 in 1 : vector<128x64xf32>, vector<128x64xf32> -> vector<128x128xf32>
    %slice3A_23 = vector.extract_strided_slice %bitcast_convert_type3A {offsets = [384, 0], sizes = [128, 64], strides = [1, 1]} : vector<4096x128xf32> to vector<128x64xf32>
    %slice3A_24 = vector.extract_strided_slice %bitcast_convert_type3A_6 {offsets = [384, 0], sizes = [128, 64], strides = [1, 1]} : vector<4096x128xf32> to vector<128x64xf32>
    %concatenate3A_25 = tpu.concatenate %slice3A_23, %slice3A_24 in 1 : vector<128x64xf32>, vector<128x64xf32> -> vector<128x128xf32>
    %slice3A_26 = vector.extract_strided_slice %bitcast_convert_type3A {offsets = [384, 64], sizes = [128, 64], strides = [1, 1]} : vector<4096x128xf32> to vector<128x64xf32>
    %slice3A_27 = vector.extract_strided_slice %bitcast_convert_type3A_6 {offsets = [384, 64], sizes = [128, 64], strides = [1, 1]} : vector<4096x128xf32> to vector<128x64xf32>
    %concatenate3A_28 = tpu.concatenate %slice3A_26, %slice3A_27 in 1 : vector<128x64xf32>, vector<128x64xf32> -> vector<128x128xf32>
    %slice3A_29 = vector.extract_strided_slice %bitcast_convert_type3A {offsets = [512, 0], sizes = [128, 64], strides = [1, 1]} : vector<4096x128xf32> to vector<128x64xf32>
    %slice3A_30 = vector.extract_strided_slice %bitcast_convert_type3A_6 {offsets = [512, 0], sizes = [128, 64], strides = [1, 1]} : vector<4096x128xf32> to vector<128x64xf32>
    %concatenate3A_31 = tpu.concatenate %slice3A_29, %slice3A_30 in 1 : vector<128x64xf32>, vector<128x64xf32> -> vector<128x128xf32>
    %slice3A_32 = vector.extract_strided_slice %bitcast_convert_type3A {offsets = [512, 64], sizes = [128, 64], strides = [1, 1]} : vector<4096x128xf32> to vector<128x64xf32>
    %slice3A_33 = vector.extract_strided_slice %bitcast_convert_type3A_6 {offsets = [512, 64], sizes = [128, 64], strides = [1, 1]} : vector<4096x128xf32> to vector<128x64xf32>
    %concatenate3A_34 = tpu.concatenate %slice3A_32, %slice3A_33 in 1 : vector<128x64xf32>, vector<128x64xf32> -> vector<128x128xf32>
    %slice3A_35 = vector.extract_strided_slice %bitcast_convert_type3A {offsets = [640, 0], sizes = [128, 64], strides = [1, 1]} : vector<4096x128xf32> to vector<128x64xf32>
    %slice3A_36 = vector.extract_strided_slice %bitcast_convert_type3A_6 {offsets = [640, 0], sizes = [128, 64], strides = [1, 1]} : vector<4096x128xf32> to vector<128x64xf32>
    %concatenate3A_37 = tpu.concatenate %slice3A_35, %slice3A_36 in 1 : vector<128x64xf32>, vector<128x64xf32> -> vector<128x128xf32>
    %slice3A_38 = vector.extract_strided_slice %bitcast_convert_type3A {offsets = [640, 64], sizes = [128, 64], strides = [1, 1]} : vector<4096x128xf32> to vector<128x64xf32>
    %slice3A_39 = vector.extract_strided_slice %bitcast_convert_type3A_6 {offsets = [640, 64], sizes = [128, 64], strides = [1, 1]} : vector<4096x128xf32> to vector<128x64xf32>
    %concatenate3A_40 = tpu.concatenate %slice3A_38, %slice3A_39 in 1 : vector<128x64xf32>, vector<128x64xf32> -> vector<128x128xf32>
    %slice3A_41 = vector.extract_strided_slice %bitcast_convert_type3A {offsets = [768, 0], sizes = [128, 64], strides = [1, 1]} : vector<4096x128xf32> to vector<128x64xf32>
    %slice3A_42 = vector.extract_strided_slice %bitcast_convert_type3A_6 {offsets = [768, 0], sizes = [128, 64], strides = [1, 1]} : vector<4096x128xf32> to vector<128x64xf32>
    %concatenate3A_43 = tpu.concatenate %slice3A_41, %slice3A_42 in 1 : vector<128x64xf32>, vector<128x64xf32> -> vector<128x128xf32>
    %slice3A_44 = vector.extract_strided_slice %bitcast_convert_type3A {offsets = [768, 64], sizes = [128, 64], strides = [1, 1]} : vector<4096x128xf32> to vector<128x64xf32>
    %slice3A_45 = vector.extract_strided_slice %bitcast_convert_type3A_6 {offsets = [768, 64], sizes = [128, 64], strides = [1, 1]} : vector<4096x128xf32> to vector<128x64xf32>
    %concatenate3A_46 = tpu.concatenate %slice3A_44, %slice3A_45 in 1 : vector<128x64xf32>, vector<128x64xf32> -> vector<128x128xf32>
    %slice3A_47 = vector.extract_strided_slice %bitcast_convert_type3A {offsets = [896, 0], sizes = [128, 64], strides = [1, 1]} : vector<4096x128xf32> to vector<128x64xf32>
    %slice3A_48 = vector.extract_strided_slice %bitcast_convert_type3A_6 {offsets = [896, 0], sizes = [128, 64], strides = [1, 1]} : vector<4096x128xf32> to vector<128x64xf32>
    %concatenate3A_49 = tpu.concatenate %slice3A_47, %slice3A_48 in 1 : vector<128x64xf32>, vector<128x64xf32> -> vector<128x128xf32>
    %slice3A_50 = vector.extract_strided_slice %bitcast_convert_type3A {offsets = [896, 64], sizes = [128, 64], strides = [1, 1]} : vector<4096x128xf32> to vector<128x64xf32>
    %slice3A_51 = vector.extract_strided_slice %bitcast_convert_type3A_6 {offsets = [896, 64], sizes = [128, 64], strides = [1, 1]} : vector<4096x128xf32> to vector<128x64xf32>
    %concatenate3A_52 = tpu.concatenate %slice3A_50, %slice3A_51 in 1 : vector<128x64xf32>, vector<128x64xf32> -> vector<128x128xf32>
    %slice3A_53 = vector.extract_strided_slice %bitcast_convert_type3A {offsets = [1024, 0], sizes = [128, 64], strides = [1, 1]} : vector<4096x128xf32> to vector<128x64xf32>
    %slice3A_54 = vector.extract_strided_slice %bitcast_convert_type3A_6 {offsets = [1024, 0], sizes = [128, 64], strides = [1, 1]} : vector<4096x128xf32> to vector<128x64xf32>
    %concatenate3A_55 = tpu.concatenate %slice3A_53, %slice3A_54 in 1 : vector<128x64xf32>, vector<128x64xf32> -> vector<128x128xf32>
    %slice3A_56 = vector.extract_strided_slice %bitcast_convert_type3A {offsets = [1024, 64], sizes = [128, 64], strides = [1, 1]} : vector<4096x128xf32> to vector<128x64xf32>
    %slice3A_57 = vector.extract_strided_slice %bitcast_convert_type3A_6 {offsets = [1024, 64], sizes = [128, 64], strides = [1, 1]} : vector<4096x128xf32> to vector<128x64xf32>
    %concatenate3A_58 = tpu.concatenate %slice3A_56, %slice3A_57 in 1 : vector<128x64xf32>, vector<128x64xf32> -> vector<128x128xf32>
    %slice3A_59 = vector.extract_strided_slice %bitcast_convert_type3A {offsets = [1152, 0], sizes = [128, 64], strides = [1, 1]} : vector<4096x128xf32> to vector<128x64xf32>
    %slice3A_60 = vector.extract_strided_slice %bitcast_convert_type3A_6 {offsets = [1152, 0], sizes = [128, 64], strides = [1, 1]} : vector<4096x128xf32> to vector<128x64xf32>
    %concatenate3A_61 = tpu.concatenate %slice3A_59, %slice3A_60 in 1 : vector<128x64xf32>, vector<128x64xf32> -> vector<128x128xf32>
    %slice3A_62 = vector.extract_strided_slice %bitcast_convert_type3A {offsets = [1152, 64], sizes = [128, 64], strides = [1, 1]} : vector<4096x128xf32> to vector<128x64xf32>
    %slice3A_63 = vector.extract_strided_slice %bitcast_convert_type3A_6 {offsets = [1152, 64], sizes = [128, 64], strides = [1, 1]} : vector<4096x128xf32> to vector<128x64xf32>
    %concatenate3A_64 = tpu.concatenate %slice3A_62, %slice3A_63 in 1 : vector<128x64xf32>, vector<128x64xf32> -> vector<128x128xf32>
    %slice3A_65 = vector.extract_strided_slice %bitcast_convert_type3A {offsets = [1280, 0], sizes = [128, 64], strides = [1, 1]} : vector<4096x128xf32> to vector<128x64xf32>
    %slice3A_66 = vector.extract_strided_slice %bitcast_convert_type3A_6 {offsets = [1280, 0], sizes = [128, 64], strides = [1, 1]} : vector<4096x128xf32> to vector<128x64xf32>
    %concatenate3A_67 = tpu.concatenate %slice3A_65, %slice3A_66 in 1 : vector<128x64xf32>, vector<128x64xf32> -> vector<128x128xf32>
    %slice3A_68 = vector.extract_strided_slice %bitcast_convert_type3A {offsets = [1280, 64], sizes = [128, 64], strides = [1, 1]} : vector<4096x128xf32> to vector<128x64xf32>
    %slice3A_69 = vector.extract_strided_slice %bitcast_convert_type3A_6 {offsets = [1280, 64], sizes = [128, 64], strides = [1, 1]} : vector<4096x128xf32> to vector<128x64xf32>
    %concatenate3A_70 = tpu.concatenate %slice3A_68, %slice3A_69 in 1 : vector<128x64xf32>, vector<128x64xf32> -> vector<128x128xf32>
    %slice3A_71 = vector.extract_strided_slice %bitcast_convert_type3A {offsets = [1408, 0], sizes = [128, 64], strides = [1, 1]} : vector<4096x128xf32> to vector<128x64xf32>
    %slice3A_72 = vector.extract_strided_slice %bitcast_convert_type3A_6 {offsets = [1408, 0], sizes = [128, 64], strides = [1, 1]} : vector<4096x128xf32> to vector<128x64xf32>
    %concatenate3A_73 = tpu.concatenate %slice3A_71, %slice3A_72 in 1 : vector<128x64xf32>, vector<128x64xf32> -> vector<128x128xf32>
    %slice3A_74 = vector.extract_strided_slice %bitcast_convert_type3A {offsets = [1408, 64], sizes = [128, 64], strides = [1, 1]} : vector<4096x128xf32> to vector<128x64xf32>
    %slice3A_75 = vector.extract_strided_slice %bitcast_convert_type3A_6 {offsets = [1408, 64], sizes = [128, 64], strides = [1, 1]} : vector<4096x128xf32> to vector<128x64xf32>
    %concatenate3A_76 = tpu.concatenate %slice3A_74, %slice3A_75 in 1 : vector<128x64xf32>, vector<128x64xf32> -> vector<128x128xf32>
    %slice3A_77 = vector.extract_strided_slice %bitcast_convert_type3A {offsets = [1536, 0], sizes = [128, 64], strides = [1, 1]} : vector<4096x128xf32> to vector<128x64xf32>
    %slice3A_78 = vector.extract_strided_slice %bitcast_convert_type3A_6 {offsets = [1536, 0], sizes = [128, 64], strides = [1, 1]} : vector<4096x128xf32> to vector<128x64xf32>
    %concatenate3A_79 = tpu.concatenate %slice3A_77, %slice3A_78 in 1 : vector<128x64xf32>, vector<128x64xf32> -> vector<128x128xf32>
    %slice3A_80 = vector.extract_strided_slice %bitcast_convert_type3A {offsets = [1536, 64], sizes = [128, 64], strides = [1, 1]} : vector<4096x128xf32> to vector<128x64xf32>
    %slice3A_81 = vector.extract_strided_slice %bitcast_convert_type3A_6 {offsets = [1536, 64], sizes = [128, 64], strides = [1, 1]} : vector<4096x128xf32> to vector<128x64xf32>
    %concatenate3A_82 = tpu.concatenate %slice3A_80, %slice3A_81 in 1 : vector<128x64xf32>, vector<128x64xf32> -> vector<128x128xf32>
    %slice3A_83 = vector.extract_strided_slice %bitcast_convert_type3A {offsets = [1664, 0], sizes = [128, 64], strides = [1, 1]} : vector<4096x128xf32> to vector<128x64xf32>
    %slice3A_84 = vector.extract_strided_slice %bitcast_convert_type3A_6 {offsets = [1664, 0], sizes = [128, 64], strides = [1, 1]} : vector<4096x128xf32> to vector<128x64xf32>
    %concatenate3A_85 = tpu.concatenate %slice3A_83, %slice3A_84 in 1 : vector<128x64xf32>, vector<128x64xf32> -> vector<128x128xf32>
    %slice3A_86 = vector.extract_strided_slice %bitcast_convert_type3A {offsets = [1664, 64], sizes = [128, 64], strides = [1, 1]} : vector<4096x128xf32> to vector<128x64xf32>
    %slice3A_87 = vector.extract_strided_slice %bitcast_convert_type3A_6 {offsets = [1664, 64], sizes = [128, 64], strides = [1, 1]} : vector<4096x128xf32> to vector<128x64xf32>
    %concatenate3A_88 = tpu.concatenate %slice3A_86, %slice3A_87 in 1 : vector<128x64xf32>, vector<128x64xf32> -> vector<128x128xf32>
    %slice3A_89 = vector.extract_strided_slice %bitcast_convert_type3A {offsets = [1792, 0], sizes = [128, 64], strides = [1, 1]} : vector<4096x128xf32> to vector<128x64xf32>
    %slice3A_90 = vector.extract_strided_slice %bitcast_convert_type3A_6 {offsets = [1792, 0], sizes = [128, 64], strides = [1, 1]} : vector<4096x128xf32> to vector<128x64xf32>
    %concatenate3A_91 = tpu.concatenate %slice3A_89, %slice3A_90 in 1 : vector<128x64xf32>, vector<128x64xf32> -> vector<128x128xf32>
    %slice3A_92 = vector.extract_strided_slice %bitcast_convert_type3A {offsets = [1792, 64], sizes = [128, 64], strides = [1, 1]} : vector<4096x128xf32> to vector<128x64xf32>
    %slice3A_93 = vector.extract_strided_slice %bitcast_convert_type3A_6 {offsets = [1792, 64], sizes = [128, 64], strides = [1, 1]} : vector<4096x128xf32> to vector<128x64xf32>
    %concatenate3A_94 = tpu.concatenate %slice3A_92, %slice3A_93 in 1 : vector<128x64xf32>, vector<128x64xf32> -> vector<128x128xf32>
    %slice3A_95 = vector.extract_strided_slice %bitcast_convert_type3A {offsets = [1920, 0], sizes = [128, 64], strides = [1, 1]} : vector<4096x128xf32> to vector<128x64xf32>
    %slice3A_96 = vector.extract_strided_slice %bitcast_convert_type3A_6 {offsets = [1920, 0], sizes = [128, 64], strides = [1, 1]} : vector<4096x128xf32> to vector<128x64xf32>
    %concatenate3A_97 = tpu.concatenate %slice3A_95, %slice3A_96 in 1 : vector<128x64xf32>, vector<128x64xf32> -> vector<128x128xf32>
    %slice3A_98 = vector.extract_strided_slice %bitcast_convert_type3A {offsets = [1920, 64], sizes = [128, 64], strides = [1, 1]} : vector<4096x128xf32> to vector<128x64xf32>
    %slice3A_99 = vector.extract_strided_slice %bitcast_convert_type3A_6 {offsets = [1920, 64], sizes = [128, 64], strides = [1, 1]} : vector<4096x128xf32> to vector<128x64xf32>
    %concatenate3A_100 = tpu.concatenate %slice3A_98, %slice3A_99 in 1 : vector<128x64xf32>, vector<128x64xf32> -> vector<128x128xf32>
    %slice3A_101 = vector.extract_strided_slice %bitcast_convert_type3A {offsets = [2048, 0], sizes = [128, 64], strides = [1, 1]} : vector<4096x128xf32> to vector<128x64xf32>
    %slice3A_102 = vector.extract_strided_slice %bitcast_convert_type3A_6 {offsets = [2048, 0], sizes = [128, 64], strides = [1, 1]} : vector<4096x128xf32> to vector<128x64xf32>
    %concatenate3A_103 = tpu.concatenate %slice3A_101, %slice3A_102 in 1 : vector<128x64xf32>, vector<128x64xf32> -> vector<128x128xf32>
    %slice3A_104 = vector.extract_strided_slice %bitcast_convert_type3A {offsets = [2048, 64], sizes = [128, 64], strides = [1, 1]} : vector<4096x128xf32> to vector<128x64xf32>
    %slice3A_105 = vector.extract_strided_slice %bitcast_convert_type3A_6 {offsets = [2048, 64], sizes = [128, 64], strides = [1, 1]} : vector<4096x128xf32> to vector<128x64xf32>
    %concatenate3A_106 = tpu.concatenate %slice3A_104, %slice3A_105 in 1 : vector<128x64xf32>, vector<128x64xf32> -> vector<128x128xf32>
    %slice3A_107 = vector.extract_strided_slice %bitcast_convert_type3A {offsets = [2176, 0], sizes = [128, 64], strides = [1, 1]} : vector<4096x128xf32> to vector<128x64xf32>
    %slice3A_108 = vector.extract_strided_slice %bitcast_convert_type3A_6 {offsets = [2176, 0], sizes = [128, 64], strides = [1, 1]} : vector<4096x128xf32> to vector<128x64xf32>
    %concatenate3A_109 = tpu.concatenate %slice3A_107, %slice3A_108 in 1 : vector<128x64xf32>, vector<128x64xf32> -> vector<128x128xf32>
    %slice3A_110 = vector.extract_strided_slice %bitcast_convert_type3A {offsets = [2176, 64], sizes = [128, 64], strides = [1, 1]} : vector<4096x128xf32> to vector<128x64xf32>
    %slice3A_111 = vector.extract_strided_slice %bitcast_convert_type3A_6 {offsets = [2176, 64], sizes = [128, 64], strides = [1, 1]} : vector<4096x128xf32> to vector<128x64xf32>
    %concatenate3A_112 = tpu.concatenate %slice3A_110, %slice3A_111 in 1 : vector<128x64xf32>, vector<128x64xf32> -> vector<128x128xf32>
    %slice3A_113 = vector.extract_strided_slice %bitcast_convert_type3A {offsets = [2304, 0], sizes = [128, 64], strides = [1, 1]} : vector<4096x128xf32> to vector<128x64xf32>
    %slice3A_114 = vector.extract_strided_slice %bitcast_convert_type3A_6 {offsets = [2304, 0], sizes = [128, 64], strides = [1, 1]} : vector<4096x128xf32> to vector<128x64xf32>
    %concatenate3A_115 = tpu.concatenate %slice3A_113, %slice3A_114 in 1 : vector<128x64xf32>, vector<128x64xf32> -> vector<128x128xf32>
    %slice3A_116 = vector.extract_strided_slice %bitcast_convert_type3A {offsets = [2304, 64], sizes = [128, 64], strides = [1, 1]} : vector<4096x128xf32> to vector<128x64xf32>
    %slice3A_117 = vector.extract_strided_slice %bitcast_convert_type3A_6 {offsets = [2304, 64], sizes = [128, 64], strides = [1, 1]} : vector<4096x128xf32> to vector<128x64xf32>
    %concatenate3A_118 = tpu.concatenate %slice3A_116, %slice3A_117 in 1 : vector<128x64xf32>, vector<128x64xf32> -> vector<128x128xf32>
    %slice3A_119 = vector.extract_strided_slice %bitcast_convert_type3A {offsets = [2432, 0], sizes = [128, 64], strides = [1, 1]} : vector<4096x128xf32> to vector<128x64xf32>
    %slice3A_120 = vector.extract_strided_slice %bitcast_convert_type3A_6 {offsets = [2432, 0], sizes = [128, 64], strides = [1, 1]} : vector<4096x128xf32> to vector<128x64xf32>
    %concatenate3A_121 = tpu.concatenate %slice3A_119, %slice3A_120 in 1 : vector<128x64xf32>, vector<128x64xf32> -> vector<128x128xf32>
    %slice3A_122 = vector.extract_strided_slice %bitcast_convert_type3A {offsets = [2432, 64], sizes = [128, 64], strides = [1, 1]} : vector<4096x128xf32> to vector<128x64xf32>
    %slice3A_123 = vector.extract_strided_slice %bitcast_convert_type3A_6 {offsets = [2432, 64], sizes = [128, 64], strides = [1, 1]} : vector<4096x128xf32> to vector<128x64xf32>
    %concatenate3A_124 = tpu.concatenate %slice3A_122, %slice3A_123 in 1 : vector<128x64xf32>, vector<128x64xf32> -> vector<128x128xf32>
    %slice3A_125 = vector.extract_strided_slice %bitcast_convert_type3A {offsets = [2560, 0], sizes = [128, 64], strides = [1, 1]} : vector<4096x128xf32> to vector<128x64xf32>
    %slice3A_126 = vector.extract_strided_slice %bitcast_convert_type3A_6 {offsets = [2560, 0], sizes = [128, 64], strides = [1, 1]} : vector<4096x128xf32> to vector<128x64xf32>
    %concatenate3A_127 = tpu.concatenate %slice3A_125, %slice3A_126 in 1 : vector<128x64xf32>, vector<128x64xf32> -> vector<128x128xf32>
    %slice3A_128 = vector.extract_strided_slice %bitcast_convert_type3A {offsets = [2560, 64], sizes = [128, 64], strides = [1, 1]} : vector<4096x128xf32> to vector<128x64xf32>
    %slice3A_129 = vector.extract_strided_slice %bitcast_convert_type3A_6 {offsets = [2560, 64], sizes = [128, 64], strides = [1, 1]} : vector<4096x128xf32> to vector<128x64xf32>
    %concatenate3A_130 = tpu.concatenate %slice3A_128, %slice3A_129 in 1 : vector<128x64xf32>, vector<128x64xf32> -> vector<128x128xf32>
    %slice3A_131 = vector.extract_strided_slice %bitcast_convert_type3A {offsets = [2688, 0], sizes = [128, 64], strides = [1, 1]} : vector<4096x128xf32> to vector<128x64xf32>
    %slice3A_132 = vector.extract_strided_slice %bitcast_convert_type3A_6 {offsets = [2688, 0], sizes = [128, 64], strides = [1, 1]} : vector<4096x128xf32> to vector<128x64xf32>
    %concatenate3A_133 = tpu.concatenate %slice3A_131, %slice3A_132 in 1 : vector<128x64xf32>, vector<128x64xf32> -> vector<128x128xf32>
    %slice3A_134 = vector.extract_strided_slice %bitcast_convert_type3A {offsets = [2688, 64], sizes = [128, 64], strides = [1, 1]} : vector<4096x128xf32> to vector<128x64xf32>
    %slice3A_135 = vector.extract_strided_slice %bitcast_convert_type3A_6 {offsets = [2688, 64], sizes = [128, 64], strides = [1, 1]} : vector<4096x128xf32> to vector<128x64xf32>
    %concatenate3A_136 = tpu.concatenate %slice3A_134, %slice3A_135 in 1 : vector<128x64xf32>, vector<128x64xf32> -> vector<128x128xf32>
    %slice3A_137 = vector.extract_strided_slice %bitcast_convert_type3A {offsets = [2816, 0], sizes = [128, 64], strides = [1, 1]} : vector<4096x128xf32> to vector<128x64xf32>
    %slice3A_138 = vector.extract_strided_slice %bitcast_convert_type3A_6 {offsets = [2816, 0], sizes = [128, 64], strides = [1, 1]} : vector<4096x128xf32> to vector<128x64xf32>
    %concatenate3A_139 = tpu.concatenate %slice3A_137, %slice3A_138 in 1 : vector<128x64xf32>, vector<128x64xf32> -> vector<128x128xf32>
    %slice3A_140 = vector.extract_strided_slice %bitcast_convert_type3A {offsets = [2816, 64], sizes = [128, 64], strides = [1, 1]} : vector<4096x128xf32> to vector<128x64xf32>
    %slice3A_141 = vector.extract_strided_slice %bitcast_convert_type3A_6 {offsets = [2816, 64], sizes = [128, 64], strides = [1, 1]} : vector<4096x128xf32> to vector<128x64xf32>
    %concatenate3A_142 = tpu.concatenate %slice3A_140, %slice3A_141 in 1 : vector<128x64xf32>, vector<128x64xf32> -> vector<128x128xf32>
    %slice3A_143 = vector.extract_strided_slice %bitcast_convert_type3A {offsets = [2944, 0], sizes = [128, 64], strides = [1, 1]} : vector<4096x128xf32> to vector<128x64xf32>
    %slice3A_144 = vector.extract_strided_slice %bitcast_convert_type3A_6 {offsets = [2944, 0], sizes = [128, 64], strides = [1, 1]} : vector<4096x128xf32> to vector<128x64xf32>
    %concatenate3A_145 = tpu.concatenate %slice3A_143, %slice3A_144 in 1 : vector<128x64xf32>, vector<128x64xf32> -> vector<128x128xf32>
    %slice3A_146 = vector.extract_strided_slice %bitcast_convert_type3A {offsets = [2944, 64], sizes = [128, 64], strides = [1, 1]} : vector<4096x128xf32> to vector<128x64xf32>
    %slice3A_147 = vector.extract_strided_slice %bitcast_convert_type3A_6 {offsets = [2944, 64], sizes = [128, 64], strides = [1, 1]} : vector<4096x128xf32> to vector<128x64xf32>
    %concatenate3A_148 = tpu.concatenate %slice3A_146, %slice3A_147 in 1 : vector<128x64xf32>, vector<128x64xf32> -> vector<128x128xf32>
    %slice3A_149 = vector.extract_strided_slice %bitcast_convert_type3A {offsets = [3072, 0], sizes = [128, 64], strides = [1, 1]} : vector<4096x128xf32> to vector<128x64xf32>
    %slice3A_150 = vector.extract_strided_slice %bitcast_convert_type3A_6 {offsets = [3072, 0], sizes = [128, 64], strides = [1, 1]} : vector<4096x128xf32> to vector<128x64xf32>
    %concatenate3A_151 = tpu.concatenate %slice3A_149, %slice3A_150 in 1 : vector<128x64xf32>, vector<128x64xf32> -> vector<128x128xf32>
    %slice3A_152 = vector.extract_strided_slice %bitcast_convert_type3A {offsets = [3072, 64], sizes = [128, 64], strides = [1, 1]} : vector<4096x128xf32> to vector<128x64xf32>
    %slice3A_153 = vector.extract_strided_slice %bitcast_convert_type3A_6 {offsets = [3072, 64], sizes = [128, 64], strides = [1, 1]} : vector<4096x128xf32> to vector<128x64xf32>
    %concatenate3A_154 = tpu.concatenate %slice3A_152, %slice3A_153 in 1 : vector<128x64xf32>, vector<128x64xf32> -> vector<128x128xf32>
    %slice3A_155 = vector.extract_strided_slice %bitcast_convert_type3A {offsets = [3200, 0], sizes = [128, 64], strides = [1, 1]} : vector<4096x128xf32> to vector<128x64xf32>
    %slice3A_156 = vector.extract_strided_slice %bitcast_convert_type3A_6 {offsets = [3200, 0], sizes = [128, 64], strides = [1, 1]} : vector<4096x128xf32> to vector<128x64xf32>
    %concatenate3A_157 = tpu.concatenate %slice3A_155, %slice3A_156 in 1 : vector<128x64xf32>, vector<128x64xf32> -> vector<128x128xf32>
    %slice3A_158 = vector.extract_strided_slice %bitcast_convert_type3A {offsets = [3200, 64], sizes = [128, 64], strides = [1, 1]} : vector<4096x128xf32> to vector<128x64xf32>
    %slice3A_159 = vector.extract_strided_slice %bitcast_convert_type3A_6 {offsets = [3200, 64], sizes = [128, 64], strides = [1, 1]} : vector<4096x128xf32> to vector<128x64xf32>
    %concatenate3A_160 = tpu.concatenate %slice3A_158, %slice3A_159 in 1 : vector<128x64xf32>, vector<128x64xf32> -> vector<128x128xf32>
    %slice3A_161 = vector.extract_strided_slice %bitcast_convert_type3A {offsets = [3328, 0], sizes = [128, 64], strides = [1, 1]} : vector<4096x128xf32> to vector<128x64xf32>
    %slice3A_162 = vector.extract_strided_slice %bitcast_convert_type3A_6 {offsets = [3328, 0], sizes = [128, 64], strides = [1, 1]} : vector<4096x128xf32> to vector<128x64xf32>
    %concatenate3A_163 = tpu.concatenate %slice3A_161, %slice3A_162 in 1 : vector<128x64xf32>, vector<128x64xf32> -> vector<128x128xf32>
    %slice3A_164 = vector.extract_strided_slice %bitcast_convert_type3A {offsets = [3328, 64], sizes = [128, 64], strides = [1, 1]} : vector<4096x128xf32> to vector<128x64xf32>
    %slice3A_165 = vector.extract_strided_slice %bitcast_convert_type3A_6 {offsets = [3328, 64], sizes = [128, 64], strides = [1, 1]} : vector<4096x128xf32> to vector<128x64xf32>
    %concatenate3A_166 = tpu.concatenate %slice3A_164, %slice3A_165 in 1 : vector<128x64xf32>, vector<128x64xf32> -> vector<128x128xf32>
    %slice3A_167 = vector.extract_strided_slice %bitcast_convert_type3A {offsets = [3456, 0], sizes = [128, 64], strides = [1, 1]} : vector<4096x128xf32> to vector<128x64xf32>
    %slice3A_168 = vector.extract_strided_slice %bitcast_convert_type3A_6 {offsets = [3456, 0], sizes = [128, 64], strides = [1, 1]} : vector<4096x128xf32> to vector<128x64xf32>
    %concatenate3A_169 = tpu.concatenate %slice3A_167, %slice3A_168 in 1 : vector<128x64xf32>, vector<128x64xf32> -> vector<128x128xf32>
    %slice3A_170 = vector.extract_strided_slice %bitcast_convert_type3A {offsets = [3456, 64], sizes = [128, 64], strides = [1, 1]} : vector<4096x128xf32> to vector<128x64xf32>
    %slice3A_171 = vector.extract_strided_slice %bitcast_convert_type3A_6 {offsets = [3456, 64], sizes = [128, 64], strides = [1, 1]} : vector<4096x128xf32> to vector<128x64xf32>
    %concatenate3A_172 = tpu.concatenate %slice3A_170, %slice3A_171 in 1 : vector<128x64xf32>, vector<128x64xf32> -> vector<128x128xf32>
    %slice3A_173 = vector.extract_strided_slice %bitcast_convert_type3A {offsets = [3584, 0], sizes = [128, 64], strides = [1, 1]} : vector<4096x128xf32> to vector<128x64xf32>
    %slice3A_174 = vector.extract_strided_slice %bitcast_convert_type3A_6 {offsets = [3584, 0], sizes = [128, 64], strides = [1, 1]} : vector<4096x128xf32> to vector<128x64xf32>
    %concatenate3A_175 = tpu.concatenate %slice3A_173, %slice3A_174 in 1 : vector<128x64xf32>, vector<128x64xf32> -> vector<128x128xf32>
    %slice3A_176 = vector.extract_strided_slice %bitcast_convert_type3A {offsets = [3584, 64], sizes = [128, 64], strides = [1, 1]} : vector<4096x128xf32> to vector<128x64xf32>
    %slice3A_177 = vector.extract_strided_slice %bitcast_convert_type3A_6 {offsets = [3584, 64], sizes = [128, 64], strides = [1, 1]} : vector<4096x128xf32> to vector<128x64xf32>
    %concatenate3A_178 = tpu.concatenate %slice3A_176, %slice3A_177 in 1 : vector<128x64xf32>, vector<128x64xf32> -> vector<128x128xf32>
    %slice3A_179 = vector.extract_strided_slice %bitcast_convert_type3A {offsets = [3712, 0], sizes = [128, 64], strides = [1, 1]} : vector<4096x128xf32> to vector<128x64xf32>
    %slice3A_180 = vector.extract_strided_slice %bitcast_convert_type3A_6 {offsets = [3712, 0], sizes = [128, 64], strides = [1, 1]} : vector<4096x128xf32> to vector<128x64xf32>
    %concatenate3A_181 = tpu.concatenate %slice3A_179, %slice3A_180 in 1 : vector<128x64xf32>, vector<128x64xf32> -> vector<128x128xf32>
    %slice3A_182 = vector.extract_strided_slice %bitcast_convert_type3A {offsets = [3712, 64], sizes = [128, 64], strides = [1, 1]} : vector<4096x128xf32> to vector<128x64xf32>
    %slice3A_183 = vector.extract_strided_slice %bitcast_convert_type3A_6 {offsets = [3712, 64], sizes = [128, 64], strides = [1, 1]} : vector<4096x128xf32> to vector<128x64xf32>
    %concatenate3A_184 = tpu.concatenate %slice3A_182, %slice3A_183 in 1 : vector<128x64xf32>, vector<128x64xf32> -> vector<128x128xf32>
    %slice3A_185 = vector.extract_strided_slice %bitcast_convert_type3A {offsets = [3840, 0], sizes = [128, 64], strides = [1, 1]} : vector<4096x128xf32> to vector<128x64xf32>
    %slice3A_186 = vector.extract_strided_slice %bitcast_convert_type3A_6 {offsets = [3840, 0], sizes = [128, 64], strides = [1, 1]} : vector<4096x128xf32> to vector<128x64xf32>
    %concatenate3A_187 = tpu.concatenate %slice3A_185, %slice3A_186 in 1 : vector<128x64xf32>, vector<128x64xf32> -> vector<128x128xf32>
    %slice3A_188 = vector.extract_strided_slice %bitcast_convert_type3A {offsets = [3840, 64], sizes = [128, 64], strides = [1, 1]} : vector<4096x128xf32> to vector<128x64xf32>
    %slice3A_189 = vector.extract_strided_slice %bitcast_convert_type3A_6 {offsets = [3840, 64], sizes = [128, 64], strides = [1, 1]} : vector<4096x128xf32> to vector<128x64xf32>
    %concatenate3A_190 = tpu.concatenate %slice3A_188, %slice3A_189 in 1 : vector<128x64xf32>, vector<128x64xf32> -> vector<128x128xf32>
    %slice3A_191 = vector.extract_strided_slice %bitcast_convert_type3A {offsets = [3968, 0], sizes = [128, 64], strides = [1, 1]} : vector<4096x128xf32> to vector<128x64xf32>
    %slice3A_192 = vector.extract_strided_slice %bitcast_convert_type3A_6 {offsets = [3968, 0], sizes = [128, 64], strides = [1, 1]} : vector<4096x128xf32> to vector<128x64xf32>
    %concatenate3A_193 = tpu.concatenate %slice3A_191, %slice3A_192 in 1 : vector<128x64xf32>, vector<128x64xf32> -> vector<128x128xf32>
    %slice3A_194 = vector.extract_strided_slice %bitcast_convert_type3A {offsets = [3968, 64], sizes = [128, 64], strides = [1, 1]} : vector<4096x128xf32> to vector<128x64xf32>
    %slice3A_195 = vector.extract_strided_slice %bitcast_convert_type3A_6 {offsets = [3968, 64], sizes = [128, 64], strides = [1, 1]} : vector<4096x128xf32> to vector<128x64xf32>
    %concatenate3A_196 = tpu.concatenate %slice3A_194, %slice3A_195 in 1 : vector<128x64xf32>, vector<128x64xf32> -> vector<128x128xf32>
    %concatenate3A_197 = tpu.concatenate %concatenate3A, %concatenate3A_10, %concatenate3A_13, %concatenate3A_16, %concatenate3A_19, %concatenate3A_22, %concatenate3A_25, %concatenate3A_28, %concatenate3A_31, %concatenate3A_34, %concatenate3A_37, %concatenate3A_40, %concatenate3A_43, %concatenate3A_46, %concatenate3A_49, %concatenate3A_52, %concatenate3A_55, %concatenate3A_58, %concatenate3A_61, %concatenate3A_64, %concatenate3A_67, %concatenate3A_70, %concatenate3A_73, %concatenate3A_76, %concatenate3A_79, %concatenate3A_82, %concatenate3A_85, %concatenate3A_88, %concatenate3A_91, %concatenate3A_94, %concatenate3A_97, %concatenate3A_100, %concatenate3A_103, %concatenate3A_106, %concatenate3A_109, %concatenate3A_112, %concatenate3A_115, %concatenate3A_118, %concatenate3A_121, %concatenate3A_124, %concatenate3A_127, %concatenate3A_130, %concatenate3A_133, %concatenate3A_136, %concatenate3A_139, %concatenate3A_142, %concatenate3A_145, %concatenate3A_148, %concatenate3A_151, %concatenate3A_154, %concatenate3A_157, %concatenate3A_160, %concatenate3A_163, %concatenate3A_166, %concatenate3A_169, %concatenate3A_172, %concatenate3A_175, %concatenate3A_178, %concatenate3A_181, %concatenate3A_184, %concatenate3A_187, %concatenate3A_190, %concatenate3A_193, %concatenate3A_196 in 0 : vector<128x128xf32>, vector<128x128xf32>, vector<128x128xf32>, vector<128x128xf32>, vector<128x128xf32>, vector<128x128xf32>, vector<128x128xf32>, vector<128x128xf32>, vector<128x128xf32>, vector<128x128xf32>, vector<128x128xf32>, vector<128x128xf32>, vector<128x128xf32>, vector<128x128xf32>, vector<128x128xf32>, vector<128x128xf32>, vector<128x128xf32>, vector<128x128xf32>, vector<128x128xf32>, vector<128x128xf32>, vector<128x128xf32>, vector<128x128xf32>, vector<128x128xf32>, vector<128x128xf32>, vector<128x128xf32>, vector<128x128xf32>, vector<128x128xf32>, vector<128x128xf32>, vector<128x128xf32>, vector<128x128xf32>, vector<128x128xf32>, vector<128x128xf32>, vector<128x128xf32>, vector<128x128xf32>, vector<128x128xf32>, vector<128x128xf32>, vector<128x128xf32>, vector<128x128xf32>, vector<128x128xf32>, vector<128x128xf32>, vector<128x128xf32>, vector<128x128xf32>, vector<128x128xf32>, vector<128x128xf32>, vector<128x128xf32>, vector<128x128xf32>, vector<128x128xf32>, vector<128x128xf32>, vector<128x128xf32>, vector<128x128xf32>, vector<128x128xf32>, vector<128x128xf32>, vector<128x128xf32>, vector<128x128xf32>, vector<128x128xf32>, vector<128x128xf32>, vector<128x128xf32>, vector<128x128xf32>, vector<128x128xf32>, vector<128x128xf32>, vector<128x128xf32>, vector<128x128xf32>, vector<128x128xf32>, vector<128x128xf32> -> vector<8192x128xf32>
    %get3A_198 = arith.constant 0 : index
    %get3A_199 = arith.constant 0 : index
    %get3A_200 = vector.load %arg2[%get3A_198, %get3A_199] : memref<512x128xf32, #tpu.memory_space<vmem>>, vector<512x128xf32>
    %get3A_201 = arith.constant 0 : index
    %get3A_202 = arith.constant 0 : index
    %get3A_203 = vector.load %arg3[%get3A_201, %get3A_202] : memref<2x128xf32, #tpu.memory_space<vmem>>, vector<2x128xf32>
    %slice3A_204 = vector.extract_strided_slice %get3A_203 {offsets = [0, 0], sizes = [1, 128], strides = [1, 1]} : vector<2x128xf32> to vector<1x128xf32>
    %squeeze3A = vector.shape_cast %slice3A_204 : vector<1x128xf32> to vector<128xf32>
    %broadcast_in_dim3A = vector.shape_cast %squeeze3A : vector<128xf32> to vector<1x128xf32>
    %add3A = vector.broadcast %broadcast_in_dim3A : vector<1x128xf32> to vector<512x128xf32>
    %add3A_205 = arith.addf %get3A_200, %add3A : vector<512x128xf32>
    %reshape3A = vector.shape_cast %concatenate3A_197 : vector<8192x128xf32> to vector<16x512x128xf32>
    %broadcast_in_dim3A_206 = vector.shape_cast %add3A_205 : vector<512x128xf32> to vector<1x512x128xf32>
    %add3A_207 = vector.broadcast %broadcast_in_dim3A_206 : vector<1x512x128xf32> to vector<16x512x128xf32>
    %add3A_208 = arith.addf %reshape3A, %add3A_207 : vector<16x512x128xf32>
    %reshape3A_209 = vector.shape_cast %add3A_208 : vector<16x512x128xf32> to vector<8192x128xf32>
    %broadcast_in_dim3A_210 = arith.constant 7.812500e-03 : bf16
    %broadcast_in_dim3A_211 = vector.broadcast %broadcast_in_dim3A_210 : bf16 to vector<128x128xbf16>
    %convert_element_type3A = arith.truncf %reshape3A_209 : vector<8192x128xf32> to vector<8192x128xbf16>
    %dot_general3A = arith.constant dense<0.000000e+00> : vector<8192x128xf32>
    %dot_general3A_212 = tpu.matmul %convert_element_type3A, %broadcast_in_dim3A_211, %dot_general3A {dimension_numbers = #tpu.dot_dimension_numbers<[1], [0], [0], [1], [0, 0, 1, 1], [], []>, transpose_lhs_hint = false} : vector<8192x128xbf16>, vector<128x128xbf16>, vector<8192x128xf32> -> vector<8192x128xf32>
    %mul3A = arith.mulf %convert_element_type3A, %convert_element_type3A : vector<8192x128xbf16>
    %dot_general3A_213 = arith.constant dense<0.000000e+00> : vector<8192x128xf32>
    %dot_general3A_214 = tpu.matmul %mul3A, %broadcast_in_dim3A_211, %dot_general3A_213 {dimension_numbers = #tpu.dot_dimension_numbers<[1], [0], [0], [1], [0, 0, 1, 1], [], []>, transpose_lhs_hint = false} : vector<8192x128xbf16>, vector<128x128xbf16>, vector<8192x128xf32> -> vector<8192x128xf32>
    %mul3A_215 = arith.mulf %dot_general3A_212, %dot_general3A_212 : vector<8192x128xf32>
    %sub3A = arith.subf %dot_general3A_214, %mul3A_215 : vector<8192x128xf32>
    %add3A_216 = arith.constant 9.99999996E-13 : f32
    %add3A_217 = vector.broadcast %add3A_216 : f32 to vector<8192x128xf32>
    %add3A_218 = arith.addf %sub3A, %add3A_217 : vector<8192x128xf32>
    %rsqrt3A = math.rsqrt %add3A_218 : vector<8192x128xf32>
    %sub3A_219 = arith.subf %reshape3A_209, %dot_general3A_212 : vector<8192x128xf32>
    %mul3A_220 = arith.mulf %sub3A_219, %rsqrt3A : vector<8192x128xf32>
    %get3A_221 = arith.constant 0 : index
    %get3A_222 = arith.constant 0 : index
    %get3A_223 = vector.load %arg4[%get3A_221, %get3A_222] : memref<1x128xf32, #tpu.memory_space<vmem>>, vector<1x128xf32>
    %squeeze3A_224 = vector.shape_cast %get3A_223 : vector<1x128xf32> to vector<128xf32>
    %broadcast_in_dim3A_225 = vector.shape_cast %squeeze3A_224 : vector<128xf32> to vector<1x128xf32>
    %mul3A_226 = vector.broadcast %broadcast_in_dim3A_225 : vector<1x128xf32> to vector<8192x128xf32>
    %mul3A_227 = arith.mulf %mul3A_220, %mul3A_226 : vector<8192x128xf32>
    %get3A_228 = arith.constant 0 : index
    %get3A_229 = arith.constant 0 : index
    %get3A_230 = vector.load %arg5[%get3A_228, %get3A_229] : memref<1x128xf32, #tpu.memory_space<vmem>>, vector<1x128xf32>
    %squeeze3A_231 = vector.shape_cast %get3A_230 : vector<1x128xf32> to vector<128xf32>
    %broadcast_in_dim3A_232 = vector.shape_cast %squeeze3A_231 : vector<128xf32> to vector<1x128xf32>
    %add3A_233 = vector.broadcast %broadcast_in_dim3A_232 : vector<1x128xf32> to vector<8192x128xf32>
    %add3A_234 = arith.addf %mul3A_227, %add3A_233 : vector<8192x128xf32>
    %reshape3A_235 = vector.shape_cast %add3A_234 : vector<8192x128xf32> to vector<16x512x128xf32>
    %swap3A = arith.constant 0 : index
    %swap3A_236 = arith.constant 0 : index
    %swap3A_237 = arith.constant 0 : index
    %swap3A_238 = vector.load %arg6[%swap3A, %swap3A_236, %swap3A_237] : memref<16x512x128xf32, #tpu.memory_space<vmem>>, vector<16x512x128xf32>
    tpu.vector_store %arg6[%swap3A, %swap3A_236, %swap3A_237], %reshape3A_235 {strides = array<i32>} : memref<16x512x128xf32, #tpu.memory_space<vmem>>, vector<16x512x128xf32>,
    return
  }
  func.func @transform_0(%arg0: i32) -> (i32, i32) {
    %c0_i32 = arith.constant 0 : i32
    %c0_i32_0 = arith.constant 0 : i32
    return %arg0, %c0_i32 : i32, i32
  }
  func.func @transform_1(%arg0: i32) -> (i32, i32) {
    %c0_i32 = arith.constant 0 : i32
    %c0_i32_0 = arith.constant 0 : i32
    %c0_i32_1 = arith.constant 0 : i32
    return %c0_i32, %c0_i32_0 : i32, i32
  }
  func.func @transform_2(%arg0: i32) -> (i32, i32) {
    %c0_i32 = arith.constant 0 : i32
    %c0_i32_0 = arith.constant 0 : i32
    %c0_i32_1 = arith.constant 0 : i32
    return %c0_i32, %c0_i32_0 : i32, i32
  }
  func.func @transform_3(%arg0: i32) -> (i32, i32) {
    %c0_i32 = arith.constant 0 : i32
    %c0_i32_0 = arith.constant 0 : i32
    %c0_i32_1 = arith.constant 0 : i32
    return %c0_i32, %c0_i32_0 : i32, i32
  }
  func.func @transform_4(%arg0: i32) -> (i32, i32) {
    %c0_i32 = arith.constant 0 : i32
    %c0_i32_0 = arith.constant 0 : i32
    %c0_i32_1 = arith.constant 0 : i32
    return %c0_i32, %c0_i32_0 : i32, i32
  }
  func.func @transform_5(%arg0: i32) -> (i32, i32, i32) {
    %add3A = arith.constant 0 : i32
    %add3A_0 = arith.addi %add3A, %arg0 : i32
    %c0_i32 = arith.constant 0 : i32
    %c0_i32_1 = arith.constant 0 : i32
    %c0_i32_2 = arith.constant 0 : i32
    return %add3A_0, %c0_i32, %c0_i32_1 : i32, i32, i32
  }
}

module attributes {stable_mosaic.version = 14 : i64} {
  func.func @_ln_body_acc(%arg0: i32, %arg1: memref<4096x128xi32, #tpu.memory_space<vmem>>, %arg2: memref<512x128xf32, #tpu.memory_space<vmem>>, %arg3: memref<2x128xf32, #tpu.memory_space<vmem>>, %arg4: memref<1x128xf32, #tpu.memory_space<vmem>>, %arg5: memref<1x128xf32, #tpu.memory_space<vmem>>, %arg6: memref<1024x512x128xf32, #tpu.memory_space<any>>, %arg7: memref<16x512x128xf32, #tpu.memory_space<vmem>>) attributes {dimension_semantics = [#tpu.dimension_semantics<arbitrary>], iteration_bounds = array<i64: 12>, scalar_prefetch = 0 : i64, scratch_operands = 0 : i64, tpu.core_type = #tpu.core_type<tc>, window_params = [{transform_indices = @transform_0, window_bounds = array<i64: 4096, 128>}, {pipeline_mode = #tpu.pipeline_mode<synchronous>, transform_indices = @transform_1, window_bounds = array<i64: 512, 128>}, {pipeline_mode = #tpu.pipeline_mode<synchronous>, transform_indices = @transform_2, window_bounds = array<i64: 2, 128>}, {pipeline_mode = #tpu.pipeline_mode<synchronous>, transform_indices = @transform_3, window_bounds = array<i64: 1, 128>}, {pipeline_mode = #tpu.pipeline_mode<synchronous>, transform_indices = @transform_4, window_bounds = array<i64: 1, 128>}, {}, {transform_indices = @transform_6, window_bounds = array<i64: 16, 512, 128>}]} {
    %get3A = arith.constant 0 : index
    %get3A_0 = arith.constant 0 : index
    %get3A_1 = vector.load %arg1[%get3A, %get3A_0] : memref<4096x128xi32, #tpu.memory_space<vmem>>, vector<4096x128xi32>
    %shift_left3A = arith.constant 16 : i32
    %shift_left3A_2 = vector.broadcast %shift_left3A : i32 to vector<4096x128xi32>
    %shift_left3A_3 = arith.shli %get3A_1, %shift_left3A_2 : vector<4096x128xi32>
    %bitcast_convert_type3A = tpu.bitcast %shift_left3A_3 : vector<4096x128xi32> -> vector<4096x128xf32>
    %and3A = arith.constant -65536 : i32
    %and3A_4 = vector.broadcast %and3A : i32 to vector<4096x128xi32>
    %and3A_5 = arith.andi %get3A_1, %and3A_4 : vector<4096x128xi32>
    %bitcast_convert_type3A_6 = tpu.bitcast %and3A_5 : vector<4096x128xi32> -> vector<4096x128xf32>
    %slice3A = vector.extract_strided_slice %bitcast_convert_type3A {offsets = [0, 0], sizes = [128, 64], strides = [1, 1]} : vector<4096x128xf32> to vector<128x64xf32>
    %slice3A_7 = vector.extract_strided_slice %bitcast_convert_type3A_6 {offsets = [0, 0], sizes = [128, 64], strides = [1, 1]} : vector<4096x128xf32> to vector<128x64xf32>
    %concatenate3A = tpu.concatenate %slice3A, %slice3A_7 in 1 : vector<128x64xf32>, vector<128x64xf32> -> vector<128x128xf32>
    %slice3A_8 = vector.extract_strided_slice %bitcast_convert_type3A {offsets = [0, 64], sizes = [128, 64], strides = [1, 1]} : vector<4096x128xf32> to vector<128x64xf32>
    %slice3A_9 = vector.extract_strided_slice %bitcast_convert_type3A_6 {offsets = [0, 64], sizes = [128, 64], strides = [1, 1]} : vector<4096x128xf32> to vector<128x64xf32>
    %concatenate3A_10 = tpu.concatenate %slice3A_8, %slice3A_9 in 1 : vector<128x64xf32>, vector<128x64xf32> -> vector<128x128xf32>
    %slice3A_11 = vector.extract_strided_slice %bitcast_convert_type3A {offsets = [128, 0], sizes = [128, 64], strides = [1, 1]} : vector<4096x128xf32> to vector<128x64xf32>
    %slice3A_12 = vector.extract_strided_slice %bitcast_convert_type3A_6 {offsets = [128, 0], sizes = [128, 64], strides = [1, 1]} : vector<4096x128xf32> to vector<128x64xf32>
    %concatenate3A_13 = tpu.concatenate %slice3A_11, %slice3A_12 in 1 : vector<128x64xf32>, vector<128x64xf32> -> vector<128x128xf32>
    %slice3A_14 = vector.extract_strided_slice %bitcast_convert_type3A {offsets = [128, 64], sizes = [128, 64], strides = [1, 1]} : vector<4096x128xf32> to vector<128x64xf32>
    %slice3A_15 = vector.extract_strided_slice %bitcast_convert_type3A_6 {offsets = [128, 64], sizes = [128, 64], strides = [1, 1]} : vector<4096x128xf32> to vector<128x64xf32>
    %concatenate3A_16 = tpu.concatenate %slice3A_14, %slice3A_15 in 1 : vector<128x64xf32>, vector<128x64xf32> -> vector<128x128xf32>
    %slice3A_17 = vector.extract_strided_slice %bitcast_convert_type3A {offsets = [256, 0], sizes = [128, 64], strides = [1, 1]} : vector<4096x128xf32> to vector<128x64xf32>
    %slice3A_18 = vector.extract_strided_slice %bitcast_convert_type3A_6 {offsets = [256, 0], sizes = [128, 64], strides = [1, 1]} : vector<4096x128xf32> to vector<128x64xf32>
    %concatenate3A_19 = tpu.concatenate %slice3A_17, %slice3A_18 in 1 : vector<128x64xf32>, vector<128x64xf32> -> vector<128x128xf32>
    %slice3A_20 = vector.extract_strided_slice %bitcast_convert_type3A {offsets = [256, 64], sizes = [128, 64], strides = [1, 1]} : vector<4096x128xf32> to vector<128x64xf32>
    %slice3A_21 = vector.extract_strided_slice %bitcast_convert_type3A_6 {offsets = [256, 64], sizes = [128, 64], strides = [1, 1]} : vector<4096x128xf32> to vector<128x64xf32>
    %concatenate3A_22 = tpu.concatenate %slice3A_20, %slice3A_21 in 1 : vector<128x64xf32>, vector<128x64xf32> -> vector<128x128xf32>
    %slice3A_23 = vector.extract_strided_slice %bitcast_convert_type3A {offsets = [384, 0], sizes = [128, 64], strides = [1, 1]} : vector<4096x128xf32> to vector<128x64xf32>
    %slice3A_24 = vector.extract_strided_slice %bitcast_convert_type3A_6 {offsets = [384, 0], sizes = [128, 64], strides = [1, 1]} : vector<4096x128xf32> to vector<128x64xf32>
    %concatenate3A_25 = tpu.concatenate %slice3A_23, %slice3A_24 in 1 : vector<128x64xf32>, vector<128x64xf32> -> vector<128x128xf32>
    %slice3A_26 = vector.extract_strided_slice %bitcast_convert_type3A {offsets = [384, 64], sizes = [128, 64], strides = [1, 1]} : vector<4096x128xf32> to vector<128x64xf32>
    %slice3A_27 = vector.extract_strided_slice %bitcast_convert_type3A_6 {offsets = [384, 64], sizes = [128, 64], strides = [1, 1]} : vector<4096x128xf32> to vector<128x64xf32>
    %concatenate3A_28 = tpu.concatenate %slice3A_26, %slice3A_27 in 1 : vector<128x64xf32>, vector<128x64xf32> -> vector<128x128xf32>
    %slice3A_29 = vector.extract_strided_slice %bitcast_convert_type3A {offsets = [512, 0], sizes = [128, 64], strides = [1, 1]} : vector<4096x128xf32> to vector<128x64xf32>
    %slice3A_30 = vector.extract_strided_slice %bitcast_convert_type3A_6 {offsets = [512, 0], sizes = [128, 64], strides = [1, 1]} : vector<4096x128xf32> to vector<128x64xf32>
    %concatenate3A_31 = tpu.concatenate %slice3A_29, %slice3A_30 in 1 : vector<128x64xf32>, vector<128x64xf32> -> vector<128x128xf32>
    %slice3A_32 = vector.extract_strided_slice %bitcast_convert_type3A {offsets = [512, 64], sizes = [128, 64], strides = [1, 1]} : vector<4096x128xf32> to vector<128x64xf32>
    %slice3A_33 = vector.extract_strided_slice %bitcast_convert_type3A_6 {offsets = [512, 64], sizes = [128, 64], strides = [1, 1]} : vector<4096x128xf32> to vector<128x64xf32>
    %concatenate3A_34 = tpu.concatenate %slice3A_32, %slice3A_33 in 1 : vector<128x64xf32>, vector<128x64xf32> -> vector<128x128xf32>
    %slice3A_35 = vector.extract_strided_slice %bitcast_convert_type3A {offsets = [640, 0], sizes = [128, 64], strides = [1, 1]} : vector<4096x128xf32> to vector<128x64xf32>
    %slice3A_36 = vector.extract_strided_slice %bitcast_convert_type3A_6 {offsets = [640, 0], sizes = [128, 64], strides = [1, 1]} : vector<4096x128xf32> to vector<128x64xf32>
    %concatenate3A_37 = tpu.concatenate %slice3A_35, %slice3A_36 in 1 : vector<128x64xf32>, vector<128x64xf32> -> vector<128x128xf32>
    %slice3A_38 = vector.extract_strided_slice %bitcast_convert_type3A {offsets = [640, 64], sizes = [128, 64], strides = [1, 1]} : vector<4096x128xf32> to vector<128x64xf32>
    %slice3A_39 = vector.extract_strided_slice %bitcast_convert_type3A_6 {offsets = [640, 64], sizes = [128, 64], strides = [1, 1]} : vector<4096x128xf32> to vector<128x64xf32>
    %concatenate3A_40 = tpu.concatenate %slice3A_38, %slice3A_39 in 1 : vector<128x64xf32>, vector<128x64xf32> -> vector<128x128xf32>
    %slice3A_41 = vector.extract_strided_slice %bitcast_convert_type3A {offsets = [768, 0], sizes = [128, 64], strides = [1, 1]} : vector<4096x128xf32> to vector<128x64xf32>
    %slice3A_42 = vector.extract_strided_slice %bitcast_convert_type3A_6 {offsets = [768, 0], sizes = [128, 64], strides = [1, 1]} : vector<4096x128xf32> to vector<128x64xf32>
    %concatenate3A_43 = tpu.concatenate %slice3A_41, %slice3A_42 in 1 : vector<128x64xf32>, vector<128x64xf32> -> vector<128x128xf32>
    %slice3A_44 = vector.extract_strided_slice %bitcast_convert_type3A {offsets = [768, 64], sizes = [128, 64], strides = [1, 1]} : vector<4096x128xf32> to vector<128x64xf32>
    %slice3A_45 = vector.extract_strided_slice %bitcast_convert_type3A_6 {offsets = [768, 64], sizes = [128, 64], strides = [1, 1]} : vector<4096x128xf32> to vector<128x64xf32>
    %concatenate3A_46 = tpu.concatenate %slice3A_44, %slice3A_45 in 1 : vector<128x64xf32>, vector<128x64xf32> -> vector<128x128xf32>
    %slice3A_47 = vector.extract_strided_slice %bitcast_convert_type3A {offsets = [896, 0], sizes = [128, 64], strides = [1, 1]} : vector<4096x128xf32> to vector<128x64xf32>
    %slice3A_48 = vector.extract_strided_slice %bitcast_convert_type3A_6 {offsets = [896, 0], sizes = [128, 64], strides = [1, 1]} : vector<4096x128xf32> to vector<128x64xf32>
    %concatenate3A_49 = tpu.concatenate %slice3A_47, %slice3A_48 in 1 : vector<128x64xf32>, vector<128x64xf32> -> vector<128x128xf32>
    %slice3A_50 = vector.extract_strided_slice %bitcast_convert_type3A {offsets = [896, 64], sizes = [128, 64], strides = [1, 1]} : vector<4096x128xf32> to vector<128x64xf32>
    %slice3A_51 = vector.extract_strided_slice %bitcast_convert_type3A_6 {offsets = [896, 64], sizes = [128, 64], strides = [1, 1]} : vector<4096x128xf32> to vector<128x64xf32>
    %concatenate3A_52 = tpu.concatenate %slice3A_50, %slice3A_51 in 1 : vector<128x64xf32>, vector<128x64xf32> -> vector<128x128xf32>
    %slice3A_53 = vector.extract_strided_slice %bitcast_convert_type3A {offsets = [1024, 0], sizes = [128, 64], strides = [1, 1]} : vector<4096x128xf32> to vector<128x64xf32>
    %slice3A_54 = vector.extract_strided_slice %bitcast_convert_type3A_6 {offsets = [1024, 0], sizes = [128, 64], strides = [1, 1]} : vector<4096x128xf32> to vector<128x64xf32>
    %concatenate3A_55 = tpu.concatenate %slice3A_53, %slice3A_54 in 1 : vector<128x64xf32>, vector<128x64xf32> -> vector<128x128xf32>
    %slice3A_56 = vector.extract_strided_slice %bitcast_convert_type3A {offsets = [1024, 64], sizes = [128, 64], strides = [1, 1]} : vector<4096x128xf32> to vector<128x64xf32>
    %slice3A_57 = vector.extract_strided_slice %bitcast_convert_type3A_6 {offsets = [1024, 64], sizes = [128, 64], strides = [1, 1]} : vector<4096x128xf32> to vector<128x64xf32>
    %concatenate3A_58 = tpu.concatenate %slice3A_56, %slice3A_57 in 1 : vector<128x64xf32>, vector<128x64xf32> -> vector<128x128xf32>
    %slice3A_59 = vector.extract_strided_slice %bitcast_convert_type3A {offsets = [1152, 0], sizes = [128, 64], strides = [1, 1]} : vector<4096x128xf32> to vector<128x64xf32>
    %slice3A_60 = vector.extract_strided_slice %bitcast_convert_type3A_6 {offsets = [1152, 0], sizes = [128, 64], strides = [1, 1]} : vector<4096x128xf32> to vector<128x64xf32>
    %concatenate3A_61 = tpu.concatenate %slice3A_59, %slice3A_60 in 1 : vector<128x64xf32>, vector<128x64xf32> -> vector<128x128xf32>
    %slice3A_62 = vector.extract_strided_slice %bitcast_convert_type3A {offsets = [1152, 64], sizes = [128, 64], strides = [1, 1]} : vector<4096x128xf32> to vector<128x64xf32>
    %slice3A_63 = vector.extract_strided_slice %bitcast_convert_type3A_6 {offsets = [1152, 64], sizes = [128, 64], strides = [1, 1]} : vector<4096x128xf32> to vector<128x64xf32>
    %concatenate3A_64 = tpu.concatenate %slice3A_62, %slice3A_63 in 1 : vector<128x64xf32>, vector<128x64xf32> -> vector<128x128xf32>
    %slice3A_65 = vector.extract_strided_slice %bitcast_convert_type3A {offsets = [1280, 0], sizes = [128, 64], strides = [1, 1]} : vector<4096x128xf32> to vector<128x64xf32>
    %slice3A_66 = vector.extract_strided_slice %bitcast_convert_type3A_6 {offsets = [1280, 0], sizes = [128, 64], strides = [1, 1]} : vector<4096x128xf32> to vector<128x64xf32>
    %concatenate3A_67 = tpu.concatenate %slice3A_65, %slice3A_66 in 1 : vector<128x64xf32>, vector<128x64xf32> -> vector<128x128xf32>
    %slice3A_68 = vector.extract_strided_slice %bitcast_convert_type3A {offsets = [1280, 64], sizes = [128, 64], strides = [1, 1]} : vector<4096x128xf32> to vector<128x64xf32>
    %slice3A_69 = vector.extract_strided_slice %bitcast_convert_type3A_6 {offsets = [1280, 64], sizes = [128, 64], strides = [1, 1]} : vector<4096x128xf32> to vector<128x64xf32>
    %concatenate3A_70 = tpu.concatenate %slice3A_68, %slice3A_69 in 1 : vector<128x64xf32>, vector<128x64xf32> -> vector<128x128xf32>
    %slice3A_71 = vector.extract_strided_slice %bitcast_convert_type3A {offsets = [1408, 0], sizes = [128, 64], strides = [1, 1]} : vector<4096x128xf32> to vector<128x64xf32>
    %slice3A_72 = vector.extract_strided_slice %bitcast_convert_type3A_6 {offsets = [1408, 0], sizes = [128, 64], strides = [1, 1]} : vector<4096x128xf32> to vector<128x64xf32>
    %concatenate3A_73 = tpu.concatenate %slice3A_71, %slice3A_72 in 1 : vector<128x64xf32>, vector<128x64xf32> -> vector<128x128xf32>
    %slice3A_74 = vector.extract_strided_slice %bitcast_convert_type3A {offsets = [1408, 64], sizes = [128, 64], strides = [1, 1]} : vector<4096x128xf32> to vector<128x64xf32>
    %slice3A_75 = vector.extract_strided_slice %bitcast_convert_type3A_6 {offsets = [1408, 64], sizes = [128, 64], strides = [1, 1]} : vector<4096x128xf32> to vector<128x64xf32>
    %concatenate3A_76 = tpu.concatenate %slice3A_74, %slice3A_75 in 1 : vector<128x64xf32>, vector<128x64xf32> -> vector<128x128xf32>
    %slice3A_77 = vector.extract_strided_slice %bitcast_convert_type3A {offsets = [1536, 0], sizes = [128, 64], strides = [1, 1]} : vector<4096x128xf32> to vector<128x64xf32>
    %slice3A_78 = vector.extract_strided_slice %bitcast_convert_type3A_6 {offsets = [1536, 0], sizes = [128, 64], strides = [1, 1]} : vector<4096x128xf32> to vector<128x64xf32>
    %concatenate3A_79 = tpu.concatenate %slice3A_77, %slice3A_78 in 1 : vector<128x64xf32>, vector<128x64xf32> -> vector<128x128xf32>
    %slice3A_80 = vector.extract_strided_slice %bitcast_convert_type3A {offsets = [1536, 64], sizes = [128, 64], strides = [1, 1]} : vector<4096x128xf32> to vector<128x64xf32>
    %slice3A_81 = vector.extract_strided_slice %bitcast_convert_type3A_6 {offsets = [1536, 64], sizes = [128, 64], strides = [1, 1]} : vector<4096x128xf32> to vector<128x64xf32>
    %concatenate3A_82 = tpu.concatenate %slice3A_80, %slice3A_81 in 1 : vector<128x64xf32>, vector<128x64xf32> -> vector<128x128xf32>
    %slice3A_83 = vector.extract_strided_slice %bitcast_convert_type3A {offsets = [1664, 0], sizes = [128, 64], strides = [1, 1]} : vector<4096x128xf32> to vector<128x64xf32>
    %slice3A_84 = vector.extract_strided_slice %bitcast_convert_type3A_6 {offsets = [1664, 0], sizes = [128, 64], strides = [1, 1]} : vector<4096x128xf32> to vector<128x64xf32>
    %concatenate3A_85 = tpu.concatenate %slice3A_83, %slice3A_84 in 1 : vector<128x64xf32>, vector<128x64xf32> -> vector<128x128xf32>
    %slice3A_86 = vector.extract_strided_slice %bitcast_convert_type3A {offsets = [1664, 64], sizes = [128, 64], strides = [1, 1]} : vector<4096x128xf32> to vector<128x64xf32>
    %slice3A_87 = vector.extract_strided_slice %bitcast_convert_type3A_6 {offsets = [1664, 64], sizes = [128, 64], strides = [1, 1]} : vector<4096x128xf32> to vector<128x64xf32>
    %concatenate3A_88 = tpu.concatenate %slice3A_86, %slice3A_87 in 1 : vector<128x64xf32>, vector<128x64xf32> -> vector<128x128xf32>
    %slice3A_89 = vector.extract_strided_slice %bitcast_convert_type3A {offsets = [1792, 0], sizes = [128, 64], strides = [1, 1]} : vector<4096x128xf32> to vector<128x64xf32>
    %slice3A_90 = vector.extract_strided_slice %bitcast_convert_type3A_6 {offsets = [1792, 0], sizes = [128, 64], strides = [1, 1]} : vector<4096x128xf32> to vector<128x64xf32>
    %concatenate3A_91 = tpu.concatenate %slice3A_89, %slice3A_90 in 1 : vector<128x64xf32>, vector<128x64xf32> -> vector<128x128xf32>
    %slice3A_92 = vector.extract_strided_slice %bitcast_convert_type3A {offsets = [1792, 64], sizes = [128, 64], strides = [1, 1]} : vector<4096x128xf32> to vector<128x64xf32>
    %slice3A_93 = vector.extract_strided_slice %bitcast_convert_type3A_6 {offsets = [1792, 64], sizes = [128, 64], strides = [1, 1]} : vector<4096x128xf32> to vector<128x64xf32>
    %concatenate3A_94 = tpu.concatenate %slice3A_92, %slice3A_93 in 1 : vector<128x64xf32>, vector<128x64xf32> -> vector<128x128xf32>
    %slice3A_95 = vector.extract_strided_slice %bitcast_convert_type3A {offsets = [1920, 0], sizes = [128, 64], strides = [1, 1]} : vector<4096x128xf32> to vector<128x64xf32>
    %slice3A_96 = vector.extract_strided_slice %bitcast_convert_type3A_6 {offsets = [1920, 0], sizes = [128, 64], strides = [1, 1]} : vector<4096x128xf32> to vector<128x64xf32>
    %concatenate3A_97 = tpu.concatenate %slice3A_95, %slice3A_96 in 1 : vector<128x64xf32>, vector<128x64xf32> -> vector<128x128xf32>
    %slice3A_98 = vector.extract_strided_slice %bitcast_convert_type3A {offsets = [1920, 64], sizes = [128, 64], strides = [1, 1]} : vector<4096x128xf32> to vector<128x64xf32>
    %slice3A_99 = vector.extract_strided_slice %bitcast_convert_type3A_6 {offsets = [1920, 64], sizes = [128, 64], strides = [1, 1]} : vector<4096x128xf32> to vector<128x64xf32>
    %concatenate3A_100 = tpu.concatenate %slice3A_98, %slice3A_99 in 1 : vector<128x64xf32>, vector<128x64xf32> -> vector<128x128xf32>
    %slice3A_101 = vector.extract_strided_slice %bitcast_convert_type3A {offsets = [2048, 0], sizes = [128, 64], strides = [1, 1]} : vector<4096x128xf32> to vector<128x64xf32>
    %slice3A_102 = vector.extract_strided_slice %bitcast_convert_type3A_6 {offsets = [2048, 0], sizes = [128, 64], strides = [1, 1]} : vector<4096x128xf32> to vector<128x64xf32>
    %concatenate3A_103 = tpu.concatenate %slice3A_101, %slice3A_102 in 1 : vector<128x64xf32>, vector<128x64xf32> -> vector<128x128xf32>
    %slice3A_104 = vector.extract_strided_slice %bitcast_convert_type3A {offsets = [2048, 64], sizes = [128, 64], strides = [1, 1]} : vector<4096x128xf32> to vector<128x64xf32>
    %slice3A_105 = vector.extract_strided_slice %bitcast_convert_type3A_6 {offsets = [2048, 64], sizes = [128, 64], strides = [1, 1]} : vector<4096x128xf32> to vector<128x64xf32>
    %concatenate3A_106 = tpu.concatenate %slice3A_104, %slice3A_105 in 1 : vector<128x64xf32>, vector<128x64xf32> -> vector<128x128xf32>
    %slice3A_107 = vector.extract_strided_slice %bitcast_convert_type3A {offsets = [2176, 0], sizes = [128, 64], strides = [1, 1]} : vector<4096x128xf32> to vector<128x64xf32>
    %slice3A_108 = vector.extract_strided_slice %bitcast_convert_type3A_6 {offsets = [2176, 0], sizes = [128, 64], strides = [1, 1]} : vector<4096x128xf32> to vector<128x64xf32>
    %concatenate3A_109 = tpu.concatenate %slice3A_107, %slice3A_108 in 1 : vector<128x64xf32>, vector<128x64xf32> -> vector<128x128xf32>
    %slice3A_110 = vector.extract_strided_slice %bitcast_convert_type3A {offsets = [2176, 64], sizes = [128, 64], strides = [1, 1]} : vector<4096x128xf32> to vector<128x64xf32>
    %slice3A_111 = vector.extract_strided_slice %bitcast_convert_type3A_6 {offsets = [2176, 64], sizes = [128, 64], strides = [1, 1]} : vector<4096x128xf32> to vector<128x64xf32>
    %concatenate3A_112 = tpu.concatenate %slice3A_110, %slice3A_111 in 1 : vector<128x64xf32>, vector<128x64xf32> -> vector<128x128xf32>
    %slice3A_113 = vector.extract_strided_slice %bitcast_convert_type3A {offsets = [2304, 0], sizes = [128, 64], strides = [1, 1]} : vector<4096x128xf32> to vector<128x64xf32>
    %slice3A_114 = vector.extract_strided_slice %bitcast_convert_type3A_6 {offsets = [2304, 0], sizes = [128, 64], strides = [1, 1]} : vector<4096x128xf32> to vector<128x64xf32>
    %concatenate3A_115 = tpu.concatenate %slice3A_113, %slice3A_114 in 1 : vector<128x64xf32>, vector<128x64xf32> -> vector<128x128xf32>
    %slice3A_116 = vector.extract_strided_slice %bitcast_convert_type3A {offsets = [2304, 64], sizes = [128, 64], strides = [1, 1]} : vector<4096x128xf32> to vector<128x64xf32>
    %slice3A_117 = vector.extract_strided_slice %bitcast_convert_type3A_6 {offsets = [2304, 64], sizes = [128, 64], strides = [1, 1]} : vector<4096x128xf32> to vector<128x64xf32>
    %concatenate3A_118 = tpu.concatenate %slice3A_116, %slice3A_117 in 1 : vector<128x64xf32>, vector<128x64xf32> -> vector<128x128xf32>
    %slice3A_119 = vector.extract_strided_slice %bitcast_convert_type3A {offsets = [2432, 0], sizes = [128, 64], strides = [1, 1]} : vector<4096x128xf32> to vector<128x64xf32>
    %slice3A_120 = vector.extract_strided_slice %bitcast_convert_type3A_6 {offsets = [2432, 0], sizes = [128, 64], strides = [1, 1]} : vector<4096x128xf32> to vector<128x64xf32>
    %concatenate3A_121 = tpu.concatenate %slice3A_119, %slice3A_120 in 1 : vector<128x64xf32>, vector<128x64xf32> -> vector<128x128xf32>
    %slice3A_122 = vector.extract_strided_slice %bitcast_convert_type3A {offsets = [2432, 64], sizes = [128, 64], strides = [1, 1]} : vector<4096x128xf32> to vector<128x64xf32>
    %slice3A_123 = vector.extract_strided_slice %bitcast_convert_type3A_6 {offsets = [2432, 64], sizes = [128, 64], strides = [1, 1]} : vector<4096x128xf32> to vector<128x64xf32>
    %concatenate3A_124 = tpu.concatenate %slice3A_122, %slice3A_123 in 1 : vector<128x64xf32>, vector<128x64xf32> -> vector<128x128xf32>
    %slice3A_125 = vector.extract_strided_slice %bitcast_convert_type3A {offsets = [2560, 0], sizes = [128, 64], strides = [1, 1]} : vector<4096x128xf32> to vector<128x64xf32>
    %slice3A_126 = vector.extract_strided_slice %bitcast_convert_type3A_6 {offsets = [2560, 0], sizes = [128, 64], strides = [1, 1]} : vector<4096x128xf32> to vector<128x64xf32>
    %concatenate3A_127 = tpu.concatenate %slice3A_125, %slice3A_126 in 1 : vector<128x64xf32>, vector<128x64xf32> -> vector<128x128xf32>
    %slice3A_128 = vector.extract_strided_slice %bitcast_convert_type3A {offsets = [2560, 64], sizes = [128, 64], strides = [1, 1]} : vector<4096x128xf32> to vector<128x64xf32>
    %slice3A_129 = vector.extract_strided_slice %bitcast_convert_type3A_6 {offsets = [2560, 64], sizes = [128, 64], strides = [1, 1]} : vector<4096x128xf32> to vector<128x64xf32>
    %concatenate3A_130 = tpu.concatenate %slice3A_128, %slice3A_129 in 1 : vector<128x64xf32>, vector<128x64xf32> -> vector<128x128xf32>
    %slice3A_131 = vector.extract_strided_slice %bitcast_convert_type3A {offsets = [2688, 0], sizes = [128, 64], strides = [1, 1]} : vector<4096x128xf32> to vector<128x64xf32>
    %slice3A_132 = vector.extract_strided_slice %bitcast_convert_type3A_6 {offsets = [2688, 0], sizes = [128, 64], strides = [1, 1]} : vector<4096x128xf32> to vector<128x64xf32>
    %concatenate3A_133 = tpu.concatenate %slice3A_131, %slice3A_132 in 1 : vector<128x64xf32>, vector<128x64xf32> -> vector<128x128xf32>
    %slice3A_134 = vector.extract_strided_slice %bitcast_convert_type3A {offsets = [2688, 64], sizes = [128, 64], strides = [1, 1]} : vector<4096x128xf32> to vector<128x64xf32>
    %slice3A_135 = vector.extract_strided_slice %bitcast_convert_type3A_6 {offsets = [2688, 64], sizes = [128, 64], strides = [1, 1]} : vector<4096x128xf32> to vector<128x64xf32>
    %concatenate3A_136 = tpu.concatenate %slice3A_134, %slice3A_135 in 1 : vector<128x64xf32>, vector<128x64xf32> -> vector<128x128xf32>
    %slice3A_137 = vector.extract_strided_slice %bitcast_convert_type3A {offsets = [2816, 0], sizes = [128, 64], strides = [1, 1]} : vector<4096x128xf32> to vector<128x64xf32>
    %slice3A_138 = vector.extract_strided_slice %bitcast_convert_type3A_6 {offsets = [2816, 0], sizes = [128, 64], strides = [1, 1]} : vector<4096x128xf32> to vector<128x64xf32>
    %concatenate3A_139 = tpu.concatenate %slice3A_137, %slice3A_138 in 1 : vector<128x64xf32>, vector<128x64xf32> -> vector<128x128xf32>
    %slice3A_140 = vector.extract_strided_slice %bitcast_convert_type3A {offsets = [2816, 64], sizes = [128, 64], strides = [1, 1]} : vector<4096x128xf32> to vector<128x64xf32>
    %slice3A_141 = vector.extract_strided_slice %bitcast_convert_type3A_6 {offsets = [2816, 64], sizes = [128, 64], strides = [1, 1]} : vector<4096x128xf32> to vector<128x64xf32>
    %concatenate3A_142 = tpu.concatenate %slice3A_140, %slice3A_141 in 1 : vector<128x64xf32>, vector<128x64xf32> -> vector<128x128xf32>
    %slice3A_143 = vector.extract_strided_slice %bitcast_convert_type3A {offsets = [2944, 0], sizes = [128, 64], strides = [1, 1]} : vector<4096x128xf32> to vector<128x64xf32>
    %slice3A_144 = vector.extract_strided_slice %bitcast_convert_type3A_6 {offsets = [2944, 0], sizes = [128, 64], strides = [1, 1]} : vector<4096x128xf32> to vector<128x64xf32>
    %concatenate3A_145 = tpu.concatenate %slice3A_143, %slice3A_144 in 1 : vector<128x64xf32>, vector<128x64xf32> -> vector<128x128xf32>
    %slice3A_146 = vector.extract_strided_slice %bitcast_convert_type3A {offsets = [2944, 64], sizes = [128, 64], strides = [1, 1]} : vector<4096x128xf32> to vector<128x64xf32>
    %slice3A_147 = vector.extract_strided_slice %bitcast_convert_type3A_6 {offsets = [2944, 64], sizes = [128, 64], strides = [1, 1]} : vector<4096x128xf32> to vector<128x64xf32>
    %concatenate3A_148 = tpu.concatenate %slice3A_146, %slice3A_147 in 1 : vector<128x64xf32>, vector<128x64xf32> -> vector<128x128xf32>
    %slice3A_149 = vector.extract_strided_slice %bitcast_convert_type3A {offsets = [3072, 0], sizes = [128, 64], strides = [1, 1]} : vector<4096x128xf32> to vector<128x64xf32>
    %slice3A_150 = vector.extract_strided_slice %bitcast_convert_type3A_6 {offsets = [3072, 0], sizes = [128, 64], strides = [1, 1]} : vector<4096x128xf32> to vector<128x64xf32>
    %concatenate3A_151 = tpu.concatenate %slice3A_149, %slice3A_150 in 1 : vector<128x64xf32>, vector<128x64xf32> -> vector<128x128xf32>
    %slice3A_152 = vector.extract_strided_slice %bitcast_convert_type3A {offsets = [3072, 64], sizes = [128, 64], strides = [1, 1]} : vector<4096x128xf32> to vector<128x64xf32>
    %slice3A_153 = vector.extract_strided_slice %bitcast_convert_type3A_6 {offsets = [3072, 64], sizes = [128, 64], strides = [1, 1]} : vector<4096x128xf32> to vector<128x64xf32>
    %concatenate3A_154 = tpu.concatenate %slice3A_152, %slice3A_153 in 1 : vector<128x64xf32>, vector<128x64xf32> -> vector<128x128xf32>
    %slice3A_155 = vector.extract_strided_slice %bitcast_convert_type3A {offsets = [3200, 0], sizes = [128, 64], strides = [1, 1]} : vector<4096x128xf32> to vector<128x64xf32>
    %slice3A_156 = vector.extract_strided_slice %bitcast_convert_type3A_6 {offsets = [3200, 0], sizes = [128, 64], strides = [1, 1]} : vector<4096x128xf32> to vector<128x64xf32>
    %concatenate3A_157 = tpu.concatenate %slice3A_155, %slice3A_156 in 1 : vector<128x64xf32>, vector<128x64xf32> -> vector<128x128xf32>
    %slice3A_158 = vector.extract_strided_slice %bitcast_convert_type3A {offsets = [3200, 64], sizes = [128, 64], strides = [1, 1]} : vector<4096x128xf32> to vector<128x64xf32>
    %slice3A_159 = vector.extract_strided_slice %bitcast_convert_type3A_6 {offsets = [3200, 64], sizes = [128, 64], strides = [1, 1]} : vector<4096x128xf32> to vector<128x64xf32>
    %concatenate3A_160 = tpu.concatenate %slice3A_158, %slice3A_159 in 1 : vector<128x64xf32>, vector<128x64xf32> -> vector<128x128xf32>
    %slice3A_161 = vector.extract_strided_slice %bitcast_convert_type3A {offsets = [3328, 0], sizes = [128, 64], strides = [1, 1]} : vector<4096x128xf32> to vector<128x64xf32>
    %slice3A_162 = vector.extract_strided_slice %bitcast_convert_type3A_6 {offsets = [3328, 0], sizes = [128, 64], strides = [1, 1]} : vector<4096x128xf32> to vector<128x64xf32>
    %concatenate3A_163 = tpu.concatenate %slice3A_161, %slice3A_162 in 1 : vector<128x64xf32>, vector<128x64xf32> -> vector<128x128xf32>
    %slice3A_164 = vector.extract_strided_slice %bitcast_convert_type3A {offsets = [3328, 64], sizes = [128, 64], strides = [1, 1]} : vector<4096x128xf32> to vector<128x64xf32>
    %slice3A_165 = vector.extract_strided_slice %bitcast_convert_type3A_6 {offsets = [3328, 64], sizes = [128, 64], strides = [1, 1]} : vector<4096x128xf32> to vector<128x64xf32>
    %concatenate3A_166 = tpu.concatenate %slice3A_164, %slice3A_165 in 1 : vector<128x64xf32>, vector<128x64xf32> -> vector<128x128xf32>
    %slice3A_167 = vector.extract_strided_slice %bitcast_convert_type3A {offsets = [3456, 0], sizes = [128, 64], strides = [1, 1]} : vector<4096x128xf32> to vector<128x64xf32>
    %slice3A_168 = vector.extract_strided_slice %bitcast_convert_type3A_6 {offsets = [3456, 0], sizes = [128, 64], strides = [1, 1]} : vector<4096x128xf32> to vector<128x64xf32>
    %concatenate3A_169 = tpu.concatenate %slice3A_167, %slice3A_168 in 1 : vector<128x64xf32>, vector<128x64xf32> -> vector<128x128xf32>
    %slice3A_170 = vector.extract_strided_slice %bitcast_convert_type3A {offsets = [3456, 64], sizes = [128, 64], strides = [1, 1]} : vector<4096x128xf32> to vector<128x64xf32>
    %slice3A_171 = vector.extract_strided_slice %bitcast_convert_type3A_6 {offsets = [3456, 64], sizes = [128, 64], strides = [1, 1]} : vector<4096x128xf32> to vector<128x64xf32>
    %concatenate3A_172 = tpu.concatenate %slice3A_170, %slice3A_171 in 1 : vector<128x64xf32>, vector<128x64xf32> -> vector<128x128xf32>
    %slice3A_173 = vector.extract_strided_slice %bitcast_convert_type3A {offsets = [3584, 0], sizes = [128, 64], strides = [1, 1]} : vector<4096x128xf32> to vector<128x64xf32>
    %slice3A_174 = vector.extract_strided_slice %bitcast_convert_type3A_6 {offsets = [3584, 0], sizes = [128, 64], strides = [1, 1]} : vector<4096x128xf32> to vector<128x64xf32>
    %concatenate3A_175 = tpu.concatenate %slice3A_173, %slice3A_174 in 1 : vector<128x64xf32>, vector<128x64xf32> -> vector<128x128xf32>
    %slice3A_176 = vector.extract_strided_slice %bitcast_convert_type3A {offsets = [3584, 64], sizes = [128, 64], strides = [1, 1]} : vector<4096x128xf32> to vector<128x64xf32>
    %slice3A_177 = vector.extract_strided_slice %bitcast_convert_type3A_6 {offsets = [3584, 64], sizes = [128, 64], strides = [1, 1]} : vector<4096x128xf32> to vector<128x64xf32>
    %concatenate3A_178 = tpu.concatenate %slice3A_176, %slice3A_177 in 1 : vector<128x64xf32>, vector<128x64xf32> -> vector<128x128xf32>
    %slice3A_179 = vector.extract_strided_slice %bitcast_convert_type3A {offsets = [3712, 0], sizes = [128, 64], strides = [1, 1]} : vector<4096x128xf32> to vector<128x64xf32>
    %slice3A_180 = vector.extract_strided_slice %bitcast_convert_type3A_6 {offsets = [3712, 0], sizes = [128, 64], strides = [1, 1]} : vector<4096x128xf32> to vector<128x64xf32>
    %concatenate3A_181 = tpu.concatenate %slice3A_179, %slice3A_180 in 1 : vector<128x64xf32>, vector<128x64xf32> -> vector<128x128xf32>
    %slice3A_182 = vector.extract_strided_slice %bitcast_convert_type3A {offsets = [3712, 64], sizes = [128, 64], strides = [1, 1]} : vector<4096x128xf32> to vector<128x64xf32>
    %slice3A_183 = vector.extract_strided_slice %bitcast_convert_type3A_6 {offsets = [3712, 64], sizes = [128, 64], strides = [1, 1]} : vector<4096x128xf32> to vector<128x64xf32>
    %concatenate3A_184 = tpu.concatenate %slice3A_182, %slice3A_183 in 1 : vector<128x64xf32>, vector<128x64xf32> -> vector<128x128xf32>
    %slice3A_185 = vector.extract_strided_slice %bitcast_convert_type3A {offsets = [3840, 0], sizes = [128, 64], strides = [1, 1]} : vector<4096x128xf32> to vector<128x64xf32>
    %slice3A_186 = vector.extract_strided_slice %bitcast_convert_type3A_6 {offsets = [3840, 0], sizes = [128, 64], strides = [1, 1]} : vector<4096x128xf32> to vector<128x64xf32>
    %concatenate3A_187 = tpu.concatenate %slice3A_185, %slice3A_186 in 1 : vector<128x64xf32>, vector<128x64xf32> -> vector<128x128xf32>
    %slice3A_188 = vector.extract_strided_slice %bitcast_convert_type3A {offsets = [3840, 64], sizes = [128, 64], strides = [1, 1]} : vector<4096x128xf32> to vector<128x64xf32>
    %slice3A_189 = vector.extract_strided_slice %bitcast_convert_type3A_6 {offsets = [3840, 64], sizes = [128, 64], strides = [1, 1]} : vector<4096x128xf32> to vector<128x64xf32>
    %concatenate3A_190 = tpu.concatenate %slice3A_188, %slice3A_189 in 1 : vector<128x64xf32>, vector<128x64xf32> -> vector<128x128xf32>
    %slice3A_191 = vector.extract_strided_slice %bitcast_convert_type3A {offsets = [3968, 0], sizes = [128, 64], strides = [1, 1]} : vector<4096x128xf32> to vector<128x64xf32>
    %slice3A_192 = vector.extract_strided_slice %bitcast_convert_type3A_6 {offsets = [3968, 0], sizes = [128, 64], strides = [1, 1]} : vector<4096x128xf32> to vector<128x64xf32>
    %concatenate3A_193 = tpu.concatenate %slice3A_191, %slice3A_192 in 1 : vector<128x64xf32>, vector<128x64xf32> -> vector<128x128xf32>
    %slice3A_194 = vector.extract_strided_slice %bitcast_convert_type3A {offsets = [3968, 64], sizes = [128, 64], strides = [1, 1]} : vector<4096x128xf32> to vector<128x64xf32>
    %slice3A_195 = vector.extract_strided_slice %bitcast_convert_type3A_6 {offsets = [3968, 64], sizes = [128, 64], strides = [1, 1]} : vector<4096x128xf32> to vector<128x64xf32>
    %concatenate3A_196 = tpu.concatenate %slice3A_194, %slice3A_195 in 1 : vector<128x64xf32>, vector<128x64xf32> -> vector<128x128xf32>
    %concatenate3A_197 = tpu.concatenate %concatenate3A, %concatenate3A_10, %concatenate3A_13, %concatenate3A_16, %concatenate3A_19, %concatenate3A_22, %concatenate3A_25, %concatenate3A_28, %concatenate3A_31, %concatenate3A_34, %concatenate3A_37, %concatenate3A_40, %concatenate3A_43, %concatenate3A_46, %concatenate3A_49, %concatenate3A_52, %concatenate3A_55, %concatenate3A_58, %concatenate3A_61, %concatenate3A_64, %concatenate3A_67, %concatenate3A_70, %concatenate3A_73, %concatenate3A_76, %concatenate3A_79, %concatenate3A_82, %concatenate3A_85, %concatenate3A_88, %concatenate3A_91, %concatenate3A_94, %concatenate3A_97, %concatenate3A_100, %concatenate3A_103, %concatenate3A_106, %concatenate3A_109, %concatenate3A_112, %concatenate3A_115, %concatenate3A_118, %concatenate3A_121, %concatenate3A_124, %concatenate3A_127, %concatenate3A_130, %concatenate3A_133, %concatenate3A_136, %concatenate3A_139, %concatenate3A_142, %concatenate3A_145, %concatenate3A_148, %concatenate3A_151, %concatenate3A_154, %concatenate3A_157, %concatenate3A_160, %concatenate3A_163, %concatenate3A_166, %concatenate3A_169, %concatenate3A_172, %concatenate3A_175, %concatenate3A_178, %concatenate3A_181, %concatenate3A_184, %concatenate3A_187, %concatenate3A_190, %concatenate3A_193, %concatenate3A_196 in 0 : vector<128x128xf32>, vector<128x128xf32>, vector<128x128xf32>, vector<128x128xf32>, vector<128x128xf32>, vector<128x128xf32>, vector<128x128xf32>, vector<128x128xf32>, vector<128x128xf32>, vector<128x128xf32>, vector<128x128xf32>, vector<128x128xf32>, vector<128x128xf32>, vector<128x128xf32>, vector<128x128xf32>, vector<128x128xf32>, vector<128x128xf32>, vector<128x128xf32>, vector<128x128xf32>, vector<128x128xf32>, vector<128x128xf32>, vector<128x128xf32>, vector<128x128xf32>, vector<128x128xf32>, vector<128x128xf32>, vector<128x128xf32>, vector<128x128xf32>, vector<128x128xf32>, vector<128x128xf32>, vector<128x128xf32>, vector<128x128xf32>, vector<128x128xf32>, vector<128x128xf32>, vector<128x128xf32>, vector<128x128xf32>, vector<128x128xf32>, vector<128x128xf32>, vector<128x128xf32>, vector<128x128xf32>, vector<128x128xf32>, vector<128x128xf32>, vector<128x128xf32>, vector<128x128xf32>, vector<128x128xf32>, vector<128x128xf32>, vector<128x128xf32>, vector<128x128xf32>, vector<128x128xf32>, vector<128x128xf32>, vector<128x128xf32>, vector<128x128xf32>, vector<128x128xf32>, vector<128x128xf32>, vector<128x128xf32>, vector<128x128xf32>, vector<128x128xf32>, vector<128x128xf32>, vector<128x128xf32>, vector<128x128xf32>, vector<128x128xf32>, vector<128x128xf32>, vector<128x128xf32>, vector<128x128xf32>, vector<128x128xf32> -> vector<8192x128xf32>
    %get3A_198 = arith.constant 0 : index
    %get3A_199 = arith.constant 0 : index
    %get3A_200 = vector.load %arg2[%get3A_198, %get3A_199] : memref<512x128xf32, #tpu.memory_space<vmem>>, vector<512x128xf32>
    %get3A_201 = arith.constant 0 : index
    %get3A_202 = arith.constant 0 : index
    %get3A_203 = vector.load %arg3[%get3A_201, %get3A_202] : memref<2x128xf32, #tpu.memory_space<vmem>>, vector<2x128xf32>
    %slice3A_204 = vector.extract_strided_slice %get3A_203 {offsets = [0, 0], sizes = [1, 128], strides = [1, 1]} : vector<2x128xf32> to vector<1x128xf32>
    %squeeze3A = vector.shape_cast %slice3A_204 : vector<1x128xf32> to vector<128xf32>
    %broadcast_in_dim3A = vector.shape_cast %squeeze3A : vector<128xf32> to vector<1x128xf32>
    %add3A = vector.broadcast %broadcast_in_dim3A : vector<1x128xf32> to vector<512x128xf32>
    %add3A_205 = arith.addf %get3A_200, %add3A : vector<512x128xf32>
    %reshape3A = vector.shape_cast %concatenate3A_197 : vector<8192x128xf32> to vector<16x512x128xf32>
    %broadcast_in_dim3A_206 = vector.shape_cast %add3A_205 : vector<512x128xf32> to vector<1x512x128xf32>
    %add3A_207 = vector.broadcast %broadcast_in_dim3A_206 : vector<1x512x128xf32> to vector<16x512x128xf32>
    %add3A_208 = arith.addf %reshape3A, %add3A_207 : vector<16x512x128xf32>
    %reshape3A_209 = vector.shape_cast %add3A_208 : vector<16x512x128xf32> to vector<8192x128xf32>
    %broadcast_in_dim3A_210 = arith.constant 7.812500e-03 : bf16
    %broadcast_in_dim3A_211 = vector.broadcast %broadcast_in_dim3A_210 : bf16 to vector<128x128xbf16>
    %convert_element_type3A = arith.truncf %reshape3A_209 : vector<8192x128xf32> to vector<8192x128xbf16>
    %dot_general3A = arith.constant dense<0.000000e+00> : vector<8192x128xf32>
    %dot_general3A_212 = tpu.matmul %convert_element_type3A, %broadcast_in_dim3A_211, %dot_general3A {dimension_numbers = #tpu.dot_dimension_numbers<[1], [0], [0], [1], [0, 0, 1, 1], [], []>, transpose_lhs_hint = false} : vector<8192x128xbf16>, vector<128x128xbf16>, vector<8192x128xf32> -> vector<8192x128xf32>
    %mul3A = arith.mulf %convert_element_type3A, %convert_element_type3A : vector<8192x128xbf16>
    %dot_general3A_213 = arith.constant dense<0.000000e+00> : vector<8192x128xf32>
    %dot_general3A_214 = tpu.matmul %mul3A, %broadcast_in_dim3A_211, %dot_general3A_213 {dimension_numbers = #tpu.dot_dimension_numbers<[1], [0], [0], [1], [0, 0, 1, 1], [], []>, transpose_lhs_hint = false} : vector<8192x128xbf16>, vector<128x128xbf16>, vector<8192x128xf32> -> vector<8192x128xf32>
    %mul3A_215 = arith.mulf %dot_general3A_212, %dot_general3A_212 : vector<8192x128xf32>
    %sub3A = arith.subf %dot_general3A_214, %mul3A_215 : vector<8192x128xf32>
    %add3A_216 = arith.constant 9.99999996E-13 : f32
    %add3A_217 = vector.broadcast %add3A_216 : f32 to vector<8192x128xf32>
    %add3A_218 = arith.addf %sub3A, %add3A_217 : vector<8192x128xf32>
    %rsqrt3A = math.rsqrt %add3A_218 : vector<8192x128xf32>
    %sub3A_219 = arith.subf %reshape3A_209, %dot_general3A_212 : vector<8192x128xf32>
    %mul3A_220 = arith.mulf %sub3A_219, %rsqrt3A : vector<8192x128xf32>
    %get3A_221 = arith.constant 0 : index
    %get3A_222 = arith.constant 0 : index
    %get3A_223 = vector.load %arg4[%get3A_221, %get3A_222] : memref<1x128xf32, #tpu.memory_space<vmem>>, vector<1x128xf32>
    %squeeze3A_224 = vector.shape_cast %get3A_223 : vector<1x128xf32> to vector<128xf32>
    %broadcast_in_dim3A_225 = vector.shape_cast %squeeze3A_224 : vector<128xf32> to vector<1x128xf32>
    %mul3A_226 = vector.broadcast %broadcast_in_dim3A_225 : vector<1x128xf32> to vector<8192x128xf32>
    %mul3A_227 = arith.mulf %mul3A_220, %mul3A_226 : vector<8192x128xf32>
    %get3A_228 = arith.constant 0 : index
    %get3A_229 = arith.constant 0 : index
    %get3A_230 = vector.load %arg5[%get3A_228, %get3A_229] : memref<1x128xf32, #tpu.memory_space<vmem>>, vector<1x128xf32>
    %squeeze3A_231 = vector.shape_cast %get3A_230 : vector<1x128xf32> to vector<128xf32>
    %broadcast_in_dim3A_232 = vector.shape_cast %squeeze3A_231 : vector<128xf32> to vector<1x128xf32>
    %add3A_233 = vector.broadcast %broadcast_in_dim3A_232 : vector<1x128xf32> to vector<8192x128xf32>
    %add3A_234 = arith.addf %mul3A_227, %add3A_233 : vector<8192x128xf32>
    %reshape3A_235 = vector.shape_cast %add3A_234 : vector<8192x128xf32> to vector<16x512x128xf32>
    %swap3A = arith.constant 0 : index
    %swap3A_236 = arith.constant 0 : index
    %swap3A_237 = arith.constant 0 : index
    %swap3A_238 = vector.load %arg7[%swap3A, %swap3A_236, %swap3A_237] : memref<16x512x128xf32, #tpu.memory_space<vmem>>, vector<16x512x128xf32>
    tpu.vector_store %arg7[%swap3A, %swap3A_236, %swap3A_237], %reshape3A_235 {strides = array<i32>} : memref<16x512x128xf32, #tpu.memory_space<vmem>>, vector<16x512x128xf32>,
    return
  }
  func.func @transform_0(%arg0: i32) -> (i32, i32) {
    %c0_i32 = arith.constant 0 : i32
    %c0_i32_0 = arith.constant 0 : i32
    return %arg0, %c0_i32 : i32, i32
  }
  func.func @transform_1(%arg0: i32) -> (i32, i32) {
    %c0_i32 = arith.constant 0 : i32
    %c0_i32_0 = arith.constant 0 : i32
    %c0_i32_1 = arith.constant 0 : i32
    return %c0_i32, %c0_i32_0 : i32, i32
  }
  func.func @transform_2(%arg0: i32) -> (i32, i32) {
    %c0_i32 = arith.constant 0 : i32
    %c0_i32_0 = arith.constant 0 : i32
    %c0_i32_1 = arith.constant 0 : i32
    return %c0_i32, %c0_i32_0 : i32, i32
  }
  func.func @transform_3(%arg0: i32) -> (i32, i32) {
    %c0_i32 = arith.constant 0 : i32
    %c0_i32_0 = arith.constant 0 : i32
    %c0_i32_1 = arith.constant 0 : i32
    return %c0_i32, %c0_i32_0 : i32, i32
  }
  func.func @transform_4(%arg0: i32) -> (i32, i32) {
    %c0_i32 = arith.constant 0 : i32
    %c0_i32_0 = arith.constant 0 : i32
    %c0_i32_1 = arith.constant 0 : i32
    return %c0_i32, %c0_i32_0 : i32, i32
  }
  func.func @transform_6(%arg0: i32) -> (i32, i32, i32) {
    %add3A = arith.constant 8 : i32
    %add3A_0 = arith.addi %add3A, %arg0 : i32
    %c0_i32 = arith.constant 0 : i32
    %c0_i32_1 = arith.constant 0 : i32
    %c0_i32_2 = arith.constant 0 : i32
    return %add3A_0, %c0_i32, %c0_i32_1 : i32, i32, i32
  }
}

module attributes {stable_mosaic.version = 14 : i64} {
  func.func @_ln_body_acc(%arg0: i32, %arg1: memref<4096x128xi32, #tpu.memory_space<vmem>>, %arg2: memref<512x128xf32, #tpu.memory_space<vmem>>, %arg3: memref<2x128xf32, #tpu.memory_space<vmem>>, %arg4: memref<1x128xf32, #tpu.memory_space<vmem>>, %arg5: memref<1x128xf32, #tpu.memory_space<vmem>>, %arg6: memref<1024x512x128xf32, #tpu.memory_space<any>>, %arg7: memref<16x512x128xf32, #tpu.memory_space<vmem>>) attributes {dimension_semantics = [#tpu.dimension_semantics<arbitrary>], iteration_bounds = array<i64: 18>, scalar_prefetch = 0 : i64, scratch_operands = 0 : i64, tpu.core_type = #tpu.core_type<tc>, window_params = [{transform_indices = @transform_0, window_bounds = array<i64: 4096, 128>}, {pipeline_mode = #tpu.pipeline_mode<synchronous>, transform_indices = @transform_1, window_bounds = array<i64: 512, 128>}, {pipeline_mode = #tpu.pipeline_mode<synchronous>, transform_indices = @transform_2, window_bounds = array<i64: 2, 128>}, {pipeline_mode = #tpu.pipeline_mode<synchronous>, transform_indices = @transform_3, window_bounds = array<i64: 1, 128>}, {pipeline_mode = #tpu.pipeline_mode<synchronous>, transform_indices = @transform_4, window_bounds = array<i64: 1, 128>}, {}, {transform_indices = @transform_6, window_bounds = array<i64: 16, 512, 128>}]} {
    %get3A = arith.constant 0 : index
    %get3A_0 = arith.constant 0 : index
    %get3A_1 = vector.load %arg1[%get3A, %get3A_0] : memref<4096x128xi32, #tpu.memory_space<vmem>>, vector<4096x128xi32>
    %shift_left3A = arith.constant 16 : i32
    %shift_left3A_2 = vector.broadcast %shift_left3A : i32 to vector<4096x128xi32>
    %shift_left3A_3 = arith.shli %get3A_1, %shift_left3A_2 : vector<4096x128xi32>
    %bitcast_convert_type3A = tpu.bitcast %shift_left3A_3 : vector<4096x128xi32> -> vector<4096x128xf32>
    %and3A = arith.constant -65536 : i32
    %and3A_4 = vector.broadcast %and3A : i32 to vector<4096x128xi32>
    %and3A_5 = arith.andi %get3A_1, %and3A_4 : vector<4096x128xi32>
    %bitcast_convert_type3A_6 = tpu.bitcast %and3A_5 : vector<4096x128xi32> -> vector<4096x128xf32>
    %slice3A = vector.extract_strided_slice %bitcast_convert_type3A {offsets = [0, 0], sizes = [128, 64], strides = [1, 1]} : vector<4096x128xf32> to vector<128x64xf32>
    %slice3A_7 = vector.extract_strided_slice %bitcast_convert_type3A_6 {offsets = [0, 0], sizes = [128, 64], strides = [1, 1]} : vector<4096x128xf32> to vector<128x64xf32>
    %concatenate3A = tpu.concatenate %slice3A, %slice3A_7 in 1 : vector<128x64xf32>, vector<128x64xf32> -> vector<128x128xf32>
    %slice3A_8 = vector.extract_strided_slice %bitcast_convert_type3A {offsets = [0, 64], sizes = [128, 64], strides = [1, 1]} : vector<4096x128xf32> to vector<128x64xf32>
    %slice3A_9 = vector.extract_strided_slice %bitcast_convert_type3A_6 {offsets = [0, 64], sizes = [128, 64], strides = [1, 1]} : vector<4096x128xf32> to vector<128x64xf32>
    %concatenate3A_10 = tpu.concatenate %slice3A_8, %slice3A_9 in 1 : vector<128x64xf32>, vector<128x64xf32> -> vector<128x128xf32>
    %slice3A_11 = vector.extract_strided_slice %bitcast_convert_type3A {offsets = [128, 0], sizes = [128, 64], strides = [1, 1]} : vector<4096x128xf32> to vector<128x64xf32>
    %slice3A_12 = vector.extract_strided_slice %bitcast_convert_type3A_6 {offsets = [128, 0], sizes = [128, 64], strides = [1, 1]} : vector<4096x128xf32> to vector<128x64xf32>
    %concatenate3A_13 = tpu.concatenate %slice3A_11, %slice3A_12 in 1 : vector<128x64xf32>, vector<128x64xf32> -> vector<128x128xf32>
    %slice3A_14 = vector.extract_strided_slice %bitcast_convert_type3A {offsets = [128, 64], sizes = [128, 64], strides = [1, 1]} : vector<4096x128xf32> to vector<128x64xf32>
    %slice3A_15 = vector.extract_strided_slice %bitcast_convert_type3A_6 {offsets = [128, 64], sizes = [128, 64], strides = [1, 1]} : vector<4096x128xf32> to vector<128x64xf32>
    %concatenate3A_16 = tpu.concatenate %slice3A_14, %slice3A_15 in 1 : vector<128x64xf32>, vector<128x64xf32> -> vector<128x128xf32>
    %slice3A_17 = vector.extract_strided_slice %bitcast_convert_type3A {offsets = [256, 0], sizes = [128, 64], strides = [1, 1]} : vector<4096x128xf32> to vector<128x64xf32>
    %slice3A_18 = vector.extract_strided_slice %bitcast_convert_type3A_6 {offsets = [256, 0], sizes = [128, 64], strides = [1, 1]} : vector<4096x128xf32> to vector<128x64xf32>
    %concatenate3A_19 = tpu.concatenate %slice3A_17, %slice3A_18 in 1 : vector<128x64xf32>, vector<128x64xf32> -> vector<128x128xf32>
    %slice3A_20 = vector.extract_strided_slice %bitcast_convert_type3A {offsets = [256, 64], sizes = [128, 64], strides = [1, 1]} : vector<4096x128xf32> to vector<128x64xf32>
    %slice3A_21 = vector.extract_strided_slice %bitcast_convert_type3A_6 {offsets = [256, 64], sizes = [128, 64], strides = [1, 1]} : vector<4096x128xf32> to vector<128x64xf32>
    %concatenate3A_22 = tpu.concatenate %slice3A_20, %slice3A_21 in 1 : vector<128x64xf32>, vector<128x64xf32> -> vector<128x128xf32>
    %slice3A_23 = vector.extract_strided_slice %bitcast_convert_type3A {offsets = [384, 0], sizes = [128, 64], strides = [1, 1]} : vector<4096x128xf32> to vector<128x64xf32>
    %slice3A_24 = vector.extract_strided_slice %bitcast_convert_type3A_6 {offsets = [384, 0], sizes = [128, 64], strides = [1, 1]} : vector<4096x128xf32> to vector<128x64xf32>
    %concatenate3A_25 = tpu.concatenate %slice3A_23, %slice3A_24 in 1 : vector<128x64xf32>, vector<128x64xf32> -> vector<128x128xf32>
    %slice3A_26 = vector.extract_strided_slice %bitcast_convert_type3A {offsets = [384, 64], sizes = [128, 64], strides = [1, 1]} : vector<4096x128xf32> to vector<128x64xf32>
    %slice3A_27 = vector.extract_strided_slice %bitcast_convert_type3A_6 {offsets = [384, 64], sizes = [128, 64], strides = [1, 1]} : vector<4096x128xf32> to vector<128x64xf32>
    %concatenate3A_28 = tpu.concatenate %slice3A_26, %slice3A_27 in 1 : vector<128x64xf32>, vector<128x64xf32> -> vector<128x128xf32>
    %slice3A_29 = vector.extract_strided_slice %bitcast_convert_type3A {offsets = [512, 0], sizes = [128, 64], strides = [1, 1]} : vector<4096x128xf32> to vector<128x64xf32>
    %slice3A_30 = vector.extract_strided_slice %bitcast_convert_type3A_6 {offsets = [512, 0], sizes = [128, 64], strides = [1, 1]} : vector<4096x128xf32> to vector<128x64xf32>
    %concatenate3A_31 = tpu.concatenate %slice3A_29, %slice3A_30 in 1 : vector<128x64xf32>, vector<128x64xf32> -> vector<128x128xf32>
    %slice3A_32 = vector.extract_strided_slice %bitcast_convert_type3A {offsets = [512, 64], sizes = [128, 64], strides = [1, 1]} : vector<4096x128xf32> to vector<128x64xf32>
    %slice3A_33 = vector.extract_strided_slice %bitcast_convert_type3A_6 {offsets = [512, 64], sizes = [128, 64], strides = [1, 1]} : vector<4096x128xf32> to vector<128x64xf32>
    %concatenate3A_34 = tpu.concatenate %slice3A_32, %slice3A_33 in 1 : vector<128x64xf32>, vector<128x64xf32> -> vector<128x128xf32>
    %slice3A_35 = vector.extract_strided_slice %bitcast_convert_type3A {offsets = [640, 0], sizes = [128, 64], strides = [1, 1]} : vector<4096x128xf32> to vector<128x64xf32>
    %slice3A_36 = vector.extract_strided_slice %bitcast_convert_type3A_6 {offsets = [640, 0], sizes = [128, 64], strides = [1, 1]} : vector<4096x128xf32> to vector<128x64xf32>
    %concatenate3A_37 = tpu.concatenate %slice3A_35, %slice3A_36 in 1 : vector<128x64xf32>, vector<128x64xf32> -> vector<128x128xf32>
    %slice3A_38 = vector.extract_strided_slice %bitcast_convert_type3A {offsets = [640, 64], sizes = [128, 64], strides = [1, 1]} : vector<4096x128xf32> to vector<128x64xf32>
    %slice3A_39 = vector.extract_strided_slice %bitcast_convert_type3A_6 {offsets = [640, 64], sizes = [128, 64], strides = [1, 1]} : vector<4096x128xf32> to vector<128x64xf32>
    %concatenate3A_40 = tpu.concatenate %slice3A_38, %slice3A_39 in 1 : vector<128x64xf32>, vector<128x64xf32> -> vector<128x128xf32>
    %slice3A_41 = vector.extract_strided_slice %bitcast_convert_type3A {offsets = [768, 0], sizes = [128, 64], strides = [1, 1]} : vector<4096x128xf32> to vector<128x64xf32>
    %slice3A_42 = vector.extract_strided_slice %bitcast_convert_type3A_6 {offsets = [768, 0], sizes = [128, 64], strides = [1, 1]} : vector<4096x128xf32> to vector<128x64xf32>
    %concatenate3A_43 = tpu.concatenate %slice3A_41, %slice3A_42 in 1 : vector<128x64xf32>, vector<128x64xf32> -> vector<128x128xf32>
    %slice3A_44 = vector.extract_strided_slice %bitcast_convert_type3A {offsets = [768, 64], sizes = [128, 64], strides = [1, 1]} : vector<4096x128xf32> to vector<128x64xf32>
    %slice3A_45 = vector.extract_strided_slice %bitcast_convert_type3A_6 {offsets = [768, 64], sizes = [128, 64], strides = [1, 1]} : vector<4096x128xf32> to vector<128x64xf32>
    %concatenate3A_46 = tpu.concatenate %slice3A_44, %slice3A_45 in 1 : vector<128x64xf32>, vector<128x64xf32> -> vector<128x128xf32>
    %slice3A_47 = vector.extract_strided_slice %bitcast_convert_type3A {offsets = [896, 0], sizes = [128, 64], strides = [1, 1]} : vector<4096x128xf32> to vector<128x64xf32>
    %slice3A_48 = vector.extract_strided_slice %bitcast_convert_type3A_6 {offsets = [896, 0], sizes = [128, 64], strides = [1, 1]} : vector<4096x128xf32> to vector<128x64xf32>
    %concatenate3A_49 = tpu.concatenate %slice3A_47, %slice3A_48 in 1 : vector<128x64xf32>, vector<128x64xf32> -> vector<128x128xf32>
    %slice3A_50 = vector.extract_strided_slice %bitcast_convert_type3A {offsets = [896, 64], sizes = [128, 64], strides = [1, 1]} : vector<4096x128xf32> to vector<128x64xf32>
    %slice3A_51 = vector.extract_strided_slice %bitcast_convert_type3A_6 {offsets = [896, 64], sizes = [128, 64], strides = [1, 1]} : vector<4096x128xf32> to vector<128x64xf32>
    %concatenate3A_52 = tpu.concatenate %slice3A_50, %slice3A_51 in 1 : vector<128x64xf32>, vector<128x64xf32> -> vector<128x128xf32>
    %slice3A_53 = vector.extract_strided_slice %bitcast_convert_type3A {offsets = [1024, 0], sizes = [128, 64], strides = [1, 1]} : vector<4096x128xf32> to vector<128x64xf32>
    %slice3A_54 = vector.extract_strided_slice %bitcast_convert_type3A_6 {offsets = [1024, 0], sizes = [128, 64], strides = [1, 1]} : vector<4096x128xf32> to vector<128x64xf32>
    %concatenate3A_55 = tpu.concatenate %slice3A_53, %slice3A_54 in 1 : vector<128x64xf32>, vector<128x64xf32> -> vector<128x128xf32>
    %slice3A_56 = vector.extract_strided_slice %bitcast_convert_type3A {offsets = [1024, 64], sizes = [128, 64], strides = [1, 1]} : vector<4096x128xf32> to vector<128x64xf32>
    %slice3A_57 = vector.extract_strided_slice %bitcast_convert_type3A_6 {offsets = [1024, 64], sizes = [128, 64], strides = [1, 1]} : vector<4096x128xf32> to vector<128x64xf32>
    %concatenate3A_58 = tpu.concatenate %slice3A_56, %slice3A_57 in 1 : vector<128x64xf32>, vector<128x64xf32> -> vector<128x128xf32>
    %slice3A_59 = vector.extract_strided_slice %bitcast_convert_type3A {offsets = [1152, 0], sizes = [128, 64], strides = [1, 1]} : vector<4096x128xf32> to vector<128x64xf32>
    %slice3A_60 = vector.extract_strided_slice %bitcast_convert_type3A_6 {offsets = [1152, 0], sizes = [128, 64], strides = [1, 1]} : vector<4096x128xf32> to vector<128x64xf32>
    %concatenate3A_61 = tpu.concatenate %slice3A_59, %slice3A_60 in 1 : vector<128x64xf32>, vector<128x64xf32> -> vector<128x128xf32>
    %slice3A_62 = vector.extract_strided_slice %bitcast_convert_type3A {offsets = [1152, 64], sizes = [128, 64], strides = [1, 1]} : vector<4096x128xf32> to vector<128x64xf32>
    %slice3A_63 = vector.extract_strided_slice %bitcast_convert_type3A_6 {offsets = [1152, 64], sizes = [128, 64], strides = [1, 1]} : vector<4096x128xf32> to vector<128x64xf32>
    %concatenate3A_64 = tpu.concatenate %slice3A_62, %slice3A_63 in 1 : vector<128x64xf32>, vector<128x64xf32> -> vector<128x128xf32>
    %slice3A_65 = vector.extract_strided_slice %bitcast_convert_type3A {offsets = [1280, 0], sizes = [128, 64], strides = [1, 1]} : vector<4096x128xf32> to vector<128x64xf32>
    %slice3A_66 = vector.extract_strided_slice %bitcast_convert_type3A_6 {offsets = [1280, 0], sizes = [128, 64], strides = [1, 1]} : vector<4096x128xf32> to vector<128x64xf32>
    %concatenate3A_67 = tpu.concatenate %slice3A_65, %slice3A_66 in 1 : vector<128x64xf32>, vector<128x64xf32> -> vector<128x128xf32>
    %slice3A_68 = vector.extract_strided_slice %bitcast_convert_type3A {offsets = [1280, 64], sizes = [128, 64], strides = [1, 1]} : vector<4096x128xf32> to vector<128x64xf32>
    %slice3A_69 = vector.extract_strided_slice %bitcast_convert_type3A_6 {offsets = [1280, 64], sizes = [128, 64], strides = [1, 1]} : vector<4096x128xf32> to vector<128x64xf32>
    %concatenate3A_70 = tpu.concatenate %slice3A_68, %slice3A_69 in 1 : vector<128x64xf32>, vector<128x64xf32> -> vector<128x128xf32>
    %slice3A_71 = vector.extract_strided_slice %bitcast_convert_type3A {offsets = [1408, 0], sizes = [128, 64], strides = [1, 1]} : vector<4096x128xf32> to vector<128x64xf32>
    %slice3A_72 = vector.extract_strided_slice %bitcast_convert_type3A_6 {offsets = [1408, 0], sizes = [128, 64], strides = [1, 1]} : vector<4096x128xf32> to vector<128x64xf32>
    %concatenate3A_73 = tpu.concatenate %slice3A_71, %slice3A_72 in 1 : vector<128x64xf32>, vector<128x64xf32> -> vector<128x128xf32>
    %slice3A_74 = vector.extract_strided_slice %bitcast_convert_type3A {offsets = [1408, 64], sizes = [128, 64], strides = [1, 1]} : vector<4096x128xf32> to vector<128x64xf32>
    %slice3A_75 = vector.extract_strided_slice %bitcast_convert_type3A_6 {offsets = [1408, 64], sizes = [128, 64], strides = [1, 1]} : vector<4096x128xf32> to vector<128x64xf32>
    %concatenate3A_76 = tpu.concatenate %slice3A_74, %slice3A_75 in 1 : vector<128x64xf32>, vector<128x64xf32> -> vector<128x128xf32>
    %slice3A_77 = vector.extract_strided_slice %bitcast_convert_type3A {offsets = [1536, 0], sizes = [128, 64], strides = [1, 1]} : vector<4096x128xf32> to vector<128x64xf32>
    %slice3A_78 = vector.extract_strided_slice %bitcast_convert_type3A_6 {offsets = [1536, 0], sizes = [128, 64], strides = [1, 1]} : vector<4096x128xf32> to vector<128x64xf32>
    %concatenate3A_79 = tpu.concatenate %slice3A_77, %slice3A_78 in 1 : vector<128x64xf32>, vector<128x64xf32> -> vector<128x128xf32>
    %slice3A_80 = vector.extract_strided_slice %bitcast_convert_type3A {offsets = [1536, 64], sizes = [128, 64], strides = [1, 1]} : vector<4096x128xf32> to vector<128x64xf32>
    %slice3A_81 = vector.extract_strided_slice %bitcast_convert_type3A_6 {offsets = [1536, 64], sizes = [128, 64], strides = [1, 1]} : vector<4096x128xf32> to vector<128x64xf32>
    %concatenate3A_82 = tpu.concatenate %slice3A_80, %slice3A_81 in 1 : vector<128x64xf32>, vector<128x64xf32> -> vector<128x128xf32>
    %slice3A_83 = vector.extract_strided_slice %bitcast_convert_type3A {offsets = [1664, 0], sizes = [128, 64], strides = [1, 1]} : vector<4096x128xf32> to vector<128x64xf32>
    %slice3A_84 = vector.extract_strided_slice %bitcast_convert_type3A_6 {offsets = [1664, 0], sizes = [128, 64], strides = [1, 1]} : vector<4096x128xf32> to vector<128x64xf32>
    %concatenate3A_85 = tpu.concatenate %slice3A_83, %slice3A_84 in 1 : vector<128x64xf32>, vector<128x64xf32> -> vector<128x128xf32>
    %slice3A_86 = vector.extract_strided_slice %bitcast_convert_type3A {offsets = [1664, 64], sizes = [128, 64], strides = [1, 1]} : vector<4096x128xf32> to vector<128x64xf32>
    %slice3A_87 = vector.extract_strided_slice %bitcast_convert_type3A_6 {offsets = [1664, 64], sizes = [128, 64], strides = [1, 1]} : vector<4096x128xf32> to vector<128x64xf32>
    %concatenate3A_88 = tpu.concatenate %slice3A_86, %slice3A_87 in 1 : vector<128x64xf32>, vector<128x64xf32> -> vector<128x128xf32>
    %slice3A_89 = vector.extract_strided_slice %bitcast_convert_type3A {offsets = [1792, 0], sizes = [128, 64], strides = [1, 1]} : vector<4096x128xf32> to vector<128x64xf32>
    %slice3A_90 = vector.extract_strided_slice %bitcast_convert_type3A_6 {offsets = [1792, 0], sizes = [128, 64], strides = [1, 1]} : vector<4096x128xf32> to vector<128x64xf32>
    %concatenate3A_91 = tpu.concatenate %slice3A_89, %slice3A_90 in 1 : vector<128x64xf32>, vector<128x64xf32> -> vector<128x128xf32>
    %slice3A_92 = vector.extract_strided_slice %bitcast_convert_type3A {offsets = [1792, 64], sizes = [128, 64], strides = [1, 1]} : vector<4096x128xf32> to vector<128x64xf32>
    %slice3A_93 = vector.extract_strided_slice %bitcast_convert_type3A_6 {offsets = [1792, 64], sizes = [128, 64], strides = [1, 1]} : vector<4096x128xf32> to vector<128x64xf32>
    %concatenate3A_94 = tpu.concatenate %slice3A_92, %slice3A_93 in 1 : vector<128x64xf32>, vector<128x64xf32> -> vector<128x128xf32>
    %slice3A_95 = vector.extract_strided_slice %bitcast_convert_type3A {offsets = [1920, 0], sizes = [128, 64], strides = [1, 1]} : vector<4096x128xf32> to vector<128x64xf32>
    %slice3A_96 = vector.extract_strided_slice %bitcast_convert_type3A_6 {offsets = [1920, 0], sizes = [128, 64], strides = [1, 1]} : vector<4096x128xf32> to vector<128x64xf32>
    %concatenate3A_97 = tpu.concatenate %slice3A_95, %slice3A_96 in 1 : vector<128x64xf32>, vector<128x64xf32> -> vector<128x128xf32>
    %slice3A_98 = vector.extract_strided_slice %bitcast_convert_type3A {offsets = [1920, 64], sizes = [128, 64], strides = [1, 1]} : vector<4096x128xf32> to vector<128x64xf32>
    %slice3A_99 = vector.extract_strided_slice %bitcast_convert_type3A_6 {offsets = [1920, 64], sizes = [128, 64], strides = [1, 1]} : vector<4096x128xf32> to vector<128x64xf32>
    %concatenate3A_100 = tpu.concatenate %slice3A_98, %slice3A_99 in 1 : vector<128x64xf32>, vector<128x64xf32> -> vector<128x128xf32>
    %slice3A_101 = vector.extract_strided_slice %bitcast_convert_type3A {offsets = [2048, 0], sizes = [128, 64], strides = [1, 1]} : vector<4096x128xf32> to vector<128x64xf32>
    %slice3A_102 = vector.extract_strided_slice %bitcast_convert_type3A_6 {offsets = [2048, 0], sizes = [128, 64], strides = [1, 1]} : vector<4096x128xf32> to vector<128x64xf32>
    %concatenate3A_103 = tpu.concatenate %slice3A_101, %slice3A_102 in 1 : vector<128x64xf32>, vector<128x64xf32> -> vector<128x128xf32>
    %slice3A_104 = vector.extract_strided_slice %bitcast_convert_type3A {offsets = [2048, 64], sizes = [128, 64], strides = [1, 1]} : vector<4096x128xf32> to vector<128x64xf32>
    %slice3A_105 = vector.extract_strided_slice %bitcast_convert_type3A_6 {offsets = [2048, 64], sizes = [128, 64], strides = [1, 1]} : vector<4096x128xf32> to vector<128x64xf32>
    %concatenate3A_106 = tpu.concatenate %slice3A_104, %slice3A_105 in 1 : vector<128x64xf32>, vector<128x64xf32> -> vector<128x128xf32>
    %slice3A_107 = vector.extract_strided_slice %bitcast_convert_type3A {offsets = [2176, 0], sizes = [128, 64], strides = [1, 1]} : vector<4096x128xf32> to vector<128x64xf32>
    %slice3A_108 = vector.extract_strided_slice %bitcast_convert_type3A_6 {offsets = [2176, 0], sizes = [128, 64], strides = [1, 1]} : vector<4096x128xf32> to vector<128x64xf32>
    %concatenate3A_109 = tpu.concatenate %slice3A_107, %slice3A_108 in 1 : vector<128x64xf32>, vector<128x64xf32> -> vector<128x128xf32>
    %slice3A_110 = vector.extract_strided_slice %bitcast_convert_type3A {offsets = [2176, 64], sizes = [128, 64], strides = [1, 1]} : vector<4096x128xf32> to vector<128x64xf32>
    %slice3A_111 = vector.extract_strided_slice %bitcast_convert_type3A_6 {offsets = [2176, 64], sizes = [128, 64], strides = [1, 1]} : vector<4096x128xf32> to vector<128x64xf32>
    %concatenate3A_112 = tpu.concatenate %slice3A_110, %slice3A_111 in 1 : vector<128x64xf32>, vector<128x64xf32> -> vector<128x128xf32>
    %slice3A_113 = vector.extract_strided_slice %bitcast_convert_type3A {offsets = [2304, 0], sizes = [128, 64], strides = [1, 1]} : vector<4096x128xf32> to vector<128x64xf32>
    %slice3A_114 = vector.extract_strided_slice %bitcast_convert_type3A_6 {offsets = [2304, 0], sizes = [128, 64], strides = [1, 1]} : vector<4096x128xf32> to vector<128x64xf32>
    %concatenate3A_115 = tpu.concatenate %slice3A_113, %slice3A_114 in 1 : vector<128x64xf32>, vector<128x64xf32> -> vector<128x128xf32>
    %slice3A_116 = vector.extract_strided_slice %bitcast_convert_type3A {offsets = [2304, 64], sizes = [128, 64], strides = [1, 1]} : vector<4096x128xf32> to vector<128x64xf32>
    %slice3A_117 = vector.extract_strided_slice %bitcast_convert_type3A_6 {offsets = [2304, 64], sizes = [128, 64], strides = [1, 1]} : vector<4096x128xf32> to vector<128x64xf32>
    %concatenate3A_118 = tpu.concatenate %slice3A_116, %slice3A_117 in 1 : vector<128x64xf32>, vector<128x64xf32> -> vector<128x128xf32>
    %slice3A_119 = vector.extract_strided_slice %bitcast_convert_type3A {offsets = [2432, 0], sizes = [128, 64], strides = [1, 1]} : vector<4096x128xf32> to vector<128x64xf32>
    %slice3A_120 = vector.extract_strided_slice %bitcast_convert_type3A_6 {offsets = [2432, 0], sizes = [128, 64], strides = [1, 1]} : vector<4096x128xf32> to vector<128x64xf32>
    %concatenate3A_121 = tpu.concatenate %slice3A_119, %slice3A_120 in 1 : vector<128x64xf32>, vector<128x64xf32> -> vector<128x128xf32>
    %slice3A_122 = vector.extract_strided_slice %bitcast_convert_type3A {offsets = [2432, 64], sizes = [128, 64], strides = [1, 1]} : vector<4096x128xf32> to vector<128x64xf32>
    %slice3A_123 = vector.extract_strided_slice %bitcast_convert_type3A_6 {offsets = [2432, 64], sizes = [128, 64], strides = [1, 1]} : vector<4096x128xf32> to vector<128x64xf32>
    %concatenate3A_124 = tpu.concatenate %slice3A_122, %slice3A_123 in 1 : vector<128x64xf32>, vector<128x64xf32> -> vector<128x128xf32>
    %slice3A_125 = vector.extract_strided_slice %bitcast_convert_type3A {offsets = [2560, 0], sizes = [128, 64], strides = [1, 1]} : vector<4096x128xf32> to vector<128x64xf32>
    %slice3A_126 = vector.extract_strided_slice %bitcast_convert_type3A_6 {offsets = [2560, 0], sizes = [128, 64], strides = [1, 1]} : vector<4096x128xf32> to vector<128x64xf32>
    %concatenate3A_127 = tpu.concatenate %slice3A_125, %slice3A_126 in 1 : vector<128x64xf32>, vector<128x64xf32> -> vector<128x128xf32>
    %slice3A_128 = vector.extract_strided_slice %bitcast_convert_type3A {offsets = [2560, 64], sizes = [128, 64], strides = [1, 1]} : vector<4096x128xf32> to vector<128x64xf32>
    %slice3A_129 = vector.extract_strided_slice %bitcast_convert_type3A_6 {offsets = [2560, 64], sizes = [128, 64], strides = [1, 1]} : vector<4096x128xf32> to vector<128x64xf32>
    %concatenate3A_130 = tpu.concatenate %slice3A_128, %slice3A_129 in 1 : vector<128x64xf32>, vector<128x64xf32> -> vector<128x128xf32>
    %slice3A_131 = vector.extract_strided_slice %bitcast_convert_type3A {offsets = [2688, 0], sizes = [128, 64], strides = [1, 1]} : vector<4096x128xf32> to vector<128x64xf32>
    %slice3A_132 = vector.extract_strided_slice %bitcast_convert_type3A_6 {offsets = [2688, 0], sizes = [128, 64], strides = [1, 1]} : vector<4096x128xf32> to vector<128x64xf32>
    %concatenate3A_133 = tpu.concatenate %slice3A_131, %slice3A_132 in 1 : vector<128x64xf32>, vector<128x64xf32> -> vector<128x128xf32>
    %slice3A_134 = vector.extract_strided_slice %bitcast_convert_type3A {offsets = [2688, 64], sizes = [128, 64], strides = [1, 1]} : vector<4096x128xf32> to vector<128x64xf32>
    %slice3A_135 = vector.extract_strided_slice %bitcast_convert_type3A_6 {offsets = [2688, 64], sizes = [128, 64], strides = [1, 1]} : vector<4096x128xf32> to vector<128x64xf32>
    %concatenate3A_136 = tpu.concatenate %slice3A_134, %slice3A_135 in 1 : vector<128x64xf32>, vector<128x64xf32> -> vector<128x128xf32>
    %slice3A_137 = vector.extract_strided_slice %bitcast_convert_type3A {offsets = [2816, 0], sizes = [128, 64], strides = [1, 1]} : vector<4096x128xf32> to vector<128x64xf32>
    %slice3A_138 = vector.extract_strided_slice %bitcast_convert_type3A_6 {offsets = [2816, 0], sizes = [128, 64], strides = [1, 1]} : vector<4096x128xf32> to vector<128x64xf32>
    %concatenate3A_139 = tpu.concatenate %slice3A_137, %slice3A_138 in 1 : vector<128x64xf32>, vector<128x64xf32> -> vector<128x128xf32>
    %slice3A_140 = vector.extract_strided_slice %bitcast_convert_type3A {offsets = [2816, 64], sizes = [128, 64], strides = [1, 1]} : vector<4096x128xf32> to vector<128x64xf32>
    %slice3A_141 = vector.extract_strided_slice %bitcast_convert_type3A_6 {offsets = [2816, 64], sizes = [128, 64], strides = [1, 1]} : vector<4096x128xf32> to vector<128x64xf32>
    %concatenate3A_142 = tpu.concatenate %slice3A_140, %slice3A_141 in 1 : vector<128x64xf32>, vector<128x64xf32> -> vector<128x128xf32>
    %slice3A_143 = vector.extract_strided_slice %bitcast_convert_type3A {offsets = [2944, 0], sizes = [128, 64], strides = [1, 1]} : vector<4096x128xf32> to vector<128x64xf32>
    %slice3A_144 = vector.extract_strided_slice %bitcast_convert_type3A_6 {offsets = [2944, 0], sizes = [128, 64], strides = [1, 1]} : vector<4096x128xf32> to vector<128x64xf32>
    %concatenate3A_145 = tpu.concatenate %slice3A_143, %slice3A_144 in 1 : vector<128x64xf32>, vector<128x64xf32> -> vector<128x128xf32>
    %slice3A_146 = vector.extract_strided_slice %bitcast_convert_type3A {offsets = [2944, 64], sizes = [128, 64], strides = [1, 1]} : vector<4096x128xf32> to vector<128x64xf32>
    %slice3A_147 = vector.extract_strided_slice %bitcast_convert_type3A_6 {offsets = [2944, 64], sizes = [128, 64], strides = [1, 1]} : vector<4096x128xf32> to vector<128x64xf32>
    %concatenate3A_148 = tpu.concatenate %slice3A_146, %slice3A_147 in 1 : vector<128x64xf32>, vector<128x64xf32> -> vector<128x128xf32>
    %slice3A_149 = vector.extract_strided_slice %bitcast_convert_type3A {offsets = [3072, 0], sizes = [128, 64], strides = [1, 1]} : vector<4096x128xf32> to vector<128x64xf32>
    %slice3A_150 = vector.extract_strided_slice %bitcast_convert_type3A_6 {offsets = [3072, 0], sizes = [128, 64], strides = [1, 1]} : vector<4096x128xf32> to vector<128x64xf32>
    %concatenate3A_151 = tpu.concatenate %slice3A_149, %slice3A_150 in 1 : vector<128x64xf32>, vector<128x64xf32> -> vector<128x128xf32>
    %slice3A_152 = vector.extract_strided_slice %bitcast_convert_type3A {offsets = [3072, 64], sizes = [128, 64], strides = [1, 1]} : vector<4096x128xf32> to vector<128x64xf32>
    %slice3A_153 = vector.extract_strided_slice %bitcast_convert_type3A_6 {offsets = [3072, 64], sizes = [128, 64], strides = [1, 1]} : vector<4096x128xf32> to vector<128x64xf32>
    %concatenate3A_154 = tpu.concatenate %slice3A_152, %slice3A_153 in 1 : vector<128x64xf32>, vector<128x64xf32> -> vector<128x128xf32>
    %slice3A_155 = vector.extract_strided_slice %bitcast_convert_type3A {offsets = [3200, 0], sizes = [128, 64], strides = [1, 1]} : vector<4096x128xf32> to vector<128x64xf32>
    %slice3A_156 = vector.extract_strided_slice %bitcast_convert_type3A_6 {offsets = [3200, 0], sizes = [128, 64], strides = [1, 1]} : vector<4096x128xf32> to vector<128x64xf32>
    %concatenate3A_157 = tpu.concatenate %slice3A_155, %slice3A_156 in 1 : vector<128x64xf32>, vector<128x64xf32> -> vector<128x128xf32>
    %slice3A_158 = vector.extract_strided_slice %bitcast_convert_type3A {offsets = [3200, 64], sizes = [128, 64], strides = [1, 1]} : vector<4096x128xf32> to vector<128x64xf32>
    %slice3A_159 = vector.extract_strided_slice %bitcast_convert_type3A_6 {offsets = [3200, 64], sizes = [128, 64], strides = [1, 1]} : vector<4096x128xf32> to vector<128x64xf32>
    %concatenate3A_160 = tpu.concatenate %slice3A_158, %slice3A_159 in 1 : vector<128x64xf32>, vector<128x64xf32> -> vector<128x128xf32>
    %slice3A_161 = vector.extract_strided_slice %bitcast_convert_type3A {offsets = [3328, 0], sizes = [128, 64], strides = [1, 1]} : vector<4096x128xf32> to vector<128x64xf32>
    %slice3A_162 = vector.extract_strided_slice %bitcast_convert_type3A_6 {offsets = [3328, 0], sizes = [128, 64], strides = [1, 1]} : vector<4096x128xf32> to vector<128x64xf32>
    %concatenate3A_163 = tpu.concatenate %slice3A_161, %slice3A_162 in 1 : vector<128x64xf32>, vector<128x64xf32> -> vector<128x128xf32>
    %slice3A_164 = vector.extract_strided_slice %bitcast_convert_type3A {offsets = [3328, 64], sizes = [128, 64], strides = [1, 1]} : vector<4096x128xf32> to vector<128x64xf32>
    %slice3A_165 = vector.extract_strided_slice %bitcast_convert_type3A_6 {offsets = [3328, 64], sizes = [128, 64], strides = [1, 1]} : vector<4096x128xf32> to vector<128x64xf32>
    %concatenate3A_166 = tpu.concatenate %slice3A_164, %slice3A_165 in 1 : vector<128x64xf32>, vector<128x64xf32> -> vector<128x128xf32>
    %slice3A_167 = vector.extract_strided_slice %bitcast_convert_type3A {offsets = [3456, 0], sizes = [128, 64], strides = [1, 1]} : vector<4096x128xf32> to vector<128x64xf32>
    %slice3A_168 = vector.extract_strided_slice %bitcast_convert_type3A_6 {offsets = [3456, 0], sizes = [128, 64], strides = [1, 1]} : vector<4096x128xf32> to vector<128x64xf32>
    %concatenate3A_169 = tpu.concatenate %slice3A_167, %slice3A_168 in 1 : vector<128x64xf32>, vector<128x64xf32> -> vector<128x128xf32>
    %slice3A_170 = vector.extract_strided_slice %bitcast_convert_type3A {offsets = [3456, 64], sizes = [128, 64], strides = [1, 1]} : vector<4096x128xf32> to vector<128x64xf32>
    %slice3A_171 = vector.extract_strided_slice %bitcast_convert_type3A_6 {offsets = [3456, 64], sizes = [128, 64], strides = [1, 1]} : vector<4096x128xf32> to vector<128x64xf32>
    %concatenate3A_172 = tpu.concatenate %slice3A_170, %slice3A_171 in 1 : vector<128x64xf32>, vector<128x64xf32> -> vector<128x128xf32>
    %slice3A_173 = vector.extract_strided_slice %bitcast_convert_type3A {offsets = [3584, 0], sizes = [128, 64], strides = [1, 1]} : vector<4096x128xf32> to vector<128x64xf32>
    %slice3A_174 = vector.extract_strided_slice %bitcast_convert_type3A_6 {offsets = [3584, 0], sizes = [128, 64], strides = [1, 1]} : vector<4096x128xf32> to vector<128x64xf32>
    %concatenate3A_175 = tpu.concatenate %slice3A_173, %slice3A_174 in 1 : vector<128x64xf32>, vector<128x64xf32> -> vector<128x128xf32>
    %slice3A_176 = vector.extract_strided_slice %bitcast_convert_type3A {offsets = [3584, 64], sizes = [128, 64], strides = [1, 1]} : vector<4096x128xf32> to vector<128x64xf32>
    %slice3A_177 = vector.extract_strided_slice %bitcast_convert_type3A_6 {offsets = [3584, 64], sizes = [128, 64], strides = [1, 1]} : vector<4096x128xf32> to vector<128x64xf32>
    %concatenate3A_178 = tpu.concatenate %slice3A_176, %slice3A_177 in 1 : vector<128x64xf32>, vector<128x64xf32> -> vector<128x128xf32>
    %slice3A_179 = vector.extract_strided_slice %bitcast_convert_type3A {offsets = [3712, 0], sizes = [128, 64], strides = [1, 1]} : vector<4096x128xf32> to vector<128x64xf32>
    %slice3A_180 = vector.extract_strided_slice %bitcast_convert_type3A_6 {offsets = [3712, 0], sizes = [128, 64], strides = [1, 1]} : vector<4096x128xf32> to vector<128x64xf32>
    %concatenate3A_181 = tpu.concatenate %slice3A_179, %slice3A_180 in 1 : vector<128x64xf32>, vector<128x64xf32> -> vector<128x128xf32>
    %slice3A_182 = vector.extract_strided_slice %bitcast_convert_type3A {offsets = [3712, 64], sizes = [128, 64], strides = [1, 1]} : vector<4096x128xf32> to vector<128x64xf32>
    %slice3A_183 = vector.extract_strided_slice %bitcast_convert_type3A_6 {offsets = [3712, 64], sizes = [128, 64], strides = [1, 1]} : vector<4096x128xf32> to vector<128x64xf32>
    %concatenate3A_184 = tpu.concatenate %slice3A_182, %slice3A_183 in 1 : vector<128x64xf32>, vector<128x64xf32> -> vector<128x128xf32>
    %slice3A_185 = vector.extract_strided_slice %bitcast_convert_type3A {offsets = [3840, 0], sizes = [128, 64], strides = [1, 1]} : vector<4096x128xf32> to vector<128x64xf32>
    %slice3A_186 = vector.extract_strided_slice %bitcast_convert_type3A_6 {offsets = [3840, 0], sizes = [128, 64], strides = [1, 1]} : vector<4096x128xf32> to vector<128x64xf32>
    %concatenate3A_187 = tpu.concatenate %slice3A_185, %slice3A_186 in 1 : vector<128x64xf32>, vector<128x64xf32> -> vector<128x128xf32>
    %slice3A_188 = vector.extract_strided_slice %bitcast_convert_type3A {offsets = [3840, 64], sizes = [128, 64], strides = [1, 1]} : vector<4096x128xf32> to vector<128x64xf32>
    %slice3A_189 = vector.extract_strided_slice %bitcast_convert_type3A_6 {offsets = [3840, 64], sizes = [128, 64], strides = [1, 1]} : vector<4096x128xf32> to vector<128x64xf32>
    %concatenate3A_190 = tpu.concatenate %slice3A_188, %slice3A_189 in 1 : vector<128x64xf32>, vector<128x64xf32> -> vector<128x128xf32>
    %slice3A_191 = vector.extract_strided_slice %bitcast_convert_type3A {offsets = [3968, 0], sizes = [128, 64], strides = [1, 1]} : vector<4096x128xf32> to vector<128x64xf32>
    %slice3A_192 = vector.extract_strided_slice %bitcast_convert_type3A_6 {offsets = [3968, 0], sizes = [128, 64], strides = [1, 1]} : vector<4096x128xf32> to vector<128x64xf32>
    %concatenate3A_193 = tpu.concatenate %slice3A_191, %slice3A_192 in 1 : vector<128x64xf32>, vector<128x64xf32> -> vector<128x128xf32>
    %slice3A_194 = vector.extract_strided_slice %bitcast_convert_type3A {offsets = [3968, 64], sizes = [128, 64], strides = [1, 1]} : vector<4096x128xf32> to vector<128x64xf32>
    %slice3A_195 = vector.extract_strided_slice %bitcast_convert_type3A_6 {offsets = [3968, 64], sizes = [128, 64], strides = [1, 1]} : vector<4096x128xf32> to vector<128x64xf32>
    %concatenate3A_196 = tpu.concatenate %slice3A_194, %slice3A_195 in 1 : vector<128x64xf32>, vector<128x64xf32> -> vector<128x128xf32>
    %concatenate3A_197 = tpu.concatenate %concatenate3A, %concatenate3A_10, %concatenate3A_13, %concatenate3A_16, %concatenate3A_19, %concatenate3A_22, %concatenate3A_25, %concatenate3A_28, %concatenate3A_31, %concatenate3A_34, %concatenate3A_37, %concatenate3A_40, %concatenate3A_43, %concatenate3A_46, %concatenate3A_49, %concatenate3A_52, %concatenate3A_55, %concatenate3A_58, %concatenate3A_61, %concatenate3A_64, %concatenate3A_67, %concatenate3A_70, %concatenate3A_73, %concatenate3A_76, %concatenate3A_79, %concatenate3A_82, %concatenate3A_85, %concatenate3A_88, %concatenate3A_91, %concatenate3A_94, %concatenate3A_97, %concatenate3A_100, %concatenate3A_103, %concatenate3A_106, %concatenate3A_109, %concatenate3A_112, %concatenate3A_115, %concatenate3A_118, %concatenate3A_121, %concatenate3A_124, %concatenate3A_127, %concatenate3A_130, %concatenate3A_133, %concatenate3A_136, %concatenate3A_139, %concatenate3A_142, %concatenate3A_145, %concatenate3A_148, %concatenate3A_151, %concatenate3A_154, %concatenate3A_157, %concatenate3A_160, %concatenate3A_163, %concatenate3A_166, %concatenate3A_169, %concatenate3A_172, %concatenate3A_175, %concatenate3A_178, %concatenate3A_181, %concatenate3A_184, %concatenate3A_187, %concatenate3A_190, %concatenate3A_193, %concatenate3A_196 in 0 : vector<128x128xf32>, vector<128x128xf32>, vector<128x128xf32>, vector<128x128xf32>, vector<128x128xf32>, vector<128x128xf32>, vector<128x128xf32>, vector<128x128xf32>, vector<128x128xf32>, vector<128x128xf32>, vector<128x128xf32>, vector<128x128xf32>, vector<128x128xf32>, vector<128x128xf32>, vector<128x128xf32>, vector<128x128xf32>, vector<128x128xf32>, vector<128x128xf32>, vector<128x128xf32>, vector<128x128xf32>, vector<128x128xf32>, vector<128x128xf32>, vector<128x128xf32>, vector<128x128xf32>, vector<128x128xf32>, vector<128x128xf32>, vector<128x128xf32>, vector<128x128xf32>, vector<128x128xf32>, vector<128x128xf32>, vector<128x128xf32>, vector<128x128xf32>, vector<128x128xf32>, vector<128x128xf32>, vector<128x128xf32>, vector<128x128xf32>, vector<128x128xf32>, vector<128x128xf32>, vector<128x128xf32>, vector<128x128xf32>, vector<128x128xf32>, vector<128x128xf32>, vector<128x128xf32>, vector<128x128xf32>, vector<128x128xf32>, vector<128x128xf32>, vector<128x128xf32>, vector<128x128xf32>, vector<128x128xf32>, vector<128x128xf32>, vector<128x128xf32>, vector<128x128xf32>, vector<128x128xf32>, vector<128x128xf32>, vector<128x128xf32>, vector<128x128xf32>, vector<128x128xf32>, vector<128x128xf32>, vector<128x128xf32>, vector<128x128xf32>, vector<128x128xf32>, vector<128x128xf32>, vector<128x128xf32>, vector<128x128xf32> -> vector<8192x128xf32>
    %get3A_198 = arith.constant 0 : index
    %get3A_199 = arith.constant 0 : index
    %get3A_200 = vector.load %arg2[%get3A_198, %get3A_199] : memref<512x128xf32, #tpu.memory_space<vmem>>, vector<512x128xf32>
    %get3A_201 = arith.constant 0 : index
    %get3A_202 = arith.constant 0 : index
    %get3A_203 = vector.load %arg3[%get3A_201, %get3A_202] : memref<2x128xf32, #tpu.memory_space<vmem>>, vector<2x128xf32>
    %slice3A_204 = vector.extract_strided_slice %get3A_203 {offsets = [0, 0], sizes = [1, 128], strides = [1, 1]} : vector<2x128xf32> to vector<1x128xf32>
    %squeeze3A = vector.shape_cast %slice3A_204 : vector<1x128xf32> to vector<128xf32>
    %broadcast_in_dim3A = vector.shape_cast %squeeze3A : vector<128xf32> to vector<1x128xf32>
    %add3A = vector.broadcast %broadcast_in_dim3A : vector<1x128xf32> to vector<512x128xf32>
    %add3A_205 = arith.addf %get3A_200, %add3A : vector<512x128xf32>
    %reshape3A = vector.shape_cast %concatenate3A_197 : vector<8192x128xf32> to vector<16x512x128xf32>
    %broadcast_in_dim3A_206 = vector.shape_cast %add3A_205 : vector<512x128xf32> to vector<1x512x128xf32>
    %add3A_207 = vector.broadcast %broadcast_in_dim3A_206 : vector<1x512x128xf32> to vector<16x512x128xf32>
    %add3A_208 = arith.addf %reshape3A, %add3A_207 : vector<16x512x128xf32>
    %reshape3A_209 = vector.shape_cast %add3A_208 : vector<16x512x128xf32> to vector<8192x128xf32>
    %broadcast_in_dim3A_210 = arith.constant 7.812500e-03 : bf16
    %broadcast_in_dim3A_211 = vector.broadcast %broadcast_in_dim3A_210 : bf16 to vector<128x128xbf16>
    %convert_element_type3A = arith.truncf %reshape3A_209 : vector<8192x128xf32> to vector<8192x128xbf16>
    %dot_general3A = arith.constant dense<0.000000e+00> : vector<8192x128xf32>
    %dot_general3A_212 = tpu.matmul %convert_element_type3A, %broadcast_in_dim3A_211, %dot_general3A {dimension_numbers = #tpu.dot_dimension_numbers<[1], [0], [0], [1], [0, 0, 1, 1], [], []>, transpose_lhs_hint = false} : vector<8192x128xbf16>, vector<128x128xbf16>, vector<8192x128xf32> -> vector<8192x128xf32>
    %mul3A = arith.mulf %convert_element_type3A, %convert_element_type3A : vector<8192x128xbf16>
    %dot_general3A_213 = arith.constant dense<0.000000e+00> : vector<8192x128xf32>
    %dot_general3A_214 = tpu.matmul %mul3A, %broadcast_in_dim3A_211, %dot_general3A_213 {dimension_numbers = #tpu.dot_dimension_numbers<[1], [0], [0], [1], [0, 0, 1, 1], [], []>, transpose_lhs_hint = false} : vector<8192x128xbf16>, vector<128x128xbf16>, vector<8192x128xf32> -> vector<8192x128xf32>
    %mul3A_215 = arith.mulf %dot_general3A_212, %dot_general3A_212 : vector<8192x128xf32>
    %sub3A = arith.subf %dot_general3A_214, %mul3A_215 : vector<8192x128xf32>
    %add3A_216 = arith.constant 9.99999996E-13 : f32
    %add3A_217 = vector.broadcast %add3A_216 : f32 to vector<8192x128xf32>
    %add3A_218 = arith.addf %sub3A, %add3A_217 : vector<8192x128xf32>
    %rsqrt3A = math.rsqrt %add3A_218 : vector<8192x128xf32>
    %sub3A_219 = arith.subf %reshape3A_209, %dot_general3A_212 : vector<8192x128xf32>
    %mul3A_220 = arith.mulf %sub3A_219, %rsqrt3A : vector<8192x128xf32>
    %get3A_221 = arith.constant 0 : index
    %get3A_222 = arith.constant 0 : index
    %get3A_223 = vector.load %arg4[%get3A_221, %get3A_222] : memref<1x128xf32, #tpu.memory_space<vmem>>, vector<1x128xf32>
    %squeeze3A_224 = vector.shape_cast %get3A_223 : vector<1x128xf32> to vector<128xf32>
    %broadcast_in_dim3A_225 = vector.shape_cast %squeeze3A_224 : vector<128xf32> to vector<1x128xf32>
    %mul3A_226 = vector.broadcast %broadcast_in_dim3A_225 : vector<1x128xf32> to vector<8192x128xf32>
    %mul3A_227 = arith.mulf %mul3A_220, %mul3A_226 : vector<8192x128xf32>
    %get3A_228 = arith.constant 0 : index
    %get3A_229 = arith.constant 0 : index
    %get3A_230 = vector.load %arg5[%get3A_228, %get3A_229] : memref<1x128xf32, #tpu.memory_space<vmem>>, vector<1x128xf32>
    %squeeze3A_231 = vector.shape_cast %get3A_230 : vector<1x128xf32> to vector<128xf32>
    %broadcast_in_dim3A_232 = vector.shape_cast %squeeze3A_231 : vector<128xf32> to vector<1x128xf32>
    %add3A_233 = vector.broadcast %broadcast_in_dim3A_232 : vector<1x128xf32> to vector<8192x128xf32>
    %add3A_234 = arith.addf %mul3A_227, %add3A_233 : vector<8192x128xf32>
    %reshape3A_235 = vector.shape_cast %add3A_234 : vector<8192x128xf32> to vector<16x512x128xf32>
    %swap3A = arith.constant 0 : index
    %swap3A_236 = arith.constant 0 : index
    %swap3A_237 = arith.constant 0 : index
    %swap3A_238 = vector.load %arg7[%swap3A, %swap3A_236, %swap3A_237] : memref<16x512x128xf32, #tpu.memory_space<vmem>>, vector<16x512x128xf32>
    tpu.vector_store %arg7[%swap3A, %swap3A_236, %swap3A_237], %reshape3A_235 {strides = array<i32>} : memref<16x512x128xf32, #tpu.memory_space<vmem>>, vector<16x512x128xf32>,
    return
  }
  func.func @transform_0(%arg0: i32) -> (i32, i32) {
    %c0_i32 = arith.constant 0 : i32
    %c0_i32_0 = arith.constant 0 : i32
    return %arg0, %c0_i32 : i32, i32
  }
  func.func @transform_1(%arg0: i32) -> (i32, i32) {
    %c0_i32 = arith.constant 0 : i32
    %c0_i32_0 = arith.constant 0 : i32
    %c0_i32_1 = arith.constant 0 : i32
    return %c0_i32, %c0_i32_0 : i32, i32
  }
  func.func @transform_2(%arg0: i32) -> (i32, i32) {
    %c0_i32 = arith.constant 0 : i32
    %c0_i32_0 = arith.constant 0 : i32
    %c0_i32_1 = arith.constant 0 : i32
    return %c0_i32, %c0_i32_0 : i32, i32
  }
  func.func @transform_3(%arg0: i32) -> (i32, i32) {
    %c0_i32 = arith.constant 0 : i32
    %c0_i32_0 = arith.constant 0 : i32
    %c0_i32_1 = arith.constant 0 : i32
    return %c0_i32, %c0_i32_0 : i32, i32
  }
  func.func @transform_4(%arg0: i32) -> (i32, i32) {
    %c0_i32 = arith.constant 0 : i32
    %c0_i32_0 = arith.constant 0 : i32
    %c0_i32_1 = arith.constant 0 : i32
    return %c0_i32, %c0_i32_0 : i32, i32
  }
  func.func @transform_6(%arg0: i32) -> (i32, i32, i32) {
    %add3A = arith.constant 20 : i32
    %add3A_0 = arith.addi %add3A, %arg0 : i32
    %c0_i32 = arith.constant 0 : i32
    %c0_i32_1 = arith.constant 0 : i32
    %c0_i32_2 = arith.constant 0 : i32
    return %add3A_0, %c0_i32, %c0_i32_1 : i32, i32, i32
  }
}

module attributes {stable_mosaic.version = 14 : i64} {
  func.func @_ln_body_acc(%arg0: i32, %arg1: memref<4096x128xi32, #tpu.memory_space<vmem>>, %arg2: memref<512x128xf32, #tpu.memory_space<vmem>>, %arg3: memref<2x128xf32, #tpu.memory_space<vmem>>, %arg4: memref<1x128xf32, #tpu.memory_space<vmem>>, %arg5: memref<1x128xf32, #tpu.memory_space<vmem>>, %arg6: memref<1024x512x128xf32, #tpu.memory_space<any>>, %arg7: memref<16x512x128xf32, #tpu.memory_space<vmem>>) attributes {dimension_semantics = [#tpu.dimension_semantics<arbitrary>], iteration_bounds = array<i64: 26>, scalar_prefetch = 0 : i64, scratch_operands = 0 : i64, tpu.core_type = #tpu.core_type<tc>, window_params = [{transform_indices = @transform_0, window_bounds = array<i64: 4096, 128>}, {pipeline_mode = #tpu.pipeline_mode<synchronous>, transform_indices = @transform_1, window_bounds = array<i64: 512, 128>}, {pipeline_mode = #tpu.pipeline_mode<synchronous>, transform_indices = @transform_2, window_bounds = array<i64: 2, 128>}, {pipeline_mode = #tpu.pipeline_mode<synchronous>, transform_indices = @transform_3, window_bounds = array<i64: 1, 128>}, {pipeline_mode = #tpu.pipeline_mode<synchronous>, transform_indices = @transform_4, window_bounds = array<i64: 1, 128>}, {}, {transform_indices = @transform_6, window_bounds = array<i64: 16, 512, 128>}]} {
    %get3A = arith.constant 0 : index
    %get3A_0 = arith.constant 0 : index
    %get3A_1 = vector.load %arg1[%get3A, %get3A_0] : memref<4096x128xi32, #tpu.memory_space<vmem>>, vector<4096x128xi32>
    %shift_left3A = arith.constant 16 : i32
    %shift_left3A_2 = vector.broadcast %shift_left3A : i32 to vector<4096x128xi32>
    %shift_left3A_3 = arith.shli %get3A_1, %shift_left3A_2 : vector<4096x128xi32>
    %bitcast_convert_type3A = tpu.bitcast %shift_left3A_3 : vector<4096x128xi32> -> vector<4096x128xf32>
    %and3A = arith.constant -65536 : i32
    %and3A_4 = vector.broadcast %and3A : i32 to vector<4096x128xi32>
    %and3A_5 = arith.andi %get3A_1, %and3A_4 : vector<4096x128xi32>
    %bitcast_convert_type3A_6 = tpu.bitcast %and3A_5 : vector<4096x128xi32> -> vector<4096x128xf32>
    %slice3A = vector.extract_strided_slice %bitcast_convert_type3A {offsets = [0, 0], sizes = [128, 64], strides = [1, 1]} : vector<4096x128xf32> to vector<128x64xf32>
    %slice3A_7 = vector.extract_strided_slice %bitcast_convert_type3A_6 {offsets = [0, 0], sizes = [128, 64], strides = [1, 1]} : vector<4096x128xf32> to vector<128x64xf32>
    %concatenate3A = tpu.concatenate %slice3A, %slice3A_7 in 1 : vector<128x64xf32>, vector<128x64xf32> -> vector<128x128xf32>
    %slice3A_8 = vector.extract_strided_slice %bitcast_convert_type3A {offsets = [0, 64], sizes = [128, 64], strides = [1, 1]} : vector<4096x128xf32> to vector<128x64xf32>
    %slice3A_9 = vector.extract_strided_slice %bitcast_convert_type3A_6 {offsets = [0, 64], sizes = [128, 64], strides = [1, 1]} : vector<4096x128xf32> to vector<128x64xf32>
    %concatenate3A_10 = tpu.concatenate %slice3A_8, %slice3A_9 in 1 : vector<128x64xf32>, vector<128x64xf32> -> vector<128x128xf32>
    %slice3A_11 = vector.extract_strided_slice %bitcast_convert_type3A {offsets = [128, 0], sizes = [128, 64], strides = [1, 1]} : vector<4096x128xf32> to vector<128x64xf32>
    %slice3A_12 = vector.extract_strided_slice %bitcast_convert_type3A_6 {offsets = [128, 0], sizes = [128, 64], strides = [1, 1]} : vector<4096x128xf32> to vector<128x64xf32>
    %concatenate3A_13 = tpu.concatenate %slice3A_11, %slice3A_12 in 1 : vector<128x64xf32>, vector<128x64xf32> -> vector<128x128xf32>
    %slice3A_14 = vector.extract_strided_slice %bitcast_convert_type3A {offsets = [128, 64], sizes = [128, 64], strides = [1, 1]} : vector<4096x128xf32> to vector<128x64xf32>
    %slice3A_15 = vector.extract_strided_slice %bitcast_convert_type3A_6 {offsets = [128, 64], sizes = [128, 64], strides = [1, 1]} : vector<4096x128xf32> to vector<128x64xf32>
    %concatenate3A_16 = tpu.concatenate %slice3A_14, %slice3A_15 in 1 : vector<128x64xf32>, vector<128x64xf32> -> vector<128x128xf32>
    %slice3A_17 = vector.extract_strided_slice %bitcast_convert_type3A {offsets = [256, 0], sizes = [128, 64], strides = [1, 1]} : vector<4096x128xf32> to vector<128x64xf32>
    %slice3A_18 = vector.extract_strided_slice %bitcast_convert_type3A_6 {offsets = [256, 0], sizes = [128, 64], strides = [1, 1]} : vector<4096x128xf32> to vector<128x64xf32>
    %concatenate3A_19 = tpu.concatenate %slice3A_17, %slice3A_18 in 1 : vector<128x64xf32>, vector<128x64xf32> -> vector<128x128xf32>
    %slice3A_20 = vector.extract_strided_slice %bitcast_convert_type3A {offsets = [256, 64], sizes = [128, 64], strides = [1, 1]} : vector<4096x128xf32> to vector<128x64xf32>
    %slice3A_21 = vector.extract_strided_slice %bitcast_convert_type3A_6 {offsets = [256, 64], sizes = [128, 64], strides = [1, 1]} : vector<4096x128xf32> to vector<128x64xf32>
    %concatenate3A_22 = tpu.concatenate %slice3A_20, %slice3A_21 in 1 : vector<128x64xf32>, vector<128x64xf32> -> vector<128x128xf32>
    %slice3A_23 = vector.extract_strided_slice %bitcast_convert_type3A {offsets = [384, 0], sizes = [128, 64], strides = [1, 1]} : vector<4096x128xf32> to vector<128x64xf32>
    %slice3A_24 = vector.extract_strided_slice %bitcast_convert_type3A_6 {offsets = [384, 0], sizes = [128, 64], strides = [1, 1]} : vector<4096x128xf32> to vector<128x64xf32>
    %concatenate3A_25 = tpu.concatenate %slice3A_23, %slice3A_24 in 1 : vector<128x64xf32>, vector<128x64xf32> -> vector<128x128xf32>
    %slice3A_26 = vector.extract_strided_slice %bitcast_convert_type3A {offsets = [384, 64], sizes = [128, 64], strides = [1, 1]} : vector<4096x128xf32> to vector<128x64xf32>
    %slice3A_27 = vector.extract_strided_slice %bitcast_convert_type3A_6 {offsets = [384, 64], sizes = [128, 64], strides = [1, 1]} : vector<4096x128xf32> to vector<128x64xf32>
    %concatenate3A_28 = tpu.concatenate %slice3A_26, %slice3A_27 in 1 : vector<128x64xf32>, vector<128x64xf32> -> vector<128x128xf32>
    %slice3A_29 = vector.extract_strided_slice %bitcast_convert_type3A {offsets = [512, 0], sizes = [128, 64], strides = [1, 1]} : vector<4096x128xf32> to vector<128x64xf32>
    %slice3A_30 = vector.extract_strided_slice %bitcast_convert_type3A_6 {offsets = [512, 0], sizes = [128, 64], strides = [1, 1]} : vector<4096x128xf32> to vector<128x64xf32>
    %concatenate3A_31 = tpu.concatenate %slice3A_29, %slice3A_30 in 1 : vector<128x64xf32>, vector<128x64xf32> -> vector<128x128xf32>
    %slice3A_32 = vector.extract_strided_slice %bitcast_convert_type3A {offsets = [512, 64], sizes = [128, 64], strides = [1, 1]} : vector<4096x128xf32> to vector<128x64xf32>
    %slice3A_33 = vector.extract_strided_slice %bitcast_convert_type3A_6 {offsets = [512, 64], sizes = [128, 64], strides = [1, 1]} : vector<4096x128xf32> to vector<128x64xf32>
    %concatenate3A_34 = tpu.concatenate %slice3A_32, %slice3A_33 in 1 : vector<128x64xf32>, vector<128x64xf32> -> vector<128x128xf32>
    %slice3A_35 = vector.extract_strided_slice %bitcast_convert_type3A {offsets = [640, 0], sizes = [128, 64], strides = [1, 1]} : vector<4096x128xf32> to vector<128x64xf32>
    %slice3A_36 = vector.extract_strided_slice %bitcast_convert_type3A_6 {offsets = [640, 0], sizes = [128, 64], strides = [1, 1]} : vector<4096x128xf32> to vector<128x64xf32>
    %concatenate3A_37 = tpu.concatenate %slice3A_35, %slice3A_36 in 1 : vector<128x64xf32>, vector<128x64xf32> -> vector<128x128xf32>
    %slice3A_38 = vector.extract_strided_slice %bitcast_convert_type3A {offsets = [640, 64], sizes = [128, 64], strides = [1, 1]} : vector<4096x128xf32> to vector<128x64xf32>
    %slice3A_39 = vector.extract_strided_slice %bitcast_convert_type3A_6 {offsets = [640, 64], sizes = [128, 64], strides = [1, 1]} : vector<4096x128xf32> to vector<128x64xf32>
    %concatenate3A_40 = tpu.concatenate %slice3A_38, %slice3A_39 in 1 : vector<128x64xf32>, vector<128x64xf32> -> vector<128x128xf32>
    %slice3A_41 = vector.extract_strided_slice %bitcast_convert_type3A {offsets = [768, 0], sizes = [128, 64], strides = [1, 1]} : vector<4096x128xf32> to vector<128x64xf32>
    %slice3A_42 = vector.extract_strided_slice %bitcast_convert_type3A_6 {offsets = [768, 0], sizes = [128, 64], strides = [1, 1]} : vector<4096x128xf32> to vector<128x64xf32>
    %concatenate3A_43 = tpu.concatenate %slice3A_41, %slice3A_42 in 1 : vector<128x64xf32>, vector<128x64xf32> -> vector<128x128xf32>
    %slice3A_44 = vector.extract_strided_slice %bitcast_convert_type3A {offsets = [768, 64], sizes = [128, 64], strides = [1, 1]} : vector<4096x128xf32> to vector<128x64xf32>
    %slice3A_45 = vector.extract_strided_slice %bitcast_convert_type3A_6 {offsets = [768, 64], sizes = [128, 64], strides = [1, 1]} : vector<4096x128xf32> to vector<128x64xf32>
    %concatenate3A_46 = tpu.concatenate %slice3A_44, %slice3A_45 in 1 : vector<128x64xf32>, vector<128x64xf32> -> vector<128x128xf32>
    %slice3A_47 = vector.extract_strided_slice %bitcast_convert_type3A {offsets = [896, 0], sizes = [128, 64], strides = [1, 1]} : vector<4096x128xf32> to vector<128x64xf32>
    %slice3A_48 = vector.extract_strided_slice %bitcast_convert_type3A_6 {offsets = [896, 0], sizes = [128, 64], strides = [1, 1]} : vector<4096x128xf32> to vector<128x64xf32>
    %concatenate3A_49 = tpu.concatenate %slice3A_47, %slice3A_48 in 1 : vector<128x64xf32>, vector<128x64xf32> -> vector<128x128xf32>
    %slice3A_50 = vector.extract_strided_slice %bitcast_convert_type3A {offsets = [896, 64], sizes = [128, 64], strides = [1, 1]} : vector<4096x128xf32> to vector<128x64xf32>
    %slice3A_51 = vector.extract_strided_slice %bitcast_convert_type3A_6 {offsets = [896, 64], sizes = [128, 64], strides = [1, 1]} : vector<4096x128xf32> to vector<128x64xf32>
    %concatenate3A_52 = tpu.concatenate %slice3A_50, %slice3A_51 in 1 : vector<128x64xf32>, vector<128x64xf32> -> vector<128x128xf32>
    %slice3A_53 = vector.extract_strided_slice %bitcast_convert_type3A {offsets = [1024, 0], sizes = [128, 64], strides = [1, 1]} : vector<4096x128xf32> to vector<128x64xf32>
    %slice3A_54 = vector.extract_strided_slice %bitcast_convert_type3A_6 {offsets = [1024, 0], sizes = [128, 64], strides = [1, 1]} : vector<4096x128xf32> to vector<128x64xf32>
    %concatenate3A_55 = tpu.concatenate %slice3A_53, %slice3A_54 in 1 : vector<128x64xf32>, vector<128x64xf32> -> vector<128x128xf32>
    %slice3A_56 = vector.extract_strided_slice %bitcast_convert_type3A {offsets = [1024, 64], sizes = [128, 64], strides = [1, 1]} : vector<4096x128xf32> to vector<128x64xf32>
    %slice3A_57 = vector.extract_strided_slice %bitcast_convert_type3A_6 {offsets = [1024, 64], sizes = [128, 64], strides = [1, 1]} : vector<4096x128xf32> to vector<128x64xf32>
    %concatenate3A_58 = tpu.concatenate %slice3A_56, %slice3A_57 in 1 : vector<128x64xf32>, vector<128x64xf32> -> vector<128x128xf32>
    %slice3A_59 = vector.extract_strided_slice %bitcast_convert_type3A {offsets = [1152, 0], sizes = [128, 64], strides = [1, 1]} : vector<4096x128xf32> to vector<128x64xf32>
    %slice3A_60 = vector.extract_strided_slice %bitcast_convert_type3A_6 {offsets = [1152, 0], sizes = [128, 64], strides = [1, 1]} : vector<4096x128xf32> to vector<128x64xf32>
    %concatenate3A_61 = tpu.concatenate %slice3A_59, %slice3A_60 in 1 : vector<128x64xf32>, vector<128x64xf32> -> vector<128x128xf32>
    %slice3A_62 = vector.extract_strided_slice %bitcast_convert_type3A {offsets = [1152, 64], sizes = [128, 64], strides = [1, 1]} : vector<4096x128xf32> to vector<128x64xf32>
    %slice3A_63 = vector.extract_strided_slice %bitcast_convert_type3A_6 {offsets = [1152, 64], sizes = [128, 64], strides = [1, 1]} : vector<4096x128xf32> to vector<128x64xf32>
    %concatenate3A_64 = tpu.concatenate %slice3A_62, %slice3A_63 in 1 : vector<128x64xf32>, vector<128x64xf32> -> vector<128x128xf32>
    %slice3A_65 = vector.extract_strided_slice %bitcast_convert_type3A {offsets = [1280, 0], sizes = [128, 64], strides = [1, 1]} : vector<4096x128xf32> to vector<128x64xf32>
    %slice3A_66 = vector.extract_strided_slice %bitcast_convert_type3A_6 {offsets = [1280, 0], sizes = [128, 64], strides = [1, 1]} : vector<4096x128xf32> to vector<128x64xf32>
    %concatenate3A_67 = tpu.concatenate %slice3A_65, %slice3A_66 in 1 : vector<128x64xf32>, vector<128x64xf32> -> vector<128x128xf32>
    %slice3A_68 = vector.extract_strided_slice %bitcast_convert_type3A {offsets = [1280, 64], sizes = [128, 64], strides = [1, 1]} : vector<4096x128xf32> to vector<128x64xf32>
    %slice3A_69 = vector.extract_strided_slice %bitcast_convert_type3A_6 {offsets = [1280, 64], sizes = [128, 64], strides = [1, 1]} : vector<4096x128xf32> to vector<128x64xf32>
    %concatenate3A_70 = tpu.concatenate %slice3A_68, %slice3A_69 in 1 : vector<128x64xf32>, vector<128x64xf32> -> vector<128x128xf32>
    %slice3A_71 = vector.extract_strided_slice %bitcast_convert_type3A {offsets = [1408, 0], sizes = [128, 64], strides = [1, 1]} : vector<4096x128xf32> to vector<128x64xf32>
    %slice3A_72 = vector.extract_strided_slice %bitcast_convert_type3A_6 {offsets = [1408, 0], sizes = [128, 64], strides = [1, 1]} : vector<4096x128xf32> to vector<128x64xf32>
    %concatenate3A_73 = tpu.concatenate %slice3A_71, %slice3A_72 in 1 : vector<128x64xf32>, vector<128x64xf32> -> vector<128x128xf32>
    %slice3A_74 = vector.extract_strided_slice %bitcast_convert_type3A {offsets = [1408, 64], sizes = [128, 64], strides = [1, 1]} : vector<4096x128xf32> to vector<128x64xf32>
    %slice3A_75 = vector.extract_strided_slice %bitcast_convert_type3A_6 {offsets = [1408, 64], sizes = [128, 64], strides = [1, 1]} : vector<4096x128xf32> to vector<128x64xf32>
    %concatenate3A_76 = tpu.concatenate %slice3A_74, %slice3A_75 in 1 : vector<128x64xf32>, vector<128x64xf32> -> vector<128x128xf32>
    %slice3A_77 = vector.extract_strided_slice %bitcast_convert_type3A {offsets = [1536, 0], sizes = [128, 64], strides = [1, 1]} : vector<4096x128xf32> to vector<128x64xf32>
    %slice3A_78 = vector.extract_strided_slice %bitcast_convert_type3A_6 {offsets = [1536, 0], sizes = [128, 64], strides = [1, 1]} : vector<4096x128xf32> to vector<128x64xf32>
    %concatenate3A_79 = tpu.concatenate %slice3A_77, %slice3A_78 in 1 : vector<128x64xf32>, vector<128x64xf32> -> vector<128x128xf32>
    %slice3A_80 = vector.extract_strided_slice %bitcast_convert_type3A {offsets = [1536, 64], sizes = [128, 64], strides = [1, 1]} : vector<4096x128xf32> to vector<128x64xf32>
    %slice3A_81 = vector.extract_strided_slice %bitcast_convert_type3A_6 {offsets = [1536, 64], sizes = [128, 64], strides = [1, 1]} : vector<4096x128xf32> to vector<128x64xf32>
    %concatenate3A_82 = tpu.concatenate %slice3A_80, %slice3A_81 in 1 : vector<128x64xf32>, vector<128x64xf32> -> vector<128x128xf32>
    %slice3A_83 = vector.extract_strided_slice %bitcast_convert_type3A {offsets = [1664, 0], sizes = [128, 64], strides = [1, 1]} : vector<4096x128xf32> to vector<128x64xf32>
    %slice3A_84 = vector.extract_strided_slice %bitcast_convert_type3A_6 {offsets = [1664, 0], sizes = [128, 64], strides = [1, 1]} : vector<4096x128xf32> to vector<128x64xf32>
    %concatenate3A_85 = tpu.concatenate %slice3A_83, %slice3A_84 in 1 : vector<128x64xf32>, vector<128x64xf32> -> vector<128x128xf32>
    %slice3A_86 = vector.extract_strided_slice %bitcast_convert_type3A {offsets = [1664, 64], sizes = [128, 64], strides = [1, 1]} : vector<4096x128xf32> to vector<128x64xf32>
    %slice3A_87 = vector.extract_strided_slice %bitcast_convert_type3A_6 {offsets = [1664, 64], sizes = [128, 64], strides = [1, 1]} : vector<4096x128xf32> to vector<128x64xf32>
    %concatenate3A_88 = tpu.concatenate %slice3A_86, %slice3A_87 in 1 : vector<128x64xf32>, vector<128x64xf32> -> vector<128x128xf32>
    %slice3A_89 = vector.extract_strided_slice %bitcast_convert_type3A {offsets = [1792, 0], sizes = [128, 64], strides = [1, 1]} : vector<4096x128xf32> to vector<128x64xf32>
    %slice3A_90 = vector.extract_strided_slice %bitcast_convert_type3A_6 {offsets = [1792, 0], sizes = [128, 64], strides = [1, 1]} : vector<4096x128xf32> to vector<128x64xf32>
    %concatenate3A_91 = tpu.concatenate %slice3A_89, %slice3A_90 in 1 : vector<128x64xf32>, vector<128x64xf32> -> vector<128x128xf32>
    %slice3A_92 = vector.extract_strided_slice %bitcast_convert_type3A {offsets = [1792, 64], sizes = [128, 64], strides = [1, 1]} : vector<4096x128xf32> to vector<128x64xf32>
    %slice3A_93 = vector.extract_strided_slice %bitcast_convert_type3A_6 {offsets = [1792, 64], sizes = [128, 64], strides = [1, 1]} : vector<4096x128xf32> to vector<128x64xf32>
    %concatenate3A_94 = tpu.concatenate %slice3A_92, %slice3A_93 in 1 : vector<128x64xf32>, vector<128x64xf32> -> vector<128x128xf32>
    %slice3A_95 = vector.extract_strided_slice %bitcast_convert_type3A {offsets = [1920, 0], sizes = [128, 64], strides = [1, 1]} : vector<4096x128xf32> to vector<128x64xf32>
    %slice3A_96 = vector.extract_strided_slice %bitcast_convert_type3A_6 {offsets = [1920, 0], sizes = [128, 64], strides = [1, 1]} : vector<4096x128xf32> to vector<128x64xf32>
    %concatenate3A_97 = tpu.concatenate %slice3A_95, %slice3A_96 in 1 : vector<128x64xf32>, vector<128x64xf32> -> vector<128x128xf32>
    %slice3A_98 = vector.extract_strided_slice %bitcast_convert_type3A {offsets = [1920, 64], sizes = [128, 64], strides = [1, 1]} : vector<4096x128xf32> to vector<128x64xf32>
    %slice3A_99 = vector.extract_strided_slice %bitcast_convert_type3A_6 {offsets = [1920, 64], sizes = [128, 64], strides = [1, 1]} : vector<4096x128xf32> to vector<128x64xf32>
    %concatenate3A_100 = tpu.concatenate %slice3A_98, %slice3A_99 in 1 : vector<128x64xf32>, vector<128x64xf32> -> vector<128x128xf32>
    %slice3A_101 = vector.extract_strided_slice %bitcast_convert_type3A {offsets = [2048, 0], sizes = [128, 64], strides = [1, 1]} : vector<4096x128xf32> to vector<128x64xf32>
    %slice3A_102 = vector.extract_strided_slice %bitcast_convert_type3A_6 {offsets = [2048, 0], sizes = [128, 64], strides = [1, 1]} : vector<4096x128xf32> to vector<128x64xf32>
    %concatenate3A_103 = tpu.concatenate %slice3A_101, %slice3A_102 in 1 : vector<128x64xf32>, vector<128x64xf32> -> vector<128x128xf32>
    %slice3A_104 = vector.extract_strided_slice %bitcast_convert_type3A {offsets = [2048, 64], sizes = [128, 64], strides = [1, 1]} : vector<4096x128xf32> to vector<128x64xf32>
    %slice3A_105 = vector.extract_strided_slice %bitcast_convert_type3A_6 {offsets = [2048, 64], sizes = [128, 64], strides = [1, 1]} : vector<4096x128xf32> to vector<128x64xf32>
    %concatenate3A_106 = tpu.concatenate %slice3A_104, %slice3A_105 in 1 : vector<128x64xf32>, vector<128x64xf32> -> vector<128x128xf32>
    %slice3A_107 = vector.extract_strided_slice %bitcast_convert_type3A {offsets = [2176, 0], sizes = [128, 64], strides = [1, 1]} : vector<4096x128xf32> to vector<128x64xf32>
    %slice3A_108 = vector.extract_strided_slice %bitcast_convert_type3A_6 {offsets = [2176, 0], sizes = [128, 64], strides = [1, 1]} : vector<4096x128xf32> to vector<128x64xf32>
    %concatenate3A_109 = tpu.concatenate %slice3A_107, %slice3A_108 in 1 : vector<128x64xf32>, vector<128x64xf32> -> vector<128x128xf32>
    %slice3A_110 = vector.extract_strided_slice %bitcast_convert_type3A {offsets = [2176, 64], sizes = [128, 64], strides = [1, 1]} : vector<4096x128xf32> to vector<128x64xf32>
    %slice3A_111 = vector.extract_strided_slice %bitcast_convert_type3A_6 {offsets = [2176, 64], sizes = [128, 64], strides = [1, 1]} : vector<4096x128xf32> to vector<128x64xf32>
    %concatenate3A_112 = tpu.concatenate %slice3A_110, %slice3A_111 in 1 : vector<128x64xf32>, vector<128x64xf32> -> vector<128x128xf32>
    %slice3A_113 = vector.extract_strided_slice %bitcast_convert_type3A {offsets = [2304, 0], sizes = [128, 64], strides = [1, 1]} : vector<4096x128xf32> to vector<128x64xf32>
    %slice3A_114 = vector.extract_strided_slice %bitcast_convert_type3A_6 {offsets = [2304, 0], sizes = [128, 64], strides = [1, 1]} : vector<4096x128xf32> to vector<128x64xf32>
    %concatenate3A_115 = tpu.concatenate %slice3A_113, %slice3A_114 in 1 : vector<128x64xf32>, vector<128x64xf32> -> vector<128x128xf32>
    %slice3A_116 = vector.extract_strided_slice %bitcast_convert_type3A {offsets = [2304, 64], sizes = [128, 64], strides = [1, 1]} : vector<4096x128xf32> to vector<128x64xf32>
    %slice3A_117 = vector.extract_strided_slice %bitcast_convert_type3A_6 {offsets = [2304, 64], sizes = [128, 64], strides = [1, 1]} : vector<4096x128xf32> to vector<128x64xf32>
    %concatenate3A_118 = tpu.concatenate %slice3A_116, %slice3A_117 in 1 : vector<128x64xf32>, vector<128x64xf32> -> vector<128x128xf32>
    %slice3A_119 = vector.extract_strided_slice %bitcast_convert_type3A {offsets = [2432, 0], sizes = [128, 64], strides = [1, 1]} : vector<4096x128xf32> to vector<128x64xf32>
    %slice3A_120 = vector.extract_strided_slice %bitcast_convert_type3A_6 {offsets = [2432, 0], sizes = [128, 64], strides = [1, 1]} : vector<4096x128xf32> to vector<128x64xf32>
    %concatenate3A_121 = tpu.concatenate %slice3A_119, %slice3A_120 in 1 : vector<128x64xf32>, vector<128x64xf32> -> vector<128x128xf32>
    %slice3A_122 = vector.extract_strided_slice %bitcast_convert_type3A {offsets = [2432, 64], sizes = [128, 64], strides = [1, 1]} : vector<4096x128xf32> to vector<128x64xf32>
    %slice3A_123 = vector.extract_strided_slice %bitcast_convert_type3A_6 {offsets = [2432, 64], sizes = [128, 64], strides = [1, 1]} : vector<4096x128xf32> to vector<128x64xf32>
    %concatenate3A_124 = tpu.concatenate %slice3A_122, %slice3A_123 in 1 : vector<128x64xf32>, vector<128x64xf32> -> vector<128x128xf32>
    %slice3A_125 = vector.extract_strided_slice %bitcast_convert_type3A {offsets = [2560, 0], sizes = [128, 64], strides = [1, 1]} : vector<4096x128xf32> to vector<128x64xf32>
    %slice3A_126 = vector.extract_strided_slice %bitcast_convert_type3A_6 {offsets = [2560, 0], sizes = [128, 64], strides = [1, 1]} : vector<4096x128xf32> to vector<128x64xf32>
    %concatenate3A_127 = tpu.concatenate %slice3A_125, %slice3A_126 in 1 : vector<128x64xf32>, vector<128x64xf32> -> vector<128x128xf32>
    %slice3A_128 = vector.extract_strided_slice %bitcast_convert_type3A {offsets = [2560, 64], sizes = [128, 64], strides = [1, 1]} : vector<4096x128xf32> to vector<128x64xf32>
    %slice3A_129 = vector.extract_strided_slice %bitcast_convert_type3A_6 {offsets = [2560, 64], sizes = [128, 64], strides = [1, 1]} : vector<4096x128xf32> to vector<128x64xf32>
    %concatenate3A_130 = tpu.concatenate %slice3A_128, %slice3A_129 in 1 : vector<128x64xf32>, vector<128x64xf32> -> vector<128x128xf32>
    %slice3A_131 = vector.extract_strided_slice %bitcast_convert_type3A {offsets = [2688, 0], sizes = [128, 64], strides = [1, 1]} : vector<4096x128xf32> to vector<128x64xf32>
    %slice3A_132 = vector.extract_strided_slice %bitcast_convert_type3A_6 {offsets = [2688, 0], sizes = [128, 64], strides = [1, 1]} : vector<4096x128xf32> to vector<128x64xf32>
    %concatenate3A_133 = tpu.concatenate %slice3A_131, %slice3A_132 in 1 : vector<128x64xf32>, vector<128x64xf32> -> vector<128x128xf32>
    %slice3A_134 = vector.extract_strided_slice %bitcast_convert_type3A {offsets = [2688, 64], sizes = [128, 64], strides = [1, 1]} : vector<4096x128xf32> to vector<128x64xf32>
    %slice3A_135 = vector.extract_strided_slice %bitcast_convert_type3A_6 {offsets = [2688, 64], sizes = [128, 64], strides = [1, 1]} : vector<4096x128xf32> to vector<128x64xf32>
    %concatenate3A_136 = tpu.concatenate %slice3A_134, %slice3A_135 in 1 : vector<128x64xf32>, vector<128x64xf32> -> vector<128x128xf32>
    %slice3A_137 = vector.extract_strided_slice %bitcast_convert_type3A {offsets = [2816, 0], sizes = [128, 64], strides = [1, 1]} : vector<4096x128xf32> to vector<128x64xf32>
    %slice3A_138 = vector.extract_strided_slice %bitcast_convert_type3A_6 {offsets = [2816, 0], sizes = [128, 64], strides = [1, 1]} : vector<4096x128xf32> to vector<128x64xf32>
    %concatenate3A_139 = tpu.concatenate %slice3A_137, %slice3A_138 in 1 : vector<128x64xf32>, vector<128x64xf32> -> vector<128x128xf32>
    %slice3A_140 = vector.extract_strided_slice %bitcast_convert_type3A {offsets = [2816, 64], sizes = [128, 64], strides = [1, 1]} : vector<4096x128xf32> to vector<128x64xf32>
    %slice3A_141 = vector.extract_strided_slice %bitcast_convert_type3A_6 {offsets = [2816, 64], sizes = [128, 64], strides = [1, 1]} : vector<4096x128xf32> to vector<128x64xf32>
    %concatenate3A_142 = tpu.concatenate %slice3A_140, %slice3A_141 in 1 : vector<128x64xf32>, vector<128x64xf32> -> vector<128x128xf32>
    %slice3A_143 = vector.extract_strided_slice %bitcast_convert_type3A {offsets = [2944, 0], sizes = [128, 64], strides = [1, 1]} : vector<4096x128xf32> to vector<128x64xf32>
    %slice3A_144 = vector.extract_strided_slice %bitcast_convert_type3A_6 {offsets = [2944, 0], sizes = [128, 64], strides = [1, 1]} : vector<4096x128xf32> to vector<128x64xf32>
    %concatenate3A_145 = tpu.concatenate %slice3A_143, %slice3A_144 in 1 : vector<128x64xf32>, vector<128x64xf32> -> vector<128x128xf32>
    %slice3A_146 = vector.extract_strided_slice %bitcast_convert_type3A {offsets = [2944, 64], sizes = [128, 64], strides = [1, 1]} : vector<4096x128xf32> to vector<128x64xf32>
    %slice3A_147 = vector.extract_strided_slice %bitcast_convert_type3A_6 {offsets = [2944, 64], sizes = [128, 64], strides = [1, 1]} : vector<4096x128xf32> to vector<128x64xf32>
    %concatenate3A_148 = tpu.concatenate %slice3A_146, %slice3A_147 in 1 : vector<128x64xf32>, vector<128x64xf32> -> vector<128x128xf32>
    %slice3A_149 = vector.extract_strided_slice %bitcast_convert_type3A {offsets = [3072, 0], sizes = [128, 64], strides = [1, 1]} : vector<4096x128xf32> to vector<128x64xf32>
    %slice3A_150 = vector.extract_strided_slice %bitcast_convert_type3A_6 {offsets = [3072, 0], sizes = [128, 64], strides = [1, 1]} : vector<4096x128xf32> to vector<128x64xf32>
    %concatenate3A_151 = tpu.concatenate %slice3A_149, %slice3A_150 in 1 : vector<128x64xf32>, vector<128x64xf32> -> vector<128x128xf32>
    %slice3A_152 = vector.extract_strided_slice %bitcast_convert_type3A {offsets = [3072, 64], sizes = [128, 64], strides = [1, 1]} : vector<4096x128xf32> to vector<128x64xf32>
    %slice3A_153 = vector.extract_strided_slice %bitcast_convert_type3A_6 {offsets = [3072, 64], sizes = [128, 64], strides = [1, 1]} : vector<4096x128xf32> to vector<128x64xf32>
    %concatenate3A_154 = tpu.concatenate %slice3A_152, %slice3A_153 in 1 : vector<128x64xf32>, vector<128x64xf32> -> vector<128x128xf32>
    %slice3A_155 = vector.extract_strided_slice %bitcast_convert_type3A {offsets = [3200, 0], sizes = [128, 64], strides = [1, 1]} : vector<4096x128xf32> to vector<128x64xf32>
    %slice3A_156 = vector.extract_strided_slice %bitcast_convert_type3A_6 {offsets = [3200, 0], sizes = [128, 64], strides = [1, 1]} : vector<4096x128xf32> to vector<128x64xf32>
    %concatenate3A_157 = tpu.concatenate %slice3A_155, %slice3A_156 in 1 : vector<128x64xf32>, vector<128x64xf32> -> vector<128x128xf32>
    %slice3A_158 = vector.extract_strided_slice %bitcast_convert_type3A {offsets = [3200, 64], sizes = [128, 64], strides = [1, 1]} : vector<4096x128xf32> to vector<128x64xf32>
    %slice3A_159 = vector.extract_strided_slice %bitcast_convert_type3A_6 {offsets = [3200, 64], sizes = [128, 64], strides = [1, 1]} : vector<4096x128xf32> to vector<128x64xf32>
    %concatenate3A_160 = tpu.concatenate %slice3A_158, %slice3A_159 in 1 : vector<128x64xf32>, vector<128x64xf32> -> vector<128x128xf32>
    %slice3A_161 = vector.extract_strided_slice %bitcast_convert_type3A {offsets = [3328, 0], sizes = [128, 64], strides = [1, 1]} : vector<4096x128xf32> to vector<128x64xf32>
    %slice3A_162 = vector.extract_strided_slice %bitcast_convert_type3A_6 {offsets = [3328, 0], sizes = [128, 64], strides = [1, 1]} : vector<4096x128xf32> to vector<128x64xf32>
    %concatenate3A_163 = tpu.concatenate %slice3A_161, %slice3A_162 in 1 : vector<128x64xf32>, vector<128x64xf32> -> vector<128x128xf32>
    %slice3A_164 = vector.extract_strided_slice %bitcast_convert_type3A {offsets = [3328, 64], sizes = [128, 64], strides = [1, 1]} : vector<4096x128xf32> to vector<128x64xf32>
    %slice3A_165 = vector.extract_strided_slice %bitcast_convert_type3A_6 {offsets = [3328, 64], sizes = [128, 64], strides = [1, 1]} : vector<4096x128xf32> to vector<128x64xf32>
    %concatenate3A_166 = tpu.concatenate %slice3A_164, %slice3A_165 in 1 : vector<128x64xf32>, vector<128x64xf32> -> vector<128x128xf32>
    %slice3A_167 = vector.extract_strided_slice %bitcast_convert_type3A {offsets = [3456, 0], sizes = [128, 64], strides = [1, 1]} : vector<4096x128xf32> to vector<128x64xf32>
    %slice3A_168 = vector.extract_strided_slice %bitcast_convert_type3A_6 {offsets = [3456, 0], sizes = [128, 64], strides = [1, 1]} : vector<4096x128xf32> to vector<128x64xf32>
    %concatenate3A_169 = tpu.concatenate %slice3A_167, %slice3A_168 in 1 : vector<128x64xf32>, vector<128x64xf32> -> vector<128x128xf32>
    %slice3A_170 = vector.extract_strided_slice %bitcast_convert_type3A {offsets = [3456, 64], sizes = [128, 64], strides = [1, 1]} : vector<4096x128xf32> to vector<128x64xf32>
    %slice3A_171 = vector.extract_strided_slice %bitcast_convert_type3A_6 {offsets = [3456, 64], sizes = [128, 64], strides = [1, 1]} : vector<4096x128xf32> to vector<128x64xf32>
    %concatenate3A_172 = tpu.concatenate %slice3A_170, %slice3A_171 in 1 : vector<128x64xf32>, vector<128x64xf32> -> vector<128x128xf32>
    %slice3A_173 = vector.extract_strided_slice %bitcast_convert_type3A {offsets = [3584, 0], sizes = [128, 64], strides = [1, 1]} : vector<4096x128xf32> to vector<128x64xf32>
    %slice3A_174 = vector.extract_strided_slice %bitcast_convert_type3A_6 {offsets = [3584, 0], sizes = [128, 64], strides = [1, 1]} : vector<4096x128xf32> to vector<128x64xf32>
    %concatenate3A_175 = tpu.concatenate %slice3A_173, %slice3A_174 in 1 : vector<128x64xf32>, vector<128x64xf32> -> vector<128x128xf32>
    %slice3A_176 = vector.extract_strided_slice %bitcast_convert_type3A {offsets = [3584, 64], sizes = [128, 64], strides = [1, 1]} : vector<4096x128xf32> to vector<128x64xf32>
    %slice3A_177 = vector.extract_strided_slice %bitcast_convert_type3A_6 {offsets = [3584, 64], sizes = [128, 64], strides = [1, 1]} : vector<4096x128xf32> to vector<128x64xf32>
    %concatenate3A_178 = tpu.concatenate %slice3A_176, %slice3A_177 in 1 : vector<128x64xf32>, vector<128x64xf32> -> vector<128x128xf32>
    %slice3A_179 = vector.extract_strided_slice %bitcast_convert_type3A {offsets = [3712, 0], sizes = [128, 64], strides = [1, 1]} : vector<4096x128xf32> to vector<128x64xf32>
    %slice3A_180 = vector.extract_strided_slice %bitcast_convert_type3A_6 {offsets = [3712, 0], sizes = [128, 64], strides = [1, 1]} : vector<4096x128xf32> to vector<128x64xf32>
    %concatenate3A_181 = tpu.concatenate %slice3A_179, %slice3A_180 in 1 : vector<128x64xf32>, vector<128x64xf32> -> vector<128x128xf32>
    %slice3A_182 = vector.extract_strided_slice %bitcast_convert_type3A {offsets = [3712, 64], sizes = [128, 64], strides = [1, 1]} : vector<4096x128xf32> to vector<128x64xf32>
    %slice3A_183 = vector.extract_strided_slice %bitcast_convert_type3A_6 {offsets = [3712, 64], sizes = [128, 64], strides = [1, 1]} : vector<4096x128xf32> to vector<128x64xf32>
    %concatenate3A_184 = tpu.concatenate %slice3A_182, %slice3A_183 in 1 : vector<128x64xf32>, vector<128x64xf32> -> vector<128x128xf32>
    %slice3A_185 = vector.extract_strided_slice %bitcast_convert_type3A {offsets = [3840, 0], sizes = [128, 64], strides = [1, 1]} : vector<4096x128xf32> to vector<128x64xf32>
    %slice3A_186 = vector.extract_strided_slice %bitcast_convert_type3A_6 {offsets = [3840, 0], sizes = [128, 64], strides = [1, 1]} : vector<4096x128xf32> to vector<128x64xf32>
    %concatenate3A_187 = tpu.concatenate %slice3A_185, %slice3A_186 in 1 : vector<128x64xf32>, vector<128x64xf32> -> vector<128x128xf32>
    %slice3A_188 = vector.extract_strided_slice %bitcast_convert_type3A {offsets = [3840, 64], sizes = [128, 64], strides = [1, 1]} : vector<4096x128xf32> to vector<128x64xf32>
    %slice3A_189 = vector.extract_strided_slice %bitcast_convert_type3A_6 {offsets = [3840, 64], sizes = [128, 64], strides = [1, 1]} : vector<4096x128xf32> to vector<128x64xf32>
    %concatenate3A_190 = tpu.concatenate %slice3A_188, %slice3A_189 in 1 : vector<128x64xf32>, vector<128x64xf32> -> vector<128x128xf32>
    %slice3A_191 = vector.extract_strided_slice %bitcast_convert_type3A {offsets = [3968, 0], sizes = [128, 64], strides = [1, 1]} : vector<4096x128xf32> to vector<128x64xf32>
    %slice3A_192 = vector.extract_strided_slice %bitcast_convert_type3A_6 {offsets = [3968, 0], sizes = [128, 64], strides = [1, 1]} : vector<4096x128xf32> to vector<128x64xf32>
    %concatenate3A_193 = tpu.concatenate %slice3A_191, %slice3A_192 in 1 : vector<128x64xf32>, vector<128x64xf32> -> vector<128x128xf32>
    %slice3A_194 = vector.extract_strided_slice %bitcast_convert_type3A {offsets = [3968, 64], sizes = [128, 64], strides = [1, 1]} : vector<4096x128xf32> to vector<128x64xf32>
    %slice3A_195 = vector.extract_strided_slice %bitcast_convert_type3A_6 {offsets = [3968, 64], sizes = [128, 64], strides = [1, 1]} : vector<4096x128xf32> to vector<128x64xf32>
    %concatenate3A_196 = tpu.concatenate %slice3A_194, %slice3A_195 in 1 : vector<128x64xf32>, vector<128x64xf32> -> vector<128x128xf32>
    %concatenate3A_197 = tpu.concatenate %concatenate3A, %concatenate3A_10, %concatenate3A_13, %concatenate3A_16, %concatenate3A_19, %concatenate3A_22, %concatenate3A_25, %concatenate3A_28, %concatenate3A_31, %concatenate3A_34, %concatenate3A_37, %concatenate3A_40, %concatenate3A_43, %concatenate3A_46, %concatenate3A_49, %concatenate3A_52, %concatenate3A_55, %concatenate3A_58, %concatenate3A_61, %concatenate3A_64, %concatenate3A_67, %concatenate3A_70, %concatenate3A_73, %concatenate3A_76, %concatenate3A_79, %concatenate3A_82, %concatenate3A_85, %concatenate3A_88, %concatenate3A_91, %concatenate3A_94, %concatenate3A_97, %concatenate3A_100, %concatenate3A_103, %concatenate3A_106, %concatenate3A_109, %concatenate3A_112, %concatenate3A_115, %concatenate3A_118, %concatenate3A_121, %concatenate3A_124, %concatenate3A_127, %concatenate3A_130, %concatenate3A_133, %concatenate3A_136, %concatenate3A_139, %concatenate3A_142, %concatenate3A_145, %concatenate3A_148, %concatenate3A_151, %concatenate3A_154, %concatenate3A_157, %concatenate3A_160, %concatenate3A_163, %concatenate3A_166, %concatenate3A_169, %concatenate3A_172, %concatenate3A_175, %concatenate3A_178, %concatenate3A_181, %concatenate3A_184, %concatenate3A_187, %concatenate3A_190, %concatenate3A_193, %concatenate3A_196 in 0 : vector<128x128xf32>, vector<128x128xf32>, vector<128x128xf32>, vector<128x128xf32>, vector<128x128xf32>, vector<128x128xf32>, vector<128x128xf32>, vector<128x128xf32>, vector<128x128xf32>, vector<128x128xf32>, vector<128x128xf32>, vector<128x128xf32>, vector<128x128xf32>, vector<128x128xf32>, vector<128x128xf32>, vector<128x128xf32>, vector<128x128xf32>, vector<128x128xf32>, vector<128x128xf32>, vector<128x128xf32>, vector<128x128xf32>, vector<128x128xf32>, vector<128x128xf32>, vector<128x128xf32>, vector<128x128xf32>, vector<128x128xf32>, vector<128x128xf32>, vector<128x128xf32>, vector<128x128xf32>, vector<128x128xf32>, vector<128x128xf32>, vector<128x128xf32>, vector<128x128xf32>, vector<128x128xf32>, vector<128x128xf32>, vector<128x128xf32>, vector<128x128xf32>, vector<128x128xf32>, vector<128x128xf32>, vector<128x128xf32>, vector<128x128xf32>, vector<128x128xf32>, vector<128x128xf32>, vector<128x128xf32>, vector<128x128xf32>, vector<128x128xf32>, vector<128x128xf32>, vector<128x128xf32>, vector<128x128xf32>, vector<128x128xf32>, vector<128x128xf32>, vector<128x128xf32>, vector<128x128xf32>, vector<128x128xf32>, vector<128x128xf32>, vector<128x128xf32>, vector<128x128xf32>, vector<128x128xf32>, vector<128x128xf32>, vector<128x128xf32>, vector<128x128xf32>, vector<128x128xf32>, vector<128x128xf32>, vector<128x128xf32> -> vector<8192x128xf32>
    %get3A_198 = arith.constant 0 : index
    %get3A_199 = arith.constant 0 : index
    %get3A_200 = vector.load %arg2[%get3A_198, %get3A_199] : memref<512x128xf32, #tpu.memory_space<vmem>>, vector<512x128xf32>
    %get3A_201 = arith.constant 0 : index
    %get3A_202 = arith.constant 0 : index
    %get3A_203 = vector.load %arg3[%get3A_201, %get3A_202] : memref<2x128xf32, #tpu.memory_space<vmem>>, vector<2x128xf32>
    %slice3A_204 = vector.extract_strided_slice %get3A_203 {offsets = [0, 0], sizes = [1, 128], strides = [1, 1]} : vector<2x128xf32> to vector<1x128xf32>
    %squeeze3A = vector.shape_cast %slice3A_204 : vector<1x128xf32> to vector<128xf32>
    %broadcast_in_dim3A = vector.shape_cast %squeeze3A : vector<128xf32> to vector<1x128xf32>
    %add3A = vector.broadcast %broadcast_in_dim3A : vector<1x128xf32> to vector<512x128xf32>
    %add3A_205 = arith.addf %get3A_200, %add3A : vector<512x128xf32>
    %reshape3A = vector.shape_cast %concatenate3A_197 : vector<8192x128xf32> to vector<16x512x128xf32>
    %broadcast_in_dim3A_206 = vector.shape_cast %add3A_205 : vector<512x128xf32> to vector<1x512x128xf32>
    %add3A_207 = vector.broadcast %broadcast_in_dim3A_206 : vector<1x512x128xf32> to vector<16x512x128xf32>
    %add3A_208 = arith.addf %reshape3A, %add3A_207 : vector<16x512x128xf32>
    %reshape3A_209 = vector.shape_cast %add3A_208 : vector<16x512x128xf32> to vector<8192x128xf32>
    %broadcast_in_dim3A_210 = arith.constant 7.812500e-03 : bf16
    %broadcast_in_dim3A_211 = vector.broadcast %broadcast_in_dim3A_210 : bf16 to vector<128x128xbf16>
    %convert_element_type3A = arith.truncf %reshape3A_209 : vector<8192x128xf32> to vector<8192x128xbf16>
    %dot_general3A = arith.constant dense<0.000000e+00> : vector<8192x128xf32>
    %dot_general3A_212 = tpu.matmul %convert_element_type3A, %broadcast_in_dim3A_211, %dot_general3A {dimension_numbers = #tpu.dot_dimension_numbers<[1], [0], [0], [1], [0, 0, 1, 1], [], []>, transpose_lhs_hint = false} : vector<8192x128xbf16>, vector<128x128xbf16>, vector<8192x128xf32> -> vector<8192x128xf32>
    %mul3A = arith.mulf %convert_element_type3A, %convert_element_type3A : vector<8192x128xbf16>
    %dot_general3A_213 = arith.constant dense<0.000000e+00> : vector<8192x128xf32>
    %dot_general3A_214 = tpu.matmul %mul3A, %broadcast_in_dim3A_211, %dot_general3A_213 {dimension_numbers = #tpu.dot_dimension_numbers<[1], [0], [0], [1], [0, 0, 1, 1], [], []>, transpose_lhs_hint = false} : vector<8192x128xbf16>, vector<128x128xbf16>, vector<8192x128xf32> -> vector<8192x128xf32>
    %mul3A_215 = arith.mulf %dot_general3A_212, %dot_general3A_212 : vector<8192x128xf32>
    %sub3A = arith.subf %dot_general3A_214, %mul3A_215 : vector<8192x128xf32>
    %add3A_216 = arith.constant 9.99999996E-13 : f32
    %add3A_217 = vector.broadcast %add3A_216 : f32 to vector<8192x128xf32>
    %add3A_218 = arith.addf %sub3A, %add3A_217 : vector<8192x128xf32>
    %rsqrt3A = math.rsqrt %add3A_218 : vector<8192x128xf32>
    %sub3A_219 = arith.subf %reshape3A_209, %dot_general3A_212 : vector<8192x128xf32>
    %mul3A_220 = arith.mulf %sub3A_219, %rsqrt3A : vector<8192x128xf32>
    %get3A_221 = arith.constant 0 : index
    %get3A_222 = arith.constant 0 : index
    %get3A_223 = vector.load %arg4[%get3A_221, %get3A_222] : memref<1x128xf32, #tpu.memory_space<vmem>>, vector<1x128xf32>
    %squeeze3A_224 = vector.shape_cast %get3A_223 : vector<1x128xf32> to vector<128xf32>
    %broadcast_in_dim3A_225 = vector.shape_cast %squeeze3A_224 : vector<128xf32> to vector<1x128xf32>
    %mul3A_226 = vector.broadcast %broadcast_in_dim3A_225 : vector<1x128xf32> to vector<8192x128xf32>
    %mul3A_227 = arith.mulf %mul3A_220, %mul3A_226 : vector<8192x128xf32>
    %get3A_228 = arith.constant 0 : index
    %get3A_229 = arith.constant 0 : index
    %get3A_230 = vector.load %arg5[%get3A_228, %get3A_229] : memref<1x128xf32, #tpu.memory_space<vmem>>, vector<1x128xf32>
    %squeeze3A_231 = vector.shape_cast %get3A_230 : vector<1x128xf32> to vector<128xf32>
    %broadcast_in_dim3A_232 = vector.shape_cast %squeeze3A_231 : vector<128xf32> to vector<1x128xf32>
    %add3A_233 = vector.broadcast %broadcast_in_dim3A_232 : vector<1x128xf32> to vector<8192x128xf32>
    %add3A_234 = arith.addf %mul3A_227, %add3A_233 : vector<8192x128xf32>
    %reshape3A_235 = vector.shape_cast %add3A_234 : vector<8192x128xf32> to vector<16x512x128xf32>
    %swap3A = arith.constant 0 : index
    %swap3A_236 = arith.constant 0 : index
    %swap3A_237 = arith.constant 0 : index
    %swap3A_238 = vector.load %arg7[%swap3A, %swap3A_236, %swap3A_237] : memref<16x512x128xf32, #tpu.memory_space<vmem>>, vector<16x512x128xf32>
    tpu.vector_store %arg7[%swap3A, %swap3A_236, %swap3A_237], %reshape3A_235 {strides = array<i32>} : memref<16x512x128xf32, #tpu.memory_space<vmem>>, vector<16x512x128xf32>,
    return
  }
  func.func @transform_0(%arg0: i32) -> (i32, i32) {
    %c0_i32 = arith.constant 0 : i32
    %c0_i32_0 = arith.constant 0 : i32
    return %arg0, %c0_i32 : i32, i32
  }
  func.func @transform_1(%arg0: i32) -> (i32, i32) {
    %c0_i32 = arith.constant 0 : i32
    %c0_i32_0 = arith.constant 0 : i32
    %c0_i32_1 = arith.constant 0 : i32
    return %c0_i32, %c0_i32_0 : i32, i32
  }
  func.func @transform_2(%arg0: i32) -> (i32, i32) {
    %c0_i32 = arith.constant 0 : i32
    %c0_i32_0 = arith.constant 0 : i32
    %c0_i32_1 = arith.constant 0 : i32
    return %c0_i32, %c0_i32_0 : i32, i32
  }
  func.func @transform_3(%arg0: i32) -> (i32, i32) {
    %c0_i32 = arith.constant 0 : i32
    %c0_i32_0 = arith.constant 0 : i32
    %c0_i32_1 = arith.constant 0 : i32
    return %c0_i32, %c0_i32_0 : i32, i32
  }
  func.func @transform_4(%arg0: i32) -> (i32, i32) {
    %c0_i32 = arith.constant 0 : i32
    %c0_i32_0 = arith.constant 0 : i32
    %c0_i32_1 = arith.constant 0 : i32
    return %c0_i32, %c0_i32_0 : i32, i32
  }
  func.func @transform_6(%arg0: i32) -> (i32, i32, i32) {
    %add3A = arith.constant 38 : i32
    %add3A_0 = arith.addi %add3A, %arg0 : i32
    %c0_i32 = arith.constant 0 : i32
    %c0_i32_1 = arith.constant 0 : i32
    %c0_i32_2 = arith.constant 0 : i32
    return %add3A_0, %c0_i32, %c0_i32_1 : i32, i32, i32
  }
}

</mosaic_0001>

<sc_bundles>
// kernel: kernel.10.cloned.1.call-start
scs
__scs_entry_jumppad:
0x0: {  	(pc) =	sbr.rel $0x88, $3  }
0x1: {  	(tag) =	ssettag $0x0;
	lr =	simm.s32 $0x1  }
0x2: {  	[smem:$0x3F9B] =	sst lr;
	_ =	strace $0xD0000000  }
0x3: {  	_ = 	snop  }
0x4: {  	_ = 	snop  }
0x5: {  	_ = 	snop  }
0x6: {  	_ = 	snop  }
0x7: {  	_ = 	snop  }
__scs_overlays_trampoline_lowered:
0x8: {  	[smem:$0x3FAA] =	sst s0  }
0x9: {  	[smem:$0x3FAB] =	sst s1  }
0xa: {  	[smem:$0x3FAC] =	sst s2  }
0xb: {  	[smem:$0x3FAD] =	sst s3  }
0xc: {  	[smem:$0x3FAE] =	sst s4  }
0xd: {  	[smem:$0x3FAF] =	sst s5  }
0xe: {  	[smem:$0x3FB0] =	sst s6  }
0xf: {  	[smem:$0x3FB1] =	sst s7  }
0x10: {  	[smem:$0x3FB2] =	sst s8  }
0x11: {  	[smem:$0x3FB3] =	sst s9;
	s0 =	simm.s32 @!p0 $0x0  }
0x12: {  	s1 =	sld [smem:$0x3F99];
	s0 =	simm.s32 @p0 $0x1  }
0x13: {  	[smem:$0x3FB4] =	sst s0;
	s0 =	simm.s32 @!p1 $0x0  }
0x14: {  	s2 =	sld [smem:$0x3F98];
	s0 =	simm.s32 @p1 $0x1  }
0x15: {  	[smem:$0x3FB5] =	sst s0;
	s0 =	simm.s32 @!p2 $0x0  }
0x16: {  	s3 =	sld [smem:$0x3FDB];
	s0 =	simm.s32 @p2 $0x1  }
0x17: {  	s4 =	simm.s32 $0x1BF5;
	[smem:$0x3FB7] =	sst s0  }
0x18: {  	s0 =	sld [smem:$0x3F9A];
	_ =	swait.ge [sflag:s4], $0x0  }
0x19: {  	s7 =	sld [smem:$0x3F9B]  }
0x1a: {  	s8 =	sadd.s32 $0xFFFFE003, lr  }
0x1b: {  	s9 =	sadd.s32 $0xFFFFFEF7, lr;
	s5 =	simm.s32 $0xFFFFFFFF;
	p2 =	slt.u32 s8, $0xFFFFF086  }
0x1c: {  	p1 =	slt.u32 s9, $0xF7A;
	s5 =	simm.s32 @!p2 $0x0  }
0x1d: {  	s5 =	simm.s32 @p1 $0x1;
	p0 =	seq.s32 s7, s2  }
0x1e: {  	s7 =	smul.u32 @!p0 $0xF7A, s2;
	p2 =	seq.s32 @!p0 s5, $0x0  }
0x1f: {  	s9 =	smul.u32 $0xF7A, s1;
	s8 =	simm.s32 @!p0 $0x1BF5;
	p2 =	por !p2, p0  }
0x20: {  	[sflag:s8] =	ssyncset.s32 @!p0 $0xFFFFF086;
	s6 =	sadd.s32 @!p0 s3, s7;
	s7 =	simm.s32 @!p0 $0x108  }
0x21: {  	s3 =	sadd.s32 s3, s9;
	s6 =	sadd.s32 @!p0 $0x88, s6;
	s7 =	simm.s32 @p2 $0x1082  }
0x22: {  	[simem:s7], [sflag:s8] =	dma.local @!p0 [hbm:s6], $0xF7A  }
0x23: {  	s9 =	sor.u32 $0xD0000000, s2;
	s6 =	simm.s32 $0x108;
	_ =	swait.ge @!p0 [sflag:s8], $0x0  }
0x24: {  	s3 =	sadd.s32 $0x88, s3;
	s6 =	simm.s32 @!p1 $0x1082;
	[sflag:s4] =	ssyncset.s32 $0xFFFFF086  }
0x25: {  	[simem:s6], [sflag:s4] =	dma.local [hbm:s3], $0xF7A  }
0x26: {  	[smem:$0x3F9B] =	sst s1;
	(tag) =	ssettag s2;
	_ =	strace s9  }
0x27: {  	s1 =	sld [smem:$0x3FAB]  }
0x28: {  	s2 =	sld [smem:$0x3FAC]  }
0x29: {  	s4 =	sld [smem:$0x3FAE]  }
0x2a: {  	p0 =	seq.s32 s5, $0x0;
	s5 =	sld [smem:$0x3FAF]  }
0x2b: {  	s6 =	sld [smem:$0x3FB0]  }
0x2c: {  	s7 =	sld [smem:$0x3FB1]  }
0x2d: {  	s3 =	simm.s32 $0x108;
	s8 =	sld [smem:$0x3FB2]  }
0x2e: {  	s3 =	simm.s32 @!p0 $0x1082;
	s9 =	sld [smem:$0x3FB3]  }
0x2f: {  	lr =	sadd.s32 s0, s3;
	s0 =	sld [smem:$0x3FAA]  }
0x30: {  	s3 =	sld [smem:$0x3FAD]  }
0x31: {  	[smem:$0x3FB6] =	sst s10  }
0x32: {  	s10 =	sld [smem:$0x3FB4];
	_ =	sdelay $0x3  }
0x33: {  	p0 =	seq.s32 s10, $0x1;
	s10 =	sld [smem:$0x3FB6];
	_ =	sdelay $0x3  }
0x34: {  	[smem:$0x3FB6] =	sst s10  }
0x35: {  	s10 =	sld [smem:$0x3FB5];
	_ =	sdelay $0x3  }
0x36: {  	p1 =	seq.s32 s10, $0x1;
	s10 =	sld [smem:$0x3FB6];
	_ =	sdelay $0x3  }
0x37: {  	[smem:$0x3FB6] =	sst s10  }
0x38: {  	s10 =	sld [smem:$0x3FB7]  }
0x39: {  	_ = 	snop;
	(pc) =	sbr.ind lr, $3  }
0x3a: {  	_ = 	snop  }
0x3b: {  	_ = 	snop  }
0x3c: {  	p2 =	seq.s32 s10, $0x1;
	s10 =	sld [smem:$0x3FB6]  }
0x3d: {  	_ =	shalt  }
0x3e: {  	_ =	shalt  }
0x3f: {  	_ =	shalt  }
0x40: {  	_ =	shalt  }
0x41: {  	_ =	shalt  }
0x42: {  	_ =	shalt  }
0x43: {  	_ =	shalt  }
0x44: {  	_ =	shalt  }
0x45: {  	_ =	shalt  }
0x46: {  	_ =	shalt  }
0x47: {  	_ =	shalt  }
0x48: {  	_ =	shalt  }
0x49: {  	_ =	shalt  }
0x4a: {  	_ =	shalt  }
0x4b: {  	_ =	shalt  }
0x4c: {  	_ =	shalt  }
0x4d: {  	_ =	shalt  }
0x4e: {  	_ =	shalt  }
0x4f: {  	_ =	shalt  }
0x50: {  	_ =	shalt  }
0x51: {  	_ =	shalt  }
0x52: {  	_ =	shalt  }
0x53: {  	_ =	shalt  }
0x54: {  	_ =	shalt  }
0x55: {  	_ =	shalt  }
0x56: {  	_ =	shalt  }
0x57: {  	_ =	shalt  }
0x58: {  	_ =	shalt  }
0x59: {  	_ =	shalt  }
0x5a: {  	_ =	shalt  }
0x5b: {  	_ =	shalt  }
0x5c: {  	_ =	shalt  }
0x5d: {  	_ =	shalt  }
0x5e: {  	_ =	shalt  }
0x5f: {  	_ =	shalt  }
0x60: {  	_ =	shalt  }
0x61: {  	_ =	shalt  }
0x62: {  	_ =	shalt  }
0x63: {  	_ =	shalt  }
0x64: {  	_ =	shalt  }
0x65: {  	_ =	shalt  }
0x66: {  	_ =	shalt  }
0x67: {  	_ =	shalt  }
0x68: {  	_ =	shalt  }
0x69: {  	_ =	shalt  }
0x6a: {  	_ =	shalt  }
0x6b: {  	_ =	shalt  }
0x6c: {  	_ =	shalt  }
0x6d: {  	_ =	shalt  }
0x6e: {  	_ =	shalt  }
0x6f: {  	_ =	shalt  }
0x70: {  	_ =	shalt  }
0x71: {  	_ =	shalt  }
0x72: {  	_ =	shalt  }
0x73: {  	_ =	shalt  }
0x74: {  	_ =	shalt  }
0x75: {  	_ =	shalt  }
0x76: {  	_ =	shalt  }
0x77: {  	_ =	shalt  }
0x78: {  	_ =	shalt  }
0x79: {  	_ =	shalt  }
0x7a: {  	_ =	shalt  }
0x7b: {  	_ =	shalt  }
0x7c: {  	_ =	shalt  }
0x7d: {  	_ =	shalt  }
0x7e: {  	_ =	shalt  }
0x7f: {  	_ =	shalt  }
0x80: {  	_ =	shalt  }
0x81: {  	_ =	shalt  }
0x82: {  	_ =	shalt  }
0x83: {  	_ =	shalt  }
0x84: {  	_ =	shalt  }
0x85: {  	_ =	shalt  }
0x86: {  	_ =	shalt  }
0x87: {  	_ =	shalt  }
.Lfunc_end0:
.L_simem_size_0:
called_computation_lowered:
.L_overlay_start_0:
0x88: {  	s2 =	sld [smem:$0x3FD9]  }
0x89: {  	s3 =	sld [smem:$0x3FFE];
	_ =	sdelay $0x1  }
0x8a: {  	s1 =	srdreg.scid  }
0x8b: {  	s0 =	sand.u32 $0x1, s1  }
0x8c: {  	s17 =	sshll.u32 s0, $0xA;
	s2 =	sadd.s32 s3, s2  }
0x8d: {  	s2 =	sadd.s32 s2, s17  }
0x8e: {  	[smem:$0x3FC2] =	sst s2  }
0x8f: {  	_ = 	snop  }
0x90: {  	s2 =	sld [smem:$0x3FD0];
	(tm) =	ssettm $0x1  }
0x91: {  	s18 =	sld [smem:$0x3FFB];
	_ =	sdelay $0x3  }
0x92: {  	_ =	strace s18  }
0x93: {  	s3 =	sld [smem:$0x3FFC];
	_ =	sdelay $0x3  }
0x94: {  	_ =	strace s3  }
0x95: {  	s3 =	sld [smem:$0x3FFD];
	_ =	sdelay $0x3  }
0x96: {  	_ =	strace s3  }
0x97: {  	_ =	strace $0x8FFFFFFF  }
0x98: {  	s19 =	sld [smem:$0x3FDB];
	_ =	sdelay $0x1  }
0x99: {  	s4 =	simm.s32 $_scs_section_size  }
0x9a: {  	s5 =	simm.s32 $_size__tile_overlayer_lowered;
	s6 =	simm.s32 $_tile_overlayer_lowered  }
0x9b: {  	s22 =	simm.s32 $0x1BFF;
	s21 =	sshll.u32 s6, $0x1;
	s3 =	sadd.s32 s4, s19  }
0x9c: {  	s7 =	simm.s32 $0x0;
	s20 =	sshll.u32 s5, $0x1;
	s5 =	sadd.s32 s21, s3  }
0x9d: {  	[timem:s7], [sflag:s22] =	dma.local [hbm:s5], s20  }
0x9e: {  	_ =	swait.ge [sflag:s22], s20  }
0x9f: {  	s4 =	ssub.s32 $0x0, s20;
	[sflag:s22] =	ssyncset.done $0x0  }
0xa0: {  	[sflag:s22] =	ssyncadd.s32 s4;
	_ =	sdelay $0x1  }
0xa1: {  	s23 =	simm.s32 $0x1B8B  }
0xa2: {  	_ =	swait.ge [sflag:s23], $0x1  }
0xa3: {  	[sflag:s23] =	ssyncset.done $0x0  }
0xa4: {  	s25 =	simm.s32 $0x1B8E;
	s24 =	sld [smem:$0x3FFE];
	[sflag:s23] =	ssyncadd.s32 $0xFFFFFFFF  }
0xa5: {  	s26 =	simm.s32 $execute0_lowered;
	[smem:$0x3FD2] =	sst s25  }
0xa6: {  	s5 =	sshll.u32 s26, $0x1;
	_ =	strace $0x80000046;
	[dreg:$0x1] =	wrdreg $0xFFFFFFFF  }
0xa7: {  	s28 =	simm.s32 $_size_execute0_lowered;
	s3 =	sadd.s32 s3, s5;
	[dreg:$0x0] =	wrdreg $0x0  }
0xa8: {  	s5 =	sshll.u32 s28, $0x1;
	[dreg:$0x2] =	wrdreg s3  }
0xa9: {  	[dreg:$0x3] =	wrdreg s5  }
0xaa: {  	[dreg:$0x4] =	wrdreg $0xC0  }
0xab: {  	_ =	task [dreg:s7], $0x5FFFF  }
0xac: {  	[dreg:$0x1] =	wrdreg $0xFFFFFFFF  }
0xad: {  	[dreg:$0x0] =	wrdreg $0x60  }
0xae: {  	[dreg:$0x2] =	wrdreg s24  }
0xaf: {  	[dreg:$0x3] =	wrdreg s2  }
0xb0: {  	[dreg:$0x4] =	wrdreg $0x9  }
0xb1: {  	_ =	task.clear_ibuf [dreg:s7], $0x5FFFF;
	_ =	strace $0x90000046  }
0xb2: {  	s29 =	simm.s32 $0x9;
	_ =	strace $0x8000004F  }
0xb3: {  	_ =	swait.ge [sflag:s29], $0x1  }
0xb4: {  	[sflag:s29] =	ssyncadd.s32 $0xFFFFFFFF  }
0xb5: {  	_ =	strace $0x9000004F  }
0xb6: {  	_ =	sfence  }
0xb7: {  	s30 =	sld [smem:$0x0];
	_ =	sdelay $0x2  }
0xb8: {  	s31 =	sshll.u32 s1, $0xD;
	s1 =	sshrl.u32 s1, $0x2  }
0xb9: {  	s3 =	sand.u32 $0x4000, s31;
	s1 =	sadd.s32 s1, s30  }
0xba: {  	s0 =	sor.u32 s3, s0;
	s1 =	sshll.u32 s1, $0x11  }
0xbb: {  	s0 =	sor.u32 s1, s0  }
0xbc: {  	s0 =	sadd.s32 $0x8F2B, s0  }
0xbd: {  	[sflag:s0] =	ssyncadd.remote.s32 $0x1  }
0xbe: {  	_ =	sfence.sel $0xFFFF  }
0xbf: {  	[dreg:$0x0] =	wrdreg $0xFFFFFFFF;
	(pc) =	sbr.abs _section_cstart, $3  }
0xc0: {  	[dreg:$0x1] =	wrdreg $0xFFFFFFFF  }
0xc1: {  	_ =	task.clear_ibuf [dreg:s7], $0x2FFFF;
	_ =	strace $0x9FFFFFFF  }
0xc2: {  	(tm) =	ssettm $0x7FFFFFFF  }
0xc3: {  	_ =	shalt  }
tec
execute0_lowered:
.L_overlay_start_1:
0x0: {  	(tag) =	ssettag $0x1  }
0x1: {  	s3 =	rddreg [dreg:$0x0]  }
0x2: {  	s0 =	rddreg [dreg:$0x1]  }
0x3: {  	[dreg:$0x5] =	wrdreg s0  }
0x4: {  	s1 =	simm.s32 $0x0;
	s2 =	srdreg.scid;
	s0 =	rddreg [dreg:$0x2]  }
0x5: {  	s8 =	simm.s32 $0x80;
	s9 =	simm.s32 $0x0;
	[smem:$0x7FF] =	sst s1  }
0x6: {  	s4 =	sand.u32 $0x1, s2;
	s5 =	sadd.s32 $0x1C00, s3;
	s2 =	stileid.u32  }
0x7: {  	s3 =	sadd.s32 $0x3D600, s3;
	_ =	strace $0x80000047;
	[dreg:$0x3] =	wrdreg s5  }
0x8: {  	s6 =	sshll.u32 s4, $0x4;
	s4 =	ssub.s32 $0x2, s4;
	[dreg:$0x4] =	wrdreg s8  }
0x9: {  	s8 =	simm.s32 $0x5;
	s30 =	sor.u32 s2, s6;
	s31 =	sshrl.u32 s4, $0x1  }
0xa: {  	s7 =	sshll.u32 s30, $0x8;
	s6 =	ssub.s32 s4, s31;
	s4 =	sshll.u32 s30, $0x4  }
0xb: {  	s5 =	sadd.s32 s3, s7;
	s6 =	smax.u32 s6, $0x1;
	s7 =	simm.s32 $0x1  }
.LBB2_1:
0xc: {  	_ =	strace $0x80000048;
	s12 =	sadd.s32 $0x0, s4;
	s11 =	simm.s32 $0x1  }
0xd: {  	s16 =	simm.s32 $0x1;
	s14 =	sand.u32 $0x1, s1;
	s30 =	simm.s32 $0x0  }
0xe: {  	[tilespmem:s1], [sflag:$0x1] =	stream.linear.gather [hbm4b:s5+s1], $0x80, $0x200038;
	[tilespmem:$0x4100] =	vst v63  }
0xf: {  	p3 =	por $0x1, $0x1;
	s17 =	simm.s32 $0xFFFFFFFF;
	s10 =	sshrl.u32 s12, $0x1F  }
0x10: {  	p4 =	por $0x1, $0x1;
	p0 =	slt.s32 s12, $0x1;
	s15 =	sadd.s32 s10, s12  }
0x11: {  	s13 =	sand.u32 $0x1, s12;
	s17 =	simm.s32 @p4 $0xF;
	s10 =	sand.u32 $0xFFFFFFFE, s15  }
0x12: {  	s31 =	sadd.s32 $0x1, s14;
	_ =	strace $0x90000048;
	p1 =	sne.s32 s12, s10  }
0x13: {  	s17 =	sadd.s32 s4, s17;
	s15 =	sshra.s32 s15, $0x1;
	p1 =	por !p0, !p1  }
0x14: {  	s10 =	simm.s32 $0xF;
	s12 =	sand.u32 $0x80, s30;
	p2 =	por !p1, !p1  }
0x15: {  	s30 =	sshll.u32 s14, $0xD;
	s16 =	simm.s32 @!p2 $0x0;
	p2 =	por $0x0, $0x0  }
0x16: {  	p0 =	por $0x0, $0x0;
	p1 =	por $0x0, $0x0;
	s11 =	simm.s32 @p2 $0x0  }
0x17: {  	s15 =	ssub.s32 s15, s16;
	p2 =	sne.s32 s11, $0x0;
	s18 =	sadd.s32 s4, s11  }
0x18: {  	s16 =	simm.s32 $0x1;
	p3 =	por !p3, !p2;
	s23 =	sshrl.u32 s18, $0x1F  }
0x19: {  	p6 =	slt.s32 s18, $0x1;
	p3 =	por !p3, !p3;
	s23 =	sadd.s32 s23, s18  }
0x1a: {  	s19 =	sand.u32 @p3 $0x1, s7;
	s20 =	sshll.u32 @p3 s18, $0x4;
	s21 =	simm.s32 @p3 $0x0  }
0x1b: {  	_ =	strace @p3 $0x80000049;
	s24 =	sshra.s32 s23, $0x1;
	s20 =	sand.u32 @p3 $0x1FFFFFF0, s20  }
0x1c: {  	s22 =	sshll.u32 @p3 s19, $0x7;
	s19 =	sadd.s32 @p3 $0x1, s19;
	s20 =	sadd.s32 @p3 s3, s20  }
0x1d: {  	[tilespmem:s22], [sflag:s19] =	stream.linear.gather @p3 [hbm4b:s20+s21], $0x80, $0x200038;
	[tilespmem:$0x4100] =	vst v63  }
0x1e: {  	s21 =	sand.u32 $0xFFFFFFFE, s23;
	s22 =	sshrl.u32 s17, $0x1F;
	s19 =	simm.s32 $0x1  }
0x1f: {  	_ =	strace @p3 $0x90000049;
	p5 =	sne.s32 s18, s21;
	s18 =	sand.u32 $0x1, s18  }
0x20: {  	s20 =	sadd.s32 s22, s17;
	s21 =	simm.s32 $0x1;
	_ =	strace $0x8000004A  }
0x21: {  	p4 =	por !p6, !p5;
	p6 =	sne.s32 s13, s18;
	_ =	swait.ge [sflag:s31], $0x80  }
0x22: {  	s28 =	sand.u32 $0xFFFFFFFE, s20;
	p4 =	por !p4, !p4;
	[sflag:s31] =	ssyncset.done $0x0  }
0x23: {  	s21 =	simm.s32 @!p3 $0x0;
	s19 =	simm.s32 @!p4 $0x0;
	[sflag:s31] =	ssyncadd.s32 $0xFFFFFF80  }
0x24: {  	s18 =	sor.u32 $0x100, s30;
	s25 =	ssub.s32 s24, s19;
	_ =	strace $0x9000004A  }
0x25: {  	s31 =	sshra.s32 s20, $0x1;
	p5 =	sne.s32 s15, s25;
	_ =	strace $0x8000004B  }
0x26: {  	p4 =	por p6, p5;
	p5 =	slt.s32 s17, $0x1;
	p6 =	sne.s32 s17, s28  }
0x27: {  	s20 =	simm.s32 $0x1;
	s26 =	rddreg [dreg:$0x3];
	p5 =	por !p5, !p6  }
0x28: {  	s17 =	sand.u32 $0x1, s17;
	s29 =	rddreg [dreg:$0x4];
	p3 =	por !p5, !p5  }
0x29: {  	[tilespmem:s18], [sflag:$0x5] =	stream.indirect.gather [hbm4b:s26+s29], $0x40, s12, s29, $0x2000b8;
	[tilespmem:$0x4100] =	vst v63  }
0x2a: {  	p6 =	sne.s32 s13, s17;
	_ =	swait.ge [sflag:s8], $0x2000;
	s16 =	simm.s32 @!p3 $0x0  }
0x2b: {  	p3 =	por p0, p4;
	p0 =	por p0, p2;
	[sflag:s8] =	ssyncset.done $0x0  }
0x2c: {  	s16 =	ssub.s32 s31, s16;
	s12 =	sshll.u32 @p3 s15, $0xE;
	s19 =	sshll.u32 @p3 s13, $0x6  }
0x2d: {  	s20 =	simm.s32 @!p3 $0x0;
	s14 =	sadd.s32 @p3 $0x3, s14;
	s13 =	sadd.s32 $0x1, s21  }
0x2e: {  	s17 =	simm.s32 @p3 $0x80;
	s21 =	simm.s32 $0x1;
	[sflag:s8] =	ssyncadd.s32 $0xFFFFE000  }
0x2f: {  	s12 =	sor.u32 @p3 s19, s12;
	p5 =	sne.s32 s15, s16;
	s15 =	simm.s32 @p3 $0x40  }
0x30: {  	s21 =	simm.s32 @!p0 $0x0;
	_ =	strace $0x9000004B;
	p4 =	por p6, p5  }
0x31: {  	s19 =	sshrl.u32 @p3 s12, $0x3;
	_ =	strace @p3 $0x8000004C;
	p1 =	por !p1, !p4  }
0x32: {  	s12 =	sadd.s32 $0x0, s20;
	s20 =	rddreg [dreg:$0x5];
	p1 =	por !p1, !p1  }
0x33: {  	s16 =	sadd.s32 @p3 s20, s19;
	s19 =	simm.s32 $0x1;
	s20 =	sand.u32 @p1 $0x1, s1  }
0x34: {  	[hbm4b:s16+s15] =	stream.strided.scatter @p3 [tilespmem:s18], [sflag:s14], $0x2000, s17, s15, $0x200038;
	[tilespmem:$0x4100] =	vst v63  }
0x35: {  	s19 =	simm.s32 @!p1 $0x0;
	s16 =	sadd.s32 @p1 $0x3, s20;
	_ =	strace @p3 $0x9000004C  }
0x36: {  	s15 =	sadd.s32 $0x0, s21;
	s14 =	sadd.s32 $0x0, s19;
	_ =	strace @p1 $0x8000004D  }
.LBB2_2:
0x37: {  	s17 =	sadd.s32 s4, s11;
	_ =	swait.ge @p1 [sflag:s16], $0x2000  }
0x38: {  	s20 =	smov.u32 s10;
	s10 =	sadd.s32 $0xFFFFFFFF, s10;
	s21 =	smov.u32 s11  }
0x39: {  	s11 =	sadd.s32 $0x1, s11;
	s30 =	sshll.u32 s15, $0x7;
	s31 =	sand.u32 $0x1, s15  }
0x3a: {  	s18 =	sshrl.u32 s17, $0x1F;
	p0 =	sne.s32 s10, $0x0;
	[sflag:s16] =	ssyncset.done @p1 $0x0  }
0x3b: {  	p6 =	slt.s32 s17, $0x1;
	p4 =	sne.s32 s20, $0x1;
	s23 =	sadd.s32 $0xFFFFFFFF, s21  }
0x3c: {  	p5 =	seq.s32 s21, $0x0;
	s19 =	simm.s32 @!p0 $0x0;
	s22 =	sadd.s32 s18, s17  }
0x3d: {  	[sflag:s16] =	ssyncadd.s32 @p1 $0xFFFFE000;
	s16 =	sand.u32 $0x1, s17;
	s18 =	sand.u32 $0x80, s30  }
0x3e: {  	s23 =	simm.s32 @p5 $0xF;
	s19 =	simm.s32 @p0 $0x1;
	s29 =	sand.u32 $0xFFFFFFFE, s22  }
0x3f: {  	s22 =	sshra.s32 s22, $0x1;
	s23 =	sadd.s32 s4, s23;
	p2 =	sne.s32 s17, s29  }
0x40: {  	[smem:$0x7FD] =	sst s19;
	s19 =	simm.s32 $0x1;
	p2 =	por !p6, !p2  }
0x41: {  	s17 =	sand.u32 $0x1, s12;
	_ =	strace @p1 $0x9000004D;
	p3 =	por !p2, !p2  }
0x42: {  	p1 =	seq.s32 s20, $0x1;
	s19 =	simm.s32 @!p3 $0x0;
	p3 =	seq.s32 s11, $0x10  }
0x43: {  	p2 =	sne.s32 s20, $0x10;
	s20 =	sadd.s32 $0x1, s31;
	s11 =	simm.s32 @p3 $0x0  }
0x44: {  	s19 =	ssub.s32 s22, s19;
	p3 =	sne.s32 s21, s11;
	s21 =	sadd.s32 s4, s11  }
0x45: {  	p4 =	por !p4, !p3;
	s29 =	sshrl.u32 s21, $0x1F;
	s30 =	sand.u32 $0x1, s21  }
0x46: {  	p0 =	slt.s32 s21, $0x1;
	p4 =	por !p4, !p4;
	s29 =	sadd.s32 s29, s21  }
0x47: {  	s24 =	sand.u32 @p4 $0x1, s13;
	s25 =	sshll.u32 @p4 s21, $0x4;
	s26 =	simm.s32 @p4 $0x0  }
0x48: {  	_ =	strace @p4 $0x80000049;
	s31 =	sshra.s32 s29, $0x1;
	s25 =	sand.u32 @p4 $0x1FFFFFF0, s25  }
0x49: {  	s28 =	sshll.u32 @p4 s24, $0x7;
	s24 =	sadd.s32 @p4 $0x1, s24;
	s25 =	sadd.s32 @p4 s3, s25  }
0x4a: {  	[tilespmem:s28], [sflag:s24] =	stream.linear.gather @p4 [hbm4b:s25+s26], $0x80, $0x200038;
	[tilespmem:$0x4100] =	vst v63  }
0x4b: {  	s26 =	sand.u32 $0xFFFFFFFE, s29;
	s28 =	sshrl.u32 s23, $0x1F;
	s24 =	simm.s32 $0x1  }
0x4c: {  	s29 =	sshll.u32 s17, $0xD;
	s25 =	simm.s32 $0x1;
	_ =	strace @p4 $0x90000049  }
0x4d: {  	p6 =	sne.s32 s21, s26;
	s21 =	sadd.s32 s28, s23;
	s25 =	simm.s32 @!p4 $0x0  }
0x4e: {  	s22 =	sor.u32 $0x100, s29;
	_ =	strace $0x8000004A;
	p5 =	por !p0, !p6  }
0x4f: {  	p0 =	sne.s32 s16, s30;
	_ =	swait.ge [sflag:s20], $0x80;
	p5 =	por !p5, !p5  }
0x50: {  	s26 =	sand.u32 $0xFFFFFFFE, s21;
	[sflag:s20] =	ssyncset.done $0x0;
	s24 =	simm.s32 @!p5 $0x0  }
0x51: {  	s30 =	sshra.s32 s21, $0x1;
	[sflag:s20] =	ssyncadd.s32 $0xFFFFFF80;
	s20 =	ssub.s32 s31, s24  }
0x52: {  	_ =	strace $0x9000004A;
	p6 =	sne.s32 s19, s20;
	s20 =	simm.s32 $0x1  }
0x53: {  	_ =	strace $0x8000004B;
	p5 =	por p0, p6;
	p6 =	slt.s32 s23, $0x1  }
0x54: {  	p0 =	sne.s32 s23, s26;
	s23 =	sand.u32 $0x1, s23;
	s24 =	rddreg [dreg:$0x3]  }
0x55: {  	s28 =	rddreg [dreg:$0x4];
	p0 =	por !p6, !p0;
	p4 =	por p1, p5  }
0x56: {  	[tilespmem:s22], [sflag:$0x5] =	stream.indirect.gather [hbm4b:s24+s28], $0x40, s18, s28, $0x2000b8;
	[tilespmem:$0x4100] =	vst v63  }
0x57: {  	p6 =	sne.s32 s16, s23;
	p0 =	por !p0, !p0;
	s21 =	sshll.u32 @p4 s16, $0x6  }
0x58: {  	s16 =	sadd.s32 @p4 $0x3, s17;
	_ =	swait.ge [sflag:s8], $0x2000;
	s20 =	simm.s32 @!p0 $0x0  }
0x59: {  	[sflag:s8] =	ssyncset.done $0x0;
	s18 =	ssub.s32 s30, s20;
	s20 =	sshll.u32 @p4 s19, $0xE  }
0x5a: {  	s17 =	simm.s32 @p4 $0x40;
	[sflag:s8] =	ssyncadd.s32 $0xFFFFE000;
	s20 =	sor.u32 @p4 s21, s20  }
0x5b: {  	s21 =	simm.s32 $0x1;
	p5 =	sne.s32 s19, s18;
	_ =	strace $0x9000004B  }
0x5c: {  	s21 =	simm.s32 @!p4 $0x0;
	s20 =	sshrl.u32 @p4 s20, $0x3;
	_ =	strace @p4 $0x8000004C  }
0x5d: {  	p0 =	por p6, p5;
	s12 =	sadd.s32 s21, s12;
	s21 =	rddreg [dreg:$0x5]  }
0x5e: {  	s19 =	simm.s32 @p4 $0x80;
	p0 =	por !p2, !p0;
	s18 =	sadd.s32 @p4 s21, s20  }
0x5f: {  	[hbm4b:s18+s17] =	stream.strided.scatter @p4 [tilespmem:s22], [sflag:s16], $0x2000, s19, s17, $0x200038;
	[tilespmem:$0x4100] =	vst v63  }
0x60: {  	p2 =	por p1, p3;
	p1 =	por !p0, !p0;
	_ =	strace @p4 $0x9000004C  }
0x61: {  	_ =	strace @p1 $0x8000004D  }
0x62: {  	s31 =	sld [smem:$0x7FD];
	_ =	sdelay $0x2  }
0x63: {  	p0 =	seq.s32 s31, $0x1  }
.Ltmp0:
0x64: {  	_ = 	snop;
	(pc) =	sbr.rel @p0 .LBB2_2-.Ltmp0, $4  }
0x65: {  	_ = 	snop  }
0x66: {  	s13 =	sadd.s32 s25, s13;
	s23 =	simm.s32 $0x1;
	s21 =	simm.s32 $0x1  }
0x67: {  	s23 =	simm.s32 @!p2 $0x0;
	s20 =	sand.u32 @p1 $0x1, s14;
	s21 =	simm.s32 @!p1 $0x0  }
0x68: {  	s15 =	sadd.s32 s23, s15;
	s16 =	sadd.s32 @p1 $0x3, s20;
	s14 =	sadd.s32 s21, s14  }
0x69: {  	_ =	swait.ge @p1 [sflag:s16], $0x2000  }
0x6a: {  	[sflag:s16] =	ssyncset.done @p1 $0x0  }
0x6b: {  	s9 =	sadd.s32 $0x1, s9;
	[sflag:s16] =	ssyncadd.s32 @p1 $0xFFFFE000  }
0x6c: {  	s10 =	sand.u32 $0x1, s14;
	p0 =	sne.s32 s9, s6;
	_ =	strace @p1 $0x9000004D  }
.Ltmp1:
0x6d: {  	s10 =	sadd.s32 $0x3, s10;
	_ =	strace $0x8000004E;
	(pc) =	sbr.rel @p0 .LBB2_1-.Ltmp1, $4  }
0x6e: {  	_ =	swait.ge [sflag:s10], $0x2000  }
0x6f: {  	[sflag:s10] =	ssyncset.done $0x0  }
0x70: {  	[sflag:s10] =	ssyncadd.s32 $0xFFFFE000  }
0x71: {  	_ =	strace $0x9000004E  }
0x72: {  	_ =	sfence.sel $0x180000  }
0x73: {  	[bflag:$0x0] =	sbarrier.arrive $0xFFFF  }
0x74: {  	p0 =	sne.s32 s2, $0x0;
	_ =	strace $0x90000047  }
0x75: {  	s0 =	sadd.s32 @!p0 $0x100000, s0;
	[bflag:$0x2] =	sbarrier.arrive $0xFFFF  }
0x76: {  	[sflag:s0] =	ssyncadd.tile.s32 @!p0 $0x1;
	_ =	shalt  }
.Lfunc_end2:
_tile_overlayer_lowered:
.L_overlay_start_2:
0x77: {  	(tag) =	ssettag $0x2  }
0x78: {  	s0 =	rddreg [dreg:$0x0];
	s2 =	stileid.u32  }
0x79: {  	s1 =	rddreg [dreg:$0x1];
	p0 =	sne.s32 s2, $0x0  }
0x7a: {  	s3 =	rddreg [dreg:$0x2];
	[bflag:$0x3] =	sbarrier.arrive $0xFFFF;
	s2 =	simm.s32 @!p0 $0x1C01  }
0x7b: {  	[timem:s3], [sflag:s2] =	dma.local @!p0 [hbm:s0], s1  }
0x7c: {  	s0 =	simm.s32 @!p0 $0x1  }
0x7d: {  	_ =	swait.ge @!p0 [sflag:s0], s1  }
0x7e: {  	s1 =	ssub.s32 @!p0 $0x0, s1;
	[sflag:s0] =	ssyncset.done @!p0 $0x0  }
0x7f: {  	[sflag:s0] =	ssyncadd.s32 @!p0 s1  }
0x80: {  	[bflag:$0x3] =	sbarrier.arrive $0xFFFF  }
0x81: {  	_ =	shalt  }

// kernel: kernel.13.cloned.1.call-start
scs
__scs_entry_jumppad:
0x0: {  	(pc) =	sbr.rel $0x88, $3  }
0x1: {  	(tag) =	ssettag $0x0;
	lr =	simm.s32 $0x1  }
0x2: {  	[smem:$0x3F9B] =	sst lr;
	_ =	strace $0xD0000000  }
0x3: {  	_ = 	snop  }
0x4: {  	_ = 	snop  }
0x5: {  	_ = 	snop  }
0x6: {  	_ = 	snop  }
0x7: {  	_ = 	snop  }
__scs_overlays_trampoline_lowered:
0x8: {  	[smem:$0x3FAA] =	sst s0  }
0x9: {  	[smem:$0x3FAB] =	sst s1  }
0xa: {  	[smem:$0x3FAC] =	sst s2  }
0xb: {  	[smem:$0x3FAD] =	sst s3  }
0xc: {  	[smem:$0x3FAE] =	sst s4  }
0xd: {  	[smem:$0x3FAF] =	sst s5  }
0xe: {  	[smem:$0x3FB0] =	sst s6  }
0xf: {  	[smem:$0x3FB1] =	sst s7  }
0x10: {  	[smem:$0x3FB2] =	sst s8  }
0x11: {  	[smem:$0x3FB3] =	sst s9;
	s0 =	simm.s32 @!p0 $0x0  }
0x12: {  	s1 =	sld [smem:$0x3F99];
	s0 =	simm.s32 @p0 $0x1  }
0x13: {  	[smem:$0x3FB4] =	sst s0;
	s0 =	simm.s32 @!p1 $0x0  }
0x14: {  	s2 =	sld [smem:$0x3F98];
	s0 =	simm.s32 @p1 $0x1  }
0x15: {  	[smem:$0x3FB5] =	sst s0;
	s0 =	simm.s32 @!p2 $0x0  }
0x16: {  	s3 =	sld [smem:$0x3FDB];
	s0 =	simm.s32 @p2 $0x1  }
0x17: {  	s4 =	simm.s32 $0x1BF5;
	[smem:$0x3FB7] =	sst s0  }
0x18: {  	s0 =	sld [smem:$0x3F9A];
	_ =	swait.ge [sflag:s4], $0x0  }
0x19: {  	s7 =	sld [smem:$0x3F9B]  }
0x1a: {  	s8 =	sadd.s32 $0xFFFFE003, lr  }
0x1b: {  	s9 =	sadd.s32 $0xFFFFFEF7, lr;
	s5 =	simm.s32 $0xFFFFFFFF;
	p2 =	slt.u32 s8, $0xFFFFF086  }
0x1c: {  	p1 =	slt.u32 s9, $0xF7A;
	s5 =	simm.s32 @!p2 $0x0  }
0x1d: {  	s5 =	simm.s32 @p1 $0x1;
	p0 =	seq.s32 s7, s2  }
0x1e: {  	s7 =	smul.u32 @!p0 $0xF7A, s2;
	p2 =	seq.s32 @!p0 s5, $0x0  }
0x1f: {  	s9 =	smul.u32 $0xF7A, s1;
	s8 =	simm.s32 @!p0 $0x1BF5;
	p2 =	por !p2, p0  }
0x20: {  	[sflag:s8] =	ssyncset.s32 @!p0 $0xFFFFF086;
	s6 =	sadd.s32 @!p0 s3, s7;
	s7 =	simm.s32 @!p0 $0x108  }
0x21: {  	s3 =	sadd.s32 s3, s9;
	s6 =	sadd.s32 @!p0 $0x88, s6;
	s7 =	simm.s32 @p2 $0x1082  }
0x22: {  	[simem:s7], [sflag:s8] =	dma.local @!p0 [hbm:s6], $0xF7A  }
0x23: {  	s9 =	sor.u32 $0xD0000000, s2;
	s6 =	simm.s32 $0x108;
	_ =	swait.ge @!p0 [sflag:s8], $0x0  }
0x24: {  	s3 =	sadd.s32 $0x88, s3;
	s6 =	simm.s32 @!p1 $0x1082;
	[sflag:s4] =	ssyncset.s32 $0xFFFFF086  }
0x25: {  	[simem:s6], [sflag:s4] =	dma.local [hbm:s3], $0xF7A  }
0x26: {  	[smem:$0x3F9B] =	sst s1;
	(tag) =	ssettag s2;
	_ =	strace s9  }
0x27: {  	s1 =	sld [smem:$0x3FAB]  }
0x28: {  	s2 =	sld [smem:$0x3FAC]  }
0x29: {  	s4 =	sld [smem:$0x3FAE]  }
0x2a: {  	p0 =	seq.s32 s5, $0x0;
	s5 =	sld [smem:$0x3FAF]  }
0x2b: {  	s6 =	sld [smem:$0x3FB0]  }
0x2c: {  	s7 =	sld [smem:$0x3FB1]  }
0x2d: {  	s3 =	simm.s32 $0x108;
	s8 =	sld [smem:$0x3FB2]  }
0x2e: {  	s3 =	simm.s32 @!p0 $0x1082;
	s9 =	sld [smem:$0x3FB3]  }
0x2f: {  	lr =	sadd.s32 s0, s3;
	s0 =	sld [smem:$0x3FAA]  }
0x30: {  	s3 =	sld [smem:$0x3FAD]  }
0x31: {  	[smem:$0x3FB6] =	sst s10  }
0x32: {  	s10 =	sld [smem:$0x3FB4];
	_ =	sdelay $0x3  }
0x33: {  	p0 =	seq.s32 s10, $0x1;
	s10 =	sld [smem:$0x3FB6];
	_ =	sdelay $0x3  }
0x34: {  	[smem:$0x3FB6] =	sst s10  }
0x35: {  	s10 =	sld [smem:$0x3FB5];
	_ =	sdelay $0x3  }
0x36: {  	p1 =	seq.s32 s10, $0x1;
	s10 =	sld [smem:$0x3FB6];
	_ =	sdelay $0x3  }
0x37: {  	[smem:$0x3FB6] =	sst s10  }
0x38: {  	s10 =	sld [smem:$0x3FB7]  }
0x39: {  	_ = 	snop;
	(pc) =	sbr.ind lr, $3  }
0x3a: {  	_ = 	snop  }
0x3b: {  	_ = 	snop  }
0x3c: {  	p2 =	seq.s32 s10, $0x1;
	s10 =	sld [smem:$0x3FB6]  }
0x3d: {  	_ =	shalt  }
0x3e: {  	_ =	shalt  }
0x3f: {  	_ =	shalt  }
0x40: {  	_ =	shalt  }
0x41: {  	_ =	shalt  }
0x42: {  	_ =	shalt  }
0x43: {  	_ =	shalt  }
0x44: {  	_ =	shalt  }
0x45: {  	_ =	shalt  }
0x46: {  	_ =	shalt  }
0x47: {  	_ =	shalt  }
0x48: {  	_ =	shalt  }
0x49: {  	_ =	shalt  }
0x4a: {  	_ =	shalt  }
0x4b: {  	_ =	shalt  }
0x4c: {  	_ =	shalt  }
0x4d: {  	_ =	shalt  }
0x4e: {  	_ =	shalt  }
0x4f: {  	_ =	shalt  }
0x50: {  	_ =	shalt  }
0x51: {  	_ =	shalt  }
0x52: {  	_ =	shalt  }
0x53: {  	_ =	shalt  }
0x54: {  	_ =	shalt  }
0x55: {  	_ =	shalt  }
0x56: {  	_ =	shalt  }
0x57: {  	_ =	shalt  }
0x58: {  	_ =	shalt  }
0x59: {  	_ =	shalt  }
0x5a: {  	_ =	shalt  }
0x5b: {  	_ =	shalt  }
0x5c: {  	_ =	shalt  }
0x5d: {  	_ =	shalt  }
0x5e: {  	_ =	shalt  }
0x5f: {  	_ =	shalt  }
0x60: {  	_ =	shalt  }
0x61: {  	_ =	shalt  }
0x62: {  	_ =	shalt  }
0x63: {  	_ =	shalt  }
0x64: {  	_ =	shalt  }
0x65: {  	_ =	shalt  }
0x66: {  	_ =	shalt  }
0x67: {  	_ =	shalt  }
0x68: {  	_ =	shalt  }
0x69: {  	_ =	shalt  }
0x6a: {  	_ =	shalt  }
0x6b: {  	_ =	shalt  }
0x6c: {  	_ =	shalt  }
0x6d: {  	_ =	shalt  }
0x6e: {  	_ =	shalt  }
0x6f: {  	_ =	shalt  }
0x70: {  	_ =	shalt  }
0x71: {  	_ =	shalt  }
0x72: {  	_ =	shalt  }
0x73: {  	_ =	shalt  }
0x74: {  	_ =	shalt  }
0x75: {  	_ =	shalt  }
0x76: {  	_ =	shalt  }
0x77: {  	_ =	shalt  }
0x78: {  	_ =	shalt  }
0x79: {  	_ =	shalt  }
0x7a: {  	_ =	shalt  }
0x7b: {  	_ =	shalt  }
0x7c: {  	_ =	shalt  }
0x7d: {  	_ =	shalt  }
0x7e: {  	_ =	shalt  }
0x7f: {  	_ =	shalt  }
0x80: {  	_ =	shalt  }
0x81: {  	_ =	shalt  }
0x82: {  	_ =	shalt  }
0x83: {  	_ =	shalt  }
0x84: {  	_ =	shalt  }
0x85: {  	_ =	shalt  }
0x86: {  	_ =	shalt  }
0x87: {  	_ =	shalt  }
.Lfunc_end0:
.L_simem_size_0:
called_computation.1_lowered:
.L_overlay_start_0:
0x88: {  	s2 =	sld [smem:$0x3FD9]  }
0x89: {  	s3 =	sld [smem:$0x3FFE];
	_ =	sdelay $0x1  }
0x8a: {  	s1 =	srdreg.scid  }
0x8b: {  	s0 =	sand.u32 $0x1, s1  }
0x8c: {  	s17 =	sshll.u32 s0, $0xA;
	s2 =	sadd.s32 s3, s2  }
0x8d: {  	s2 =	sadd.s32 s2, s17  }
0x8e: {  	[smem:$0x3FC2] =	sst s2  }
0x8f: {  	_ = 	snop  }
0x90: {  	(tm) =	ssettm $0x1  }
0x91: {  	s18 =	sld [smem:$0x3FFB];
	_ =	sdelay $0x3  }
0x92: {  	_ =	strace s18  }
0x93: {  	s2 =	sld [smem:$0x3FFC];
	_ =	sdelay $0x3  }
0x94: {  	_ =	strace s2  }
0x95: {  	s2 =	sld [smem:$0x3FFD];
	_ =	sdelay $0x3  }
0x96: {  	_ =	strace s2  }
0x97: {  	_ =	strace $0x8FFFFFFF  }
0x98: {  	s19 =	sld [smem:$0x3FDB];
	_ =	sdelay $0x1  }
0x99: {  	s20 =	simm.s32 $_scs_section_size  }
0x9a: {  	s4 =	simm.s32 $_size__tile_overlayer_lowered;
	s5 =	simm.s32 $_tile_overlayer_lowered  }
0x9b: {  	s6 =	simm.s32 $0x1BFF;
	s21 =	sshll.u32 s5, $0x1;
	s3 =	sadd.s32 s20, s19  }
0x9c: {  	s22 =	simm.s32 $0x0;
	s4 =	sshll.u32 s4, $0x1;
	s5 =	sadd.s32 s21, s3  }
0x9d: {  	[timem:s22], [sflag:s6] =	dma.local [hbm:s5], s4  }
0x9e: {  	_ =	swait.ge [sflag:s6], s4  }
0x9f: {  	s4 =	ssub.s32 $0x0, s4;
	[sflag:s6] =	ssyncset.done $0x0  }
0xa0: {  	[sflag:s6] =	ssyncadd.s32 s4;
	_ =	sdelay $0x1  }
0xa1: {  	s23 =	simm.s32 $0x1B8B  }
0xa2: {  	_ =	swait.ge [sflag:s23], $0x1  }
0xa3: {  	[sflag:s23] =	ssyncset.done $0x0  }
0xa4: {  	[sflag:s23] =	ssyncadd.s32 $0xFFFFFFFF  }
0xa5: {  	s4 =	sld [smem:$0x0]  }
0xa6: {  	s5 =	sand.u32 $0xFFFFFFFE, s1  }
0xa7: {  	p0 =	sne.s32 s1, s5  }
0xa8: {  	s5 =	sshll.u32 @p0 s5, $0xE  }
0xa9: {  	s5 =	sadd.s32 @p0 $0x11B8D, s5;
	s6 =	sshll.u32 @p0 s4, $0x11  }
0xaa: {  	s5 =	sor.u32 @p0 s6, s5  }
0xab: {  	[sflag:s5] =	ssyncadd.remote.s32 @p0 $0x1;
	_ =	sdelay $0x1  }
0xac: {  	s5 =	simm.s32 @p0 $0x1B8D  }
0xad: {  	_ =	swait.eq @p0 [sflag:s5], $0x1  }
0xae: {  	[sflag:s5] =	ssyncadd.s32 @p0 $0xFFFFFFFF  }
0xaf: {  	s6 =	sshll.u32 @!p0 s1, $0xE  }
0xb0: {  	s6 =	sor.u32 @!p0 $0x4000, s6;
	s5 =	simm.s32 @!p0 $0x1B8D  }
0xb1: {  	s4 =	sshll.u32 @!p0 s4, $0x11;
	s6 =	sadd.s32 @!p0 $0x11B8D, s6;
	_ =	swait.eq @!p0 [sflag:s5], $0x1  }
0xb2: {  	s4 =	sor.u32 @!p0 s4, s6;
	[sflag:s5] =	ssyncadd.s32 @!p0 $0xFFFFFFFF  }
0xb3: {  	s25 =	simm.s32 $0x1B8E;
	s24 =	sld [smem:$0x3FFE];
	[sflag:s4] =	ssyncadd.remote.s32 @!p0 $0x1  }
0xb4: {  	s26 =	simm.s32 $execute0_lowered;
	[smem:$0x3FD2] =	sst s25  }
0xb5: {  	s5 =	sshll.u32 s26, $0x1;
	_ =	strace $0x80000050;
	[dreg:$0x1] =	wrdreg $0xFFFFFFFF  }
0xb6: {  	s28 =	simm.s32 $_size_execute0_lowered;
	s3 =	sadd.s32 s3, s5;
	[dreg:$0x0] =	wrdreg $0x0  }
0xb7: {  	s5 =	sshll.u32 s28, $0x1;
	[dreg:$0x2] =	wrdreg s3  }
0xb8: {  	[dreg:$0x3] =	wrdreg s5  }
0xb9: {  	[dreg:$0x4] =	wrdreg $0xC0  }
0xba: {  	_ =	task [dreg:s22], $0x5FFFF  }
0xbb: {  	[dreg:$0x1] =	wrdreg $0xFFFFFFFF  }
0xbc: {  	[dreg:$0x0] =	wrdreg $0x60  }
0xbd: {  	[dreg:$0x2] =	wrdreg s24  }
0xbe: {  	[dreg:$0x3] =	wrdreg $0xA  }
0xbf: {  	_ =	task.clear_ibuf [dreg:s22], $0x4FFFF;
	_ =	strace $0x90000050  }
0xc0: {  	s29 =	simm.s32 $0xA;
	_ =	strace $0x80000059  }
0xc1: {  	_ =	swait.ge [sflag:s29], $0x1  }
0xc2: {  	[sflag:s29] =	ssyncadd.s32 $0xFFFFFFFF  }
0xc3: {  	_ =	strace $0x90000059  }
0xc4: {  	_ =	sfence  }
0xc5: {  	s30 =	sld [smem:$0x0];
	_ =	sdelay $0x2  }
0xc6: {  	s31 =	sshll.u32 s1, $0xD;
	s1 =	sshrl.u32 s1, $0x2  }
0xc7: {  	s4 =	sand.u32 $0x4000, s31;
	s1 =	sadd.s32 s1, s30  }
0xc8: {  	s0 =	sor.u32 s4, s0;
	s1 =	sshll.u32 s1, $0x11  }
0xc9: {  	s0 =	sor.u32 s1, s0  }
0xca: {  	s0 =	sadd.s32 $0x8F2B, s0  }
0xcb: {  	[sflag:s0] =	ssyncadd.remote.s32 $0x1  }
0xcc: {  	_ =	sfence.sel $0xFFFF  }
0xcd: {  	[dreg:$0x0] =	wrdreg $0xFFFFFFFF;
	(pc) =	sbr.abs _section_cstart, $3  }
0xce: {  	[dreg:$0x1] =	wrdreg $0xFFFFFFFF  }
0xcf: {  	_ =	task.clear_ibuf [dreg:s22], $0x2FFFF;
	_ =	strace $0x9FFFFFFF  }
0xd0: {  	(tm) =	ssettm $0x7FFFFFFF  }
0xd1: {  	_ =	shalt  }
tec
execute0_lowered:
.L_overlay_start_1:
0x0: {  	(tag) =	ssettag $0x1  }
0x1: {  	s3 =	rddreg [dreg:$0x0]  }
0x2: {  	s0 =	rddreg [dreg:$0x1];
	s1 =	simm.s32 $0x0  }
0x3: {  	s2 =	srdreg.scid;
	s8 =	simm.s32 $0x80;
	s9 =	simm.s32 $0x0  }
0x4: {  	[smem:$0x7FF] =	sst s1;
	s4 =	sand.u32 $0x1, s2;
	s5 =	sadd.s32 $0x1C00, s3  }
0x5: {  	s2 =	stileid.u32;
	s30 =	sadd.s32 $0x42600, s3;
	s3 =	sadd.s32 $0x3F600, s3  }
0x6: {  	_ =	strace $0x80000051;
	s6 =	sshll.u32 s4, $0x4;
	[dreg:$0x2] =	wrdreg s5  }
0x7: {  	s4 =	ssub.s32 $0x2, s4;
	[dreg:$0x4] =	wrdreg s30;
	s29 =	sor.u32 s2, s6  }
0x8: {  	[dreg:$0x3] =	wrdreg s8;
	s31 =	sshrl.u32 s4, $0x1;
	s7 =	smul.u32 $0x180, s29  }
0x9: {  	s8 =	simm.s32 $0x5;
	s6 =	ssub.s32 s4, s31;
	s4 =	smul.u32 $0x18, s29  }
0xa: {  	s6 =	smax.u32 s6, $0x1;
	s5 =	sadd.s32 s3, s7;
	s7 =	simm.s32 $0x1  }
.LBB2_1:
0xb: {  	_ =	strace $0x80000052;
	s12 =	sadd.s32 $0x0, s4;
	s11 =	simm.s32 $0x1  }
0xc: {  	s16 =	simm.s32 $0x1;
	s14 =	sand.u32 $0x1, s1;
	s30 =	simm.s32 $0x0  }
0xd: {  	[tilespmem:s1], [sflag:$0x1] =	stream.linear.gather [hbm4b:s5+s1], $0x80, $0x200038;
	[tilespmem:$0x4100] =	vst v63  }
0xe: {  	p3 =	por $0x1, $0x1;
	s17 =	simm.s32 $0xFFFFFFFF;
	s10 =	sshrl.u32 s12, $0x1F  }
0xf: {  	p4 =	por $0x1, $0x1;
	p0 =	slt.s32 s12, $0x1;
	s15 =	sadd.s32 s10, s12  }
0x10: {  	s13 =	sand.u32 $0x1, s12;
	s17 =	simm.s32 @p4 $0x17;
	s10 =	sand.u32 $0xFFFFFFFE, s15  }
0x11: {  	s31 =	sadd.s32 $0x1, s14;
	_ =	strace $0x90000052;
	p1 =	sne.s32 s12, s10  }
0x12: {  	s17 =	sadd.s32 s4, s17;
	s15 =	sshra.s32 s15, $0x1;
	p1 =	por !p0, !p1  }
0x13: {  	s10 =	simm.s32 $0x17;
	s12 =	sand.u32 $0x80, s30;
	p2 =	por !p1, !p1  }
0x14: {  	s30 =	sshll.u32 s14, $0xD;
	s16 =	simm.s32 @!p2 $0x0;
	p2 =	por $0x0, $0x0  }
0x15: {  	p0 =	por $0x0, $0x0;
	p1 =	por $0x0, $0x0;
	s11 =	simm.s32 @p2 $0x0  }
0x16: {  	s15 =	ssub.s32 s15, s16;
	p2 =	sne.s32 s11, $0x0;
	s18 =	sadd.s32 s4, s11  }
0x17: {  	s16 =	simm.s32 $0x1;
	p3 =	por !p3, !p2;
	s23 =	sshrl.u32 s18, $0x1F  }
0x18: {  	p6 =	slt.s32 s18, $0x1;
	p3 =	por !p3, !p3;
	s23 =	sadd.s32 s23, s18  }
0x19: {  	s19 =	sand.u32 @p3 $0x1, s7;
	s20 =	sshll.u32 @p3 s18, $0x4;
	s21 =	simm.s32 @p3 $0x0  }
0x1a: {  	_ =	strace @p3 $0x80000053;
	s24 =	sshra.s32 s23, $0x1;
	s20 =	sand.u32 @p3 $0x1FFFFFF0, s20  }
0x1b: {  	s22 =	sshll.u32 @p3 s19, $0x7;
	s19 =	sadd.s32 @p3 $0x1, s19;
	s20 =	sadd.s32 @p3 s3, s20  }
0x1c: {  	[tilespmem:s22], [sflag:s19] =	stream.linear.gather @p3 [hbm4b:s20+s21], $0x80, $0x200038;
	[tilespmem:$0x4100] =	vst v63  }
0x1d: {  	s21 =	sand.u32 $0xFFFFFFFE, s23;
	s22 =	sshrl.u32 s17, $0x1F;
	s19 =	simm.s32 $0x1  }
0x1e: {  	_ =	strace @p3 $0x90000053;
	p5 =	sne.s32 s18, s21;
	s18 =	sand.u32 $0x1, s18  }
0x1f: {  	s20 =	sadd.s32 s22, s17;
	s21 =	simm.s32 $0x1;
	_ =	strace $0x80000054  }
0x20: {  	p4 =	por !p6, !p5;
	p6 =	sne.s32 s13, s18;
	_ =	swait.ge [sflag:s31], $0x80  }
0x21: {  	s28 =	sand.u32 $0xFFFFFFFE, s20;
	p4 =	por !p4, !p4;
	[sflag:s31] =	ssyncset.done $0x0  }
0x22: {  	s21 =	simm.s32 @!p3 $0x0;
	s19 =	simm.s32 @!p4 $0x0;
	[sflag:s31] =	ssyncadd.s32 $0xFFFFFF80  }
0x23: {  	s18 =	sor.u32 $0x100, s30;
	s25 =	ssub.s32 s24, s19;
	_ =	strace $0x90000054  }
0x24: {  	s31 =	sshra.s32 s20, $0x1;
	p5 =	sne.s32 s15, s25;
	_ =	strace $0x80000055  }
0x25: {  	p4 =	por p6, p5;
	p5 =	slt.s32 s17, $0x1;
	p6 =	sne.s32 s17, s28  }
0x26: {  	s20 =	simm.s32 $0x1;
	s26 =	rddreg [dreg:$0x2];
	p5 =	por !p5, !p6  }
0x27: {  	s17 =	sand.u32 $0x1, s17;
	s29 =	rddreg [dreg:$0x3];
	p3 =	por !p5, !p5  }
0x28: {  	[tilespmem:s18], [sflag:$0x5] =	stream.indirect.gather [hbm4b:s26+s29], $0x40, s12, s29, $0x2000b8;
	[tilespmem:$0x4100] =	vst v63  }
0x29: {  	p6 =	sne.s32 s13, s17;
	_ =	swait.ge [sflag:s8], $0x2000;
	s16 =	simm.s32 @!p3 $0x0  }
0x2a: {  	p3 =	por p0, p4;
	p0 =	por p0, p2;
	[sflag:s8] =	ssyncset.done $0x0  }
0x2b: {  	s16 =	ssub.s32 s31, s16;
	s12 =	sshll.u32 @p3 s15, $0xE;
	s19 =	sshll.u32 @p3 s13, $0x6  }
0x2c: {  	s20 =	simm.s32 @!p3 $0x0;
	s14 =	sadd.s32 @p3 $0x3, s14;
	s13 =	sadd.s32 $0x1, s21  }
0x2d: {  	s17 =	simm.s32 @p3 $0x80;
	s21 =	simm.s32 $0x1;
	[sflag:s8] =	ssyncadd.s32 $0xFFFFE000  }
0x2e: {  	s12 =	sor.u32 @p3 s19, s12;
	p5 =	sne.s32 s15, s16;
	s15 =	simm.s32 @p3 $0x40  }
0x2f: {  	s21 =	simm.s32 @!p0 $0x0;
	_ =	strace $0x90000055;
	p4 =	por p6, p5  }
0x30: {  	s19 =	sshrl.u32 @p3 s12, $0x3;
	_ =	strace @p3 $0x80000056;
	p1 =	por !p1, !p4  }
0x31: {  	s12 =	sadd.s32 $0x0, s20;
	s20 =	rddreg [dreg:$0x4];
	p1 =	por !p1, !p1  }
0x32: {  	s16 =	sadd.s32 @p3 s20, s19;
	s19 =	simm.s32 $0x1;
	s20 =	sand.u32 @p1 $0x1, s1  }
0x33: {  	[hbm4b:s16+s15] =	stream.strided.scatter @p3 [tilespmem:s18], [sflag:s14], $0x2000, s17, s15, $0x200038;
	[tilespmem:$0x4100] =	vst v63  }
0x34: {  	s19 =	simm.s32 @!p1 $0x0;
	s16 =	sadd.s32 @p1 $0x3, s20;
	_ =	strace @p3 $0x90000056  }
0x35: {  	s15 =	sadd.s32 $0x0, s21;
	s14 =	sadd.s32 $0x0, s19;
	_ =	strace @p1 $0x80000057  }
.LBB2_2:
0x36: {  	s17 =	sadd.s32 s4, s11;
	_ =	swait.ge @p1 [sflag:s16], $0x2000  }
0x37: {  	s20 =	smov.u32 s10;
	s10 =	sadd.s32 $0xFFFFFFFF, s10;
	s21 =	smov.u32 s11  }
0x38: {  	s11 =	sadd.s32 $0x1, s11;
	s30 =	sshll.u32 s15, $0x7;
	s31 =	sand.u32 $0x1, s15  }
0x39: {  	s18 =	sshrl.u32 s17, $0x1F;
	p0 =	sne.s32 s10, $0x0;
	[sflag:s16] =	ssyncset.done @p1 $0x0  }
0x3a: {  	p6 =	slt.s32 s17, $0x1;
	p4 =	sne.s32 s20, $0x1;
	s23 =	sadd.s32 $0xFFFFFFFF, s21  }
0x3b: {  	p5 =	seq.s32 s21, $0x0;
	s19 =	simm.s32 @!p0 $0x0;
	s22 =	sadd.s32 s18, s17  }
0x3c: {  	[sflag:s16] =	ssyncadd.s32 @p1 $0xFFFFE000;
	s16 =	sand.u32 $0x1, s17;
	s18 =	sand.u32 $0x80, s30  }
0x3d: {  	s23 =	simm.s32 @p5 $0x17;
	s19 =	simm.s32 @p0 $0x1;
	s29 =	sand.u32 $0xFFFFFFFE, s22  }
0x3e: {  	s22 =	sshra.s32 s22, $0x1;
	s23 =	sadd.s32 s4, s23;
	p2 =	sne.s32 s17, s29  }
0x3f: {  	[smem:$0x7FD] =	sst s19;
	s19 =	simm.s32 $0x1;
	p2 =	por !p6, !p2  }
0x40: {  	s17 =	sand.u32 $0x1, s12;
	_ =	strace @p1 $0x90000057;
	p3 =	por !p2, !p2  }
0x41: {  	p1 =	seq.s32 s20, $0x1;
	s19 =	simm.s32 @!p3 $0x0;
	p3 =	seq.s32 s11, $0x18  }
0x42: {  	p2 =	sne.s32 s20, $0x18;
	s20 =	sadd.s32 $0x1, s31;
	s11 =	simm.s32 @p3 $0x0  }
0x43: {  	s19 =	ssub.s32 s22, s19;
	p3 =	sne.s32 s21, s11;
	s21 =	sadd.s32 s4, s11  }
0x44: {  	p4 =	por !p4, !p3;
	s29 =	sshrl.u32 s21, $0x1F;
	s30 =	sand.u32 $0x1, s21  }
0x45: {  	p0 =	slt.s32 s21, $0x1;
	p4 =	por !p4, !p4;
	s29 =	sadd.s32 s29, s21  }
0x46: {  	s24 =	sand.u32 @p4 $0x1, s13;
	s25 =	sshll.u32 @p4 s21, $0x4;
	s26 =	simm.s32 @p4 $0x0  }
0x47: {  	_ =	strace @p4 $0x80000053;
	s31 =	sshra.s32 s29, $0x1;
	s25 =	sand.u32 @p4 $0x1FFFFFF0, s25  }
0x48: {  	s28 =	sshll.u32 @p4 s24, $0x7;
	s24 =	sadd.s32 @p4 $0x1, s24;
	s25 =	sadd.s32 @p4 s3, s25  }
0x49: {  	[tilespmem:s28], [sflag:s24] =	stream.linear.gather @p4 [hbm4b:s25+s26], $0x80, $0x200038;
	[tilespmem:$0x4100] =	vst v63  }
0x4a: {  	s26 =	sand.u32 $0xFFFFFFFE, s29;
	s28 =	sshrl.u32 s23, $0x1F;
	s24 =	simm.s32 $0x1  }
0x4b: {  	s29 =	sshll.u32 s17, $0xD;
	s25 =	simm.s32 $0x1;
	_ =	strace @p4 $0x90000053  }
0x4c: {  	p6 =	sne.s32 s21, s26;
	s21 =	sadd.s32 s28, s23;
	s25 =	simm.s32 @!p4 $0x0  }
0x4d: {  	s22 =	sor.u32 $0x100, s29;
	_ =	strace $0x80000054;
	p5 =	por !p0, !p6  }
0x4e: {  	p0 =	sne.s32 s16, s30;
	_ =	swait.ge [sflag:s20], $0x80;
	p5 =	por !p5, !p5  }
0x4f: {  	s26 =	sand.u32 $0xFFFFFFFE, s21;
	[sflag:s20] =	ssyncset.done $0x0;
	s24 =	simm.s32 @!p5 $0x0  }
0x50: {  	s30 =	sshra.s32 s21, $0x1;
	[sflag:s20] =	ssyncadd.s32 $0xFFFFFF80;
	s20 =	ssub.s32 s31, s24  }
0x51: {  	_ =	strace $0x90000054;
	p6 =	sne.s32 s19, s20;
	s20 =	simm.s32 $0x1  }
0x52: {  	_ =	strace $0x80000055;
	p5 =	por p0, p6;
	p6 =	slt.s32 s23, $0x1  }
0x53: {  	p0 =	sne.s32 s23, s26;
	s23 =	sand.u32 $0x1, s23;
	s24 =	rddreg [dreg:$0x2]  }
0x54: {  	s28 =	rddreg [dreg:$0x3];
	p0 =	por !p6, !p0;
	p4 =	por p1, p5  }
0x55: {  	[tilespmem:s22], [sflag:$0x5] =	stream.indirect.gather [hbm4b:s24+s28], $0x40, s18, s28, $0x2000b8;
	[tilespmem:$0x4100] =	vst v63  }
0x56: {  	p6 =	sne.s32 s16, s23;
	p0 =	por !p0, !p0;
	s21 =	sshll.u32 @p4 s16, $0x6  }
0x57: {  	s16 =	sadd.s32 @p4 $0x3, s17;
	_ =	swait.ge [sflag:s8], $0x2000;
	s20 =	simm.s32 @!p0 $0x0  }
0x58: {  	[sflag:s8] =	ssyncset.done $0x0;
	s18 =	ssub.s32 s30, s20;
	s20 =	sshll.u32 @p4 s19, $0xE  }
0x59: {  	s17 =	simm.s32 @p4 $0x40;
	[sflag:s8] =	ssyncadd.s32 $0xFFFFE000;
	s20 =	sor.u32 @p4 s21, s20  }
0x5a: {  	s21 =	simm.s32 $0x1;
	p5 =	sne.s32 s19, s18;
	_ =	strace $0x90000055  }
0x5b: {  	s21 =	simm.s32 @!p4 $0x0;
	s20 =	sshrl.u32 @p4 s20, $0x3;
	_ =	strace @p4 $0x80000056  }
0x5c: {  	p0 =	por p6, p5;
	s12 =	sadd.s32 s21, s12;
	s21 =	rddreg [dreg:$0x4]  }
0x5d: {  	s19 =	simm.s32 @p4 $0x80;
	p0 =	por !p2, !p0;
	s18 =	sadd.s32 @p4 s21, s20  }
0x5e: {  	[hbm4b:s18+s17] =	stream.strided.scatter @p4 [tilespmem:s22], [sflag:s16], $0x2000, s19, s17, $0x200038;
	[tilespmem:$0x4100] =	vst v63  }
0x5f: {  	p2 =	por p1, p3;
	p1 =	por !p0, !p0;
	_ =	strace @p4 $0x90000056  }
0x60: {  	_ =	strace @p1 $0x80000057  }
0x61: {  	s31 =	sld [smem:$0x7FD];
	_ =	sdelay $0x2  }
0x62: {  	p0 =	seq.s32 s31, $0x1  }
.Ltmp0:
0x63: {  	_ = 	snop;
	(pc) =	sbr.rel @p0 .LBB2_2-.Ltmp0, $4  }
0x64: {  	_ = 	snop  }
0x65: {  	s13 =	sadd.s32 s25, s13;
	s23 =	simm.s32 $0x1;
	s21 =	simm.s32 $0x1  }
0x66: {  	s23 =	simm.s32 @!p2 $0x0;
	s20 =	sand.u32 @p1 $0x1, s14;
	s21 =	simm.s32 @!p1 $0x0  }
0x67: {  	s15 =	sadd.s32 s23, s15;
	s16 =	sadd.s32 @p1 $0x3, s20;
	s14 =	sadd.s32 s21, s14  }
0x68: {  	_ =	swait.ge @p1 [sflag:s16], $0x2000  }
0x69: {  	[sflag:s16] =	ssyncset.done @p1 $0x0  }
0x6a: {  	s9 =	sadd.s32 $0x1, s9;
	[sflag:s16] =	ssyncadd.s32 @p1 $0xFFFFE000  }
0x6b: {  	s10 =	sand.u32 $0x1, s14;
	p0 =	sne.s32 s9, s6;
	_ =	strace @p1 $0x90000057  }
.Ltmp1:
0x6c: {  	s10 =	sadd.s32 $0x3, s10;
	_ =	strace $0x80000058;
	(pc) =	sbr.rel @p0 .LBB2_1-.Ltmp1, $4  }
0x6d: {  	_ =	swait.ge [sflag:s10], $0x2000  }
0x6e: {  	[sflag:s10] =	ssyncset.done $0x0  }
0x6f: {  	[sflag:s10] =	ssyncadd.s32 $0xFFFFE000  }
0x70: {  	_ =	strace $0x90000058  }
0x71: {  	_ =	sfence.sel $0x180000  }
0x72: {  	[bflag:$0x0] =	sbarrier.arrive $0xFFFF  }
0x73: {  	p0 =	sne.s32 s2, $0x0;
	_ =	strace $0x90000051  }
0x74: {  	s0 =	sadd.s32 @!p0 $0x100000, s0;
	[bflag:$0x2] =	sbarrier.arrive $0xFFFF  }
0x75: {  	[sflag:s0] =	ssyncadd.tile.s32 @!p0 $0x1;
	_ =	shalt  }
.Lfunc_end2:
_tile_overlayer_lowered:
.L_overlay_start_2:
0x76: {  	(tag) =	ssettag $0x2  }
0x77: {  	s0 =	rddreg [dreg:$0x0];
	s2 =	stileid.u32  }
0x78: {  	s1 =	rddreg [dreg:$0x1];
	p0 =	sne.s32 s2, $0x0  }
0x79: {  	s3 =	rddreg [dreg:$0x2];
	[bflag:$0x3] =	sbarrier.arrive $0xFFFF;
	s2 =	simm.s32 @!p0 $0x1C01  }
0x7a: {  	[timem:s3], [sflag:s2] =	dma.local @!p0 [hbm:s0], s1  }
0x7b: {  	s0 =	simm.s32 @!p0 $0x1  }
0x7c: {  	_ =	swait.ge @!p0 [sflag:s0], s1  }
0x7d: {  	s1 =	ssub.s32 @!p0 $0x0, s1;
	[sflag:s0] =	ssyncset.done @!p0 $0x0  }
0x7e: {  	[sflag:s0] =	ssyncadd.s32 @!p0 s1  }
0x7f: {  	[bflag:$0x3] =	sbarrier.arrive $0xFFFF  }
0x80: {  	_ =	shalt  }

// kernel: kernel.16.cloned.1.call-start
scs
__scs_entry_jumppad:
0x0: {  	(pc) =	sbr.rel $0x88, $3  }
0x1: {  	(tag) =	ssettag $0x0;
	lr =	simm.s32 $0x1  }
0x2: {  	[smem:$0x3F9B] =	sst lr;
	_ =	strace $0xD0000000  }
0x3: {  	_ = 	snop  }
0x4: {  	_ = 	snop  }
0x5: {  	_ = 	snop  }
0x6: {  	_ = 	snop  }
0x7: {  	_ = 	snop  }
__scs_overlays_trampoline_lowered:
0x8: {  	[smem:$0x3FAA] =	sst s0  }
0x9: {  	[smem:$0x3FAB] =	sst s1  }
0xa: {  	[smem:$0x3FAC] =	sst s2  }
0xb: {  	[smem:$0x3FAD] =	sst s3  }
0xc: {  	[smem:$0x3FAE] =	sst s4  }
0xd: {  	[smem:$0x3FAF] =	sst s5  }
0xe: {  	[smem:$0x3FB0] =	sst s6  }
0xf: {  	[smem:$0x3FB1] =	sst s7  }
0x10: {  	[smem:$0x3FB2] =	sst s8  }
0x11: {  	[smem:$0x3FB3] =	sst s9;
	s0 =	simm.s32 @!p0 $0x0  }
0x12: {  	s1 =	sld [smem:$0x3F99];
	s0 =	simm.s32 @p0 $0x1  }
0x13: {  	[smem:$0x3FB4] =	sst s0;
	s0 =	simm.s32 @!p1 $0x0  }
0x14: {  	s2 =	sld [smem:$0x3F98];
	s0 =	simm.s32 @p1 $0x1  }
0x15: {  	[smem:$0x3FB5] =	sst s0;
	s0 =	simm.s32 @!p2 $0x0  }
0x16: {  	s3 =	sld [smem:$0x3FDB];
	s0 =	simm.s32 @p2 $0x1  }
0x17: {  	s4 =	simm.s32 $0x1BF5;
	[smem:$0x3FB7] =	sst s0  }
0x18: {  	s0 =	sld [smem:$0x3F9A];
	_ =	swait.ge [sflag:s4], $0x0  }
0x19: {  	s7 =	sld [smem:$0x3F9B]  }
0x1a: {  	s8 =	sadd.s32 $0xFFFFE003, lr  }
0x1b: {  	s9 =	sadd.s32 $0xFFFFFEF7, lr;
	s5 =	simm.s32 $0xFFFFFFFF;
	p2 =	slt.u32 s8, $0xFFFFF086  }
0x1c: {  	p1 =	slt.u32 s9, $0xF7A;
	s5 =	simm.s32 @!p2 $0x0  }
0x1d: {  	s5 =	simm.s32 @p1 $0x1;
	p0 =	seq.s32 s7, s2  }
0x1e: {  	s7 =	smul.u32 @!p0 $0xF7A, s2;
	p2 =	seq.s32 @!p0 s5, $0x0  }
0x1f: {  	s9 =	smul.u32 $0xF7A, s1;
	s8 =	simm.s32 @!p0 $0x1BF5;
	p2 =	por !p2, p0  }
0x20: {  	[sflag:s8] =	ssyncset.s32 @!p0 $0xFFFFF086;
	s6 =	sadd.s32 @!p0 s3, s7;
	s7 =	simm.s32 @!p0 $0x108  }
0x21: {  	s3 =	sadd.s32 s3, s9;
	s6 =	sadd.s32 @!p0 $0x88, s6;
	s7 =	simm.s32 @p2 $0x1082  }
0x22: {  	[simem:s7], [sflag:s8] =	dma.local @!p0 [hbm:s6], $0xF7A  }
0x23: {  	s9 =	sor.u32 $0xD0000000, s2;
	s6 =	simm.s32 $0x108;
	_ =	swait.ge @!p0 [sflag:s8], $0x0  }
0x24: {  	s3 =	sadd.s32 $0x88, s3;
	s6 =	simm.s32 @!p1 $0x1082;
	[sflag:s4] =	ssyncset.s32 $0xFFFFF086  }
0x25: {  	[simem:s6], [sflag:s4] =	dma.local [hbm:s3], $0xF7A  }
0x26: {  	[smem:$0x3F9B] =	sst s1;
	(tag) =	ssettag s2;
	_ =	strace s9  }
0x27: {  	s1 =	sld [smem:$0x3FAB]  }
0x28: {  	s2 =	sld [smem:$0x3FAC]  }
0x29: {  	s4 =	sld [smem:$0x3FAE]  }
0x2a: {  	p0 =	seq.s32 s5, $0x0;
	s5 =	sld [smem:$0x3FAF]  }
0x2b: {  	s6 =	sld [smem:$0x3FB0]  }
0x2c: {  	s7 =	sld [smem:$0x3FB1]  }
0x2d: {  	s3 =	simm.s32 $0x108;
	s8 =	sld [smem:$0x3FB2]  }
0x2e: {  	s3 =	simm.s32 @!p0 $0x1082;
	s9 =	sld [smem:$0x3FB3]  }
0x2f: {  	lr =	sadd.s32 s0, s3;
	s0 =	sld [smem:$0x3FAA]  }
0x30: {  	s3 =	sld [smem:$0x3FAD]  }
0x31: {  	[smem:$0x3FB6] =	sst s10  }
0x32: {  	s10 =	sld [smem:$0x3FB4];
	_ =	sdelay $0x3  }
0x33: {  	p0 =	seq.s32 s10, $0x1;
	s10 =	sld [smem:$0x3FB6];
	_ =	sdelay $0x3  }
0x34: {  	[smem:$0x3FB6] =	sst s10  }
0x35: {  	s10 =	sld [smem:$0x3FB5];
	_ =	sdelay $0x3  }
0x36: {  	p1 =	seq.s32 s10, $0x1;
	s10 =	sld [smem:$0x3FB6];
	_ =	sdelay $0x3  }
0x37: {  	[smem:$0x3FB6] =	sst s10  }
0x38: {  	s10 =	sld [smem:$0x3FB7]  }
0x39: {  	_ = 	snop;
	(pc) =	sbr.ind lr, $3  }
0x3a: {  	_ = 	snop  }
0x3b: {  	_ = 	snop  }
0x3c: {  	p2 =	seq.s32 s10, $0x1;
	s10 =	sld [smem:$0x3FB6]  }
0x3d: {  	_ =	shalt  }
0x3e: {  	_ =	shalt  }
0x3f: {  	_ =	shalt  }
0x40: {  	_ =	shalt  }
0x41: {  	_ =	shalt  }
0x42: {  	_ =	shalt  }
0x43: {  	_ =	shalt  }
0x44: {  	_ =	shalt  }
0x45: {  	_ =	shalt  }
0x46: {  	_ =	shalt  }
0x47: {  	_ =	shalt  }
0x48: {  	_ =	shalt  }
0x49: {  	_ =	shalt  }
0x4a: {  	_ =	shalt  }
0x4b: {  	_ =	shalt  }
0x4c: {  	_ =	shalt  }
0x4d: {  	_ =	shalt  }
0x4e: {  	_ =	shalt  }
0x4f: {  	_ =	shalt  }
0x50: {  	_ =	shalt  }
0x51: {  	_ =	shalt  }
0x52: {  	_ =	shalt  }
0x53: {  	_ =	shalt  }
0x54: {  	_ =	shalt  }
0x55: {  	_ =	shalt  }
0x56: {  	_ =	shalt  }
0x57: {  	_ =	shalt  }
0x58: {  	_ =	shalt  }
0x59: {  	_ =	shalt  }
0x5a: {  	_ =	shalt  }
0x5b: {  	_ =	shalt  }
0x5c: {  	_ =	shalt  }
0x5d: {  	_ =	shalt  }
0x5e: {  	_ =	shalt  }
0x5f: {  	_ =	shalt  }
0x60: {  	_ =	shalt  }
0x61: {  	_ =	shalt  }
0x62: {  	_ =	shalt  }
0x63: {  	_ =	shalt  }
0x64: {  	_ =	shalt  }
0x65: {  	_ =	shalt  }
0x66: {  	_ =	shalt  }
0x67: {  	_ =	shalt  }
0x68: {  	_ =	shalt  }
0x69: {  	_ =	shalt  }
0x6a: {  	_ =	shalt  }
0x6b: {  	_ =	shalt  }
0x6c: {  	_ =	shalt  }
0x6d: {  	_ =	shalt  }
0x6e: {  	_ =	shalt  }
0x6f: {  	_ =	shalt  }
0x70: {  	_ =	shalt  }
0x71: {  	_ =	shalt  }
0x72: {  	_ =	shalt  }
0x73: {  	_ =	shalt  }
0x74: {  	_ =	shalt  }
0x75: {  	_ =	shalt  }
0x76: {  	_ =	shalt  }
0x77: {  	_ =	shalt  }
0x78: {  	_ =	shalt  }
0x79: {  	_ =	shalt  }
0x7a: {  	_ =	shalt  }
0x7b: {  	_ =	shalt  }
0x7c: {  	_ =	shalt  }
0x7d: {  	_ =	shalt  }
0x7e: {  	_ =	shalt  }
0x7f: {  	_ =	shalt  }
0x80: {  	_ =	shalt  }
0x81: {  	_ =	shalt  }
0x82: {  	_ =	shalt  }
0x83: {  	_ =	shalt  }
0x84: {  	_ =	shalt  }
0x85: {  	_ =	shalt  }
0x86: {  	_ =	shalt  }
0x87: {  	_ =	shalt  }
.Lfunc_end0:
.L_simem_size_0:
called_computation.2_lowered:
.L_overlay_start_0:
0x88: {  	s2 =	sld [smem:$0x3FD9]  }
0x89: {  	s3 =	sld [smem:$0x3FFE];
	_ =	sdelay $0x1  }
0x8a: {  	s1 =	srdreg.scid  }
0x8b: {  	s0 =	sand.u32 $0x1, s1  }
0x8c: {  	s17 =	sshll.u32 s0, $0xA;
	s2 =	sadd.s32 s3, s2  }
0x8d: {  	s2 =	sadd.s32 s2, s17  }
0x8e: {  	[smem:$0x3FC2] =	sst s2  }
0x8f: {  	_ = 	snop  }
0x90: {  	(tm) =	ssettm $0x1  }
0x91: {  	s18 =	sld [smem:$0x3FFB];
	_ =	sdelay $0x3  }
0x92: {  	_ =	strace s18  }
0x93: {  	s2 =	sld [smem:$0x3FFC];
	_ =	sdelay $0x3  }
0x94: {  	_ =	strace s2  }
0x95: {  	s2 =	sld [smem:$0x3FFD];
	_ =	sdelay $0x3  }
0x96: {  	_ =	strace s2  }
0x97: {  	_ =	strace $0x8FFFFFFF  }
0x98: {  	s19 =	sld [smem:$0x3FDB];
	_ =	sdelay $0x1  }
0x99: {  	s20 =	simm.s32 $_scs_section_size  }
0x9a: {  	s4 =	simm.s32 $_size__tile_overlayer_lowered;
	s5 =	simm.s32 $_tile_overlayer_lowered  }
0x9b: {  	s6 =	simm.s32 $0x1BFF;
	s21 =	sshll.u32 s5, $0x1;
	s3 =	sadd.s32 s20, s19  }
0x9c: {  	s22 =	simm.s32 $0x0;
	s4 =	sshll.u32 s4, $0x1;
	s5 =	sadd.s32 s21, s3  }
0x9d: {  	[timem:s22], [sflag:s6] =	dma.local [hbm:s5], s4  }
0x9e: {  	_ =	swait.ge [sflag:s6], s4  }
0x9f: {  	s4 =	ssub.s32 $0x0, s4;
	[sflag:s6] =	ssyncset.done $0x0  }
0xa0: {  	[sflag:s6] =	ssyncadd.s32 s4;
	_ =	sdelay $0x1  }
0xa1: {  	s23 =	simm.s32 $0x1B8B  }
0xa2: {  	_ =	swait.ge [sflag:s23], $0x1  }
0xa3: {  	[sflag:s23] =	ssyncset.done $0x0  }
0xa4: {  	[sflag:s23] =	ssyncadd.s32 $0xFFFFFFFF  }
0xa5: {  	s4 =	sld [smem:$0x0]  }
0xa6: {  	s5 =	sand.u32 $0xFFFFFFFE, s1  }
0xa7: {  	p0 =	sne.s32 s1, s5  }
0xa8: {  	s5 =	sshll.u32 @p0 s5, $0xE  }
0xa9: {  	s5 =	sadd.s32 @p0 $0x11B8D, s5;
	s6 =	sshll.u32 @p0 s4, $0x11  }
0xaa: {  	s5 =	sor.u32 @p0 s6, s5  }
0xab: {  	[sflag:s5] =	ssyncadd.remote.s32 @p0 $0x1;
	_ =	sdelay $0x1  }
0xac: {  	s5 =	simm.s32 @p0 $0x1B8D  }
0xad: {  	_ =	swait.eq @p0 [sflag:s5], $0x1  }
0xae: {  	[sflag:s5] =	ssyncadd.s32 @p0 $0xFFFFFFFF  }
0xaf: {  	s6 =	sshll.u32 @!p0 s1, $0xE  }
0xb0: {  	s6 =	sor.u32 @!p0 $0x4000, s6;
	s5 =	simm.s32 @!p0 $0x1B8D  }
0xb1: {  	s4 =	sshll.u32 @!p0 s4, $0x11;
	s6 =	sadd.s32 @!p0 $0x11B8D, s6;
	_ =	swait.eq @!p0 [sflag:s5], $0x1  }
0xb2: {  	s4 =	sor.u32 @!p0 s4, s6;
	[sflag:s5] =	ssyncadd.s32 @!p0 $0xFFFFFFFF  }
0xb3: {  	s25 =	simm.s32 $0x1B8E;
	s24 =	sld [smem:$0x3FFE];
	[sflag:s4] =	ssyncadd.remote.s32 @!p0 $0x1  }
0xb4: {  	s26 =	simm.s32 $execute0_lowered;
	[smem:$0x3FD2] =	sst s25  }
0xb5: {  	s5 =	sshll.u32 s26, $0x1;
	_ =	strace $0x8000005A;
	[dreg:$0x1] =	wrdreg $0xFFFFFFFF  }
0xb6: {  	s28 =	simm.s32 $_size_execute0_lowered;
	s3 =	sadd.s32 s3, s5;
	[dreg:$0x0] =	wrdreg $0x0  }
0xb7: {  	s5 =	sshll.u32 s28, $0x1;
	[dreg:$0x2] =	wrdreg s3  }
0xb8: {  	[dreg:$0x3] =	wrdreg s5  }
0xb9: {  	[dreg:$0x4] =	wrdreg $0xC0  }
0xba: {  	_ =	task [dreg:s22], $0x5FFFF  }
0xbb: {  	[dreg:$0x1] =	wrdreg $0xFFFFFFFF  }
0xbc: {  	[dreg:$0x0] =	wrdreg $0x60  }
0xbd: {  	[dreg:$0x2] =	wrdreg s24  }
0xbe: {  	[dreg:$0x3] =	wrdreg $0xB  }
0xbf: {  	_ =	task.clear_ibuf [dreg:s22], $0x4FFFF;
	_ =	strace $0x9000005A  }
0xc0: {  	s29 =	simm.s32 $0xB;
	_ =	strace $0x80000063  }
0xc1: {  	_ =	swait.ge [sflag:s29], $0x1  }
0xc2: {  	[sflag:s29] =	ssyncadd.s32 $0xFFFFFFFF  }
0xc3: {  	_ =	strace $0x90000063  }
0xc4: {  	_ =	sfence  }
0xc5: {  	s30 =	sld [smem:$0x0];
	_ =	sdelay $0x2  }
0xc6: {  	s31 =	sshll.u32 s1, $0xD;
	s1 =	sshrl.u32 s1, $0x2  }
0xc7: {  	s4 =	sand.u32 $0x4000, s31;
	s1 =	sadd.s32 s1, s30  }
0xc8: {  	s0 =	sor.u32 s4, s0;
	s1 =	sshll.u32 s1, $0x11  }
0xc9: {  	s0 =	sor.u32 s1, s0  }
0xca: {  	s0 =	sadd.s32 $0x8F2B, s0  }
0xcb: {  	[sflag:s0] =	ssyncadd.remote.s32 $0x1  }
0xcc: {  	_ =	sfence.sel $0xFFFF  }
0xcd: {  	[dreg:$0x0] =	wrdreg $0xFFFFFFFF;
	(pc) =	sbr.abs _section_cstart, $3  }
0xce: {  	[dreg:$0x1] =	wrdreg $0xFFFFFFFF  }
0xcf: {  	_ =	task.clear_ibuf [dreg:s22], $0x2FFFF;
	_ =	strace $0x9FFFFFFF  }
0xd0: {  	(tm) =	ssettm $0x7FFFFFFF  }
0xd1: {  	_ =	shalt  }
tec
execute0_lowered:
.L_overlay_start_1:
0x0: {  	(tag) =	ssettag $0x1  }
0x1: {  	s3 =	rddreg [dreg:$0x0]  }
0x2: {  	s0 =	rddreg [dreg:$0x1];
	s1 =	simm.s32 $0x0  }
0x3: {  	s2 =	srdreg.scid;
	s8 =	simm.s32 $0x80;
	s9 =	simm.s32 $0x0  }
0x4: {  	[smem:$0x7FF] =	sst s1;
	s4 =	sand.u32 $0x1, s2;
	s5 =	sadd.s32 $0x1C00, s3  }
0x5: {  	s2 =	stileid.u32;
	s30 =	sadd.s32 $0x106E00, s3;
	s3 =	sadd.s32 $0x102600, s3  }
0x6: {  	_ =	strace $0x8000005B;
	s6 =	sshll.u32 s4, $0x4;
	[dreg:$0x2] =	wrdreg s5  }
0x7: {  	s4 =	ssub.s32 $0x2, s4;
	[dreg:$0x4] =	wrdreg s30;
	s29 =	sor.u32 s2, s6  }
0x8: {  	[dreg:$0x3] =	wrdreg s8;
	s31 =	sshrl.u32 s4, $0x1;
	s7 =	smul.u32 $0x240, s29  }
0x9: {  	s8 =	simm.s32 $0x5;
	s6 =	ssub.s32 s4, s31;
	s4 =	smul.u32 $0x24, s29  }
0xa: {  	s6 =	smax.u32 s6, $0x1;
	s5 =	sadd.s32 s3, s7;
	s7 =	simm.s32 $0x1  }
.LBB2_1:
0xb: {  	_ =	strace $0x8000005C;
	s12 =	sadd.s32 $0x0, s4;
	s11 =	simm.s32 $0x1  }
0xc: {  	s16 =	simm.s32 $0x1;
	s14 =	sand.u32 $0x1, s1;
	s30 =	simm.s32 $0x0  }
0xd: {  	[tilespmem:s1], [sflag:$0x1] =	stream.linear.gather [hbm4b:s5+s1], $0x80, $0x200038;
	[tilespmem:$0x4100] =	vst v63  }
0xe: {  	p3 =	por $0x1, $0x1;
	s17 =	simm.s32 $0xFFFFFFFF;
	s10 =	sshrl.u32 s12, $0x1F  }
0xf: {  	p4 =	por $0x1, $0x1;
	p0 =	slt.s32 s12, $0x1;
	s15 =	sadd.s32 s10, s12  }
0x10: {  	s13 =	sand.u32 $0x1, s12;
	s17 =	simm.s32 @p4 $0x23;
	s10 =	sand.u32 $0xFFFFFFFE, s15  }
0x11: {  	s31 =	sadd.s32 $0x1, s14;
	_ =	strace $0x9000005C;
	p1 =	sne.s32 s12, s10  }
0x12: {  	s17 =	sadd.s32 s4, s17;
	s15 =	sshra.s32 s15, $0x1;
	p1 =	por !p0, !p1  }
0x13: {  	s10 =	simm.s32 $0x23;
	s12 =	sand.u32 $0x80, s30;
	p2 =	por !p1, !p1  }
0x14: {  	s30 =	sshll.u32 s14, $0xD;
	s16 =	simm.s32 @!p2 $0x0;
	p2 =	por $0x0, $0x0  }
0x15: {  	p0 =	por $0x0, $0x0;
	p1 =	por $0x0, $0x0;
	s11 =	simm.s32 @p2 $0x0  }
0x16: {  	s15 =	ssub.s32 s15, s16;
	p2 =	sne.s32 s11, $0x0;
	s18 =	sadd.s32 s4, s11  }
0x17: {  	s16 =	simm.s32 $0x1;
	p3 =	por !p3, !p2;
	s23 =	sshrl.u32 s18, $0x1F  }
0x18: {  	p6 =	slt.s32 s18, $0x1;
	p3 =	por !p3, !p3;
	s23 =	sadd.s32 s23, s18  }
0x19: {  	s19 =	sand.u32 @p3 $0x1, s7;
	s20 =	sshll.u32 @p3 s18, $0x4;
	s21 =	simm.s32 @p3 $0x0  }
0x1a: {  	_ =	strace @p3 $0x8000005D;
	s24 =	sshra.s32 s23, $0x1;
	s20 =	sand.u32 @p3 $0x1FFFFFF0, s20  }
0x1b: {  	s22 =	sshll.u32 @p3 s19, $0x7;
	s19 =	sadd.s32 @p3 $0x1, s19;
	s20 =	sadd.s32 @p3 s3, s20  }
0x1c: {  	[tilespmem:s22], [sflag:s19] =	stream.linear.gather @p3 [hbm4b:s20+s21], $0x80, $0x200038;
	[tilespmem:$0x4100] =	vst v63  }
0x1d: {  	s21 =	sand.u32 $0xFFFFFFFE, s23;
	s22 =	sshrl.u32 s17, $0x1F;
	s19 =	simm.s32 $0x1  }
0x1e: {  	_ =	strace @p3 $0x9000005D;
	p5 =	sne.s32 s18, s21;
	s18 =	sand.u32 $0x1, s18  }
0x1f: {  	s20 =	sadd.s32 s22, s17;
	s21 =	simm.s32 $0x1;
	_ =	strace $0x8000005E  }
0x20: {  	p4 =	por !p6, !p5;
	p6 =	sne.s32 s13, s18;
	_ =	swait.ge [sflag:s31], $0x80  }
0x21: {  	s28 =	sand.u32 $0xFFFFFFFE, s20;
	p4 =	por !p4, !p4;
	[sflag:s31] =	ssyncset.done $0x0  }
0x22: {  	s21 =	simm.s32 @!p3 $0x0;
	s19 =	simm.s32 @!p4 $0x0;
	[sflag:s31] =	ssyncadd.s32 $0xFFFFFF80  }
0x23: {  	s18 =	sor.u32 $0x100, s30;
	s25 =	ssub.s32 s24, s19;
	_ =	strace $0x9000005E  }
0x24: {  	s31 =	sshra.s32 s20, $0x1;
	p5 =	sne.s32 s15, s25;
	_ =	strace $0x8000005F  }
0x25: {  	p4 =	por p6, p5;
	p5 =	slt.s32 s17, $0x1;
	p6 =	sne.s32 s17, s28  }
0x26: {  	s20 =	simm.s32 $0x1;
	s26 =	rddreg [dreg:$0x2];
	p5 =	por !p5, !p6  }
0x27: {  	s17 =	sand.u32 $0x1, s17;
	s29 =	rddreg [dreg:$0x3];
	p3 =	por !p5, !p5  }
0x28: {  	[tilespmem:s18], [sflag:$0x5] =	stream.indirect.gather [hbm4b:s26+s29], $0x40, s12, s29, $0x2000b8;
	[tilespmem:$0x4100] =	vst v63  }
0x29: {  	p6 =	sne.s32 s13, s17;
	_ =	swait.ge [sflag:s8], $0x2000;
	s16 =	simm.s32 @!p3 $0x0  }
0x2a: {  	p3 =	por p0, p4;
	p0 =	por p0, p2;
	[sflag:s8] =	ssyncset.done $0x0  }
0x2b: {  	s16 =	ssub.s32 s31, s16;
	s12 =	sshll.u32 @p3 s15, $0xE;
	s19 =	sshll.u32 @p3 s13, $0x6  }
0x2c: {  	s20 =	simm.s32 @!p3 $0x0;
	s14 =	sadd.s32 @p3 $0x3, s14;
	s13 =	sadd.s32 $0x1, s21  }
0x2d: {  	s17 =	simm.s32 @p3 $0x80;
	s21 =	simm.s32 $0x1;
	[sflag:s8] =	ssyncadd.s32 $0xFFFFE000  }
0x2e: {  	s12 =	sor.u32 @p3 s19, s12;
	p5 =	sne.s32 s15, s16;
	s15 =	simm.s32 @p3 $0x40  }
0x2f: {  	s21 =	simm.s32 @!p0 $0x0;
	_ =	strace $0x9000005F;
	p4 =	por p6, p5  }
0x30: {  	s19 =	sshrl.u32 @p3 s12, $0x3;
	_ =	strace @p3 $0x80000060;
	p1 =	por !p1, !p4  }
0x31: {  	s12 =	sadd.s32 $0x0, s20;
	s20 =	rddreg [dreg:$0x4];
	p1 =	por !p1, !p1  }
0x32: {  	s16 =	sadd.s32 @p3 s20, s19;
	s19 =	simm.s32 $0x1;
	s20 =	sand.u32 @p1 $0x1, s1  }
0x33: {  	[hbm4b:s16+s15] =	stream.strided.scatter @p3 [tilespmem:s18], [sflag:s14], $0x2000, s17, s15, $0x200038;
	[tilespmem:$0x4100] =	vst v63  }
0x34: {  	s19 =	simm.s32 @!p1 $0x0;
	s16 =	sadd.s32 @p1 $0x3, s20;
	_ =	strace @p3 $0x90000060  }
0x35: {  	s15 =	sadd.s32 $0x0, s21;
	s14 =	sadd.s32 $0x0, s19;
	_ =	strace @p1 $0x80000061  }
.LBB2_2:
0x36: {  	s17 =	sadd.s32 s4, s11;
	_ =	swait.ge @p1 [sflag:s16], $0x2000  }
0x37: {  	s20 =	smov.u32 s10;
	s10 =	sadd.s32 $0xFFFFFFFF, s10;
	s21 =	smov.u32 s11  }
0x38: {  	s11 =	sadd.s32 $0x1, s11;
	s30 =	sshll.u32 s15, $0x7;
	s31 =	sand.u32 $0x1, s15  }
0x39: {  	s18 =	sshrl.u32 s17, $0x1F;
	p0 =	sne.s32 s10, $0x0;
	[sflag:s16] =	ssyncset.done @p1 $0x0  }
0x3a: {  	p6 =	slt.s32 s17, $0x1;
	p4 =	sne.s32 s20, $0x1;
	s23 =	sadd.s32 $0xFFFFFFFF, s21  }
0x3b: {  	p5 =	seq.s32 s21, $0x0;
	s19 =	simm.s32 @!p0 $0x0;
	s22 =	sadd.s32 s18, s17  }
0x3c: {  	[sflag:s16] =	ssyncadd.s32 @p1 $0xFFFFE000;
	s16 =	sand.u32 $0x1, s17;
	s18 =	sand.u32 $0x80, s30  }
0x3d: {  	s23 =	simm.s32 @p5 $0x23;
	s19 =	simm.s32 @p0 $0x1;
	s29 =	sand.u32 $0xFFFFFFFE, s22  }
0x3e: {  	s22 =	sshra.s32 s22, $0x1;
	s23 =	sadd.s32 s4, s23;
	p2 =	sne.s32 s17, s29  }
0x3f: {  	[smem:$0x7FD] =	sst s19;
	s19 =	simm.s32 $0x1;
	p2 =	por !p6, !p2  }
0x40: {  	s17 =	sand.u32 $0x1, s12;
	_ =	strace @p1 $0x90000061;
	p3 =	por !p2, !p2  }
0x41: {  	p1 =	seq.s32 s20, $0x1;
	s19 =	simm.s32 @!p3 $0x0;
	p3 =	seq.s32 s11, $0x24  }
0x42: {  	p2 =	sne.s32 s20, $0x24;
	s20 =	sadd.s32 $0x1, s31;
	s11 =	simm.s32 @p3 $0x0  }
0x43: {  	s19 =	ssub.s32 s22, s19;
	p3 =	sne.s32 s21, s11;
	s21 =	sadd.s32 s4, s11  }
0x44: {  	p4 =	por !p4, !p3;
	s29 =	sshrl.u32 s21, $0x1F;
	s30 =	sand.u32 $0x1, s21  }
0x45: {  	p0 =	slt.s32 s21, $0x1;
	p4 =	por !p4, !p4;
	s29 =	sadd.s32 s29, s21  }
0x46: {  	s24 =	sand.u32 @p4 $0x1, s13;
	s25 =	sshll.u32 @p4 s21, $0x4;
	s26 =	simm.s32 @p4 $0x0  }
0x47: {  	_ =	strace @p4 $0x8000005D;
	s31 =	sshra.s32 s29, $0x1;
	s25 =	sand.u32 @p4 $0x1FFFFFF0, s25  }
0x48: {  	s28 =	sshll.u32 @p4 s24, $0x7;
	s24 =	sadd.s32 @p4 $0x1, s24;
	s25 =	sadd.s32 @p4 s3, s25  }
0x49: {  	[tilespmem:s28], [sflag:s24] =	stream.linear.gather @p4 [hbm4b:s25+s26], $0x80, $0x200038;
	[tilespmem:$0x4100] =	vst v63  }
0x4a: {  	s26 =	sand.u32 $0xFFFFFFFE, s29;
	s28 =	sshrl.u32 s23, $0x1F;
	s24 =	simm.s32 $0x1  }
0x4b: {  	s29 =	sshll.u32 s17, $0xD;
	s25 =	simm.s32 $0x1;
	_ =	strace @p4 $0x9000005D  }
0x4c: {  	p6 =	sne.s32 s21, s26;
	s21 =	sadd.s32 s28, s23;
	s25 =	simm.s32 @!p4 $0x0  }
0x4d: {  	s22 =	sor.u32 $0x100, s29;
	_ =	strace $0x8000005E;
	p5 =	por !p0, !p6  }
0x4e: {  	p0 =	sne.s32 s16, s30;
	_ =	swait.ge [sflag:s20], $0x80;
	p5 =	por !p5, !p5  }
0x4f: {  	s26 =	sand.u32 $0xFFFFFFFE, s21;
	[sflag:s20] =	ssyncset.done $0x0;
	s24 =	simm.s32 @!p5 $0x0  }
0x50: {  	s30 =	sshra.s32 s21, $0x1;
	[sflag:s20] =	ssyncadd.s32 $0xFFFFFF80;
	s20 =	ssub.s32 s31, s24  }
0x51: {  	_ =	strace $0x9000005E;
	p6 =	sne.s32 s19, s20;
	s20 =	simm.s32 $0x1  }
0x52: {  	_ =	strace $0x8000005F;
	p5 =	por p0, p6;
	p6 =	slt.s32 s23, $0x1  }
0x53: {  	p0 =	sne.s32 s23, s26;
	s23 =	sand.u32 $0x1, s23;
	s24 =	rddreg [dreg:$0x2]  }
0x54: {  	s28 =	rddreg [dreg:$0x3];
	p0 =	por !p6, !p0;
	p4 =	por p1, p5  }
0x55: {  	[tilespmem:s22], [sflag:$0x5] =	stream.indirect.gather [hbm4b:s24+s28], $0x40, s18, s28, $0x2000b8;
	[tilespmem:$0x4100] =	vst v63  }
0x56: {  	p6 =	sne.s32 s16, s23;
	p0 =	por !p0, !p0;
	s21 =	sshll.u32 @p4 s16, $0x6  }
0x57: {  	s16 =	sadd.s32 @p4 $0x3, s17;
	_ =	swait.ge [sflag:s8], $0x2000;
	s20 =	simm.s32 @!p0 $0x0  }
0x58: {  	[sflag:s8] =	ssyncset.done $0x0;
	s18 =	ssub.s32 s30, s20;
	s20 =	sshll.u32 @p4 s19, $0xE  }
0x59: {  	s17 =	simm.s32 @p4 $0x40;
	[sflag:s8] =	ssyncadd.s32 $0xFFFFE000;
	s20 =	sor.u32 @p4 s21, s20  }
0x5a: {  	s21 =	simm.s32 $0x1;
	p5 =	sne.s32 s19, s18;
	_ =	strace $0x9000005F  }
0x5b: {  	s21 =	simm.s32 @!p4 $0x0;
	s20 =	sshrl.u32 @p4 s20, $0x3;
	_ =	strace @p4 $0x80000060  }
0x5c: {  	p0 =	por p6, p5;
	s12 =	sadd.s32 s21, s12;
	s21 =	rddreg [dreg:$0x4]  }
0x5d: {  	s19 =	simm.s32 @p4 $0x80;
	p0 =	por !p2, !p0;
	s18 =	sadd.s32 @p4 s21, s20  }
0x5e: {  	[hbm4b:s18+s17] =	stream.strided.scatter @p4 [tilespmem:s22], [sflag:s16], $0x2000, s19, s17, $0x200038;
	[tilespmem:$0x4100] =	vst v63  }
0x5f: {  	p2 =	por p1, p3;
	p1 =	por !p0, !p0;
	_ =	strace @p4 $0x90000060  }
0x60: {  	_ =	strace @p1 $0x80000061  }
0x61: {  	s31 =	sld [smem:$0x7FD];
	_ =	sdelay $0x2  }
0x62: {  	p0 =	seq.s32 s31, $0x1  }
.Ltmp0:
0x63: {  	_ = 	snop;
	(pc) =	sbr.rel @p0 .LBB2_2-.Ltmp0, $4  }
0x64: {  	_ = 	snop  }
0x65: {  	s13 =	sadd.s32 s25, s13;
	s23 =	simm.s32 $0x1;
	s21 =	simm.s32 $0x1  }
0x66: {  	s23 =	simm.s32 @!p2 $0x0;
	s20 =	sand.u32 @p1 $0x1, s14;
	s21 =	simm.s32 @!p1 $0x0  }
0x67: {  	s15 =	sadd.s32 s23, s15;
	s16 =	sadd.s32 @p1 $0x3, s20;
	s14 =	sadd.s32 s21, s14  }
0x68: {  	_ =	swait.ge @p1 [sflag:s16], $0x2000  }
0x69: {  	[sflag:s16] =	ssyncset.done @p1 $0x0  }
0x6a: {  	s9 =	sadd.s32 $0x1, s9;
	[sflag:s16] =	ssyncadd.s32 @p1 $0xFFFFE000  }
0x6b: {  	s10 =	sand.u32 $0x1, s14;
	p0 =	sne.s32 s9, s6;
	_ =	strace @p1 $0x90000061  }
.Ltmp1:
0x6c: {  	s10 =	sadd.s32 $0x3, s10;
	_ =	strace $0x80000062;
	(pc) =	sbr.rel @p0 .LBB2_1-.Ltmp1, $4  }
0x6d: {  	_ =	swait.ge [sflag:s10], $0x2000  }
0x6e: {  	[sflag:s10] =	ssyncset.done $0x0  }
0x6f: {  	[sflag:s10] =	ssyncadd.s32 $0xFFFFE000  }
0x70: {  	_ =	strace $0x90000062  }
0x71: {  	_ =	sfence.sel $0x180000  }
0x72: {  	[bflag:$0x0] =	sbarrier.arrive $0xFFFF  }
0x73: {  	p0 =	sne.s32 s2, $0x0;
	_ =	strace $0x9000005B  }
0x74: {  	s0 =	sadd.s32 @!p0 $0x100000, s0;
	[bflag:$0x2] =	sbarrier.arrive $0xFFFF  }
0x75: {  	[sflag:s0] =	ssyncadd.tile.s32 @!p0 $0x1;
	_ =	shalt  }
.Lfunc_end2:
_tile_overlayer_lowered:
.L_overlay_start_2:
0x76: {  	(tag) =	ssettag $0x2  }
0x77: {  	s0 =	rddreg [dreg:$0x0];
	s2 =	stileid.u32  }
0x78: {  	s1 =	rddreg [dreg:$0x1];
	p0 =	sne.s32 s2, $0x0  }
0x79: {  	s3 =	rddreg [dreg:$0x2];
	[bflag:$0x3] =	sbarrier.arrive $0xFFFF;
	s2 =	simm.s32 @!p0 $0x1C01  }
0x7a: {  	[timem:s3], [sflag:s2] =	dma.local @!p0 [hbm:s0], s1  }
0x7b: {  	s0 =	simm.s32 @!p0 $0x1  }
0x7c: {  	_ =	swait.ge @!p0 [sflag:s0], s1  }
0x7d: {  	s1 =	ssub.s32 @!p0 $0x0, s1;
	[sflag:s0] =	ssyncset.done @!p0 $0x0  }
0x7e: {  	[sflag:s0] =	ssyncadd.s32 @!p0 s1  }
0x7f: {  	[bflag:$0x3] =	sbarrier.arrive $0xFFFF  }
0x80: {  	_ =	shalt  }

// kernel: kernel.19.cloned.1.call-start
scs
__scs_entry_jumppad:
0x0: {  	(pc) =	sbr.rel $0x88, $3  }
0x1: {  	(tag) =	ssettag $0x0;
	lr =	simm.s32 $0x1  }
0x2: {  	[smem:$0x3F9B] =	sst lr;
	_ =	strace $0xD0000000  }
0x3: {  	_ = 	snop  }
0x4: {  	_ = 	snop  }
0x5: {  	_ = 	snop  }
0x6: {  	_ = 	snop  }
0x7: {  	_ = 	snop  }
__scs_overlays_trampoline_lowered:
0x8: {  	[smem:$0x3FAA] =	sst s0  }
0x9: {  	[smem:$0x3FAB] =	sst s1  }
0xa: {  	[smem:$0x3FAC] =	sst s2  }
0xb: {  	[smem:$0x3FAD] =	sst s3  }
0xc: {  	[smem:$0x3FAE] =	sst s4  }
0xd: {  	[smem:$0x3FAF] =	sst s5  }
0xe: {  	[smem:$0x3FB0] =	sst s6  }
0xf: {  	[smem:$0x3FB1] =	sst s7  }
0x10: {  	[smem:$0x3FB2] =	sst s8  }
0x11: {  	[smem:$0x3FB3] =	sst s9;
	s0 =	simm.s32 @!p0 $0x0  }
0x12: {  	s1 =	sld [smem:$0x3F99];
	s0 =	simm.s32 @p0 $0x1  }
0x13: {  	[smem:$0x3FB4] =	sst s0;
	s0 =	simm.s32 @!p1 $0x0  }
0x14: {  	s2 =	sld [smem:$0x3F98];
	s0 =	simm.s32 @p1 $0x1  }
0x15: {  	[smem:$0x3FB5] =	sst s0;
	s0 =	simm.s32 @!p2 $0x0  }
0x16: {  	s3 =	sld [smem:$0x3FDB];
	s0 =	simm.s32 @p2 $0x1  }
0x17: {  	s4 =	simm.s32 $0x1BF5;
	[smem:$0x3FB7] =	sst s0  }
0x18: {  	s0 =	sld [smem:$0x3F9A];
	_ =	swait.ge [sflag:s4], $0x0  }
0x19: {  	s7 =	sld [smem:$0x3F9B]  }
0x1a: {  	s8 =	sadd.s32 $0xFFFFE003, lr  }
0x1b: {  	s9 =	sadd.s32 $0xFFFFFEF7, lr;
	s5 =	simm.s32 $0xFFFFFFFF;
	p2 =	slt.u32 s8, $0xFFFFF086  }
0x1c: {  	p1 =	slt.u32 s9, $0xF7A;
	s5 =	simm.s32 @!p2 $0x0  }
0x1d: {  	s5 =	simm.s32 @p1 $0x1;
	p0 =	seq.s32 s7, s2  }
0x1e: {  	s7 =	smul.u32 @!p0 $0xF7A, s2;
	p2 =	seq.s32 @!p0 s5, $0x0  }
0x1f: {  	s9 =	smul.u32 $0xF7A, s1;
	s8 =	simm.s32 @!p0 $0x1BF5;
	p2 =	por !p2, p0  }
0x20: {  	[sflag:s8] =	ssyncset.s32 @!p0 $0xFFFFF086;
	s6 =	sadd.s32 @!p0 s3, s7;
	s7 =	simm.s32 @!p0 $0x108  }
0x21: {  	s3 =	sadd.s32 s3, s9;
	s6 =	sadd.s32 @!p0 $0x88, s6;
	s7 =	simm.s32 @p2 $0x1082  }
0x22: {  	[simem:s7], [sflag:s8] =	dma.local @!p0 [hbm:s6], $0xF7A  }
0x23: {  	s9 =	sor.u32 $0xD0000000, s2;
	s6 =	simm.s32 $0x108;
	_ =	swait.ge @!p0 [sflag:s8], $0x0  }
0x24: {  	s3 =	sadd.s32 $0x88, s3;
	s6 =	simm.s32 @!p1 $0x1082;
	[sflag:s4] =	ssyncset.s32 $0xFFFFF086  }
0x25: {  	[simem:s6], [sflag:s4] =	dma.local [hbm:s3], $0xF7A  }
0x26: {  	[smem:$0x3F9B] =	sst s1;
	(tag) =	ssettag s2;
	_ =	strace s9  }
0x27: {  	s1 =	sld [smem:$0x3FAB]  }
0x28: {  	s2 =	sld [smem:$0x3FAC]  }
0x29: {  	s4 =	sld [smem:$0x3FAE]  }
0x2a: {  	p0 =	seq.s32 s5, $0x0;
	s5 =	sld [smem:$0x3FAF]  }
0x2b: {  	s6 =	sld [smem:$0x3FB0]  }
0x2c: {  	s7 =	sld [smem:$0x3FB1]  }
0x2d: {  	s3 =	simm.s32 $0x108;
	s8 =	sld [smem:$0x3FB2]  }
0x2e: {  	s3 =	simm.s32 @!p0 $0x1082;
	s9 =	sld [smem:$0x3FB3]  }
0x2f: {  	lr =	sadd.s32 s0, s3;
	s0 =	sld [smem:$0x3FAA]  }
0x30: {  	s3 =	sld [smem:$0x3FAD]  }
0x31: {  	[smem:$0x3FB6] =	sst s10  }
0x32: {  	s10 =	sld [smem:$0x3FB4];
	_ =	sdelay $0x3  }
0x33: {  	p0 =	seq.s32 s10, $0x1;
	s10 =	sld [smem:$0x3FB6];
	_ =	sdelay $0x3  }
0x34: {  	[smem:$0x3FB6] =	sst s10  }
0x35: {  	s10 =	sld [smem:$0x3FB5];
	_ =	sdelay $0x3  }
0x36: {  	p1 =	seq.s32 s10, $0x1;
	s10 =	sld [smem:$0x3FB6];
	_ =	sdelay $0x3  }
0x37: {  	[smem:$0x3FB6] =	sst s10  }
0x38: {  	s10 =	sld [smem:$0x3FB7]  }
0x39: {  	_ = 	snop;
	(pc) =	sbr.ind lr, $3  }
0x3a: {  	_ = 	snop  }
0x3b: {  	_ = 	snop  }
0x3c: {  	p2 =	seq.s32 s10, $0x1;
	s10 =	sld [smem:$0x3FB6]  }
0x3d: {  	_ =	shalt  }
0x3e: {  	_ =	shalt  }
0x3f: {  	_ =	shalt  }
0x40: {  	_ =	shalt  }
0x41: {  	_ =	shalt  }
0x42: {  	_ =	shalt  }
0x43: {  	_ =	shalt  }
0x44: {  	_ =	shalt  }
0x45: {  	_ =	shalt  }
0x46: {  	_ =	shalt  }
0x47: {  	_ =	shalt  }
0x48: {  	_ =	shalt  }
0x49: {  	_ =	shalt  }
0x4a: {  	_ =	shalt  }
0x4b: {  	_ =	shalt  }
0x4c: {  	_ =	shalt  }
0x4d: {  	_ =	shalt  }
0x4e: {  	_ =	shalt  }
0x4f: {  	_ =	shalt  }
0x50: {  	_ =	shalt  }
0x51: {  	_ =	shalt  }
0x52: {  	_ =	shalt  }
0x53: {  	_ =	shalt  }
0x54: {  	_ =	shalt  }
0x55: {  	_ =	shalt  }
0x56: {  	_ =	shalt  }
0x57: {  	_ =	shalt  }
0x58: {  	_ =	shalt  }
0x59: {  	_ =	shalt  }
0x5a: {  	_ =	shalt  }
0x5b: {  	_ =	shalt  }
0x5c: {  	_ =	shalt  }
0x5d: {  	_ =	shalt  }
0x5e: {  	_ =	shalt  }
0x5f: {  	_ =	shalt  }
0x60: {  	_ =	shalt  }
0x61: {  	_ =	shalt  }
0x62: {  	_ =	shalt  }
0x63: {  	_ =	shalt  }
0x64: {  	_ =	shalt  }
0x65: {  	_ =	shalt  }
0x66: {  	_ =	shalt  }
0x67: {  	_ =	shalt  }
0x68: {  	_ =	shalt  }
0x69: {  	_ =	shalt  }
0x6a: {  	_ =	shalt  }
0x6b: {  	_ =	shalt  }
0x6c: {  	_ =	shalt  }
0x6d: {  	_ =	shalt  }
0x6e: {  	_ =	shalt  }
0x6f: {  	_ =	shalt  }
0x70: {  	_ =	shalt  }
0x71: {  	_ =	shalt  }
0x72: {  	_ =	shalt  }
0x73: {  	_ =	shalt  }
0x74: {  	_ =	shalt  }
0x75: {  	_ =	shalt  }
0x76: {  	_ =	shalt  }
0x77: {  	_ =	shalt  }
0x78: {  	_ =	shalt  }
0x79: {  	_ =	shalt  }
0x7a: {  	_ =	shalt  }
0x7b: {  	_ =	shalt  }
0x7c: {  	_ =	shalt  }
0x7d: {  	_ =	shalt  }
0x7e: {  	_ =	shalt  }
0x7f: {  	_ =	shalt  }
0x80: {  	_ =	shalt  }
0x81: {  	_ =	shalt  }
0x82: {  	_ =	shalt  }
0x83: {  	_ =	shalt  }
0x84: {  	_ =	shalt  }
0x85: {  	_ =	shalt  }
0x86: {  	_ =	shalt  }
0x87: {  	_ =	shalt  }
.Lfunc_end0:
.L_simem_size_0:
called_computation.3_lowered:
.L_overlay_start_0:
0x88: {  	s2 =	sld [smem:$0x3FD9]  }
0x89: {  	s3 =	sld [smem:$0x3FFE];
	_ =	sdelay $0x1  }
0x8a: {  	s1 =	srdreg.scid  }
0x8b: {  	s0 =	sand.u32 $0x1, s1  }
0x8c: {  	s17 =	sshll.u32 s0, $0xA;
	s2 =	sadd.s32 s3, s2  }
0x8d: {  	s2 =	sadd.s32 s2, s17  }
0x8e: {  	[smem:$0x3FC2] =	sst s2  }
0x8f: {  	_ = 	snop  }
0x90: {  	(tm) =	ssettm $0x1  }
0x91: {  	s18 =	sld [smem:$0x3FFB];
	_ =	sdelay $0x3  }
0x92: {  	_ =	strace s18  }
0x93: {  	s2 =	sld [smem:$0x3FFC];
	_ =	sdelay $0x3  }
0x94: {  	_ =	strace s2  }
0x95: {  	s2 =	sld [smem:$0x3FFD];
	_ =	sdelay $0x3  }
0x96: {  	_ =	strace s2  }
0x97: {  	_ =	strace $0x8FFFFFFF  }
0x98: {  	s19 =	sld [smem:$0x3FDB];
	_ =	sdelay $0x1  }
0x99: {  	s20 =	simm.s32 $_scs_section_size  }
0x9a: {  	s4 =	simm.s32 $_size__tile_overlayer_lowered;
	s5 =	simm.s32 $_tile_overlayer_lowered  }
0x9b: {  	s6 =	simm.s32 $0x1BFF;
	s21 =	sshll.u32 s5, $0x1;
	s3 =	sadd.s32 s20, s19  }
0x9c: {  	s22 =	simm.s32 $0x0;
	s4 =	sshll.u32 s4, $0x1;
	s5 =	sadd.s32 s21, s3  }
0x9d: {  	[timem:s22], [sflag:s6] =	dma.local [hbm:s5], s4  }
0x9e: {  	_ =	swait.ge [sflag:s6], s4  }
0x9f: {  	s4 =	ssub.s32 $0x0, s4;
	[sflag:s6] =	ssyncset.done $0x0  }
0xa0: {  	[sflag:s6] =	ssyncadd.s32 s4;
	_ =	sdelay $0x1  }
0xa1: {  	s23 =	simm.s32 $0x1B8B  }
0xa2: {  	_ =	swait.ge [sflag:s23], $0x1  }
0xa3: {  	[sflag:s23] =	ssyncset.done $0x0  }
0xa4: {  	[sflag:s23] =	ssyncadd.s32 $0xFFFFFFFF  }
0xa5: {  	s4 =	sld [smem:$0x0]  }
0xa6: {  	s5 =	sand.u32 $0xFFFFFFFE, s1  }
0xa7: {  	p0 =	sne.s32 s1, s5  }
0xa8: {  	s5 =	sshll.u32 @p0 s5, $0xE  }
0xa9: {  	s5 =	sadd.s32 @p0 $0x11B8D, s5;
	s6 =	sshll.u32 @p0 s4, $0x11  }
0xaa: {  	s5 =	sor.u32 @p0 s6, s5  }
0xab: {  	[sflag:s5] =	ssyncadd.remote.s32 @p0 $0x1;
	_ =	sdelay $0x1  }
0xac: {  	s5 =	simm.s32 @p0 $0x1B8D  }
0xad: {  	_ =	swait.eq @p0 [sflag:s5], $0x1  }
0xae: {  	[sflag:s5] =	ssyncadd.s32 @p0 $0xFFFFFFFF  }
0xaf: {  	s6 =	sshll.u32 @!p0 s1, $0xE  }
0xb0: {  	s6 =	sor.u32 @!p0 $0x4000, s6;
	s5 =	simm.s32 @!p0 $0x1B8D  }
0xb1: {  	s4 =	sshll.u32 @!p0 s4, $0x11;
	s6 =	sadd.s32 @!p0 $0x11B8D, s6;
	_ =	swait.eq @!p0 [sflag:s5], $0x1  }
0xb2: {  	s4 =	sor.u32 @!p0 s4, s6;
	[sflag:s5] =	ssyncadd.s32 @!p0 $0xFFFFFFFF  }
0xb3: {  	s25 =	simm.s32 $0x1B8E;
	s24 =	sld [smem:$0x3FFE];
	[sflag:s4] =	ssyncadd.remote.s32 @!p0 $0x1  }
0xb4: {  	s26 =	simm.s32 $execute0_lowered;
	[smem:$0x3FD2] =	sst s25  }
0xb5: {  	s5 =	sshll.u32 s26, $0x1;
	_ =	strace $0x80000064;
	[dreg:$0x1] =	wrdreg $0xFFFFFFFF  }
0xb6: {  	s28 =	simm.s32 $_size_execute0_lowered;
	s3 =	sadd.s32 s3, s5;
	[dreg:$0x0] =	wrdreg $0x0  }
0xb7: {  	s5 =	sshll.u32 s28, $0x1;
	[dreg:$0x2] =	wrdreg s3  }
0xb8: {  	[dreg:$0x3] =	wrdreg s5  }
0xb9: {  	[dreg:$0x4] =	wrdreg $0xC0  }
0xba: {  	_ =	task [dreg:s22], $0x5FFFF  }
0xbb: {  	[dreg:$0x1] =	wrdreg $0xFFFFFFFF  }
0xbc: {  	[dreg:$0x0] =	wrdreg $0x60  }
0xbd: {  	[dreg:$0x2] =	wrdreg s24  }
0xbe: {  	[dreg:$0x3] =	wrdreg $0xC  }
0xbf: {  	_ =	task.clear_ibuf [dreg:s22], $0x4FFFF;
	_ =	strace $0x90000064  }
0xc0: {  	s29 =	simm.s32 $0xC;
	_ =	strace $0x8000006D  }
0xc1: {  	_ =	swait.ge [sflag:s29], $0x1  }
0xc2: {  	[sflag:s29] =	ssyncadd.s32 $0xFFFFFFFF  }
0xc3: {  	_ =	strace $0x9000006D  }
0xc4: {  	_ =	sfence  }
0xc5: {  	s30 =	sld [smem:$0x0];
	_ =	sdelay $0x2  }
0xc6: {  	s31 =	sshll.u32 s1, $0xD;
	s1 =	sshrl.u32 s1, $0x2  }
0xc7: {  	s4 =	sand.u32 $0x4000, s31;
	s1 =	sadd.s32 s1, s30  }
0xc8: {  	s0 =	sor.u32 s4, s0;
	s1 =	sshll.u32 s1, $0x11  }
0xc9: {  	s0 =	sor.u32 s1, s0  }
0xca: {  	s0 =	sadd.s32 $0x8F2B, s0  }
0xcb: {  	[sflag:s0] =	ssyncadd.remote.s32 $0x1  }
0xcc: {  	_ =	sfence.sel $0xFFFF  }
0xcd: {  	[dreg:$0x0] =	wrdreg $0xFFFFFFFF;
	(pc) =	sbr.abs _section_cstart, $3  }
0xce: {  	[dreg:$0x1] =	wrdreg $0xFFFFFFFF  }
0xcf: {  	_ =	task.clear_ibuf [dreg:s22], $0x2FFFF;
	_ =	strace $0x9FFFFFFF  }
0xd0: {  	(tm) =	ssettm $0x7FFFFFFF  }
0xd1: {  	_ =	shalt  }
tec
execute0_lowered:
.L_overlay_start_1:
0x0: {  	(tag) =	ssettag $0x1  }
0x1: {  	s3 =	rddreg [dreg:$0x0]  }
0x2: {  	s0 =	rddreg [dreg:$0x1];
	s1 =	simm.s32 $0x0  }
0x3: {  	s2 =	srdreg.scid;
	s8 =	simm.s32 $0x80;
	s9 =	simm.s32 $0x0  }
0x4: {  	[smem:$0x7FF] =	sst s1;
	s4 =	sand.u32 $0x1, s2;
	s5 =	sadd.s32 $0x1C00, s3  }
0x5: {  	s2 =	stileid.u32;
	s30 =	sadd.s32 $0x22D600, s3;
	s3 =	sadd.s32 $0x226E00, s3  }
0x6: {  	_ =	strace $0x80000065;
	s6 =	sshll.u32 s4, $0x4;
	[dreg:$0x2] =	wrdreg s5  }
0x7: {  	s4 =	ssub.s32 $0x2, s4;
	[dreg:$0x4] =	wrdreg s30;
	s29 =	sor.u32 s2, s6  }
0x8: {  	[dreg:$0x3] =	wrdreg s8;
	s31 =	sshrl.u32 s4, $0x1;
	s7 =	smul.u32 $0x340, s29  }
0x9: {  	s8 =	simm.s32 $0x5;
	s6 =	ssub.s32 s4, s31;
	s4 =	smul.u32 $0x34, s29  }
0xa: {  	s6 =	smax.u32 s6, $0x1;
	s5 =	sadd.s32 s3, s7;
	s7 =	simm.s32 $0x1  }
.LBB2_1:
0xb: {  	_ =	strace $0x80000066;
	s12 =	sadd.s32 $0x0, s4;
	s11 =	simm.s32 $0x1  }
0xc: {  	s16 =	simm.s32 $0x1;
	s14 =	sand.u32 $0x1, s1;
	s30 =	simm.s32 $0x0  }
0xd: {  	[tilespmem:s1], [sflag:$0x1] =	stream.linear.gather [hbm4b:s5+s1], $0x80, $0x200038;
	[tilespmem:$0x4100] =	vst v63  }
0xe: {  	p3 =	por $0x1, $0x1;
	s17 =	simm.s32 $0xFFFFFFFF;
	s10 =	sshrl.u32 s12, $0x1F  }
0xf: {  	p4 =	por $0x1, $0x1;
	p0 =	slt.s32 s12, $0x1;
	s15 =	sadd.s32 s10, s12  }
0x10: {  	s13 =	sand.u32 $0x1, s12;
	s17 =	simm.s32 @p4 $0x33;
	s10 =	sand.u32 $0xFFFFFFFE, s15  }
0x11: {  	s31 =	sadd.s32 $0x1, s14;
	_ =	strace $0x90000066;
	p1 =	sne.s32 s12, s10  }
0x12: {  	s17 =	sadd.s32 s4, s17;
	s15 =	sshra.s32 s15, $0x1;
	p1 =	por !p0, !p1  }
0x13: {  	s10 =	simm.s32 $0x33;
	s12 =	sand.u32 $0x80, s30;
	p2 =	por !p1, !p1  }
0x14: {  	s30 =	sshll.u32 s14, $0xD;
	s16 =	simm.s32 @!p2 $0x0;
	p2 =	por $0x0, $0x0  }
0x15: {  	p0 =	por $0x0, $0x0;
	p1 =	por $0x0, $0x0;
	s11 =	simm.s32 @p2 $0x0  }
0x16: {  	s15 =	ssub.s32 s15, s16;
	p2 =	sne.s32 s11, $0x0;
	s18 =	sadd.s32 s4, s11  }
0x17: {  	s16 =	simm.s32 $0x1;
	p3 =	por !p3, !p2;
	s23 =	sshrl.u32 s18, $0x1F  }
0x18: {  	p6 =	slt.s32 s18, $0x1;
	p3 =	por !p3, !p3;
	s23 =	sadd.s32 s23, s18  }
0x19: {  	s19 =	sand.u32 @p3 $0x1, s7;
	s20 =	sshll.u32 @p3 s18, $0x4;
	s21 =	simm.s32 @p3 $0x0  }
0x1a: {  	_ =	strace @p3 $0x80000067;
	s24 =	sshra.s32 s23, $0x1;
	s20 =	sand.u32 @p3 $0x1FFFFFF0, s20  }
0x1b: {  	s22 =	sshll.u32 @p3 s19, $0x7;
	s19 =	sadd.s32 @p3 $0x1, s19;
	s20 =	sadd.s32 @p3 s3, s20  }
0x1c: {  	[tilespmem:s22], [sflag:s19] =	stream.linear.gather @p3 [hbm4b:s20+s21], $0x80, $0x200038;
	[tilespmem:$0x4100] =	vst v63  }
0x1d: {  	s21 =	sand.u32 $0xFFFFFFFE, s23;
	s22 =	sshrl.u32 s17, $0x1F;
	s19 =	simm.s32 $0x1  }
0x1e: {  	_ =	strace @p3 $0x90000067;
	p5 =	sne.s32 s18, s21;
	s18 =	sand.u32 $0x1, s18  }
0x1f: {  	s20 =	sadd.s32 s22, s17;
	s21 =	simm.s32 $0x1;
	_ =	strace $0x80000068  }
0x20: {  	p4 =	por !p6, !p5;
	p6 =	sne.s32 s13, s18;
	_ =	swait.ge [sflag:s31], $0x80  }
0x21: {  	s28 =	sand.u32 $0xFFFFFFFE, s20;
	p4 =	por !p4, !p4;
	[sflag:s31] =	ssyncset.done $0x0  }
0x22: {  	s21 =	simm.s32 @!p3 $0x0;
	s19 =	simm.s32 @!p4 $0x0;
	[sflag:s31] =	ssyncadd.s32 $0xFFFFFF80  }
0x23: {  	s18 =	sor.u32 $0x100, s30;
	s25 =	ssub.s32 s24, s19;
	_ =	strace $0x90000068  }
0x24: {  	s31 =	sshra.s32 s20, $0x1;
	p5 =	sne.s32 s15, s25;
	_ =	strace $0x80000069  }
0x25: {  	p4 =	por p6, p5;
	p5 =	slt.s32 s17, $0x1;
	p6 =	sne.s32 s17, s28  }
0x26: {  	s20 =	simm.s32 $0x1;
	s26 =	rddreg [dreg:$0x2];
	p5 =	por !p5, !p6  }
0x27: {  	s17 =	sand.u32 $0x1, s17;
	s29 =	rddreg [dreg:$0x3];
	p3 =	por !p5, !p5  }
0x28: {  	[tilespmem:s18], [sflag:$0x5] =	stream.indirect.gather [hbm4b:s26+s29], $0x40, s12, s29, $0x2000b8;
	[tilespmem:$0x4100] =	vst v63  }
0x29: {  	p6 =	sne.s32 s13, s17;
	_ =	swait.ge [sflag:s8], $0x2000;
	s16 =	simm.s32 @!p3 $0x0  }
0x2a: {  	p3 =	por p0, p4;
	p0 =	por p0, p2;
	[sflag:s8] =	ssyncset.done $0x0  }
0x2b: {  	s16 =	ssub.s32 s31, s16;
	s12 =	sshll.u32 @p3 s15, $0xE;
	s19 =	sshll.u32 @p3 s13, $0x6  }
0x2c: {  	s20 =	simm.s32 @!p3 $0x0;
	s14 =	sadd.s32 @p3 $0x3, s14;
	s13 =	sadd.s32 $0x1, s21  }
0x2d: {  	s17 =	simm.s32 @p3 $0x80;
	s21 =	simm.s32 $0x1;
	[sflag:s8] =	ssyncadd.s32 $0xFFFFE000  }
0x2e: {  	s12 =	sor.u32 @p3 s19, s12;
	p5 =	sne.s32 s15, s16;
	s15 =	simm.s32 @p3 $0x40  }
0x2f: {  	s21 =	simm.s32 @!p0 $0x0;
	_ =	strace $0x90000069;
	p4 =	por p6, p5  }
0x30: {  	s19 =	sshrl.u32 @p3 s12, $0x3;
	_ =	strace @p3 $0x8000006A;
	p1 =	por !p1, !p4  }
0x31: {  	s12 =	sadd.s32 $0x0, s20;
	s20 =	rddreg [dreg:$0x4];
	p1 =	por !p1, !p1  }
0x32: {  	s16 =	sadd.s32 @p3 s20, s19;
	s19 =	simm.s32 $0x1;
	s20 =	sand.u32 @p1 $0x1, s1  }
0x33: {  	[hbm4b:s16+s15] =	stream.strided.scatter @p3 [tilespmem:s18], [sflag:s14], $0x2000, s17, s15, $0x200038;
	[tilespmem:$0x4100] =	vst v63  }
0x34: {  	s19 =	simm.s32 @!p1 $0x0;
	s16 =	sadd.s32 @p1 $0x3, s20;
	_ =	strace @p3 $0x9000006A  }
0x35: {  	s15 =	sadd.s32 $0x0, s21;
	s14 =	sadd.s32 $0x0, s19;
	_ =	strace @p1 $0x8000006B  }
.LBB2_2:
0x36: {  	s17 =	sadd.s32 s4, s11;
	_ =	swait.ge @p1 [sflag:s16], $0x2000  }
0x37: {  	s20 =	smov.u32 s10;
	s10 =	sadd.s32 $0xFFFFFFFF, s10;
	s21 =	smov.u32 s11  }
0x38: {  	s11 =	sadd.s32 $0x1, s11;
	s30 =	sshll.u32 s15, $0x7;
	s31 =	sand.u32 $0x1, s15  }
0x39: {  	s18 =	sshrl.u32 s17, $0x1F;
	p0 =	sne.s32 s10, $0x0;
	[sflag:s16] =	ssyncset.done @p1 $0x0  }
0x3a: {  	p6 =	slt.s32 s17, $0x1;
	p4 =	sne.s32 s20, $0x1;
	s23 =	sadd.s32 $0xFFFFFFFF, s21  }
0x3b: {  	p5 =	seq.s32 s21, $0x0;
	s19 =	simm.s32 @!p0 $0x0;
	s22 =	sadd.s32 s18, s17  }
0x3c: {  	[sflag:s16] =	ssyncadd.s32 @p1 $0xFFFFE000;
	s16 =	sand.u32 $0x1, s17;
	s18 =	sand.u32 $0x80, s30  }
0x3d: {  	s23 =	simm.s32 @p5 $0x33;
	s19 =	simm.s32 @p0 $0x1;
	s29 =	sand.u32 $0xFFFFFFFE, s22  }
0x3e: {  	s22 =	sshra.s32 s22, $0x1;
	s23 =	sadd.s32 s4, s23;
	p2 =	sne.s32 s17, s29  }
0x3f: {  	[smem:$0x7FD] =	sst s19;
	s19 =	simm.s32 $0x1;
	p2 =	por !p6, !p2  }
0x40: {  	s17 =	sand.u32 $0x1, s12;
	_ =	strace @p1 $0x9000006B;
	p3 =	por !p2, !p2  }
0x41: {  	p1 =	seq.s32 s20, $0x1;
	s19 =	simm.s32 @!p3 $0x0;
	p3 =	seq.s32 s11, $0x34  }
0x42: {  	p2 =	sne.s32 s20, $0x34;
	s20 =	sadd.s32 $0x1, s31;
	s11 =	simm.s32 @p3 $0x0  }
0x43: {  	s19 =	ssub.s32 s22, s19;
	p3 =	sne.s32 s21, s11;
	s21 =	sadd.s32 s4, s11  }
0x44: {  	p4 =	por !p4, !p3;
	s29 =	sshrl.u32 s21, $0x1F;
	s30 =	sand.u32 $0x1, s21  }
0x45: {  	p0 =	slt.s32 s21, $0x1;
	p4 =	por !p4, !p4;
	s29 =	sadd.s32 s29, s21  }
0x46: {  	s24 =	sand.u32 @p4 $0x1, s13;
	s25 =	sshll.u32 @p4 s21, $0x4;
	s26 =	simm.s32 @p4 $0x0  }
0x47: {  	_ =	strace @p4 $0x80000067;
	s31 =	sshra.s32 s29, $0x1;
	s25 =	sand.u32 @p4 $0x1FFFFFF0, s25  }
0x48: {  	s28 =	sshll.u32 @p4 s24, $0x7;
	s24 =	sadd.s32 @p4 $0x1, s24;
	s25 =	sadd.s32 @p4 s3, s25  }
0x49: {  	[tilespmem:s28], [sflag:s24] =	stream.linear.gather @p4 [hbm4b:s25+s26], $0x80, $0x200038;
	[tilespmem:$0x4100] =	vst v63  }
0x4a: {  	s26 =	sand.u32 $0xFFFFFFFE, s29;
	s28 =	sshrl.u32 s23, $0x1F;
	s24 =	simm.s32 $0x1  }
0x4b: {  	s29 =	sshll.u32 s17, $0xD;
	s25 =	simm.s32 $0x1;
	_ =	strace @p4 $0x90000067  }
0x4c: {  	p6 =	sne.s32 s21, s26;
	s21 =	sadd.s32 s28, s23;
	s25 =	simm.s32 @!p4 $0x0  }
0x4d: {  	s22 =	sor.u32 $0x100, s29;
	_ =	strace $0x80000068;
	p5 =	por !p0, !p6  }
0x4e: {  	p0 =	sne.s32 s16, s30;
	_ =	swait.ge [sflag:s20], $0x80;
	p5 =	por !p5, !p5  }
0x4f: {  	s26 =	sand.u32 $0xFFFFFFFE, s21;
	[sflag:s20] =	ssyncset.done $0x0;
	s24 =	simm.s32 @!p5 $0x0  }
0x50: {  	s30 =	sshra.s32 s21, $0x1;
	[sflag:s20] =	ssyncadd.s32 $0xFFFFFF80;
	s20 =	ssub.s32 s31, s24  }
0x51: {  	_ =	strace $0x90000068;
	p6 =	sne.s32 s19, s20;
	s20 =	simm.s32 $0x1  }
0x52: {  	_ =	strace $0x80000069;
	p5 =	por p0, p6;
	p6 =	slt.s32 s23, $0x1  }
0x53: {  	p0 =	sne.s32 s23, s26;
	s23 =	sand.u32 $0x1, s23;
	s24 =	rddreg [dreg:$0x2]  }
0x54: {  	s28 =	rddreg [dreg:$0x3];
	p0 =	por !p6, !p0;
	p4 =	por p1, p5  }
0x55: {  	[tilespmem:s22], [sflag:$0x5] =	stream.indirect.gather [hbm4b:s24+s28], $0x40, s18, s28, $0x2000b8;
	[tilespmem:$0x4100] =	vst v63  }
0x56: {  	p6 =	sne.s32 s16, s23;
	p0 =	por !p0, !p0;
	s21 =	sshll.u32 @p4 s16, $0x6  }
0x57: {  	s16 =	sadd.s32 @p4 $0x3, s17;
	_ =	swait.ge [sflag:s8], $0x2000;
	s20 =	simm.s32 @!p0 $0x0  }
0x58: {  	[sflag:s8] =	ssyncset.done $0x0;
	s18 =	ssub.s32 s30, s20;
	s20 =	sshll.u32 @p4 s19, $0xE  }
0x59: {  	s17 =	simm.s32 @p4 $0x40;
	[sflag:s8] =	ssyncadd.s32 $0xFFFFE000;
	s20 =	sor.u32 @p4 s21, s20  }
0x5a: {  	s21 =	simm.s32 $0x1;
	p5 =	sne.s32 s19, s18;
	_ =	strace $0x90000069  }
0x5b: {  	s21 =	simm.s32 @!p4 $0x0;
	s20 =	sshrl.u32 @p4 s20, $0x3;
	_ =	strace @p4 $0x8000006A  }
0x5c: {  	p0 =	por p6, p5;
	s12 =	sadd.s32 s21, s12;
	s21 =	rddreg [dreg:$0x4]  }
0x5d: {  	s19 =	simm.s32 @p4 $0x80;
	p0 =	por !p2, !p0;
	s18 =	sadd.s32 @p4 s21, s20  }
0x5e: {  	[hbm4b:s18+s17] =	stream.strided.scatter @p4 [tilespmem:s22], [sflag:s16], $0x2000, s19, s17, $0x200038;
	[tilespmem:$0x4100] =	vst v63  }
0x5f: {  	p2 =	por p1, p3;
	p1 =	por !p0, !p0;
	_ =	strace @p4 $0x9000006A  }
0x60: {  	_ =	strace @p1 $0x8000006B  }
0x61: {  	s31 =	sld [smem:$0x7FD];
	_ =	sdelay $0x2  }
0x62: {  	p0 =	seq.s32 s31, $0x1  }
.Ltmp0:
0x63: {  	_ = 	snop;
	(pc) =	sbr.rel @p0 .LBB2_2-.Ltmp0, $4  }
0x64: {  	_ = 	snop  }
0x65: {  	s13 =	sadd.s32 s25, s13;
	s23 =	simm.s32 $0x1;
	s21 =	simm.s32 $0x1  }
0x66: {  	s23 =	simm.s32 @!p2 $0x0;
	s20 =	sand.u32 @p1 $0x1, s14;
	s21 =	simm.s32 @!p1 $0x0  }
0x67: {  	s15 =	sadd.s32 s23, s15;
	s16 =	sadd.s32 @p1 $0x3, s20;
	s14 =	sadd.s32 s21, s14  }
0x68: {  	_ =	swait.ge @p1 [sflag:s16], $0x2000  }
0x69: {  	[sflag:s16] =	ssyncset.done @p1 $0x0  }
0x6a: {  	s9 =	sadd.s32 $0x1, s9;
	[sflag:s16] =	ssyncadd.s32 @p1 $0xFFFFE000  }
0x6b: {  	s10 =	sand.u32 $0x1, s14;
	p0 =	sne.s32 s9, s6;
	_ =	strace @p1 $0x9000006B  }
.Ltmp1:
0x6c: {  	s10 =	sadd.s32 $0x3, s10;
	_ =	strace $0x8000006C;
	(pc) =	sbr.rel @p0 .LBB2_1-.Ltmp1, $4  }
0x6d: {  	_ =	swait.ge [sflag:s10], $0x2000  }
0x6e: {  	[sflag:s10] =	ssyncset.done $0x0  }
0x6f: {  	[sflag:s10] =	ssyncadd.s32 $0xFFFFE000  }
0x70: {  	_ =	strace $0x9000006C  }
0x71: {  	_ =	sfence.sel $0x180000  }
0x72: {  	[bflag:$0x0] =	sbarrier.arrive $0xFFFF  }
0x73: {  	p0 =	sne.s32 s2, $0x0;
	_ =	strace $0x90000065  }
0x74: {  	s0 =	sadd.s32 @!p0 $0x100000, s0;
	[bflag:$0x2] =	sbarrier.arrive $0xFFFF  }
0x75: {  	[sflag:s0] =	ssyncadd.tile.s32 @!p0 $0x1;
	_ =	shalt  }
.Lfunc_end2:
_tile_overlayer_lowered:
.L_overlay_start_2:
0x76: {  	(tag) =	ssettag $0x2  }
0x77: {  	s0 =	rddreg [dreg:$0x0];
	s2 =	stileid.u32  }
0x78: {  	s1 =	rddreg [dreg:$0x1];
	p0 =	sne.s32 s2, $0x0  }
0x79: {  	s3 =	rddreg [dreg:$0x2];
	[bflag:$0x3] =	sbarrier.arrive $0xFFFF;
	s2 =	simm.s32 @!p0 $0x1C01  }
0x7a: {  	[timem:s3], [sflag:s2] =	dma.local @!p0 [hbm:s0], s1  }
0x7b: {  	s0 =	simm.s32 @!p0 $0x1  }
0x7c: {  	_ =	swait.ge @!p0 [sflag:s0], s1  }
0x7d: {  	s1 =	ssub.s32 @!p0 $0x0, s1;
	[sflag:s0] =	ssyncset.done @!p0 $0x0  }
0x7e: {  	[sflag:s0] =	ssyncadd.s32 @!p0 s1  }
0x7f: {  	[bflag:$0x3] =	sbarrier.arrive $0xFFFF  }
0x80: {  	_ =	shalt  }

</sc_bundles>
